<compile_context>
chip_gen: v7x
topology: tpu7x:2x2x1
jax: 0.10.2.dev20260603
libtpu: 0.0.44.dev20260713+nightly
codegen_flags: <defaults>
</compile_context>

<pallas_src>
import functools

import jax
import jax.numpy as jnp
from jax import lax
from jax.experimental import pallas as pl
from jax.experimental.pallas import tpu as pltpu, tpu_sc as plsc

N = 10000
E = 320000
F = 128
DF = 16
NR = 5


_GE_BLK = 16000


def _g_body(ea_ref, wt_ref, b_ref, g_ref):
    g_ref[...] = (
        jnp.dot(ea_ref[...], wt_ref[...], preferred_element_type=jnp.float32)
        + b_ref[...]
    )


def _compute_g(edge_attr, W_d2f_t, b_d2f_row):
    grid = (E // _GE_BLK,)
    return pl.pallas_call(
        _g_body,
        grid=grid,
        in_specs=[
            pl.BlockSpec((_GE_BLK, DF), lambda i: (i, 0)),
            pl.BlockSpec((DF, F), lambda i: (0, 0)),
            pl.BlockSpec((1, F), lambda i: (0, 0)),
        ],
        out_specs=pl.BlockSpec((_GE_BLK, F), lambda i: (i, 0)),
        out_shape=jax.ShapeDtypeStruct((E, F), jnp.float32),
    )(edge_attr, W_d2f_t, b_d2f_row)



_NY_BLK = 1000


def _y_body(h_ref, wt_ref, b_ref, y_ref):
    y_ref[...] = (
        jnp.dot(h_ref[...], wt_ref[...], preferred_element_type=jnp.float32)
        + b_ref[...]
    )


def _compute_y(h, W_i_t, b_i_row):
    grid = (N // _NY_BLK,)
    return pl.pallas_call(
        _y_body,
        grid=grid,
        in_specs=[
            pl.BlockSpec((_NY_BLK, F), lambda i: (i, 0)),
            pl.BlockSpec((F, F), lambda i: (0, 0)),
            pl.BlockSpec((1, F), lambda i: (0, 0)),
        ],
        out_specs=pl.BlockSpec((_NY_BLK, F), lambda i: (i, 0)),
        out_shape=jax.ShapeDtypeStruct((N, F), jnp.float32),
    )(h, W_i_t, b_i_row)



_NTILES = 32
_EPT = E // _NTILES
_EC = 80
_NCH = _EPT // _EC
_NSH = 10240
_RPT = _NSH // 16


_LAST = _NCH - 1


def _sc_edge_body(y_hbm, src_hbm, dst_hbm, g_hbm, zeros_hbm, out_hbm,
                  m_sh, gb0, gb1, yb0, yb1,
                  si0, si1, si2, si3, di0, di1,
                  sg0, sg1, sy0, sy1, ss0, ss1,
                  qi0, qi1, qi2, qi3, qd0, qd1):
    c = lax.axis_index("c")
    s = lax.axis_index("s")
    t = c * 16 + s

    gbs, ybs = (gb0, gb1), (yb0, yb1)
    sis, dis = (si0, si1, si2, si3), (di0, di1)
    sgs, sys_, sss = (sg0, sg1), (sy0, sy1), (ss0, ss1)
    qis, qds = (qi0, qi1, qi2, qi3), (qd0, qd1)

    def base(ci):
        return t * _EPT + ci * _EC

    def si_copy(ci, k):
        return pltpu.make_async_copy(src_hbm.at[pl.ds(base(ci), _EC)],
                                     sis[k], qis[k])

    def di_copy(ci, p):
        return pltpu.make_async_copy(dst_hbm.at[pl.ds(base(ci), _EC)],
                                     dis[p], qds[p])

    def g_copy(ci, p):
        return pltpu.make_async_copy(g_hbm.at[pl.ds(base(ci), _EC)],
                                     gbs[p], sgs[p])

    def y_copy(ci, p, k):
        return pltpu.make_async_copy(y_hbm.at[sis[k]], ybs[p], sys_[p])

    def s_copy(p):
        return pltpu.make_async_copy(gbs[p], m_sh.at[dis[p]], sss[p])

    def mul_chunk(p):
        gb, yb = gbs[p], ybs[p]

        @plsc.parallel_loop(0, _EC, unroll=4)
        def _(r):
            for j in range(F // 16):
                sl = pl.ds(j * 16, 16)
                gb[r, sl] = gb[r, sl] * yb[r, sl]

    for k in range(4):
        si_copy(k, k).start()
    for p in range(2):
        di_copy(p, p).start()
        g_copy(p, p).start()
    for p in range(2):
        si_copy(p, p).wait()
        y_copy(p, p, p).start()

    pltpu.sync_copy(zeros_hbm, m_sh.at[pl.ds(s * _RPT, _RPT)])
    plsc.subcore_barrier()

    def chunk_step(ci, k, first=False, do_d=True, do_f=True,
                   guard_d=None, do_h=True, guard_h=None):
        p = k & 1
        g_copy(ci, p).wait()
        y_copy(ci, p, k).wait()
        mul_chunk(p)
        di_copy(ci, p).wait()
        s_copy(p).start(add=True)
        if do_d:
            def start_gather():
                k2 = (k + 2) % 4
                si_copy(ci + 2, k2).wait()
                y_copy(ci + 2, p, k2).start()
            if guard_d is None:
                start_gather()
            else:
                pl.when(guard_d)(start_gather)
        if not first:
            s_copy(1 - p).wait()
            if do_f:
                g_copy(ci + 1, 1 - p).start()
                di_copy(ci + 1, 1 - p).start()
        if do_h:
            def refill():
                si_copy(ci + 4, k).start()
            if guard_h is None:
                refill()
            else:
                pl.when(guard_h)(refill)

    chunk_step(0, 0, first=True)
    for ci in (1, 2, 3):
        chunk_step(ci, ci)

    def quad_body(i4, _):
        a = 4 * i4
        chunk_step(a, 0)
        chunk_step(a + 1, 1, guard_h=(a + 1 <= _LAST - 4))
        chunk_step(a + 2, 2, guard_h=(a + 2 <= _LAST - 4))
        chunk_step(a + 3, 3, guard_d=(a + 3 <= _LAST - 2),
                   guard_h=(a + 3 <= _LAST - 4))
        return 0

    lax.fori_loop(1, 31, quad_body, 0)

    chunk_step(_LAST, 0, do_d=False, do_f=False, do_h=False)
    s_copy(0).wait()
    plsc.subcore_barrier()

    pltpu.sync_copy(m_sh.at[pl.ds(s * _RPT, _RPT)],
                    out_hbm.at[c, pl.ds(s * _RPT, _RPT)])


def _sc_edge(y, src32, dst32, g, zeros_rows):
    mesh = plsc.VectorSubcoreMesh(core_axis_name="c", subcore_axis_name="s")
    kern = functools.partial(
        pl.kernel,
        out_type=jax.ShapeDtypeStruct((2, _NSH, F), jnp.float32),
        mesh=mesh,
        scratch_types=[
            pltpu.VMEM_SHARED((_NSH, F), jnp.float32),
            pltpu.VMEM((_EC, F), jnp.float32),
            pltpu.VMEM((_EC, F), jnp.float32),
            pltpu.VMEM((_EC, F), jnp.float32),
            pltpu.VMEM((_EC, F), jnp.float32),
            pltpu.VMEM((_EC,), jnp.int32),
            pltpu.VMEM((_EC,), jnp.int32),
            pltpu.VMEM((_EC,), jnp.int32),
            pltpu.VMEM((_EC,), jnp.int32),
            pltpu.VMEM((_EC,), jnp.int32),
            pltpu.VMEM((_EC,), jnp.int32),
        ] + [pltpu.SemaphoreType.DMA] * 12,
    )(_sc_edge_body)
    return kern(y, src32, dst32, g, zeros_rows)



_NP_BLK = 1000


def _post_body(m2_ref, h_ref, u_ref, rW1_ref, rb1_ref, rW2_ref, rb2_ref,
               Wd_ref, bd_ref, aW1_ref, ab1_ref, aW2_ref, ab2_ref, x_ref):
    m = m2_ref[0] + m2_ref[1]
    for i in range(NR):
        hmid = jnp.dot(m, rW1_ref[i], preferred_element_type=jnp.float32) + rb1_ref[i]
        m = m + jnp.dot(hmid, rW2_ref[i], preferred_element_type=jnp.float32) + rb2_ref[i]
    x = u_ref[...] * h_ref[...] + (
        jnp.dot(m, Wd_ref[...], preferred_element_type=jnp.float32) + bd_ref[...]
    )
    for i in range(NR):
        hmid = jnp.dot(x, aW1_ref[i], preferred_element_type=jnp.float32) + ab1_ref[i]
        x = x + jnp.dot(hmid, aW2_ref[i], preferred_element_type=jnp.float32) + ab2_ref[i]
    x_ref[...] = x


def _post(m2, h, u_row, rW1t, rb1r, rW2t, rb2r, W_d_t, b_d_row,
          aW1t, ab1r, aW2t, ab2r):
    grid = (N // _NP_BLK,)
    full = lambda shape: pl.BlockSpec(shape, lambda i: tuple(0 for _ in shape))
    return pl.pallas_call(
        _post_body,
        grid=grid,
        in_specs=[
            pl.BlockSpec((2, _NP_BLK, F), lambda i: (0, i, 0)),
            pl.BlockSpec((_NP_BLK, F), lambda i: (i, 0)),
            full((1, F)),
            full((NR, F, F)), full((NR, 1, F)),
            full((NR, F, F)), full((NR, 1, F)),
            full((F, F)), full((1, F)),
            full((NR, F, F)), full((NR, 1, F)),
            full((NR, F, F)), full((NR, 1, F)),
        ],
        out_specs=pl.BlockSpec((_NP_BLK, F), lambda i: (i, 0)),
        out_shape=jax.ShapeDtypeStruct((N, F), jnp.float32),
    )(m2, h, u_row, rW1t, rb1r, rW2t, rb2r, W_d_t, b_d_row,
      aW1t, ab1r, aW2t, ab2r)




def kernel(h, edge_index, edge_weight, edge_attr, batch, W_d2f, b_d2f,
           W_i, b_i, rW1, rb1, rW2, rb2, W_d, b_d, u, aW1, ab1, aW2, ab2):
    del edge_weight, batch

    src32 = edge_index[0].astype(jnp.int32)
    dst32 = edge_index[1].astype(jnp.int32)

    g = _compute_g(edge_attr, W_d2f.T, b_d2f.reshape(1, F))
    y = _compute_y(h, W_i.T, b_i.reshape(1, F))

    zeros_rows = jnp.zeros((_RPT, F), jnp.float32)
    m2 = _sc_edge(y, src32, dst32, g, zeros_rows)

    x = _post(
        m2, h, u.reshape(1, F),
        jnp.swapaxes(rW1, 1, 2), rb1.reshape(NR, 1, F),
        jnp.swapaxes(rW2, 1, 2), rb2.reshape(NR, 1, F),
        W_d.T, b_d.reshape(1, F),
        jnp.swapaxes(aW1, 1, 2), ab1.reshape(NR, 1, F),
        jnp.swapaxes(aW2, 1, 2), ab2.reshape(NR, 1, F),
    )
    return (x, g)

# --- scband reference (transcript-rebuilt; emitter-appended) ---
"""Pipeline reference for scband-interaction-block-physnet-17257178595652 (READ-ONLY COPY).

The authoritative reference and input builder live on the scoring server;
editing this copy changes nothing except your own understanding.
"""

import jax, jax.numpy as jnp
import numpy as np

N = 10000
E = 320000
F = 128
DF = 16
NR = 5

def setup_inputs(seed: int = 0) -> dict:
    key = jax.random.key(seed)
    ks = jax.random.split(key, 24)
    s = 0.05
    inp = {}
    inp['h'] = jax.random.normal(ks[0], (N, F), dtype=jnp.float32)
    inp['edge_index'] = jax.random.randint(ks[1], (2, E), 0, N, dtype=jnp.int64)
    inp['edge_weight'] = jax.random.uniform(ks[2], (E,), dtype=jnp.float32)
    inp['edge_attr'] = jax.random.normal(ks[3], (E, DF), dtype=jnp.float32)
    inp['batch'] = jnp.sort(jax.random.randint(ks[4], (N,), 0, 32, dtype=jnp.int64))
    # d2f: Linear(DF, F)
    inp['W_d2f'] = jax.random.normal(ks[5], (F, DF), dtype=jnp.float32) * s
    inp['b_d2f'] = jax.random.normal(ks[6], (F,), dtype=jnp.float32) * s
    # dense_i: Linear(F, F)
    inp['W_i'] = jax.random.normal(ks[7], (F, F), dtype=jnp.float32) * s
    inp['b_i'] = jax.random.normal(ks[8], (F,), dtype=jnp.float32) * s
    # interaction residual layers (dense then residual linear each)
    inp['rW1'] = jax.random.normal(ks[9], (NR, F, F), dtype=jnp.float32) * s
    inp['rb1'] = jax.random.normal(ks[10], (NR, F), dtype=jnp.float32) * s
    inp['rW2'] = jax.random.normal(ks[11], (NR, F, F), dtype=jnp.float32) * s
    inp['rb2'] = jax.random.normal(ks[12], (NR, F), dtype=jnp.float32) * s
    # final dense: Linear(F, F)
    inp['W_d'] = jax.random.normal(ks[13], (F, F), dtype=jnp.float32) * s
    inp['b_d'] = jax.random.normal(ks[14], (F,), dtype=jnp.float32) * s
    # learned gate u
    inp['u'] = jnp.ones((F,), dtype=jnp.float32)
    # atomic residual layers
    inp['aW1'] = jax.random.normal(ks[15], (NR, F, F), dtype=jnp.float32) * s
    inp['ab1'] = jax.random.normal(ks[16], (NR, F), dtype=jnp.float32) * s
    inp['aW2'] = jax.random.normal(ks[17], (NR, F, F), dtype=jnp.float32) * s
    inp['ab2'] = jax.random.normal(ks[18], (NR, F), dtype=jnp.float32) * s
    return inp

def _residual(x, W1, b1, W2, b2):
    # activation_fn is None, dropout is identity in eval mode
    hmid = x @ W1.T + b1
    return x + (hmid @ W2.T + b2)

def reference(h, edge_index, edge_weight, edge_attr, batch, W_d2f, b_d2f, W_i, b_i, rW1, rb1, rW2, rb2, W_d, b_d, u, aW1, ab1, aW2, ab2):
    # InteractionLayer_Physnet (activation None, eval-mode dropout = identity)
    ha = h
    g = edge_attr @ W_d2f.T + b_d2f            # [E, F]
    y = ha @ W_i.T + b_i                       # [N, F]
    src = edge_index[0]
    dst = edge_index[1]
    msg = jnp.take(y, src, axis=0) * g         # message: y_j * g
    m = jnp.zeros((h.shape[0], y.shape[1]), dtype=h.dtype).at[dst].add(msg)  # aggr='add'
    for i in range(NR):
        m = _residual(m, rW1[i], rb1[i], rW2[i], rb2[i])
    x = u * h + (m @ W_d.T + b_d)
    # atomic residual layers
    for i in range(NR):
        x = _residual(x, aW1[i], ab1[i], aW2[i], ab2[i])
    return (x, g)

if __name__ == "__main__":
    import jax
    _d = setup_inputs()
    print(jax.jit(kernel)(*tuple(_d.values())))

</pallas_src>

<mosaic_0001>
#map = affine_map<(d0, d1) -> (0, 0)>
#map1 = affine_map<(d0, d1) -> (0)>
#map2 = affine_map<(d0, d1) -> (0, 0, 0)>
module attributes {stable_mosaic.version = 14 : i64} {
  func.func @_sc_edge_body(%arg0: i32, %arg1: i32, %arg2: memref<10000x128xf32, #tpu.memory_space<hbm>>, %arg3: memref<320000xi32, #tpu.memory_space<hbm>>, %arg4: memref<320000xi32, #tpu.memory_space<hbm>>, %arg5: memref<320000x128xf32, #tpu.memory_space<hbm>>, %arg6: memref<640x128xf32, #tpu.memory_space<hbm>>, %arg7: memref<2x10240x128xf32, #tpu.memory_space<hbm>>, %arg8: memref<10240x128xf32, #tpu.memory_space<vmem_shared>>, %arg9: memref<80x128xf32, #tpu.memory_space<vmem>>, %arg10: memref<80x128xf32, #tpu.memory_space<vmem>>, %arg11: memref<80x128xf32, #tpu.memory_space<vmem>>, %arg12: memref<80x128xf32, #tpu.memory_space<vmem>>, %arg13: memref<80xi32, #tpu.memory_space<vmem>>, %arg14: memref<80xi32, #tpu.memory_space<vmem>>, %arg15: memref<80xi32, #tpu.memory_space<vmem>>, %arg16: memref<80xi32, #tpu.memory_space<vmem>>, %arg17: memref<80xi32, #tpu.memory_space<vmem>>, %arg18: memref<80xi32, #tpu.memory_space<vmem>>, %arg19: memref<!tpu.dma_semaphore, #tpu.memory_space<semaphore_mem>>, %arg20: memref<!tpu.dma_semaphore, #tpu.memory_space<semaphore_mem>>, %arg21: memref<!tpu.dma_semaphore, #tpu.memory_space<semaphore_mem>>, %arg22: memref<!tpu.dma_semaphore, #tpu.memory_space<semaphore_mem>>, %arg23: memref<!tpu.dma_semaphore, #tpu.memory_space<semaphore_mem>>, %arg24: memref<!tpu.dma_semaphore, #tpu.memory_space<semaphore_mem>>, %arg25: memref<!tpu.dma_semaphore, #tpu.memory_space<semaphore_mem>>, %arg26: memref<!tpu.dma_semaphore, #tpu.memory_space<semaphore_mem>>, %arg27: memref<!tpu.dma_semaphore, #tpu.memory_space<semaphore_mem>>, %arg28: memref<!tpu.dma_semaphore, #tpu.memory_space<semaphore_mem>>, %arg29: memref<!tpu.dma_semaphore, #tpu.memory_space<semaphore_mem>>, %arg30: memref<!tpu.dma_semaphore, #tpu.memory_space<semaphore_mem>>) attributes {dimension_semantics = [#tpu.dimension_semantics<core_parallel>, #tpu.dimension_semantics<subcore_parallel>], iteration_bounds = array<i64: 2, 16>, scalar_prefetch = 0 : i64, scratch_operands = 23 : i64, tpu.core_type = #tpu.core_type<sc_vector_subcore>, window_params = [{transform_indices = #map}, {transform_indices = #map1}, {transform_indices = #map1}, {transform_indices = #map}, {transform_indices = #map}, {transform_indices = #map2}]} {
    %mul3A = arith.constant 16 : i32
    %mul3A_0 = arith.muli %arg0, %mul3A : i32
    %add3A = arith.addi %mul3A_0, %arg1 : i32
    %mul3A_1 = arith.constant 10000 : i32
    %mul3A_2 = arith.muli %add3A, %mul3A_1 : i32
    %add3A_3 = arith.constant 0 : i32
    %add3A_4 = arith.addi %mul3A_2, %add3A_3 : i32
    %dma_start3A = tpu.memref_slice %arg3[%add3A_4] : memref<320000xi32, #tpu.memory_space<hbm>> -> memref<80xi32, #tpu.memory_space<hbm>>
    %dma_start3A_5 = tpu.memref_slice %arg3[%add3A_4] : memref<320000xi32, #tpu.memory_space<hbm>> -> memref<80xi32, #tpu.memory_space<hbm>>
    tpu.enqueue_dma source(%dma_start3A_5 : memref<80xi32, #tpu.memory_space<hbm>>) target(%arg13 : memref<80xi32, #tpu.memory_space<vmem>>) target_semaphore(%arg25 : memref<!tpu.dma_semaphore, #tpu.memory_space<semaphore_mem>>)
    %mul3A_6 = arith.constant 10000 : i32
    %mul3A_7 = arith.muli %add3A, %mul3A_6 : i32
    %add3A_8 = arith.constant 80 : i32
    %add3A_9 = arith.addi %mul3A_7, %add3A_8 : i32
    %dma_start3A_10 = tpu.memref_slice %arg3[%add3A_9] : memref<320000xi32, #tpu.memory_space<hbm>> -> memref<80xi32, #tpu.memory_space<hbm>>
    %dma_start3A_11 = tpu.memref_slice %arg3[%add3A_9] : memref<320000xi32, #tpu.memory_space<hbm>> -> memref<80xi32, #tpu.memory_space<hbm>>
    tpu.enqueue_dma source(%dma_start3A_11 : memref<80xi32, #tpu.memory_space<hbm>>) target(%arg14 : memref<80xi32, #tpu.memory_space<vmem>>) target_semaphore(%arg26 : memref<!tpu.dma_semaphore, #tpu.memory_space<semaphore_mem>>)
    %mul3A_12 = arith.constant 10000 : i32
    %mul3A_13 = arith.muli %add3A, %mul3A_12 : i32
    %add3A_14 = arith.constant 160 : i32
    %add3A_15 = arith.addi %mul3A_13, %add3A_14 : i32
    %dma_start3A_16 = tpu.memref_slice %arg3[%add3A_15] : memref<320000xi32, #tpu.memory_space<hbm>> -> memref<80xi32, #tpu.memory_space<hbm>>
    %dma_start3A_17 = tpu.memref_slice %arg3[%add3A_15] : memref<320000xi32, #tpu.memory_space<hbm>> -> memref<80xi32, #tpu.memory_space<hbm>>
    tpu.enqueue_dma source(%dma_start3A_17 : memref<80xi32, #tpu.memory_space<hbm>>) target(%arg15 : memref<80xi32, #tpu.memory_space<vmem>>) target_semaphore(%arg27 : memref<!tpu.dma_semaphore, #tpu.memory_space<semaphore_mem>>)
    %mul3A_18 = arith.constant 10000 : i32
    %mul3A_19 = arith.muli %add3A, %mul3A_18 : i32
    %add3A_20 = arith.constant 240 : i32
    %add3A_21 = arith.addi %mul3A_19, %add3A_20 : i32
    %dma_start3A_22 = tpu.memref_slice %arg3[%add3A_21] : memref<320000xi32, #tpu.memory_space<hbm>> -> memref<80xi32, #tpu.memory_space<hbm>>
    %dma_start3A_23 = tpu.memref_slice %arg3[%add3A_21] : memref<320000xi32, #tpu.memory_space<hbm>> -> memref<80xi32, #tpu.memory_space<hbm>>
    tpu.enqueue_dma source(%dma_start3A_23 : memref<80xi32, #tpu.memory_space<hbm>>) target(%arg16 : memref<80xi32, #tpu.memory_space<vmem>>) target_semaphore(%arg28 : memref<!tpu.dma_semaphore, #tpu.memory_space<semaphore_mem>>)
    %mul3A_24 = arith.constant 10000 : i32
    %mul3A_25 = arith.muli %add3A, %mul3A_24 : i32
    %add3A_26 = arith.constant 0 : i32
    %add3A_27 = arith.addi %mul3A_25, %add3A_26 : i32
    %dma_start3A_28 = tpu.memref_slice %arg4[%add3A_27] : memref<320000xi32, #tpu.memory_space<hbm>> -> memref<80xi32, #tpu.memory_space<hbm>>
    %dma_start3A_29 = tpu.memref_slice %arg4[%add3A_27] : memref<320000xi32, #tpu.memory_space<hbm>> -> memref<80xi32, #tpu.memory_space<hbm>>
    tpu.enqueue_dma source(%dma_start3A_29 : memref<80xi32, #tpu.memory_space<hbm>>) target(%arg17 : memref<80xi32, #tpu.memory_space<vmem>>) target_semaphore(%arg29 : memref<!tpu.dma_semaphore, #tpu.memory_space<semaphore_mem>>)
    %mul3A_30 = arith.constant 10000 : i32
    %mul3A_31 = arith.muli %add3A, %mul3A_30 : i32
    %add3A_32 = arith.constant 0 : i32
    %add3A_33 = arith.addi %mul3A_31, %add3A_32 : i32
    %dma_start3A_34 = arith.constant 0 : i32
    %dma_start3A_35 = tpu.memref_slice %arg5[%add3A_33, %dma_start3A_34] : memref<320000x128xf32, #tpu.memory_space<hbm>> -> memref<80x128xf32, #tpu.memory_space<hbm>>
    %dma_start3A_36 = arith.constant 0 : i32
    %dma_start3A_37 = tpu.memref_slice %arg5[%add3A_33, %dma_start3A_36] : memref<320000x128xf32, #tpu.memory_space<hbm>> -> memref<80x128xf32, #tpu.memory_space<hbm>>
    tpu.enqueue_dma source(%dma_start3A_37 : memref<80x128xf32, #tpu.memory_space<hbm>>) target(%arg9 : memref<80x128xf32, #tpu.memory_space<vmem>>) target_semaphore(%arg19 : memref<!tpu.dma_semaphore, #tpu.memory_space<semaphore_mem>>)
    %mul3A_38 = arith.constant 10000 : i32
    %mul3A_39 = arith.muli %add3A, %mul3A_38 : i32
    %add3A_40 = arith.constant 80 : i32
    %add3A_41 = arith.addi %mul3A_39, %add3A_40 : i32
    %dma_start3A_42 = tpu.memref_slice %arg4[%add3A_41] : memref<320000xi32, #tpu.memory_space<hbm>> -> memref<80xi32, #tpu.memory_space<hbm>>
    %dma_start3A_43 = tpu.memref_slice %arg4[%add3A_41] : memref<320000xi32, #tpu.memory_space<hbm>> -> memref<80xi32, #tpu.memory_space<hbm>>
    tpu.enqueue_dma source(%dma_start3A_43 : memref<80xi32, #tpu.memory_space<hbm>>) target(%arg18 : memref<80xi32, #tpu.memory_space<vmem>>) target_semaphore(%arg30 : memref<!tpu.dma_semaphore, #tpu.memory_space<semaphore_mem>>)
    %mul3A_44 = arith.constant 10000 : i32
    %mul3A_45 = arith.muli %add3A, %mul3A_44 : i32
    %add3A_46 = arith.constant 80 : i32
    %add3A_47 = arith.addi %mul3A_45, %add3A_46 : i32
    %dma_start3A_48 = arith.constant 0 : i32
    %dma_start3A_49 = tpu.memref_slice %arg5[%add3A_47, %dma_start3A_48] : memref<320000x128xf32, #tpu.memory_space<hbm>> -> memref<80x128xf32, #tpu.memory_space<hbm>>
    %dma_start3A_50 = arith.constant 0 : i32
    %dma_start3A_51 = tpu.memref_slice %arg5[%add3A_47, %dma_start3A_50] : memref<320000x128xf32, #tpu.memory_space<hbm>> -> memref<80x128xf32, #tpu.memory_space<hbm>>
    tpu.enqueue_dma source(%dma_start3A_51 : memref<80x128xf32, #tpu.memory_space<hbm>>) target(%arg10 : memref<80x128xf32, #tpu.memory_space<vmem>>) target_semaphore(%arg20 : memref<!tpu.dma_semaphore, #tpu.memory_space<semaphore_mem>>)
    %mul3A_52 = arith.constant 10000 : i32
    %mul3A_53 = arith.muli %add3A, %mul3A_52 : i32
    %add3A_54 = arith.constant 0 : i32
    %add3A_55 = arith.addi %mul3A_53, %add3A_54 : i32
    %dma_wait3A = tpu.memref_slice %arg3[%add3A_55] : memref<320000xi32, #tpu.memory_space<hbm>> -> memref<80xi32, #tpu.memory_space<hbm>>
    %dma_wait3A_56 = tpu.memref_slice %arg3[%add3A_55] : memref<320000xi32, #tpu.memory_space<hbm>> -> memref<80xi32, #tpu.memory_space<hbm>>
    tpu.wait_dma2 semaphore(%arg25 : memref<!tpu.dma_semaphore, #tpu.memory_space<semaphore_mem>>) src(%dma_wait3A_56 : memref<80xi32, #tpu.memory_space<hbm>>) dst(%arg13 : memref<80xi32, #tpu.memory_space<vmem>>)
    %dma_start3A_57 = arith.constant 0 : i32
    %dma_start3A_58 = arith.constant 0 : i32
    %dma_start3A_59 = tpu.memref_slice %arg2[%dma_start3A_57, %dma_start3A_58] : memref<10000x128xf32, #tpu.memory_space<hbm>> -> memref<10000x128xf32, #tpu.memory_space<hbm>>
    tpu.enqueue_indirect_dma source(%dma_start3A_59 : memref<10000x128xf32, #tpu.memory_space<hbm>>) target(%arg11 : memref<80x128xf32, #tpu.memory_space<vmem>>) offsets(%arg13 : memref<80xi32, #tpu.memory_space<vmem>>) semaphore(%arg21 : memref<!tpu.dma_semaphore, #tpu.memory_space<semaphore_mem>>)
    %mul3A_60 = arith.constant 10000 : i32
    %mul3A_61 = arith.muli %add3A, %mul3A_60 : i32
    %add3A_62 = arith.constant 80 : i32
    %add3A_63 = arith.addi %mul3A_61, %add3A_62 : i32
    %dma_wait3A_64 = tpu.memref_slice %arg3[%add3A_63] : memref<320000xi32, #tpu.memory_space<hbm>> -> memref<80xi32, #tpu.memory_space<hbm>>
    %dma_wait3A_65 = tpu.memref_slice %arg3[%add3A_63] : memref<320000xi32, #tpu.memory_space<hbm>> -> memref<80xi32, #tpu.memory_space<hbm>>
    tpu.wait_dma2 semaphore(%arg26 : memref<!tpu.dma_semaphore, #tpu.memory_space<semaphore_mem>>) src(%dma_wait3A_65 : memref<80xi32, #tpu.memory_space<hbm>>) dst(%arg14 : memref<80xi32, #tpu.memory_space<vmem>>)
    %dma_start3A_66 = arith.constant 0 : i32
    %dma_start3A_67 = arith.constant 0 : i32
    %dma_start3A_68 = tpu.memref_slice %arg2[%dma_start3A_66, %dma_start3A_67] : memref<10000x128xf32, #tpu.memory_space<hbm>> -> memref<10000x128xf32, #tpu.memory_space<hbm>>
    tpu.enqueue_indirect_dma source(%dma_start3A_68 : memref<10000x128xf32, #tpu.memory_space<hbm>>) target(%arg12 : memref<80x128xf32, #tpu.memory_space<vmem>>) offsets(%arg14 : memref<80xi32, #tpu.memory_space<vmem>>) semaphore(%arg22 : memref<!tpu.dma_semaphore, #tpu.memory_space<semaphore_mem>>)
    %mul3A_69 = arith.constant 640 : i32
    %mul3A_70 = arith.muli %arg1, %mul3A_69 : i32
    "tpu.region"() ({
      %run_scoped3A = tpu.sem_alloc : memref<!tpu.dma_semaphore, #tpu.memory_space<semaphore_mem>>
      %dma_start3A_313 = arith.constant 0 : i32
      %dma_start3A_314 = tpu.memref_slice %arg8[%mul3A_70, %dma_start3A_313] : memref<10240x128xf32, #tpu.memory_space<vmem_shared>> -> memref<640x128xf32, #tpu.memory_space<vmem_shared>>
      tpu.enqueue_dma source(%arg6 : memref<640x128xf32, #tpu.memory_space<hbm>>) target(%dma_start3A_314 : memref<640x128xf32, #tpu.memory_space<vmem_shared>>) target_semaphore(%run_scoped3A : memref<!tpu.dma_semaphore, #tpu.memory_space<semaphore_mem>>)
      %dma_wait3A_315 = arith.constant 0 : i32
      %dma_wait3A_316 = tpu.memref_slice %arg8[%mul3A_70, %dma_wait3A_315] : memref<10240x128xf32, #tpu.memory_space<vmem_shared>> -> memref<640x128xf32, #tpu.memory_space<vmem_shared>>
      tpu.wait_dma2 semaphore(%run_scoped3A : memref<!tpu.dma_semaphore, #tpu.memory_space<semaphore_mem>>) src(%arg6 : memref<640x128xf32, #tpu.memory_space<hbm>>) dst(%dma_wait3A_316 : memref<640x128xf32, #tpu.memory_space<vmem_shared>>)
      tpu.yield
    }) : () -> ()
    %barrier3A = arith.constant 0 : index
    tpu.barrier barrier_id(%barrier3A)
    %mul3A_71 = arith.constant 10000 : i32
    %mul3A_72 = arith.muli %add3A, %mul3A_71 : i32
    %add3A_73 = arith.constant 0 : i32
    %add3A_74 = arith.addi %mul3A_72, %add3A_73 : i32
    %dma_wait3A_75 = arith.constant 0 : i32
    %dma_wait3A_76 = tpu.memref_slice %arg5[%add3A_74, %dma_wait3A_75] : memref<320000x128xf32, #tpu.memory_space<hbm>> -> memref<80x128xf32, #tpu.memory_space<hbm>>
    %dma_wait3A_77 = arith.constant 0 : i32
    %dma_wait3A_78 = tpu.memref_slice %arg5[%add3A_74, %dma_wait3A_77] : memref<320000x128xf32, #tpu.memory_space<hbm>> -> memref<80x128xf32, #tpu.memory_space<hbm>>
    tpu.wait_dma2 semaphore(%arg19 : memref<!tpu.dma_semaphore, #tpu.memory_space<semaphore_mem>>) src(%dma_wait3A_78 : memref<80x128xf32, #tpu.memory_space<hbm>>) dst(%arg9 : memref<80x128xf32, #tpu.memory_space<vmem>>)
    %dma_wait3A_79 = arith.constant 0 : i32
    %dma_wait3A_80 = arith.constant 0 : i32
    %dma_wait3A_81 = tpu.memref_slice %arg2[%dma_wait3A_79, %dma_wait3A_80] : memref<10000x128xf32, #tpu.memory_space<hbm>> -> memref<10000x128xf32, #tpu.memory_space<hbm>>
    tpu.wait_indirect_dma semaphore(%arg21 : memref<!tpu.dma_semaphore, #tpu.memory_space<semaphore_mem>>) src(%dma_wait3A_81 : memref<10000x128xf32, #tpu.memory_space<hbm>>) dst(%arg11 : memref<80x128xf32, #tpu.memory_space<vmem>>)
    %parallel_loop3A = arith.constant 0 : i32
    %parallel_loop3A_82 = arith.constant 80 : i32
    %parallel_loop3A_83 = arith.constant 1 : i32
    scf.for %parallel_loop3A_313 = %parallel_loop3A to %parallel_loop3A_82 step %parallel_loop3A_83  : i32 {
      %parallel_loop3A_314 = arith.index_cast %parallel_loop3A_313 : i32 to index
      %parallel_loop3A_315 = arith.constant 0 : index
      %parallel_loop3A_316 = tpu.vector_load %arg9[%parallel_loop3A_314, %parallel_loop3A_315] {strides = array<i32>} : memref<80x128xf32, #tpu.memory_space<vmem>>, vector<1x16xf32>,
      %parallel_loop3A_317 = vector.shape_cast %parallel_loop3A_316 : vector<1x16xf32> to vector<16xf32>
      %parallel_loop3A_318 = arith.index_cast %parallel_loop3A_313 : i32 to index
      %parallel_loop3A_319 = arith.constant 0 : index
      %parallel_loop3A_320 = tpu.vector_load %arg11[%parallel_loop3A_318, %parallel_loop3A_319] {strides = array<i32>} : memref<80x128xf32, #tpu.memory_space<vmem>>, vector<1x16xf32>,
      %parallel_loop3A_321 = vector.shape_cast %parallel_loop3A_320 : vector<1x16xf32> to vector<16xf32>
      %parallel_loop3A_322 = arith.mulf %parallel_loop3A_317, %parallel_loop3A_321 : vector<16xf32>
      %parallel_loop3A_323 = arith.index_cast %parallel_loop3A_313 : i32 to index
      %parallel_loop3A_324 = arith.constant 0 : index
      %parallel_loop3A_325 = tpu.vector_load %arg9[%parallel_loop3A_323, %parallel_loop3A_324] {strides = array<i32>} : memref<80x128xf32, #tpu.memory_space<vmem>>, vector<1x16xf32>,
      %parallel_loop3A_326 = vector.shape_cast %parallel_loop3A_325 : vector<1x16xf32> to vector<16xf32>
      %parallel_loop3A_327 = vector.shape_cast %parallel_loop3A_322 : vector<16xf32> to vector<1x16xf32>
      tpu.vector_store %arg9[%parallel_loop3A_323, %parallel_loop3A_324], %parallel_loop3A_327 {strides = array<i32>} : memref<80x128xf32, #tpu.memory_space<vmem>>, vector<1x16xf32>,
      %parallel_loop3A_328 = arith.index_cast %parallel_loop3A_313 : i32 to index
      %parallel_loop3A_329 = arith.constant 16 : index
      %parallel_loop3A_330 = tpu.vector_load %arg9[%parallel_loop3A_328, %parallel_loop3A_329] {strides = array<i32>} : memref<80x128xf32, #tpu.memory_space<vmem>>, vector<1x16xf32>,
      %parallel_loop3A_331 = vector.shape_cast %parallel_loop3A_330 : vector<1x16xf32> to vector<16xf32>
      %parallel_loop3A_332 = arith.index_cast %parallel_loop3A_313 : i32 to index
      %parallel_loop3A_333 = arith.constant 16 : index
      %parallel_loop3A_334 = tpu.vector_load %arg11[%parallel_loop3A_332, %parallel_loop3A_333] {strides = array<i32>} : memref<80x128xf32, #tpu.memory_space<vmem>>, vector<1x16xf32>,
      %parallel_loop3A_335 = vector.shape_cast %parallel_loop3A_334 : vector<1x16xf32> to vector<16xf32>
      %parallel_loop3A_336 = arith.mulf %parallel_loop3A_331, %parallel_loop3A_335 : vector<16xf32>
      %parallel_loop3A_337 = arith.index_cast %parallel_loop3A_313 : i32 to index
      %parallel_loop3A_338 = arith.constant 16 : index
      %parallel_loop3A_339 = tpu.vector_load %arg9[%parallel_loop3A_337, %parallel_loop3A_338] {strides = array<i32>} : memref<80x128xf32, #tpu.memory_space<vmem>>, vector<1x16xf32>,
      %parallel_loop3A_340 = vector.shape_cast %parallel_loop3A_339 : vector<1x16xf32> to vector<16xf32>
      %parallel_loop3A_341 = vector.shape_cast %parallel_loop3A_336 : vector<16xf32> to vector<1x16xf32>
      tpu.vector_store %arg9[%parallel_loop3A_337, %parallel_loop3A_338], %parallel_loop3A_341 {strides = array<i32>} : memref<80x128xf32, #tpu.memory_space<vmem>>, vector<1x16xf32>,
      %parallel_loop3A_342 = arith.index_cast %parallel_loop3A_313 : i32 to index
      %parallel_loop3A_343 = arith.constant 32 : index
      %parallel_loop3A_344 = tpu.vector_load %arg9[%parallel_loop3A_342, %parallel_loop3A_343] {strides = array<i32>} : memref<80x128xf32, #tpu.memory_space<vmem>>, vector<1x16xf32>,
      %parallel_loop3A_345 = vector.shape_cast %parallel_loop3A_344 : vector<1x16xf32> to vector<16xf32>
      %parallel_loop3A_346 = arith.index_cast %parallel_loop3A_313 : i32 to index
      %parallel_loop3A_347 = arith.constant 32 : index
      %parallel_loop3A_348 = tpu.vector_load %arg11[%parallel_loop3A_346, %parallel_loop3A_347] {strides = array<i32>} : memref<80x128xf32, #tpu.memory_space<vmem>>, vector<1x16xf32>,
      %parallel_loop3A_349 = vector.shape_cast %parallel_loop3A_348 : vector<1x16xf32> to vector<16xf32>
      %parallel_loop3A_350 = arith.mulf %parallel_loop3A_345, %parallel_loop3A_349 : vector<16xf32>
      %parallel_loop3A_351 = arith.index_cast %parallel_loop3A_313 : i32 to index
      %parallel_loop3A_352 = arith.constant 32 : index
      %parallel_loop3A_353 = tpu.vector_load %arg9[%parallel_loop3A_351, %parallel_loop3A_352] {strides = array<i32>} : memref<80x128xf32, #tpu.memory_space<vmem>>, vector<1x16xf32>,
      %parallel_loop3A_354 = vector.shape_cast %parallel_loop3A_353 : vector<1x16xf32> to vector<16xf32>
      %parallel_loop3A_355 = vector.shape_cast %parallel_loop3A_350 : vector<16xf32> to vector<1x16xf32>
      tpu.vector_store %arg9[%parallel_loop3A_351, %parallel_loop3A_352], %parallel_loop3A_355 {strides = array<i32>} : memref<80x128xf32, #tpu.memory_space<vmem>>, vector<1x16xf32>,
      %parallel_loop3A_356 = arith.index_cast %parallel_loop3A_313 : i32 to index
      %parallel_loop3A_357 = arith.constant 48 : index
      %parallel_loop3A_358 = tpu.vector_load %arg9[%parallel_loop3A_356, %parallel_loop3A_357] {strides = array<i32>} : memref<80x128xf32, #tpu.memory_space<vmem>>, vector<1x16xf32>,
      %parallel_loop3A_359 = vector.shape_cast %parallel_loop3A_358 : vector<1x16xf32> to vector<16xf32>
      %parallel_loop3A_360 = arith.index_cast %parallel_loop3A_313 : i32 to index
      %parallel_loop3A_361 = arith.constant 48 : index
      %parallel_loop3A_362 = tpu.vector_load %arg11[%parallel_loop3A_360, %parallel_loop3A_361] {strides = array<i32>} : memref<80x128xf32, #tpu.memory_space<vmem>>, vector<1x16xf32>,
      %parallel_loop3A_363 = vector.shape_cast %parallel_loop3A_362 : vector<1x16xf32> to vector<16xf32>
      %parallel_loop3A_364 = arith.mulf %parallel_loop3A_359, %parallel_loop3A_363 : vector<16xf32>
      %parallel_loop3A_365 = arith.index_cast %parallel_loop3A_313 : i32 to index
      %parallel_loop3A_366 = arith.constant 48 : index
      %parallel_loop3A_367 = tpu.vector_load %arg9[%parallel_loop3A_365, %parallel_loop3A_366] {strides = array<i32>} : memref<80x128xf32, #tpu.memory_space<vmem>>, vector<1x16xf32>,
      %parallel_loop3A_368 = vector.shape_cast %parallel_loop3A_367 : vector<1x16xf32> to vector<16xf32>
      %parallel_loop3A_369 = vector.shape_cast %parallel_loop3A_364 : vector<16xf32> to vector<1x16xf32>
      tpu.vector_store %arg9[%parallel_loop3A_365, %parallel_loop3A_366], %parallel_loop3A_369 {strides = array<i32>} : memref<80x128xf32, #tpu.memory_space<vmem>>, vector<1x16xf32>,
      %parallel_loop3A_370 = arith.index_cast %parallel_loop3A_313 : i32 to index
      %parallel_loop3A_371 = arith.constant 64 : index
      %parallel_loop3A_372 = tpu.vector_load %arg9[%parallel_loop3A_370, %parallel_loop3A_371] {strides = array<i32>} : memref<80x128xf32, #tpu.memory_space<vmem>>, vector<1x16xf32>,
      %parallel_loop3A_373 = vector.shape_cast %parallel_loop3A_372 : vector<1x16xf32> to vector<16xf32>
      %parallel_loop3A_374 = arith.index_cast %parallel_loop3A_313 : i32 to index
      %parallel_loop3A_375 = arith.constant 64 : index
      %parallel_loop3A_376 = tpu.vector_load %arg11[%parallel_loop3A_374, %parallel_loop3A_375] {strides = array<i32>} : memref<80x128xf32, #tpu.memory_space<vmem>>, vector<1x16xf32>,
      %parallel_loop3A_377 = vector.shape_cast %parallel_loop3A_376 : vector<1x16xf32> to vector<16xf32>
      %parallel_loop3A_378 = arith.mulf %parallel_loop3A_373, %parallel_loop3A_377 : vector<16xf32>
      %parallel_loop3A_379 = arith.index_cast %parallel_loop3A_313 : i32 to index
      %parallel_loop3A_380 = arith.constant 64 : index
      %parallel_loop3A_381 = tpu.vector_load %arg9[%parallel_loop3A_379, %parallel_loop3A_380] {strides = array<i32>} : memref<80x128xf32, #tpu.memory_space<vmem>>, vector<1x16xf32>,
      %parallel_loop3A_382 = vector.shape_cast %parallel_loop3A_381 : vector<1x16xf32> to vector<16xf32>
      %parallel_loop3A_383 = vector.shape_cast %parallel_loop3A_378 : vector<16xf32> to vector<1x16xf32>
      tpu.vector_store %arg9[%parallel_loop3A_379, %parallel_loop3A_380], %parallel_loop3A_383 {strides = array<i32>} : memref<80x128xf32, #tpu.memory_space<vmem>>, vector<1x16xf32>,
      %parallel_loop3A_384 = arith.index_cast %parallel_loop3A_313 : i32 to index
      %parallel_loop3A_385 = arith.constant 80 : index
      %parallel_loop3A_386 = tpu.vector_load %arg9[%parallel_loop3A_384, %parallel_loop3A_385] {strides = array<i32>} : memref<80x128xf32, #tpu.memory_space<vmem>>, vector<1x16xf32>,
      %parallel_loop3A_387 = vector.shape_cast %parallel_loop3A_386 : vector<1x16xf32> to vector<16xf32>
      %parallel_loop3A_388 = arith.index_cast %parallel_loop3A_313 : i32 to index
      %parallel_loop3A_389 = arith.constant 80 : index
      %parallel_loop3A_390 = tpu.vector_load %arg11[%parallel_loop3A_388, %parallel_loop3A_389] {strides = array<i32>} : memref<80x128xf32, #tpu.memory_space<vmem>>, vector<1x16xf32>,
      %parallel_loop3A_391 = vector.shape_cast %parallel_loop3A_390 : vector<1x16xf32> to vector<16xf32>
      %parallel_loop3A_392 = arith.mulf %parallel_loop3A_387, %parallel_loop3A_391 : vector<16xf32>
      %parallel_loop3A_393 = arith.index_cast %parallel_loop3A_313 : i32 to index
      %parallel_loop3A_394 = arith.constant 80 : index
      %parallel_loop3A_395 = tpu.vector_load %arg9[%parallel_loop3A_393, %parallel_loop3A_394] {strides = array<i32>} : memref<80x128xf32, #tpu.memory_space<vmem>>, vector<1x16xf32>,
      %parallel_loop3A_396 = vector.shape_cast %parallel_loop3A_395 : vector<1x16xf32> to vector<16xf32>
      %parallel_loop3A_397 = vector.shape_cast %parallel_loop3A_392 : vector<16xf32> to vector<1x16xf32>
      tpu.vector_store %arg9[%parallel_loop3A_393, %parallel_loop3A_394], %parallel_loop3A_397 {strides = array<i32>} : memref<80x128xf32, #tpu.memory_space<vmem>>, vector<1x16xf32>,
      %parallel_loop3A_398 = arith.index_cast %parallel_loop3A_313 : i32 to index
      %parallel_loop3A_399 = arith.constant 96 : index
      %parallel_loop3A_400 = tpu.vector_load %arg9[%parallel_loop3A_398, %parallel_loop3A_399] {strides = array<i32>} : memref<80x128xf32, #tpu.memory_space<vmem>>, vector<1x16xf32>,
      %parallel_loop3A_401 = vector.shape_cast %parallel_loop3A_400 : vector<1x16xf32> to vector<16xf32>
      %parallel_loop3A_402 = arith.index_cast %parallel_loop3A_313 : i32 to index
      %parallel_loop3A_403 = arith.constant 96 : index
      %parallel_loop3A_404 = tpu.vector_load %arg11[%parallel_loop3A_402, %parallel_loop3A_403] {strides = array<i32>} : memref<80x128xf32, #tpu.memory_space<vmem>>, vector<1x16xf32>,
      %parallel_loop3A_405 = vector.shape_cast %parallel_loop3A_404 : vector<1x16xf32> to vector<16xf32>
      %parallel_loop3A_406 = arith.mulf %parallel_loop3A_401, %parallel_loop3A_405 : vector<16xf32>
      %parallel_loop3A_407 = arith.index_cast %parallel_loop3A_313 : i32 to index
      %parallel_loop3A_408 = arith.constant 96 : index
      %parallel_loop3A_409 = tpu.vector_load %arg9[%parallel_loop3A_407, %parallel_loop3A_408] {strides = array<i32>} : memref<80x128xf32, #tpu.memory_space<vmem>>, vector<1x16xf32>,
      %parallel_loop3A_410 = vector.shape_cast %parallel_loop3A_409 : vector<1x16xf32> to vector<16xf32>
      %parallel_loop3A_411 = vector.shape_cast %parallel_loop3A_406 : vector<16xf32> to vector<1x16xf32>
      tpu.vector_store %arg9[%parallel_loop3A_407, %parallel_loop3A_408], %parallel_loop3A_411 {strides = array<i32>} : memref<80x128xf32, #tpu.memory_space<vmem>>, vector<1x16xf32>,
      %parallel_loop3A_412 = arith.index_cast %parallel_loop3A_313 : i32 to index
      %parallel_loop3A_413 = arith.constant 112 : index
      %parallel_loop3A_414 = tpu.vector_load %arg9[%parallel_loop3A_412, %parallel_loop3A_413] {strides = array<i32>} : memref<80x128xf32, #tpu.memory_space<vmem>>, vector<1x16xf32>,
      %parallel_loop3A_415 = vector.shape_cast %parallel_loop3A_414 : vector<1x16xf32> to vector<16xf32>
      %parallel_loop3A_416 = arith.index_cast %parallel_loop3A_313 : i32 to index
      %parallel_loop3A_417 = arith.constant 112 : index
      %parallel_loop3A_418 = tpu.vector_load %arg11[%parallel_loop3A_416, %parallel_loop3A_417] {strides = array<i32>} : memref<80x128xf32, #tpu.memory_space<vmem>>, vector<1x16xf32>,
      %parallel_loop3A_419 = vector.shape_cast %parallel_loop3A_418 : vector<1x16xf32> to vector<16xf32>
      %parallel_loop3A_420 = arith.mulf %parallel_loop3A_415, %parallel_loop3A_419 : vector<16xf32>
      %parallel_loop3A_421 = arith.index_cast %parallel_loop3A_313 : i32 to index
      %parallel_loop3A_422 = arith.constant 112 : index
      %parallel_loop3A_423 = tpu.vector_load %arg9[%parallel_loop3A_421, %parallel_loop3A_422] {strides = array<i32>} : memref<80x128xf32, #tpu.memory_space<vmem>>, vector<1x16xf32>,
      %parallel_loop3A_424 = vector.shape_cast %parallel_loop3A_423 : vector<1x16xf32> to vector<16xf32>
      %parallel_loop3A_425 = vector.shape_cast %parallel_loop3A_420 : vector<16xf32> to vector<1x16xf32>
      tpu.vector_store %arg9[%parallel_loop3A_421, %parallel_loop3A_422], %parallel_loop3A_425 {strides = array<i32>} : memref<80x128xf32, #tpu.memory_space<vmem>>, vector<1x16xf32>,
    } {sc.loop_unroll_factor = 4 : i64, sc.parallel_access}
    %mul3A_84 = arith.constant 10000 : i32
    %mul3A_85 = arith.muli %add3A, %mul3A_84 : i32
    %add3A_86 = arith.constant 0 : i32
    %add3A_87 = arith.addi %mul3A_85, %add3A_86 : i32
    %dma_wait3A_88 = tpu.memref_slice %arg4[%add3A_87] : memref<320000xi32, #tpu.memory_space<hbm>> -> memref<80xi32, #tpu.memory_space<hbm>>
    %dma_wait3A_89 = tpu.memref_slice %arg4[%add3A_87] : memref<320000xi32, #tpu.memory_space<hbm>> -> memref<80xi32, #tpu.memory_space<hbm>>
    tpu.wait_dma2 semaphore(%arg29 : memref<!tpu.dma_semaphore, #tpu.memory_space<semaphore_mem>>) src(%dma_wait3A_89 : memref<80xi32, #tpu.memory_space<hbm>>) dst(%arg17 : memref<80xi32, #tpu.memory_space<vmem>>)
    %dma_start3A_90 = arith.constant 0 : i32
    %dma_start3A_91 = arith.constant 0 : i32
    %dma_start3A_92 = tpu.memref_slice %arg8[%dma_start3A_90, %dma_start3A_91] : memref<10240x128xf32, #tpu.memory_space<vmem_shared>> -> memref<10240x128xf32, #tpu.memory_space<vmem_shared>>
    tpu.enqueue_indirect_dma source(%arg9 : memref<80x128xf32, #tpu.memory_space<vmem>>) target(%dma_start3A_92 : memref<10240x128xf32, #tpu.memory_space<vmem_shared>>) offsets(%arg17 : memref<80xi32, #tpu.memory_space<vmem>>) semaphore(%arg23 : memref<!tpu.dma_semaphore, #tpu.memory_space<semaphore_mem>>) {add = true}
    %mul3A_93 = arith.constant 10000 : i32
    %mul3A_94 = arith.muli %add3A, %mul3A_93 : i32
    %add3A_95 = arith.constant 160 : i32
    %add3A_96 = arith.addi %mul3A_94, %add3A_95 : i32
    %dma_wait3A_97 = tpu.memref_slice %arg3[%add3A_96] : memref<320000xi32, #tpu.memory_space<hbm>> -> memref<80xi32, #tpu.memory_space<hbm>>
    %dma_wait3A_98 = tpu.memref_slice %arg3[%add3A_96] : memref<320000xi32, #tpu.memory_space<hbm>> -> memref<80xi32, #tpu.memory_space<hbm>>
    tpu.wait_dma2 semaphore(%arg27 : memref<!tpu.dma_semaphore, #tpu.memory_space<semaphore_mem>>) src(%dma_wait3A_98 : memref<80xi32, #tpu.memory_space<hbm>>) dst(%arg15 : memref<80xi32, #tpu.memory_space<vmem>>)
    %dma_start3A_99 = arith.constant 0 : i32
    %dma_start3A_100 = arith.constant 0 : i32
    %dma_start3A_101 = tpu.memref_slice %arg2[%dma_start3A_99, %dma_start3A_100] : memref<10000x128xf32, #tpu.memory_space<hbm>> -> memref<10000x128xf32, #tpu.memory_space<hbm>>
    tpu.enqueue_indirect_dma source(%dma_start3A_101 : memref<10000x128xf32, #tpu.memory_space<hbm>>) target(%arg11 : memref<80x128xf32, #tpu.memory_space<vmem>>) offsets(%arg15 : memref<80xi32, #tpu.memory_space<vmem>>) semaphore(%arg21 : memref<!tpu.dma_semaphore, #tpu.memory_space<semaphore_mem>>)
    %mul3A_102 = arith.constant 10000 : i32
    %mul3A_103 = arith.muli %add3A, %mul3A_102 : i32
    %add3A_104 = arith.constant 320 : i32
    %add3A_105 = arith.addi %mul3A_103, %add3A_104 : i32
    %dma_start3A_106 = tpu.memref_slice %arg3[%add3A_105] : memref<320000xi32, #tpu.memory_space<hbm>> -> memref<80xi32, #tpu.memory_space<hbm>>
    %dma_start3A_107 = tpu.memref_slice %arg3[%add3A_105] : memref<320000xi32, #tpu.memory_space<hbm>> -> memref<80xi32, #tpu.memory_space<hbm>>
    tpu.enqueue_dma source(%dma_start3A_107 : memref<80xi32, #tpu.memory_space<hbm>>) target(%arg13 : memref<80xi32, #tpu.memory_space<vmem>>) target_semaphore(%arg25 : memref<!tpu.dma_semaphore, #tpu.memory_space<semaphore_mem>>)
    %mul3A_108 = arith.constant 10000 : i32
    %mul3A_109 = arith.muli %add3A, %mul3A_108 : i32
    %add3A_110 = arith.constant 80 : i32
    %add3A_111 = arith.addi %mul3A_109, %add3A_110 : i32
    %dma_wait3A_112 = arith.constant 0 : i32
    %dma_wait3A_113 = tpu.memref_slice %arg5[%add3A_111, %dma_wait3A_112] : memref<320000x128xf32, #tpu.memory_space<hbm>> -> memref<80x128xf32, #tpu.memory_space<hbm>>
    %dma_wait3A_114 = arith.constant 0 : i32
    %dma_wait3A_115 = tpu.memref_slice %arg5[%add3A_111, %dma_wait3A_114] : memref<320000x128xf32, #tpu.memory_space<hbm>> -> memref<80x128xf32, #tpu.memory_space<hbm>>
    tpu.wait_dma2 semaphore(%arg20 : memref<!tpu.dma_semaphore, #tpu.memory_space<semaphore_mem>>) src(%dma_wait3A_115 : memref<80x128xf32, #tpu.memory_space<hbm>>) dst(%arg10 : memref<80x128xf32, #tpu.memory_space<vmem>>)
    %dma_wait3A_116 = arith.constant 0 : i32
    %dma_wait3A_117 = arith.constant 0 : i32
    %dma_wait3A_118 = tpu.memref_slice %arg2[%dma_wait3A_116, %dma_wait3A_117] : memref<10000x128xf32, #tpu.memory_space<hbm>> -> memref<10000x128xf32, #tpu.memory_space<hbm>>
    tpu.wait_indirect_dma semaphore(%arg22 : memref<!tpu.dma_semaphore, #tpu.memory_space<semaphore_mem>>) src(%dma_wait3A_118 : memref<10000x128xf32, #tpu.memory_space<hbm>>) dst(%arg12 : memref<80x128xf32, #tpu.memory_space<vmem>>)
    %parallel_loop3A_119 = arith.constant 0 : i32
    %parallel_loop3A_120 = arith.constant 80 : i32
    %parallel_loop3A_121 = arith.constant 1 : i32
    scf.for %parallel_loop3A_313 = %parallel_loop3A_119 to %parallel_loop3A_120 step %parallel_loop3A_121  : i32 {
      %parallel_loop3A_314 = arith.index_cast %parallel_loop3A_313 : i32 to index
      %parallel_loop3A_315 = arith.constant 0 : index
      %parallel_loop3A_316 = tpu.vector_load %arg10[%parallel_loop3A_314, %parallel_loop3A_315] {strides = array<i32>} : memref<80x128xf32, #tpu.memory_space<vmem>>, vector<1x16xf32>,
      %parallel_loop3A_317 = vector.shape_cast %parallel_loop3A_316 : vector<1x16xf32> to vector<16xf32>
      %parallel_loop3A_318 = arith.index_cast %parallel_loop3A_313 : i32 to index
      %parallel_loop3A_319 = arith.constant 0 : index
      %parallel_loop3A_320 = tpu.vector_load %arg12[%parallel_loop3A_318, %parallel_loop3A_319] {strides = array<i32>} : memref<80x128xf32, #tpu.memory_space<vmem>>, vector<1x16xf32>,
      %parallel_loop3A_321 = vector.shape_cast %parallel_loop3A_320 : vector<1x16xf32> to vector<16xf32>
      %parallel_loop3A_322 = arith.mulf %parallel_loop3A_317, %parallel_loop3A_321 : vector<16xf32>
      %parallel_loop3A_323 = arith.index_cast %parallel_loop3A_313 : i32 to index
      %parallel_loop3A_324 = arith.constant 0 : index
      %parallel_loop3A_325 = tpu.vector_load %arg10[%parallel_loop3A_323, %parallel_loop3A_324] {strides = array<i32>} : memref<80x128xf32, #tpu.memory_space<vmem>>, vector<1x16xf32>,
      %parallel_loop3A_326 = vector.shape_cast %parallel_loop3A_325 : vector<1x16xf32> to vector<16xf32>
      %parallel_loop3A_327 = vector.shape_cast %parallel_loop3A_322 : vector<16xf32> to vector<1x16xf32>
      tpu.vector_store %arg10[%parallel_loop3A_323, %parallel_loop3A_324], %parallel_loop3A_327 {strides = array<i32>} : memref<80x128xf32, #tpu.memory_space<vmem>>, vector<1x16xf32>,
      %parallel_loop3A_328 = arith.index_cast %parallel_loop3A_313 : i32 to index
      %parallel_loop3A_329 = arith.constant 16 : index
      %parallel_loop3A_330 = tpu.vector_load %arg10[%parallel_loop3A_328, %parallel_loop3A_329] {strides = array<i32>} : memref<80x128xf32, #tpu.memory_space<vmem>>, vector<1x16xf32>,
      %parallel_loop3A_331 = vector.shape_cast %parallel_loop3A_330 : vector<1x16xf32> to vector<16xf32>
      %parallel_loop3A_332 = arith.index_cast %parallel_loop3A_313 : i32 to index
      %parallel_loop3A_333 = arith.constant 16 : index
      %parallel_loop3A_334 = tpu.vector_load %arg12[%parallel_loop3A_332, %parallel_loop3A_333] {strides = array<i32>} : memref<80x128xf32, #tpu.memory_space<vmem>>, vector<1x16xf32>,
      %parallel_loop3A_335 = vector.shape_cast %parallel_loop3A_334 : vector<1x16xf32> to vector<16xf32>
      %parallel_loop3A_336 = arith.mulf %parallel_loop3A_331, %parallel_loop3A_335 : vector<16xf32>
      %parallel_loop3A_337 = arith.index_cast %parallel_loop3A_313 : i32 to index
      %parallel_loop3A_338 = arith.constant 16 : index
      %parallel_loop3A_339 = tpu.vector_load %arg10[%parallel_loop3A_337, %parallel_loop3A_338] {strides = array<i32>} : memref<80x128xf32, #tpu.memory_space<vmem>>, vector<1x16xf32>,
      %parallel_loop3A_340 = vector.shape_cast %parallel_loop3A_339 : vector<1x16xf32> to vector<16xf32>
      %parallel_loop3A_341 = vector.shape_cast %parallel_loop3A_336 : vector<16xf32> to vector<1x16xf32>
      tpu.vector_store %arg10[%parallel_loop3A_337, %parallel_loop3A_338], %parallel_loop3A_341 {strides = array<i32>} : memref<80x128xf32, #tpu.memory_space<vmem>>, vector<1x16xf32>,
      %parallel_loop3A_342 = arith.index_cast %parallel_loop3A_313 : i32 to index
      %parallel_loop3A_343 = arith.constant 32 : index
      %parallel_loop3A_344 = tpu.vector_load %arg10[%parallel_loop3A_342, %parallel_loop3A_343] {strides = array<i32>} : memref<80x128xf32, #tpu.memory_space<vmem>>, vector<1x16xf32>,
      %parallel_loop3A_345 = vector.shape_cast %parallel_loop3A_344 : vector<1x16xf32> to vector<16xf32>
      %parallel_loop3A_346 = arith.index_cast %parallel_loop3A_313 : i32 to index
      %parallel_loop3A_347 = arith.constant 32 : index
      %parallel_loop3A_348 = tpu.vector_load %arg12[%parallel_loop3A_346, %parallel_loop3A_347] {strides = array<i32>} : memref<80x128xf32, #tpu.memory_space<vmem>>, vector<1x16xf32>,
      %parallel_loop3A_349 = vector.shape_cast %parallel_loop3A_348 : vector<1x16xf32> to vector<16xf32>
      %parallel_loop3A_350 = arith.mulf %parallel_loop3A_345, %parallel_loop3A_349 : vector<16xf32>
      %parallel_loop3A_351 = arith.index_cast %parallel_loop3A_313 : i32 to index
      %parallel_loop3A_352 = arith.constant 32 : index
      %parallel_loop3A_353 = tpu.vector_load %arg10[%parallel_loop3A_351, %parallel_loop3A_352] {strides = array<i32>} : memref<80x128xf32, #tpu.memory_space<vmem>>, vector<1x16xf32>,
      %parallel_loop3A_354 = vector.shape_cast %parallel_loop3A_353 : vector<1x16xf32> to vector<16xf32>
      %parallel_loop3A_355 = vector.shape_cast %parallel_loop3A_350 : vector<16xf32> to vector<1x16xf32>
      tpu.vector_store %arg10[%parallel_loop3A_351, %parallel_loop3A_352], %parallel_loop3A_355 {strides = array<i32>} : memref<80x128xf32, #tpu.memory_space<vmem>>, vector<1x16xf32>,
      %parallel_loop3A_356 = arith.index_cast %parallel_loop3A_313 : i32 to index
      %parallel_loop3A_357 = arith.constant 48 : index
      %parallel_loop3A_358 = tpu.vector_load %arg10[%parallel_loop3A_356, %parallel_loop3A_357] {strides = array<i32>} : memref<80x128xf32, #tpu.memory_space<vmem>>, vector<1x16xf32>,
      %parallel_loop3A_359 = vector.shape_cast %parallel_loop3A_358 : vector<1x16xf32> to vector<16xf32>
      %parallel_loop3A_360 = arith.index_cast %parallel_loop3A_313 : i32 to index
      %parallel_loop3A_361 = arith.constant 48 : index
      %parallel_loop3A_362 = tpu.vector_load %arg12[%parallel_loop3A_360, %parallel_loop3A_361] {strides = array<i32>} : memref<80x128xf32, #tpu.memory_space<vmem>>, vector<1x16xf32>,
      %parallel_loop3A_363 = vector.shape_cast %parallel_loop3A_362 : vector<1x16xf32> to vector<16xf32>
      %parallel_loop3A_364 = arith.mulf %parallel_loop3A_359, %parallel_loop3A_363 : vector<16xf32>
      %parallel_loop3A_365 = arith.index_cast %parallel_loop3A_313 : i32 to index
      %parallel_loop3A_366 = arith.constant 48 : index
      %parallel_loop3A_367 = tpu.vector_load %arg10[%parallel_loop3A_365, %parallel_loop3A_366] {strides = array<i32>} : memref<80x128xf32, #tpu.memory_space<vmem>>, vector<1x16xf32>,
      %parallel_loop3A_368 = vector.shape_cast %parallel_loop3A_367 : vector<1x16xf32> to vector<16xf32>
      %parallel_loop3A_369 = vector.shape_cast %parallel_loop3A_364 : vector<16xf32> to vector<1x16xf32>
      tpu.vector_store %arg10[%parallel_loop3A_365, %parallel_loop3A_366], %parallel_loop3A_369 {strides = array<i32>} : memref<80x128xf32, #tpu.memory_space<vmem>>, vector<1x16xf32>,
      %parallel_loop3A_370 = arith.index_cast %parallel_loop3A_313 : i32 to index
      %parallel_loop3A_371 = arith.constant 64 : index
      %parallel_loop3A_372 = tpu.vector_load %arg10[%parallel_loop3A_370, %parallel_loop3A_371] {strides = array<i32>} : memref<80x128xf32, #tpu.memory_space<vmem>>, vector<1x16xf32>,
      %parallel_loop3A_373 = vector.shape_cast %parallel_loop3A_372 : vector<1x16xf32> to vector<16xf32>
      %parallel_loop3A_374 = arith.index_cast %parallel_loop3A_313 : i32 to index
      %parallel_loop3A_375 = arith.constant 64 : index
      %parallel_loop3A_376 = tpu.vector_load %arg12[%parallel_loop3A_374, %parallel_loop3A_375] {strides = array<i32>} : memref<80x128xf32, #tpu.memory_space<vmem>>, vector<1x16xf32>,
      %parallel_loop3A_377 = vector.shape_cast %parallel_loop3A_376 : vector<1x16xf32> to vector<16xf32>
      %parallel_loop3A_378 = arith.mulf %parallel_loop3A_373, %parallel_loop3A_377 : vector<16xf32>
      %parallel_loop3A_379 = arith.index_cast %parallel_loop3A_313 : i32 to index
      %parallel_loop3A_380 = arith.constant 64 : index
      %parallel_loop3A_381 = tpu.vector_load %arg10[%parallel_loop3A_379, %parallel_loop3A_380] {strides = array<i32>} : memref<80x128xf32, #tpu.memory_space<vmem>>, vector<1x16xf32>,
      %parallel_loop3A_382 = vector.shape_cast %parallel_loop3A_381 : vector<1x16xf32> to vector<16xf32>
      %parallel_loop3A_383 = vector.shape_cast %parallel_loop3A_378 : vector<16xf32> to vector<1x16xf32>
      tpu.vector_store %arg10[%parallel_loop3A_379, %parallel_loop3A_380], %parallel_loop3A_383 {strides = array<i32>} : memref<80x128xf32, #tpu.memory_space<vmem>>, vector<1x16xf32>,
      %parallel_loop3A_384 = arith.index_cast %parallel_loop3A_313 : i32 to index
      %parallel_loop3A_385 = arith.constant 80 : index
      %parallel_loop3A_386 = tpu.vector_load %arg10[%parallel_loop3A_384, %parallel_loop3A_385] {strides = array<i32>} : memref<80x128xf32, #tpu.memory_space<vmem>>, vector<1x16xf32>,
      %parallel_loop3A_387 = vector.shape_cast %parallel_loop3A_386 : vector<1x16xf32> to vector<16xf32>
      %parallel_loop3A_388 = arith.index_cast %parallel_loop3A_313 : i32 to index
      %parallel_loop3A_389 = arith.constant 80 : index
      %parallel_loop3A_390 = tpu.vector_load %arg12[%parallel_loop3A_388, %parallel_loop3A_389] {strides = array<i32>} : memref<80x128xf32, #tpu.memory_space<vmem>>, vector<1x16xf32>,
      %parallel_loop3A_391 = vector.shape_cast %parallel_loop3A_390 : vector<1x16xf32> to vector<16xf32>
      %parallel_loop3A_392 = arith.mulf %parallel_loop3A_387, %parallel_loop3A_391 : vector<16xf32>
      %parallel_loop3A_393 = arith.index_cast %parallel_loop3A_313 : i32 to index
      %parallel_loop3A_394 = arith.constant 80 : index
      %parallel_loop3A_395 = tpu.vector_load %arg10[%parallel_loop3A_393, %parallel_loop3A_394] {strides = array<i32>} : memref<80x128xf32, #tpu.memory_space<vmem>>, vector<1x16xf32>,
      %parallel_loop3A_396 = vector.shape_cast %parallel_loop3A_395 : vector<1x16xf32> to vector<16xf32>
      %parallel_loop3A_397 = vector.shape_cast %parallel_loop3A_392 : vector<16xf32> to vector<1x16xf32>
      tpu.vector_store %arg10[%parallel_loop3A_393, %parallel_loop3A_394], %parallel_loop3A_397 {strides = array<i32>} : memref<80x128xf32, #tpu.memory_space<vmem>>, vector<1x16xf32>,
      %parallel_loop3A_398 = arith.index_cast %parallel_loop3A_313 : i32 to index
      %parallel_loop3A_399 = arith.constant 96 : index
      %parallel_loop3A_400 = tpu.vector_load %arg10[%parallel_loop3A_398, %parallel_loop3A_399] {strides = array<i32>} : memref<80x128xf32, #tpu.memory_space<vmem>>, vector<1x16xf32>,
      %parallel_loop3A_401 = vector.shape_cast %parallel_loop3A_400 : vector<1x16xf32> to vector<16xf32>
      %parallel_loop3A_402 = arith.index_cast %parallel_loop3A_313 : i32 to index
      %parallel_loop3A_403 = arith.constant 96 : index
      %parallel_loop3A_404 = tpu.vector_load %arg12[%parallel_loop3A_402, %parallel_loop3A_403] {strides = array<i32>} : memref<80x128xf32, #tpu.memory_space<vmem>>, vector<1x16xf32>,
      %parallel_loop3A_405 = vector.shape_cast %parallel_loop3A_404 : vector<1x16xf32> to vector<16xf32>
      %parallel_loop3A_406 = arith.mulf %parallel_loop3A_401, %parallel_loop3A_405 : vector<16xf32>
      %parallel_loop3A_407 = arith.index_cast %parallel_loop3A_313 : i32 to index
      %parallel_loop3A_408 = arith.constant 96 : index
      %parallel_loop3A_409 = tpu.vector_load %arg10[%parallel_loop3A_407, %parallel_loop3A_408] {strides = array<i32>} : memref<80x128xf32, #tpu.memory_space<vmem>>, vector<1x16xf32>,
      %parallel_loop3A_410 = vector.shape_cast %parallel_loop3A_409 : vector<1x16xf32> to vector<16xf32>
      %parallel_loop3A_411 = vector.shape_cast %parallel_loop3A_406 : vector<16xf32> to vector<1x16xf32>
      tpu.vector_store %arg10[%parallel_loop3A_407, %parallel_loop3A_408], %parallel_loop3A_411 {strides = array<i32>} : memref<80x128xf32, #tpu.memory_space<vmem>>, vector<1x16xf32>,
      %parallel_loop3A_412 = arith.index_cast %parallel_loop3A_313 : i32 to index
      %parallel_loop3A_413 = arith.constant 112 : index
      %parallel_loop3A_414 = tpu.vector_load %arg10[%parallel_loop3A_412, %parallel_loop3A_413] {strides = array<i32>} : memref<80x128xf32, #tpu.memory_space<vmem>>, vector<1x16xf32>,
      %parallel_loop3A_415 = vector.shape_cast %parallel_loop3A_414 : vector<1x16xf32> to vector<16xf32>
      %parallel_loop3A_416 = arith.index_cast %parallel_loop3A_313 : i32 to index
      %parallel_loop3A_417 = arith.constant 112 : index
      %parallel_loop3A_418 = tpu.vector_load %arg12[%parallel_loop3A_416, %parallel_loop3A_417] {strides = array<i32>} : memref<80x128xf32, #tpu.memory_space<vmem>>, vector<1x16xf32>,
      %parallel_loop3A_419 = vector.shape_cast %parallel_loop3A_418 : vector<1x16xf32> to vector<16xf32>
      %parallel_loop3A_420 = arith.mulf %parallel_loop3A_415, %parallel_loop3A_419 : vector<16xf32>
      %parallel_loop3A_421 = arith.index_cast %parallel_loop3A_313 : i32 to index
      %parallel_loop3A_422 = arith.constant 112 : index
      %parallel_loop3A_423 = tpu.vector_load %arg10[%parallel_loop3A_421, %parallel_loop3A_422] {strides = array<i32>} : memref<80x128xf32, #tpu.memory_space<vmem>>, vector<1x16xf32>,
      %parallel_loop3A_424 = vector.shape_cast %parallel_loop3A_423 : vector<1x16xf32> to vector<16xf32>
      %parallel_loop3A_425 = vector.shape_cast %parallel_loop3A_420 : vector<16xf32> to vector<1x16xf32>
      tpu.vector_store %arg10[%parallel_loop3A_421, %parallel_loop3A_422], %parallel_loop3A_425 {strides = array<i32>} : memref<80x128xf32, #tpu.memory_space<vmem>>, vector<1x16xf32>,
    } {sc.loop_unroll_factor = 4 : i64, sc.parallel_access}
    %mul3A_122 = arith.constant 10000 : i32
    %mul3A_123 = arith.muli %add3A, %mul3A_122 : i32
    %add3A_124 = arith.constant 80 : i32
    %add3A_125 = arith.addi %mul3A_123, %add3A_124 : i32
    %dma_wait3A_126 = tpu.memref_slice %arg4[%add3A_125] : memref<320000xi32, #tpu.memory_space<hbm>> -> memref<80xi32, #tpu.memory_space<hbm>>
    %dma_wait3A_127 = tpu.memref_slice %arg4[%add3A_125] : memref<320000xi32, #tpu.memory_space<hbm>> -> memref<80xi32, #tpu.memory_space<hbm>>
    tpu.wait_dma2 semaphore(%arg30 : memref<!tpu.dma_semaphore, #tpu.memory_space<semaphore_mem>>) src(%dma_wait3A_127 : memref<80xi32, #tpu.memory_space<hbm>>) dst(%arg18 : memref<80xi32, #tpu.memory_space<vmem>>)
    %dma_start3A_128 = arith.constant 0 : i32
    %dma_start3A_129 = arith.constant 0 : i32
    %dma_start3A_130 = tpu.memref_slice %arg8[%dma_start3A_128, %dma_start3A_129] : memref<10240x128xf32, #tpu.memory_space<vmem_shared>> -> memref<10240x128xf32, #tpu.memory_space<vmem_shared>>
    tpu.enqueue_indirect_dma source(%arg10 : memref<80x128xf32, #tpu.memory_space<vmem>>) target(%dma_start3A_130 : memref<10240x128xf32, #tpu.memory_space<vmem_shared>>) offsets(%arg18 : memref<80xi32, #tpu.memory_space<vmem>>) semaphore(%arg24 : memref<!tpu.dma_semaphore, #tpu.memory_space<semaphore_mem>>) {add = true}
    %mul3A_131 = arith.constant 10000 : i32
    %mul3A_132 = arith.muli %add3A, %mul3A_131 : i32
    %add3A_133 = arith.constant 240 : i32
    %add3A_134 = arith.addi %mul3A_132, %add3A_133 : i32
    %dma_wait3A_135 = tpu.memref_slice %arg3[%add3A_134] : memref<320000xi32, #tpu.memory_space<hbm>> -> memref<80xi32, #tpu.memory_space<hbm>>
    %dma_wait3A_136 = tpu.memref_slice %arg3[%add3A_134] : memref<320000xi32, #tpu.memory_space<hbm>> -> memref<80xi32, #tpu.memory_space<hbm>>
    tpu.wait_dma2 semaphore(%arg28 : memref<!tpu.dma_semaphore, #tpu.memory_space<semaphore_mem>>) src(%dma_wait3A_136 : memref<80xi32, #tpu.memory_space<hbm>>) dst(%arg16 : memref<80xi32, #tpu.memory_space<vmem>>)
    %dma_start3A_137 = arith.constant 0 : i32
    %dma_start3A_138 = arith.constant 0 : i32
    %dma_start3A_139 = tpu.memref_slice %arg2[%dma_start3A_137, %dma_start3A_138] : memref<10000x128xf32, #tpu.memory_space<hbm>> -> memref<10000x128xf32, #tpu.memory_space<hbm>>
    tpu.enqueue_indirect_dma source(%dma_start3A_139 : memref<10000x128xf32, #tpu.memory_space<hbm>>) target(%arg12 : memref<80x128xf32, #tpu.memory_space<vmem>>) offsets(%arg16 : memref<80xi32, #tpu.memory_space<vmem>>) semaphore(%arg22 : memref<!tpu.dma_semaphore, #tpu.memory_space<semaphore_mem>>)
    %dma_wait3A_140 = arith.constant 0 : i32
    %dma_wait3A_141 = arith.constant 0 : i32
    %dma_wait3A_142 = tpu.memref_slice %arg8[%dma_wait3A_140, %dma_wait3A_141] : memref<10240x128xf32, #tpu.memory_space<vmem_shared>> -> memref<10240x128xf32, #tpu.memory_space<vmem_shared>>
    tpu.wait_indirect_dma semaphore(%arg23 : memref<!tpu.dma_semaphore, #tpu.memory_space<semaphore_mem>>) src(%arg9 : memref<80x128xf32, #tpu.memory_space<vmem>>) dst(%dma_wait3A_142 : memref<10240x128xf32, #tpu.memory_space<vmem_shared>>)
    %mul3A_143 = arith.constant 10000 : i32
    %mul3A_144 = arith.muli %add3A, %mul3A_143 : i32
    %add3A_145 = arith.constant 160 : i32
    %add3A_146 = arith.addi %mul3A_144, %add3A_145 : i32
    %dma_start3A_147 = arith.constant 0 : i32
    %dma_start3A_148 = tpu.memref_slice %arg5[%add3A_146, %dma_start3A_147] : memref<320000x128xf32, #tpu.memory_space<hbm>> -> memref<80x128xf32, #tpu.memory_space<hbm>>
    %dma_start3A_149 = arith.constant 0 : i32
    %dma_start3A_150 = tpu.memref_slice %arg5[%add3A_146, %dma_start3A_149] : memref<320000x128xf32, #tpu.memory_space<hbm>> -> memref<80x128xf32, #tpu.memory_space<hbm>>
    tpu.enqueue_dma source(%dma_start3A_150 : memref<80x128xf32, #tpu.memory_space<hbm>>) target(%arg9 : memref<80x128xf32, #tpu.memory_space<vmem>>) target_semaphore(%arg19 : memref<!tpu.dma_semaphore, #tpu.memory_space<semaphore_mem>>)
    %mul3A_151 = arith.constant 10000 : i32
    %mul3A_152 = arith.muli %add3A, %mul3A_151 : i32
    %add3A_153 = arith.constant 160 : i32
    %add3A_154 = arith.addi %mul3A_152, %add3A_153 : i32
    %dma_start3A_155 = tpu.memref_slice %arg4[%add3A_154] : memref<320000xi32, #tpu.memory_space<hbm>> -> memref<80xi32, #tpu.memory_space<hbm>>
    %dma_start3A_156 = tpu.memref_slice %arg4[%add3A_154] : memref<320000xi32, #tpu.memory_space<hbm>> -> memref<80xi32, #tpu.memory_space<hbm>>
    tpu.enqueue_dma source(%dma_start3A_156 : memref<80xi32, #tpu.memory_space<hbm>>) target(%arg17 : memref<80xi32, #tpu.memory_space<vmem>>) target_semaphore(%arg29 : memref<!tpu.dma_semaphore, #tpu.memory_space<semaphore_mem>>)
    %mul3A_157 = arith.constant 10000 : i32
    %mul3A_158 = arith.muli %add3A, %mul3A_157 : i32
    %add3A_159 = arith.constant 400 : i32
    %add3A_160 = arith.addi %mul3A_158, %add3A_159 : i32
    %dma_start3A_161 = tpu.memref_slice %arg3[%add3A_160] : memref<320000xi32, #tpu.memory_space<hbm>> -> memref<80xi32, #tpu.memory_space<hbm>>
    %dma_start3A_162 = tpu.memref_slice %arg3[%add3A_160] : memref<320000xi32, #tpu.memory_space<hbm>> -> memref<80xi32, #tpu.memory_space<hbm>>
    tpu.enqueue_dma source(%dma_start3A_162 : memref<80xi32, #tpu.memory_space<hbm>>) target(%arg14 : memref<80xi32, #tpu.memory_space<vmem>>) target_semaphore(%arg26 : memref<!tpu.dma_semaphore, #tpu.memory_space<semaphore_mem>>)
    %mul3A_163 = arith.constant 10000 : i32
    %mul3A_164 = arith.muli %add3A, %mul3A_163 : i32
    %add3A_165 = arith.constant 160 : i32
    %add3A_166 = arith.addi %mul3A_164, %add3A_165 : i32
    %dma_wait3A_167 = arith.constant 0 : i32
    %dma_wait3A_168 = tpu.memref_slice %arg5[%add3A_166, %dma_wait3A_167] : memref<320000x128xf32, #tpu.memory_space<hbm>> -> memref<80x128xf32, #tpu.memory_space<hbm>>
    %dma_wait3A_169 = arith.constant 0 : i32
    %dma_wait3A_170 = tpu.memref_slice %arg5[%add3A_166, %dma_wait3A_169] : memref<320000x128xf32, #tpu.memory_space<hbm>> -> memref<80x128xf32, #tpu.memory_space<hbm>>
    tpu.wait_dma2 semaphore(%arg19 : memref<!tpu.dma_semaphore, #tpu.memory_space<semaphore_mem>>) src(%dma_wait3A_170 : memref<80x128xf32, #tpu.memory_space<hbm>>) dst(%arg9 : memref<80x128xf32, #tpu.memory_space<vmem>>)
    %dma_wait3A_171 = arith.constant 0 : i32
    %dma_wait3A_172 = arith.constant 0 : i32
    %dma_wait3A_173 = tpu.memref_slice %arg2[%dma_wait3A_171, %dma_wait3A_172] : memref<10000x128xf32, #tpu.memory_space<hbm>> -> memref<10000x128xf32, #tpu.memory_space<hbm>>
    tpu.wait_indirect_dma semaphore(%arg21 : memref<!tpu.dma_semaphore, #tpu.memory_space<semaphore_mem>>) src(%dma_wait3A_173 : memref<10000x128xf32, #tpu.memory_space<hbm>>) dst(%arg11 : memref<80x128xf32, #tpu.memory_space<vmem>>)
    %parallel_loop3A_174 = arith.constant 0 : i32
    %parallel_loop3A_175 = arith.constant 80 : i32
    %parallel_loop3A_176 = arith.constant 1 : i32
    scf.for %parallel_loop3A_313 = %parallel_loop3A_174 to %parallel_loop3A_175 step %parallel_loop3A_176  : i32 {
      %parallel_loop3A_314 = arith.index_cast %parallel_loop3A_313 : i32 to index
      %parallel_loop3A_315 = arith.constant 0 : index
      %parallel_loop3A_316 = tpu.vector_load %arg9[%parallel_loop3A_314, %parallel_loop3A_315] {strides = array<i32>} : memref<80x128xf32, #tpu.memory_space<vmem>>, vector<1x16xf32>,
      %parallel_loop3A_317 = vector.shape_cast %parallel_loop3A_316 : vector<1x16xf32> to vector<16xf32>
      %parallel_loop3A_318 = arith.index_cast %parallel_loop3A_313 : i32 to index
      %parallel_loop3A_319 = arith.constant 0 : index
      %parallel_loop3A_320 = tpu.vector_load %arg11[%parallel_loop3A_318, %parallel_loop3A_319] {strides = array<i32>} : memref<80x128xf32, #tpu.memory_space<vmem>>, vector<1x16xf32>,
      %parallel_loop3A_321 = vector.shape_cast %parallel_loop3A_320 : vector<1x16xf32> to vector<16xf32>
      %parallel_loop3A_322 = arith.mulf %parallel_loop3A_317, %parallel_loop3A_321 : vector<16xf32>
      %parallel_loop3A_323 = arith.index_cast %parallel_loop3A_313 : i32 to index
      %parallel_loop3A_324 = arith.constant 0 : index
      %parallel_loop3A_325 = tpu.vector_load %arg9[%parallel_loop3A_323, %parallel_loop3A_324] {strides = array<i32>} : memref<80x128xf32, #tpu.memory_space<vmem>>, vector<1x16xf32>,
      %parallel_loop3A_326 = vector.shape_cast %parallel_loop3A_325 : vector<1x16xf32> to vector<16xf32>
      %parallel_loop3A_327 = vector.shape_cast %parallel_loop3A_322 : vector<16xf32> to vector<1x16xf32>
      tpu.vector_store %arg9[%parallel_loop3A_323, %parallel_loop3A_324], %parallel_loop3A_327 {strides = array<i32>} : memref<80x128xf32, #tpu.memory_space<vmem>>, vector<1x16xf32>,
      %parallel_loop3A_328 = arith.index_cast %parallel_loop3A_313 : i32 to index
      %parallel_loop3A_329 = arith.constant 16 : index
      %parallel_loop3A_330 = tpu.vector_load %arg9[%parallel_loop3A_328, %parallel_loop3A_329] {strides = array<i32>} : memref<80x128xf32, #tpu.memory_space<vmem>>, vector<1x16xf32>,
      %parallel_loop3A_331 = vector.shape_cast %parallel_loop3A_330 : vector<1x16xf32> to vector<16xf32>
      %parallel_loop3A_332 = arith.index_cast %parallel_loop3A_313 : i32 to index
      %parallel_loop3A_333 = arith.constant 16 : index
      %parallel_loop3A_334 = tpu.vector_load %arg11[%parallel_loop3A_332, %parallel_loop3A_333] {strides = array<i32>} : memref<80x128xf32, #tpu.memory_space<vmem>>, vector<1x16xf32>,
      %parallel_loop3A_335 = vector.shape_cast %parallel_loop3A_334 : vector<1x16xf32> to vector<16xf32>
      %parallel_loop3A_336 = arith.mulf %parallel_loop3A_331, %parallel_loop3A_335 : vector<16xf32>
      %parallel_loop3A_337 = arith.index_cast %parallel_loop3A_313 : i32 to index
      %parallel_loop3A_338 = arith.constant 16 : index
      %parallel_loop3A_339 = tpu.vector_load %arg9[%parallel_loop3A_337, %parallel_loop3A_338] {strides = array<i32>} : memref<80x128xf32, #tpu.memory_space<vmem>>, vector<1x16xf32>,
      %parallel_loop3A_340 = vector.shape_cast %parallel_loop3A_339 : vector<1x16xf32> to vector<16xf32>
      %parallel_loop3A_341 = vector.shape_cast %parallel_loop3A_336 : vector<16xf32> to vector<1x16xf32>
      tpu.vector_store %arg9[%parallel_loop3A_337, %parallel_loop3A_338], %parallel_loop3A_341 {strides = array<i32>} : memref<80x128xf32, #tpu.memory_space<vmem>>, vector<1x16xf32>,
      %parallel_loop3A_342 = arith.index_cast %parallel_loop3A_313 : i32 to index
      %parallel_loop3A_343 = arith.constant 32 : index
      %parallel_loop3A_344 = tpu.vector_load %arg9[%parallel_loop3A_342, %parallel_loop3A_343] {strides = array<i32>} : memref<80x128xf32, #tpu.memory_space<vmem>>, vector<1x16xf32>,
      %parallel_loop3A_345 = vector.shape_cast %parallel_loop3A_344 : vector<1x16xf32> to vector<16xf32>
      %parallel_loop3A_346 = arith.index_cast %parallel_loop3A_313 : i32 to index
      %parallel_loop3A_347 = arith.constant 32 : index
      %parallel_loop3A_348 = tpu.vector_load %arg11[%parallel_loop3A_346, %parallel_loop3A_347] {strides = array<i32>} : memref<80x128xf32, #tpu.memory_space<vmem>>, vector<1x16xf32>,
      %parallel_loop3A_349 = vector.shape_cast %parallel_loop3A_348 : vector<1x16xf32> to vector<16xf32>
      %parallel_loop3A_350 = arith.mulf %parallel_loop3A_345, %parallel_loop3A_349 : vector<16xf32>
      %parallel_loop3A_351 = arith.index_cast %parallel_loop3A_313 : i32 to index
      %parallel_loop3A_352 = arith.constant 32 : index
      %parallel_loop3A_353 = tpu.vector_load %arg9[%parallel_loop3A_351, %parallel_loop3A_352] {strides = array<i32>} : memref<80x128xf32, #tpu.memory_space<vmem>>, vector<1x16xf32>,
      %parallel_loop3A_354 = vector.shape_cast %parallel_loop3A_353 : vector<1x16xf32> to vector<16xf32>
      %parallel_loop3A_355 = vector.shape_cast %parallel_loop3A_350 : vector<16xf32> to vector<1x16xf32>
      tpu.vector_store %arg9[%parallel_loop3A_351, %parallel_loop3A_352], %parallel_loop3A_355 {strides = array<i32>} : memref<80x128xf32, #tpu.memory_space<vmem>>, vector<1x16xf32>,
      %parallel_loop3A_356 = arith.index_cast %parallel_loop3A_313 : i32 to index
      %parallel_loop3A_357 = arith.constant 48 : index
      %parallel_loop3A_358 = tpu.vector_load %arg9[%parallel_loop3A_356, %parallel_loop3A_357] {strides = array<i32>} : memref<80x128xf32, #tpu.memory_space<vmem>>, vector<1x16xf32>,
      %parallel_loop3A_359 = vector.shape_cast %parallel_loop3A_358 : vector<1x16xf32> to vector<16xf32>
      %parallel_loop3A_360 = arith.index_cast %parallel_loop3A_313 : i32 to index
      %parallel_loop3A_361 = arith.constant 48 : index
      %parallel_loop3A_362 = tpu.vector_load %arg11[%parallel_loop3A_360, %parallel_loop3A_361] {strides = array<i32>} : memref<80x128xf32, #tpu.memory_space<vmem>>, vector<1x16xf32>,
      %parallel_loop3A_363 = vector.shape_cast %parallel_loop3A_362 : vector<1x16xf32> to vector<16xf32>
      %parallel_loop3A_364 = arith.mulf %parallel_loop3A_359, %parallel_loop3A_363 : vector<16xf32>
      %parallel_loop3A_365 = arith.index_cast %parallel_loop3A_313 : i32 to index
      %parallel_loop3A_366 = arith.constant 48 : index
      %parallel_loop3A_367 = tpu.vector_load %arg9[%parallel_loop3A_365, %parallel_loop3A_366] {strides = array<i32>} : memref<80x128xf32, #tpu.memory_space<vmem>>, vector<1x16xf32>,
      %parallel_loop3A_368 = vector.shape_cast %parallel_loop3A_367 : vector<1x16xf32> to vector<16xf32>
      %parallel_loop3A_369 = vector.shape_cast %parallel_loop3A_364 : vector<16xf32> to vector<1x16xf32>
      tpu.vector_store %arg9[%parallel_loop3A_365, %parallel_loop3A_366], %parallel_loop3A_369 {strides = array<i32>} : memref<80x128xf32, #tpu.memory_space<vmem>>, vector<1x16xf32>,
      %parallel_loop3A_370 = arith.index_cast %parallel_loop3A_313 : i32 to index
      %parallel_loop3A_371 = arith.constant 64 : index
      %parallel_loop3A_372 = tpu.vector_load %arg9[%parallel_loop3A_370, %parallel_loop3A_371] {strides = array<i32>} : memref<80x128xf32, #tpu.memory_space<vmem>>, vector<1x16xf32>,
      %parallel_loop3A_373 = vector.shape_cast %parallel_loop3A_372 : vector<1x16xf32> to vector<16xf32>
      %parallel_loop3A_374 = arith.index_cast %parallel_loop3A_313 : i32 to index
      %parallel_loop3A_375 = arith.constant 64 : index
      %parallel_loop3A_376 = tpu.vector_load %arg11[%parallel_loop3A_374, %parallel_loop3A_375] {strides = array<i32>} : memref<80x128xf32, #tpu.memory_space<vmem>>, vector<1x16xf32>,
      %parallel_loop3A_377 = vector.shape_cast %parallel_loop3A_376 : vector<1x16xf32> to vector<16xf32>
      %parallel_loop3A_378 = arith.mulf %parallel_loop3A_373, %parallel_loop3A_377 : vector<16xf32>
      %parallel_loop3A_379 = arith.index_cast %parallel_loop3A_313 : i32 to index
      %parallel_loop3A_380 = arith.constant 64 : index
      %parallel_loop3A_381 = tpu.vector_load %arg9[%parallel_loop3A_379, %parallel_loop3A_380] {strides = array<i32>} : memref<80x128xf32, #tpu.memory_space<vmem>>, vector<1x16xf32>,
      %parallel_loop3A_382 = vector.shape_cast %parallel_loop3A_381 : vector<1x16xf32> to vector<16xf32>
      %parallel_loop3A_383 = vector.shape_cast %parallel_loop3A_378 : vector<16xf32> to vector<1x16xf32>
      tpu.vector_store %arg9[%parallel_loop3A_379, %parallel_loop3A_380], %parallel_loop3A_383 {strides = array<i32>} : memref<80x128xf32, #tpu.memory_space<vmem>>, vector<1x16xf32>,
      %parallel_loop3A_384 = arith.index_cast %parallel_loop3A_313 : i32 to index
      %parallel_loop3A_385 = arith.constant 80 : index
      %parallel_loop3A_386 = tpu.vector_load %arg9[%parallel_loop3A_384, %parallel_loop3A_385] {strides = array<i32>} : memref<80x128xf32, #tpu.memory_space<vmem>>, vector<1x16xf32>,
      %parallel_loop3A_387 = vector.shape_cast %parallel_loop3A_386 : vector<1x16xf32> to vector<16xf32>
      %parallel_loop3A_388 = arith.index_cast %parallel_loop3A_313 : i32 to index
      %parallel_loop3A_389 = arith.constant 80 : index
      %parallel_loop3A_390 = tpu.vector_load %arg11[%parallel_loop3A_388, %parallel_loop3A_389] {strides = array<i32>} : memref<80x128xf32, #tpu.memory_space<vmem>>, vector<1x16xf32>,
      %parallel_loop3A_391 = vector.shape_cast %parallel_loop3A_390 : vector<1x16xf32> to vector<16xf32>
      %parallel_loop3A_392 = arith.mulf %parallel_loop3A_387, %parallel_loop3A_391 : vector<16xf32>
      %parallel_loop3A_393 = arith.index_cast %parallel_loop3A_313 : i32 to index
      %parallel_loop3A_394 = arith.constant 80 : index
      %parallel_loop3A_395 = tpu.vector_load %arg9[%parallel_loop3A_393, %parallel_loop3A_394] {strides = array<i32>} : memref<80x128xf32, #tpu.memory_space<vmem>>, vector<1x16xf32>,
      %parallel_loop3A_396 = vector.shape_cast %parallel_loop3A_395 : vector<1x16xf32> to vector<16xf32>
      %parallel_loop3A_397 = vector.shape_cast %parallel_loop3A_392 : vector<16xf32> to vector<1x16xf32>
      tpu.vector_store %arg9[%parallel_loop3A_393, %parallel_loop3A_394], %parallel_loop3A_397 {strides = array<i32>} : memref<80x128xf32, #tpu.memory_space<vmem>>, vector<1x16xf32>,
      %parallel_loop3A_398 = arith.index_cast %parallel_loop3A_313 : i32 to index
      %parallel_loop3A_399 = arith.constant 96 : index
      %parallel_loop3A_400 = tpu.vector_load %arg9[%parallel_loop3A_398, %parallel_loop3A_399] {strides = array<i32>} : memref<80x128xf32, #tpu.memory_space<vmem>>, vector<1x16xf32>,
      %parallel_loop3A_401 = vector.shape_cast %parallel_loop3A_400 : vector<1x16xf32> to vector<16xf32>
      %parallel_loop3A_402 = arith.index_cast %parallel_loop3A_313 : i32 to index
      %parallel_loop3A_403 = arith.constant 96 : index
      %parallel_loop3A_404 = tpu.vector_load %arg11[%parallel_loop3A_402, %parallel_loop3A_403] {strides = array<i32>} : memref<80x128xf32, #tpu.memory_space<vmem>>, vector<1x16xf32>,
      %parallel_loop3A_405 = vector.shape_cast %parallel_loop3A_404 : vector<1x16xf32> to vector<16xf32>
      %parallel_loop3A_406 = arith.mulf %parallel_loop3A_401, %parallel_loop3A_405 : vector<16xf32>
      %parallel_loop3A_407 = arith.index_cast %parallel_loop3A_313 : i32 to index
      %parallel_loop3A_408 = arith.constant 96 : index
      %parallel_loop3A_409 = tpu.vector_load %arg9[%parallel_loop3A_407, %parallel_loop3A_408] {strides = array<i32>} : memref<80x128xf32, #tpu.memory_space<vmem>>, vector<1x16xf32>,
      %parallel_loop3A_410 = vector.shape_cast %parallel_loop3A_409 : vector<1x16xf32> to vector<16xf32>
      %parallel_loop3A_411 = vector.shape_cast %parallel_loop3A_406 : vector<16xf32> to vector<1x16xf32>
      tpu.vector_store %arg9[%parallel_loop3A_407, %parallel_loop3A_408], %parallel_loop3A_411 {strides = array<i32>} : memref<80x128xf32, #tpu.memory_space<vmem>>, vector<1x16xf32>,
      %parallel_loop3A_412 = arith.index_cast %parallel_loop3A_313 : i32 to index
      %parallel_loop3A_413 = arith.constant 112 : index
      %parallel_loop3A_414 = tpu.vector_load %arg9[%parallel_loop3A_412, %parallel_loop3A_413] {strides = array<i32>} : memref<80x128xf32, #tpu.memory_space<vmem>>, vector<1x16xf32>,
      %parallel_loop3A_415 = vector.shape_cast %parallel_loop3A_414 : vector<1x16xf32> to vector<16xf32>
      %parallel_loop3A_416 = arith.index_cast %parallel_loop3A_313 : i32 to index
      %parallel_loop3A_417 = arith.constant 112 : index
      %parallel_loop3A_418 = tpu.vector_load %arg11[%parallel_loop3A_416, %parallel_loop3A_417] {strides = array<i32>} : memref<80x128xf32, #tpu.memory_space<vmem>>, vector<1x16xf32>,
      %parallel_loop3A_419 = vector.shape_cast %parallel_loop3A_418 : vector<1x16xf32> to vector<16xf32>
      %parallel_loop3A_420 = arith.mulf %parallel_loop3A_415, %parallel_loop3A_419 : vector<16xf32>
      %parallel_loop3A_421 = arith.index_cast %parallel_loop3A_313 : i32 to index
      %parallel_loop3A_422 = arith.constant 112 : index
      %parallel_loop3A_423 = tpu.vector_load %arg9[%parallel_loop3A_421, %parallel_loop3A_422] {strides = array<i32>} : memref<80x128xf32, #tpu.memory_space<vmem>>, vector<1x16xf32>,
      %parallel_loop3A_424 = vector.shape_cast %parallel_loop3A_423 : vector<1x16xf32> to vector<16xf32>
      %parallel_loop3A_425 = vector.shape_cast %parallel_loop3A_420 : vector<16xf32> to vector<1x16xf32>
      tpu.vector_store %arg9[%parallel_loop3A_421, %parallel_loop3A_422], %parallel_loop3A_425 {strides = array<i32>} : memref<80x128xf32, #tpu.memory_space<vmem>>, vector<1x16xf32>,
    } {sc.loop_unroll_factor = 4 : i64, sc.parallel_access}
    %mul3A_177 = arith.constant 10000 : i32
    %mul3A_178 = arith.muli %add3A, %mul3A_177 : i32
    %add3A_179 = arith.constant 160 : i32
    %add3A_180 = arith.addi %mul3A_178, %add3A_179 : i32
    %dma_wait3A_181 = tpu.memref_slice %arg4[%add3A_180] : memref<320000xi32, #tpu.memory_space<hbm>> -> memref<80xi32, #tpu.memory_space<hbm>>
    %dma_wait3A_182 = tpu.memref_slice %arg4[%add3A_180] : memref<320000xi32, #tpu.memory_space<hbm>> -> memref<80xi32, #tpu.memory_space<hbm>>
    tpu.wait_dma2 semaphore(%arg29 : memref<!tpu.dma_semaphore, #tpu.memory_space<semaphore_mem>>) src(%dma_wait3A_182 : memref<80xi32, #tpu.memory_space<hbm>>) dst(%arg17 : memref<80xi32, #tpu.memory_space<vmem>>)
    %dma_start3A_183 = arith.constant 0 : i32
    %dma_start3A_184 = arith.constant 0 : i32
    %dma_start3A_185 = tpu.memref_slice %arg8[%dma_start3A_183, %dma_start3A_184] : memref<10240x128xf32, #tpu.memory_space<vmem_shared>> -> memref<10240x128xf32, #tpu.memory_space<vmem_shared>>
    tpu.enqueue_indirect_dma source(%arg9 : memref<80x128xf32, #tpu.memory_space<vmem>>) target(%dma_start3A_185 : memref<10240x128xf32, #tpu.memory_space<vmem_shared>>) offsets(%arg17 : memref<80xi32, #tpu.memory_space<vmem>>) semaphore(%arg23 : memref<!tpu.dma_semaphore, #tpu.memory_space<semaphore_mem>>) {add = true}
    %mul3A_186 = arith.constant 10000 : i32
    %mul3A_187 = arith.muli %add3A, %mul3A_186 : i32
    %add3A_188 = arith.constant 320 : i32
    %add3A_189 = arith.addi %mul3A_187, %add3A_188 : i32
    %dma_wait3A_190 = tpu.memref_slice %arg3[%add3A_189] : memref<320000xi32, #tpu.memory_space<hbm>> -> memref<80xi32, #tpu.memory_space<hbm>>
    %dma_wait3A_191 = tpu.memref_slice %arg3[%add3A_189] : memref<320000xi32, #tpu.memory_space<hbm>> -> memref<80xi32, #tpu.memory_space<hbm>>
    tpu.wait_dma2 semaphore(%arg25 : memref<!tpu.dma_semaphore, #tpu.memory_space<semaphore_mem>>) src(%dma_wait3A_191 : memref<80xi32, #tpu.memory_space<hbm>>) dst(%arg13 : memref<80xi32, #tpu.memory_space<vmem>>)
    %dma_start3A_192 = arith.constant 0 : i32
    %dma_start3A_193 = arith.constant 0 : i32
    %dma_start3A_194 = tpu.memref_slice %arg2[%dma_start3A_192, %dma_start3A_193] : memref<10000x128xf32, #tpu.memory_space<hbm>> -> memref<10000x128xf32, #tpu.memory_space<hbm>>
    tpu.enqueue_indirect_dma source(%dma_start3A_194 : memref<10000x128xf32, #tpu.memory_space<hbm>>) target(%arg11 : memref<80x128xf32, #tpu.memory_space<vmem>>) offsets(%arg13 : memref<80xi32, #tpu.memory_space<vmem>>) semaphore(%arg21 : memref<!tpu.dma_semaphore, #tpu.memory_space<semaphore_mem>>)
    %dma_wait3A_195 = arith.constant 0 : i32
    %dma_wait3A_196 = arith.constant 0 : i32
    %dma_wait3A_197 = tpu.memref_slice %arg8[%dma_wait3A_195, %dma_wait3A_196] : memref<10240x128xf32, #tpu.memory_space<vmem_shared>> -> memref<10240x128xf32, #tpu.memory_space<vmem_shared>>
    tpu.wait_indirect_dma semaphore(%arg24 : memref<!tpu.dma_semaphore, #tpu.memory_space<semaphore_mem>>) src(%arg10 : memref<80x128xf32, #tpu.memory_space<vmem>>) dst(%dma_wait3A_197 : memref<10240x128xf32, #tpu.memory_space<vmem_shared>>)
    %mul3A_198 = arith.constant 10000 : i32
    %mul3A_199 = arith.muli %add3A, %mul3A_198 : i32
    %add3A_200 = arith.constant 240 : i32
    %add3A_201 = arith.addi %mul3A_199, %add3A_200 : i32
    %dma_start3A_202 = arith.constant 0 : i32
    %dma_start3A_203 = tpu.memref_slice %arg5[%add3A_201, %dma_start3A_202] : memref<320000x128xf32, #tpu.memory_space<hbm>> -> memref<80x128xf32, #tpu.memory_space<hbm>>
    %dma_start3A_204 = arith.constant 0 : i32
    %dma_start3A_205 = tpu.memref_slice %arg5[%add3A_201, %dma_start3A_204] : memref<320000x128xf32, #tpu.memory_space<hbm>> -> memref<80x128xf32, #tpu.memory_space<hbm>>
    tpu.enqueue_dma source(%dma_start3A_205 : memref<80x128xf32, #tpu.memory_space<hbm>>) target(%arg10 : memref<80x128xf32, #tpu.memory_space<vmem>>) target_semaphore(%arg20 : memref<!tpu.dma_semaphore, #tpu.memory_space<semaphore_mem>>)
    %mul3A_206 = arith.constant 10000 : i32
    %mul3A_207 = arith.muli %add3A, %mul3A_206 : i32
    %add3A_208 = arith.constant 240 : i32
    %add3A_209 = arith.addi %mul3A_207, %add3A_208 : i32
    %dma_start3A_210 = tpu.memref_slice %arg4[%add3A_209] : memref<320000xi32, #tpu.memory_space<hbm>> -> memref<80xi32, #tpu.memory_space<hbm>>
    %dma_start3A_211 = tpu.memref_slice %arg4[%add3A_209] : memref<320000xi32, #tpu.memory_space<hbm>> -> memref<80xi32, #tpu.memory_space<hbm>>
    tpu.enqueue_dma source(%dma_start3A_211 : memref<80xi32, #tpu.memory_space<hbm>>) target(%arg18 : memref<80xi32, #tpu.memory_space<vmem>>) target_semaphore(%arg30 : memref<!tpu.dma_semaphore, #tpu.memory_space<semaphore_mem>>)
    %mul3A_212 = arith.constant 10000 : i32
    %mul3A_213 = arith.muli %add3A, %mul3A_212 : i32
    %add3A_214 = arith.constant 480 : i32
    %add3A_215 = arith.addi %mul3A_213, %add3A_214 : i32
    %dma_start3A_216 = tpu.memref_slice %arg3[%add3A_215] : memref<320000xi32, #tpu.memory_space<hbm>> -> memref<80xi32, #tpu.memory_space<hbm>>
    %dma_start3A_217 = tpu.memref_slice %arg3[%add3A_215] : memref<320000xi32, #tpu.memory_space<hbm>> -> memref<80xi32, #tpu.memory_space<hbm>>
    tpu.enqueue_dma source(%dma_start3A_217 : memref<80xi32, #tpu.memory_space<hbm>>) target(%arg15 : memref<80xi32, #tpu.memory_space<vmem>>) target_semaphore(%arg27 : memref<!tpu.dma_semaphore, #tpu.memory_space<semaphore_mem>>)
    %mul3A_218 = arith.constant 10000 : i32
    %mul3A_219 = arith.muli %add3A, %mul3A_218 : i32
    %add3A_220 = arith.constant 240 : i32
    %add3A_221 = arith.addi %mul3A_219, %add3A_220 : i32
    %dma_wait3A_222 = arith.constant 0 : i32
    %dma_wait3A_223 = tpu.memref_slice %arg5[%add3A_221, %dma_wait3A_222] : memref<320000x128xf32, #tpu.memory_space<hbm>> -> memref<80x128xf32, #tpu.memory_space<hbm>>
    %dma_wait3A_224 = arith.constant 0 : i32
    %dma_wait3A_225 = tpu.memref_slice %arg5[%add3A_221, %dma_wait3A_224] : memref<320000x128xf32, #tpu.memory_space<hbm>> -> memref<80x128xf32, #tpu.memory_space<hbm>>
    tpu.wait_dma2 semaphore(%arg20 : memref<!tpu.dma_semaphore, #tpu.memory_space<semaphore_mem>>) src(%dma_wait3A_225 : memref<80x128xf32, #tpu.memory_space<hbm>>) dst(%arg10 : memref<80x128xf32, #tpu.memory_space<vmem>>)
    %dma_wait3A_226 = arith.constant 0 : i32
    %dma_wait3A_227 = arith.constant 0 : i32
    %dma_wait3A_228 = tpu.memref_slice %arg2[%dma_wait3A_226, %dma_wait3A_227] : memref<10000x128xf32, #tpu.memory_space<hbm>> -> memref<10000x128xf32, #tpu.memory_space<hbm>>
    tpu.wait_indirect_dma semaphore(%arg22 : memref<!tpu.dma_semaphore, #tpu.memory_space<semaphore_mem>>) src(%dma_wait3A_228 : memref<10000x128xf32, #tpu.memory_space<hbm>>) dst(%arg12 : memref<80x128xf32, #tpu.memory_space<vmem>>)
    %parallel_loop3A_229 = arith.constant 0 : i32
    %parallel_loop3A_230 = arith.constant 80 : i32
    %parallel_loop3A_231 = arith.constant 1 : i32
    scf.for %parallel_loop3A_313 = %parallel_loop3A_229 to %parallel_loop3A_230 step %parallel_loop3A_231  : i32 {
      %parallel_loop3A_314 = arith.index_cast %parallel_loop3A_313 : i32 to index
      %parallel_loop3A_315 = arith.constant 0 : index
      %parallel_loop3A_316 = tpu.vector_load %arg10[%parallel_loop3A_314, %parallel_loop3A_315] {strides = array<i32>} : memref<80x128xf32, #tpu.memory_space<vmem>>, vector<1x16xf32>,
      %parallel_loop3A_317 = vector.shape_cast %parallel_loop3A_316 : vector<1x16xf32> to vector<16xf32>
      %parallel_loop3A_318 = arith.index_cast %parallel_loop3A_313 : i32 to index
      %parallel_loop3A_319 = arith.constant 0 : index
      %parallel_loop3A_320 = tpu.vector_load %arg12[%parallel_loop3A_318, %parallel_loop3A_319] {strides = array<i32>} : memref<80x128xf32, #tpu.memory_space<vmem>>, vector<1x16xf32>,
      %parallel_loop3A_321 = vector.shape_cast %parallel_loop3A_320 : vector<1x16xf32> to vector<16xf32>
      %parallel_loop3A_322 = arith.mulf %parallel_loop3A_317, %parallel_loop3A_321 : vector<16xf32>
      %parallel_loop3A_323 = arith.index_cast %parallel_loop3A_313 : i32 to index
      %parallel_loop3A_324 = arith.constant 0 : index
      %parallel_loop3A_325 = tpu.vector_load %arg10[%parallel_loop3A_323, %parallel_loop3A_324] {strides = array<i32>} : memref<80x128xf32, #tpu.memory_space<vmem>>, vector<1x16xf32>,
      %parallel_loop3A_326 = vector.shape_cast %parallel_loop3A_325 : vector<1x16xf32> to vector<16xf32>
      %parallel_loop3A_327 = vector.shape_cast %parallel_loop3A_322 : vector<16xf32> to vector<1x16xf32>
      tpu.vector_store %arg10[%parallel_loop3A_323, %parallel_loop3A_324], %parallel_loop3A_327 {strides = array<i32>} : memref<80x128xf32, #tpu.memory_space<vmem>>, vector<1x16xf32>,
      %parallel_loop3A_328 = arith.index_cast %parallel_loop3A_313 : i32 to index
      %parallel_loop3A_329 = arith.constant 16 : index
      %parallel_loop3A_330 = tpu.vector_load %arg10[%parallel_loop3A_328, %parallel_loop3A_329] {strides = array<i32>} : memref<80x128xf32, #tpu.memory_space<vmem>>, vector<1x16xf32>,
      %parallel_loop3A_331 = vector.shape_cast %parallel_loop3A_330 : vector<1x16xf32> to vector<16xf32>
      %parallel_loop3A_332 = arith.index_cast %parallel_loop3A_313 : i32 to index
      %parallel_loop3A_333 = arith.constant 16 : index
      %parallel_loop3A_334 = tpu.vector_load %arg12[%parallel_loop3A_332, %parallel_loop3A_333] {strides = array<i32>} : memref<80x128xf32, #tpu.memory_space<vmem>>, vector<1x16xf32>,
      %parallel_loop3A_335 = vector.shape_cast %parallel_loop3A_334 : vector<1x16xf32> to vector<16xf32>
      %parallel_loop3A_336 = arith.mulf %parallel_loop3A_331, %parallel_loop3A_335 : vector<16xf32>
      %parallel_loop3A_337 = arith.index_cast %parallel_loop3A_313 : i32 to index
      %parallel_loop3A_338 = arith.constant 16 : index
      %parallel_loop3A_339 = tpu.vector_load %arg10[%parallel_loop3A_337, %parallel_loop3A_338] {strides = array<i32>} : memref<80x128xf32, #tpu.memory_space<vmem>>, vector<1x16xf32>,
      %parallel_loop3A_340 = vector.shape_cast %parallel_loop3A_339 : vector<1x16xf32> to vector<16xf32>
      %parallel_loop3A_341 = vector.shape_cast %parallel_loop3A_336 : vector<16xf32> to vector<1x16xf32>
      tpu.vector_store %arg10[%parallel_loop3A_337, %parallel_loop3A_338], %parallel_loop3A_341 {strides = array<i32>} : memref<80x128xf32, #tpu.memory_space<vmem>>, vector<1x16xf32>,
      %parallel_loop3A_342 = arith.index_cast %parallel_loop3A_313 : i32 to index
      %parallel_loop3A_343 = arith.constant 32 : index
      %parallel_loop3A_344 = tpu.vector_load %arg10[%parallel_loop3A_342, %parallel_loop3A_343] {strides = array<i32>} : memref<80x128xf32, #tpu.memory_space<vmem>>, vector<1x16xf32>,
      %parallel_loop3A_345 = vector.shape_cast %parallel_loop3A_344 : vector<1x16xf32> to vector<16xf32>
      %parallel_loop3A_346 = arith.index_cast %parallel_loop3A_313 : i32 to index
      %parallel_loop3A_347 = arith.constant 32 : index
      %parallel_loop3A_348 = tpu.vector_load %arg12[%parallel_loop3A_346, %parallel_loop3A_347] {strides = array<i32>} : memref<80x128xf32, #tpu.memory_space<vmem>>, vector<1x16xf32>,
      %parallel_loop3A_349 = vector.shape_cast %parallel_loop3A_348 : vector<1x16xf32> to vector<16xf32>
      %parallel_loop3A_350 = arith.mulf %parallel_loop3A_345, %parallel_loop3A_349 : vector<16xf32>
      %parallel_loop3A_351 = arith.index_cast %parallel_loop3A_313 : i32 to index
      %parallel_loop3A_352 = arith.constant 32 : index
      %parallel_loop3A_353 = tpu.vector_load %arg10[%parallel_loop3A_351, %parallel_loop3A_352] {strides = array<i32>} : memref<80x128xf32, #tpu.memory_space<vmem>>, vector<1x16xf32>,
      %parallel_loop3A_354 = vector.shape_cast %parallel_loop3A_353 : vector<1x16xf32> to vector<16xf32>
      %parallel_loop3A_355 = vector.shape_cast %parallel_loop3A_350 : vector<16xf32> to vector<1x16xf32>
      tpu.vector_store %arg10[%parallel_loop3A_351, %parallel_loop3A_352], %parallel_loop3A_355 {strides = array<i32>} : memref<80x128xf32, #tpu.memory_space<vmem>>, vector<1x16xf32>,
      %parallel_loop3A_356 = arith.index_cast %parallel_loop3A_313 : i32 to index
      %parallel_loop3A_357 = arith.constant 48 : index
      %parallel_loop3A_358 = tpu.vector_load %arg10[%parallel_loop3A_356, %parallel_loop3A_357] {strides = array<i32>} : memref<80x128xf32, #tpu.memory_space<vmem>>, vector<1x16xf32>,
      %parallel_loop3A_359 = vector.shape_cast %parallel_loop3A_358 : vector<1x16xf32> to vector<16xf32>
      %parallel_loop3A_360 = arith.index_cast %parallel_loop3A_313 : i32 to index
      %parallel_loop3A_361 = arith.constant 48 : index
      %parallel_loop3A_362 = tpu.vector_load %arg12[%parallel_loop3A_360, %parallel_loop3A_361] {strides = array<i32>} : memref<80x128xf32, #tpu.memory_space<vmem>>, vector<1x16xf32>,
      %parallel_loop3A_363 = vector.shape_cast %parallel_loop3A_362 : vector<1x16xf32> to vector<16xf32>
      %parallel_loop3A_364 = arith.mulf %parallel_loop3A_359, %parallel_loop3A_363 : vector<16xf32>
      %parallel_loop3A_365 = arith.index_cast %parallel_loop3A_313 : i32 to index
      %parallel_loop3A_366 = arith.constant 48 : index
      %parallel_loop3A_367 = tpu.vector_load %arg10[%parallel_loop3A_365, %parallel_loop3A_366] {strides = array<i32>} : memref<80x128xf32, #tpu.memory_space<vmem>>, vector<1x16xf32>,
      %parallel_loop3A_368 = vector.shape_cast %parallel_loop3A_367 : vector<1x16xf32> to vector<16xf32>
      %parallel_loop3A_369 = vector.shape_cast %parallel_loop3A_364 : vector<16xf32> to vector<1x16xf32>
      tpu.vector_store %arg10[%parallel_loop3A_365, %parallel_loop3A_366], %parallel_loop3A_369 {strides = array<i32>} : memref<80x128xf32, #tpu.memory_space<vmem>>, vector<1x16xf32>,
      %parallel_loop3A_370 = arith.index_cast %parallel_loop3A_313 : i32 to index
      %parallel_loop3A_371 = arith.constant 64 : index
      %parallel_loop3A_372 = tpu.vector_load %arg10[%parallel_loop3A_370, %parallel_loop3A_371] {strides = array<i32>} : memref<80x128xf32, #tpu.memory_space<vmem>>, vector<1x16xf32>,
      %parallel_loop3A_373 = vector.shape_cast %parallel_loop3A_372 : vector<1x16xf32> to vector<16xf32>
      %parallel_loop3A_374 = arith.index_cast %parallel_loop3A_313 : i32 to index
      %parallel_loop3A_375 = arith.constant 64 : index
      %parallel_loop3A_376 = tpu.vector_load %arg12[%parallel_loop3A_374, %parallel_loop3A_375] {strides = array<i32>} : memref<80x128xf32, #tpu.memory_space<vmem>>, vector<1x16xf32>,
      %parallel_loop3A_377 = vector.shape_cast %parallel_loop3A_376 : vector<1x16xf32> to vector<16xf32>
      %parallel_loop3A_378 = arith.mulf %parallel_loop3A_373, %parallel_loop3A_377 : vector<16xf32>
      %parallel_loop3A_379 = arith.index_cast %parallel_loop3A_313 : i32 to index
      %parallel_loop3A_380 = arith.constant 64 : index
      %parallel_loop3A_381 = tpu.vector_load %arg10[%parallel_loop3A_379, %parallel_loop3A_380] {strides = array<i32>} : memref<80x128xf32, #tpu.memory_space<vmem>>, vector<1x16xf32>,
      %parallel_loop3A_382 = vector.shape_cast %parallel_loop3A_381 : vector<1x16xf32> to vector<16xf32>
      %parallel_loop3A_383 = vector.shape_cast %parallel_loop3A_378 : vector<16xf32> to vector<1x16xf32>
      tpu.vector_store %arg10[%parallel_loop3A_379, %parallel_loop3A_380], %parallel_loop3A_383 {strides = array<i32>} : memref<80x128xf32, #tpu.memory_space<vmem>>, vector<1x16xf32>,
      %parallel_loop3A_384 = arith.index_cast %parallel_loop3A_313 : i32 to index
      %parallel_loop3A_385 = arith.constant 80 : index
      %parallel_loop3A_386 = tpu.vector_load %arg10[%parallel_loop3A_384, %parallel_loop3A_385] {strides = array<i32>} : memref<80x128xf32, #tpu.memory_space<vmem>>, vector<1x16xf32>,
      %parallel_loop3A_387 = vector.shape_cast %parallel_loop3A_386 : vector<1x16xf32> to vector<16xf32>
      %parallel_loop3A_388 = arith.index_cast %parallel_loop3A_313 : i32 to index
      %parallel_loop3A_389 = arith.constant 80 : index
      %parallel_loop3A_390 = tpu.vector_load %arg12[%parallel_loop3A_388, %parallel_loop3A_389] {strides = array<i32>} : memref<80x128xf32, #tpu.memory_space<vmem>>, vector<1x16xf32>,
      %parallel_loop3A_391 = vector.shape_cast %parallel_loop3A_390 : vector<1x16xf32> to vector<16xf32>
      %parallel_loop3A_392 = arith.mulf %parallel_loop3A_387, %parallel_loop3A_391 : vector<16xf32>
      %parallel_loop3A_393 = arith.index_cast %parallel_loop3A_313 : i32 to index
      %parallel_loop3A_394 = arith.constant 80 : index
      %parallel_loop3A_395 = tpu.vector_load %arg10[%parallel_loop3A_393, %parallel_loop3A_394] {strides = array<i32>} : memref<80x128xf32, #tpu.memory_space<vmem>>, vector<1x16xf32>,
      %parallel_loop3A_396 = vector.shape_cast %parallel_loop3A_395 : vector<1x16xf32> to vector<16xf32>
      %parallel_loop3A_397 = vector.shape_cast %parallel_loop3A_392 : vector<16xf32> to vector<1x16xf32>
      tpu.vector_store %arg10[%parallel_loop3A_393, %parallel_loop3A_394], %parallel_loop3A_397 {strides = array<i32>} : memref<80x128xf32, #tpu.memory_space<vmem>>, vector<1x16xf32>,
      %parallel_loop3A_398 = arith.index_cast %parallel_loop3A_313 : i32 to index
      %parallel_loop3A_399 = arith.constant 96 : index
      %parallel_loop3A_400 = tpu.vector_load %arg10[%parallel_loop3A_398, %parallel_loop3A_399] {strides = array<i32>} : memref<80x128xf32, #tpu.memory_space<vmem>>, vector<1x16xf32>,
      %parallel_loop3A_401 = vector.shape_cast %parallel_loop3A_400 : vector<1x16xf32> to vector<16xf32>
      %parallel_loop3A_402 = arith.index_cast %parallel_loop3A_313 : i32 to index
      %parallel_loop3A_403 = arith.constant 96 : index
      %parallel_loop3A_404 = tpu.vector_load %arg12[%parallel_loop3A_402, %parallel_loop3A_403] {strides = array<i32>} : memref<80x128xf32, #tpu.memory_space<vmem>>, vector<1x16xf32>,
      %parallel_loop3A_405 = vector.shape_cast %parallel_loop3A_404 : vector<1x16xf32> to vector<16xf32>
      %parallel_loop3A_406 = arith.mulf %parallel_loop3A_401, %parallel_loop3A_405 : vector<16xf32>
      %parallel_loop3A_407 = arith.index_cast %parallel_loop3A_313 : i32 to index
      %parallel_loop3A_408 = arith.constant 96 : index
      %parallel_loop3A_409 = tpu.vector_load %arg10[%parallel_loop3A_407, %parallel_loop3A_408] {strides = array<i32>} : memref<80x128xf32, #tpu.memory_space<vmem>>, vector<1x16xf32>,
      %parallel_loop3A_410 = vector.shape_cast %parallel_loop3A_409 : vector<1x16xf32> to vector<16xf32>
      %parallel_loop3A_411 = vector.shape_cast %parallel_loop3A_406 : vector<16xf32> to vector<1x16xf32>
      tpu.vector_store %arg10[%parallel_loop3A_407, %parallel_loop3A_408], %parallel_loop3A_411 {strides = array<i32>} : memref<80x128xf32, #tpu.memory_space<vmem>>, vector<1x16xf32>,
      %parallel_loop3A_412 = arith.index_cast %parallel_loop3A_313 : i32 to index
      %parallel_loop3A_413 = arith.constant 112 : index
      %parallel_loop3A_414 = tpu.vector_load %arg10[%parallel_loop3A_412, %parallel_loop3A_413] {strides = array<i32>} : memref<80x128xf32, #tpu.memory_space<vmem>>, vector<1x16xf32>,
      %parallel_loop3A_415 = vector.shape_cast %parallel_loop3A_414 : vector<1x16xf32> to vector<16xf32>
      %parallel_loop3A_416 = arith.index_cast %parallel_loop3A_313 : i32 to index
      %parallel_loop3A_417 = arith.constant 112 : index
      %parallel_loop3A_418 = tpu.vector_load %arg12[%parallel_loop3A_416, %parallel_loop3A_417] {strides = array<i32>} : memref<80x128xf32, #tpu.memory_space<vmem>>, vector<1x16xf32>,
      %parallel_loop3A_419 = vector.shape_cast %parallel_loop3A_418 : vector<1x16xf32> to vector<16xf32>
      %parallel_loop3A_420 = arith.mulf %parallel_loop3A_415, %parallel_loop3A_419 : vector<16xf32>
      %parallel_loop3A_421 = arith.index_cast %parallel_loop3A_313 : i32 to index
      %parallel_loop3A_422 = arith.constant 112 : index
      %parallel_loop3A_423 = tpu.vector_load %arg10[%parallel_loop3A_421, %parallel_loop3A_422] {strides = array<i32>} : memref<80x128xf32, #tpu.memory_space<vmem>>, vector<1x16xf32>,
      %parallel_loop3A_424 = vector.shape_cast %parallel_loop3A_423 : vector<1x16xf32> to vector<16xf32>
      %parallel_loop3A_425 = vector.shape_cast %parallel_loop3A_420 : vector<16xf32> to vector<1x16xf32>
      tpu.vector_store %arg10[%parallel_loop3A_421, %parallel_loop3A_422], %parallel_loop3A_425 {strides = array<i32>} : memref<80x128xf32, #tpu.memory_space<vmem>>, vector<1x16xf32>,
    } {sc.loop_unroll_factor = 4 : i64, sc.parallel_access}
    %mul3A_232 = arith.constant 10000 : i32
    %mul3A_233 = arith.muli %add3A, %mul3A_232 : i32
    %add3A_234 = arith.constant 240 : i32
    %add3A_235 = arith.addi %mul3A_233, %add3A_234 : i32
    %dma_wait3A_236 = tpu.memref_slice %arg4[%add3A_235] : memref<320000xi32, #tpu.memory_space<hbm>> -> memref<80xi32, #tpu.memory_space<hbm>>
    %dma_wait3A_237 = tpu.memref_slice %arg4[%add3A_235] : memref<320000xi32, #tpu.memory_space<hbm>> -> memref<80xi32, #tpu.memory_space<hbm>>
    tpu.wait_dma2 semaphore(%arg30 : memref<!tpu.dma_semaphore, #tpu.memory_space<semaphore_mem>>) src(%dma_wait3A_237 : memref<80xi32, #tpu.memory_space<hbm>>) dst(%arg18 : memref<80xi32, #tpu.memory_space<vmem>>)
    %dma_start3A_238 = arith.constant 0 : i32
    %dma_start3A_239 = arith.constant 0 : i32
    %dma_start3A_240 = tpu.memref_slice %arg8[%dma_start3A_238, %dma_start3A_239] : memref<10240x128xf32, #tpu.memory_space<vmem_shared>> -> memref<10240x128xf32, #tpu.memory_space<vmem_shared>>
    tpu.enqueue_indirect_dma source(%arg10 : memref<80x128xf32, #tpu.memory_space<vmem>>) target(%dma_start3A_240 : memref<10240x128xf32, #tpu.memory_space<vmem_shared>>) offsets(%arg18 : memref<80xi32, #tpu.memory_space<vmem>>) semaphore(%arg24 : memref<!tpu.dma_semaphore, #tpu.memory_space<semaphore_mem>>) {add = true}
    %mul3A_241 = arith.constant 10000 : i32
    %mul3A_242 = arith.muli %add3A, %mul3A_241 : i32
    %add3A_243 = arith.constant 400 : i32
    %add3A_244 = arith.addi %mul3A_242, %add3A_243 : i32
    %dma_wait3A_245 = tpu.memref_slice %arg3[%add3A_244] : memref<320000xi32, #tpu.memory_space<hbm>> -> memref<80xi32, #tpu.memory_space<hbm>>
    %dma_wait3A_246 = tpu.memref_slice %arg3[%add3A_244] : memref<320000xi32, #tpu.memory_space<hbm>> -> memref<80xi32, #tpu.memory_space<hbm>>
    tpu.wait_dma2 semaphore(%arg26 : memref<!tpu.dma_semaphore, #tpu.memory_space<semaphore_mem>>) src(%dma_wait3A_246 : memref<80xi32, #tpu.memory_space<hbm>>) dst(%arg14 : memref<80xi32, #tpu.memory_space<vmem>>)
    %dma_start3A_247 = arith.constant 0 : i32
    %dma_start3A_248 = arith.constant 0 : i32
    %dma_start3A_249 = tpu.memref_slice %arg2[%dma_start3A_247, %dma_start3A_248] : memref<10000x128xf32, #tpu.memory_space<hbm>> -> memref<10000x128xf32, #tpu.memory_space<hbm>>
    tpu.enqueue_indirect_dma source(%dma_start3A_249 : memref<10000x128xf32, #tpu.memory_space<hbm>>) target(%arg12 : memref<80x128xf32, #tpu.memory_space<vmem>>) offsets(%arg14 : memref<80xi32, #tpu.memory_space<vmem>>) semaphore(%arg22 : memref<!tpu.dma_semaphore, #tpu.memory_space<semaphore_mem>>)
    %dma_wait3A_250 = arith.constant 0 : i32
    %dma_wait3A_251 = arith.constant 0 : i32
    %dma_wait3A_252 = tpu.memref_slice %arg8[%dma_wait3A_250, %dma_wait3A_251] : memref<10240x128xf32, #tpu.memory_space<vmem_shared>> -> memref<10240x128xf32, #tpu.memory_space<vmem_shared>>
    tpu.wait_indirect_dma semaphore(%arg23 : memref<!tpu.dma_semaphore, #tpu.memory_space<semaphore_mem>>) src(%arg9 : memref<80x128xf32, #tpu.memory_space<vmem>>) dst(%dma_wait3A_252 : memref<10240x128xf32, #tpu.memory_space<vmem_shared>>)
    %mul3A_253 = arith.constant 10000 : i32
    %mul3A_254 = arith.muli %add3A, %mul3A_253 : i32
    %add3A_255 = arith.constant 320 : i32
    %add3A_256 = arith.addi %mul3A_254, %add3A_255 : i32
    %dma_start3A_257 = arith.constant 0 : i32
    %dma_start3A_258 = tpu.memref_slice %arg5[%add3A_256, %dma_start3A_257] : memref<320000x128xf32, #tpu.memory_space<hbm>> -> memref<80x128xf32, #tpu.memory_space<hbm>>
    %dma_start3A_259 = arith.constant 0 : i32
    %dma_start3A_260 = tpu.memref_slice %arg5[%add3A_256, %dma_start3A_259] : memref<320000x128xf32, #tpu.memory_space<hbm>> -> memref<80x128xf32, #tpu.memory_space<hbm>>
    tpu.enqueue_dma source(%dma_start3A_260 : memref<80x128xf32, #tpu.memory_space<hbm>>) target(%arg9 : memref<80x128xf32, #tpu.memory_space<vmem>>) target_semaphore(%arg19 : memref<!tpu.dma_semaphore, #tpu.memory_space<semaphore_mem>>)
    %mul3A_261 = arith.constant 10000 : i32
    %mul3A_262 = arith.muli %add3A, %mul3A_261 : i32
    %add3A_263 = arith.constant 320 : i32
    %add3A_264 = arith.addi %mul3A_262, %add3A_263 : i32
    %dma_start3A_265 = tpu.memref_slice %arg4[%add3A_264] : memref<320000xi32, #tpu.memory_space<hbm>> -> memref<80xi32, #tpu.memory_space<hbm>>
    %dma_start3A_266 = tpu.memref_slice %arg4[%add3A_264] : memref<320000xi32, #tpu.memory_space<hbm>> -> memref<80xi32, #tpu.memory_space<hbm>>
    tpu.enqueue_dma source(%dma_start3A_266 : memref<80xi32, #tpu.memory_space<hbm>>) target(%arg17 : memref<80xi32, #tpu.memory_space<vmem>>) target_semaphore(%arg29 : memref<!tpu.dma_semaphore, #tpu.memory_space<semaphore_mem>>)
    %mul3A_267 = arith.constant 10000 : i32
    %mul3A_268 = arith.muli %add3A, %mul3A_267 : i32
    %add3A_269 = arith.constant 560 : i32
    %add3A_270 = arith.addi %mul3A_268, %add3A_269 : i32
    %dma_start3A_271 = tpu.memref_slice %arg3[%add3A_270] : memref<320000xi32, #tpu.memory_space<hbm>> -> memref<80xi32, #tpu.memory_space<hbm>>
    %dma_start3A_272 = tpu.memref_slice %arg3[%add3A_270] : memref<320000xi32, #tpu.memory_space<hbm>> -> memref<80xi32, #tpu.memory_space<hbm>>
    tpu.enqueue_dma source(%dma_start3A_272 : memref<80xi32, #tpu.memory_space<hbm>>) target(%arg16 : memref<80xi32, #tpu.memory_space<vmem>>) target_semaphore(%arg28 : memref<!tpu.dma_semaphore, #tpu.memory_space<semaphore_mem>>)
    %scan3A = arith.constant 0 : i32
    %scan3A_273 = arith.constant 1 : i32
    %scan3A_274 = arith.constant 30 : i32
    %scan3A_275 = arith.addi %scan3A_273, %scan3A_274 : i32
    %scan3A_276 = arith.constant 1 : i32
    %scan3A_277 = scf.for %scan3A_313 = %scan3A_273 to %scan3A_275 step %scan3A_276 iter_args(%scan3A_314 = %scan3A) -> (i32)  : i32 {
      %mul3A_315 = arith.constant 4 : i32
      %mul3A_316 = arith.muli %mul3A_315, %scan3A_313 : i32
      %mul3A_317 = arith.constant 10000 : i32
      %mul3A_318 = arith.muli %add3A, %mul3A_317 : i32
      %mul3A_319 = arith.constant 80 : i32
      %mul3A_320 = arith.muli %mul3A_316, %mul3A_319 : i32
      %add3A_321 = arith.addi %mul3A_318, %mul3A_320 : i32
      %dma_wait3A_322 = arith.constant 0 : i32
      %dma_wait3A_323 = tpu.memref_slice %arg5[%add3A_321, %dma_wait3A_322] : memref<320000x128xf32, #tpu.memory_space<hbm>> -> memref<80x128xf32, #tpu.memory_space<hbm>>
      %dma_wait3A_324 = arith.constant 0 : i32
      %dma_wait3A_325 = tpu.memref_slice %arg5[%add3A_321, %dma_wait3A_324] : memref<320000x128xf32, #tpu.memory_space<hbm>> -> memref<80x128xf32, #tpu.memory_space<hbm>>
      tpu.wait_dma2 semaphore(%arg19 : memref<!tpu.dma_semaphore, #tpu.memory_space<semaphore_mem>>) src(%dma_wait3A_325 : memref<80x128xf32, #tpu.memory_space<hbm>>) dst(%arg9 : memref<80x128xf32, #tpu.memory_space<vmem>>)
      %dma_wait3A_326 = arith.constant 0 : i32
      %dma_wait3A_327 = arith.constant 0 : i32
      %dma_wait3A_328 = tpu.memref_slice %arg2[%dma_wait3A_326, %dma_wait3A_327] : memref<10000x128xf32, #tpu.memory_space<hbm>> -> memref<10000x128xf32, #tpu.memory_space<hbm>>
      tpu.wait_indirect_dma semaphore(%arg21 : memref<!tpu.dma_semaphore, #tpu.memory_space<semaphore_mem>>) src(%dma_wait3A_328 : memref<10000x128xf32, #tpu.memory_space<hbm>>) dst(%arg11 : memref<80x128xf32, #tpu.memory_space<vmem>>)
      %parallel_loop3A_329 = arith.constant 0 : i32
      %parallel_loop3A_330 = arith.constant 80 : i32
      %parallel_loop3A_331 = arith.constant 1 : i32
      scf.for %parallel_loop3A_592 = %parallel_loop3A_329 to %parallel_loop3A_330 step %parallel_loop3A_331  : i32 {
        %parallel_loop3A_593 = arith.index_cast %parallel_loop3A_592 : i32 to index
        %parallel_loop3A_594 = arith.constant 0 : index
        %parallel_loop3A_595 = tpu.vector_load %arg9[%parallel_loop3A_593, %parallel_loop3A_594] {strides = array<i32>} : memref<80x128xf32, #tpu.memory_space<vmem>>, vector<1x16xf32>,
        %parallel_loop3A_596 = vector.shape_cast %parallel_loop3A_595 : vector<1x16xf32> to vector<16xf32>
        %parallel_loop3A_597 = arith.index_cast %parallel_loop3A_592 : i32 to index
        %parallel_loop3A_598 = arith.constant 0 : index
        %parallel_loop3A_599 = tpu.vector_load %arg11[%parallel_loop3A_597, %parallel_loop3A_598] {strides = array<i32>} : memref<80x128xf32, #tpu.memory_space<vmem>>, vector<1x16xf32>,
        %parallel_loop3A_600 = vector.shape_cast %parallel_loop3A_599 : vector<1x16xf32> to vector<16xf32>
        %parallel_loop3A_601 = arith.mulf %parallel_loop3A_596, %parallel_loop3A_600 : vector<16xf32>
        %parallel_loop3A_602 = arith.index_cast %parallel_loop3A_592 : i32 to index
        %parallel_loop3A_603 = arith.constant 0 : index
        %parallel_loop3A_604 = tpu.vector_load %arg9[%parallel_loop3A_602, %parallel_loop3A_603] {strides = array<i32>} : memref<80x128xf32, #tpu.memory_space<vmem>>, vector<1x16xf32>,
        %parallel_loop3A_605 = vector.shape_cast %parallel_loop3A_604 : vector<1x16xf32> to vector<16xf32>
        %parallel_loop3A_606 = vector.shape_cast %parallel_loop3A_601 : vector<16xf32> to vector<1x16xf32>
        tpu.vector_store %arg9[%parallel_loop3A_602, %parallel_loop3A_603], %parallel_loop3A_606 {strides = array<i32>} : memref<80x128xf32, #tpu.memory_space<vmem>>, vector<1x16xf32>,
        %parallel_loop3A_607 = arith.index_cast %parallel_loop3A_592 : i32 to index
        %parallel_loop3A_608 = arith.constant 16 : index
        %parallel_loop3A_609 = tpu.vector_load %arg9[%parallel_loop3A_607, %parallel_loop3A_608] {strides = array<i32>} : memref<80x128xf32, #tpu.memory_space<vmem>>, vector<1x16xf32>,
        %parallel_loop3A_610 = vector.shape_cast %parallel_loop3A_609 : vector<1x16xf32> to vector<16xf32>
        %parallel_loop3A_611 = arith.index_cast %parallel_loop3A_592 : i32 to index
        %parallel_loop3A_612 = arith.constant 16 : index
        %parallel_loop3A_613 = tpu.vector_load %arg11[%parallel_loop3A_611, %parallel_loop3A_612] {strides = array<i32>} : memref<80x128xf32, #tpu.memory_space<vmem>>, vector<1x16xf32>,
        %parallel_loop3A_614 = vector.shape_cast %parallel_loop3A_613 : vector<1x16xf32> to vector<16xf32>
        %parallel_loop3A_615 = arith.mulf %parallel_loop3A_610, %parallel_loop3A_614 : vector<16xf32>
        %parallel_loop3A_616 = arith.index_cast %parallel_loop3A_592 : i32 to index
        %parallel_loop3A_617 = arith.constant 16 : index
        %parallel_loop3A_618 = tpu.vector_load %arg9[%parallel_loop3A_616, %parallel_loop3A_617] {strides = array<i32>} : memref<80x128xf32, #tpu.memory_space<vmem>>, vector<1x16xf32>,
        %parallel_loop3A_619 = vector.shape_cast %parallel_loop3A_618 : vector<1x16xf32> to vector<16xf32>
        %parallel_loop3A_620 = vector.shape_cast %parallel_loop3A_615 : vector<16xf32> to vector<1x16xf32>
        tpu.vector_store %arg9[%parallel_loop3A_616, %parallel_loop3A_617], %parallel_loop3A_620 {strides = array<i32>} : memref<80x128xf32, #tpu.memory_space<vmem>>, vector<1x16xf32>,
        %parallel_loop3A_621 = arith.index_cast %parallel_loop3A_592 : i32 to index
        %parallel_loop3A_622 = arith.constant 32 : index
        %parallel_loop3A_623 = tpu.vector_load %arg9[%parallel_loop3A_621, %parallel_loop3A_622] {strides = array<i32>} : memref<80x128xf32, #tpu.memory_space<vmem>>, vector<1x16xf32>,
        %parallel_loop3A_624 = vector.shape_cast %parallel_loop3A_623 : vector<1x16xf32> to vector<16xf32>
        %parallel_loop3A_625 = arith.index_cast %parallel_loop3A_592 : i32 to index
        %parallel_loop3A_626 = arith.constant 32 : index
        %parallel_loop3A_627 = tpu.vector_load %arg11[%parallel_loop3A_625, %parallel_loop3A_626] {strides = array<i32>} : memref<80x128xf32, #tpu.memory_space<vmem>>, vector<1x16xf32>,
        %parallel_loop3A_628 = vector.shape_cast %parallel_loop3A_627 : vector<1x16xf32> to vector<16xf32>
        %parallel_loop3A_629 = arith.mulf %parallel_loop3A_624, %parallel_loop3A_628 : vector<16xf32>
        %parallel_loop3A_630 = arith.index_cast %parallel_loop3A_592 : i32 to index
        %parallel_loop3A_631 = arith.constant 32 : index
        %parallel_loop3A_632 = tpu.vector_load %arg9[%parallel_loop3A_630, %parallel_loop3A_631] {strides = array<i32>} : memref<80x128xf32, #tpu.memory_space<vmem>>, vector<1x16xf32>,
        %parallel_loop3A_633 = vector.shape_cast %parallel_loop3A_632 : vector<1x16xf32> to vector<16xf32>
        %parallel_loop3A_634 = vector.shape_cast %parallel_loop3A_629 : vector<16xf32> to vector<1x16xf32>
        tpu.vector_store %arg9[%parallel_loop3A_630, %parallel_loop3A_631], %parallel_loop3A_634 {strides = array<i32>} : memref<80x128xf32, #tpu.memory_space<vmem>>, vector<1x16xf32>,
        %parallel_loop3A_635 = arith.index_cast %parallel_loop3A_592 : i32 to index
        %parallel_loop3A_636 = arith.constant 48 : index
        %parallel_loop3A_637 = tpu.vector_load %arg9[%parallel_loop3A_635, %parallel_loop3A_636] {strides = array<i32>} : memref<80x128xf32, #tpu.memory_space<vmem>>, vector<1x16xf32>,
        %parallel_loop3A_638 = vector.shape_cast %parallel_loop3A_637 : vector<1x16xf32> to vector<16xf32>
        %parallel_loop3A_639 = arith.index_cast %parallel_loop3A_592 : i32 to index
        %parallel_loop3A_640 = arith.constant 48 : index
        %parallel_loop3A_641 = tpu.vector_load %arg11[%parallel_loop3A_639, %parallel_loop3A_640] {strides = array<i32>} : memref<80x128xf32, #tpu.memory_space<vmem>>, vector<1x16xf32>,
        %parallel_loop3A_642 = vector.shape_cast %parallel_loop3A_641 : vector<1x16xf32> to vector<16xf32>
        %parallel_loop3A_643 = arith.mulf %parallel_loop3A_638, %parallel_loop3A_642 : vector<16xf32>
        %parallel_loop3A_644 = arith.index_cast %parallel_loop3A_592 : i32 to index
        %parallel_loop3A_645 = arith.constant 48 : index
        %parallel_loop3A_646 = tpu.vector_load %arg9[%parallel_loop3A_644, %parallel_loop3A_645] {strides = array<i32>} : memref<80x128xf32, #tpu.memory_space<vmem>>, vector<1x16xf32>,
        %parallel_loop3A_647 = vector.shape_cast %parallel_loop3A_646 : vector<1x16xf32> to vector<16xf32>
        %parallel_loop3A_648 = vector.shape_cast %parallel_loop3A_643 : vector<16xf32> to vector<1x16xf32>
        tpu.vector_store %arg9[%parallel_loop3A_644, %parallel_loop3A_645], %parallel_loop3A_648 {strides = array<i32>} : memref<80x128xf32, #tpu.memory_space<vmem>>, vector<1x16xf32>,
        %parallel_loop3A_649 = arith.index_cast %parallel_loop3A_592 : i32 to index
        %parallel_loop3A_650 = arith.constant 64 : index
        %parallel_loop3A_651 = tpu.vector_load %arg9[%parallel_loop3A_649, %parallel_loop3A_650] {strides = array<i32>} : memref<80x128xf32, #tpu.memory_space<vmem>>, vector<1x16xf32>,
        %parallel_loop3A_652 = vector.shape_cast %parallel_loop3A_651 : vector<1x16xf32> to vector<16xf32>
        %parallel_loop3A_653 = arith.index_cast %parallel_loop3A_592 : i32 to index
        %parallel_loop3A_654 = arith.constant 64 : index
        %parallel_loop3A_655 = tpu.vector_load %arg11[%parallel_loop3A_653, %parallel_loop3A_654] {strides = array<i32>} : memref<80x128xf32, #tpu.memory_space<vmem>>, vector<1x16xf32>,
        %parallel_loop3A_656 = vector.shape_cast %parallel_loop3A_655 : vector<1x16xf32> to vector<16xf32>
        %parallel_loop3A_657 = arith.mulf %parallel_loop3A_652, %parallel_loop3A_656 : vector<16xf32>
        %parallel_loop3A_658 = arith.index_cast %parallel_loop3A_592 : i32 to index
        %parallel_loop3A_659 = arith.constant 64 : index
        %parallel_loop3A_660 = tpu.vector_load %arg9[%parallel_loop3A_658, %parallel_loop3A_659] {strides = array<i32>} : memref<80x128xf32, #tpu.memory_space<vmem>>, vector<1x16xf32>,
        %parallel_loop3A_661 = vector.shape_cast %parallel_loop3A_660 : vector<1x16xf32> to vector<16xf32>
        %parallel_loop3A_662 = vector.shape_cast %parallel_loop3A_657 : vector<16xf32> to vector<1x16xf32>
        tpu.vector_store %arg9[%parallel_loop3A_658, %parallel_loop3A_659], %parallel_loop3A_662 {strides = array<i32>} : memref<80x128xf32, #tpu.memory_space<vmem>>, vector<1x16xf32>,
        %parallel_loop3A_663 = arith.index_cast %parallel_loop3A_592 : i32 to index
        %parallel_loop3A_664 = arith.constant 80 : index
        %parallel_loop3A_665 = tpu.vector_load %arg9[%parallel_loop3A_663, %parallel_loop3A_664] {strides = array<i32>} : memref<80x128xf32, #tpu.memory_space<vmem>>, vector<1x16xf32>,
        %parallel_loop3A_666 = vector.shape_cast %parallel_loop3A_665 : vector<1x16xf32> to vector<16xf32>
        %parallel_loop3A_667 = arith.index_cast %parallel_loop3A_592 : i32 to index
        %parallel_loop3A_668 = arith.constant 80 : index
        %parallel_loop3A_669 = tpu.vector_load %arg11[%parallel_loop3A_667, %parallel_loop3A_668] {strides = array<i32>} : memref<80x128xf32, #tpu.memory_space<vmem>>, vector<1x16xf32>,
        %parallel_loop3A_670 = vector.shape_cast %parallel_loop3A_669 : vector<1x16xf32> to vector<16xf32>
        %parallel_loop3A_671 = arith.mulf %parallel_loop3A_666, %parallel_loop3A_670 : vector<16xf32>
        %parallel_loop3A_672 = arith.index_cast %parallel_loop3A_592 : i32 to index
        %parallel_loop3A_673 = arith.constant 80 : index
        %parallel_loop3A_674 = tpu.vector_load %arg9[%parallel_loop3A_672, %parallel_loop3A_673] {strides = array<i32>} : memref<80x128xf32, #tpu.memory_space<vmem>>, vector<1x16xf32>,
        %parallel_loop3A_675 = vector.shape_cast %parallel_loop3A_674 : vector<1x16xf32> to vector<16xf32>
        %parallel_loop3A_676 = vector.shape_cast %parallel_loop3A_671 : vector<16xf32> to vector<1x16xf32>
        tpu.vector_store %arg9[%parallel_loop3A_672, %parallel_loop3A_673], %parallel_loop3A_676 {strides = array<i32>} : memref<80x128xf32, #tpu.memory_space<vmem>>, vector<1x16xf32>,
        %parallel_loop3A_677 = arith.index_cast %parallel_loop3A_592 : i32 to index
        %parallel_loop3A_678 = arith.constant 96 : index
        %parallel_loop3A_679 = tpu.vector_load %arg9[%parallel_loop3A_677, %parallel_loop3A_678] {strides = array<i32>} : memref<80x128xf32, #tpu.memory_space<vmem>>, vector<1x16xf32>,
        %parallel_loop3A_680 = vector.shape_cast %parallel_loop3A_679 : vector<1x16xf32> to vector<16xf32>
        %parallel_loop3A_681 = arith.index_cast %parallel_loop3A_592 : i32 to index
        %parallel_loop3A_682 = arith.constant 96 : index
        %parallel_loop3A_683 = tpu.vector_load %arg11[%parallel_loop3A_681, %parallel_loop3A_682] {strides = array<i32>} : memref<80x128xf32, #tpu.memory_space<vmem>>, vector<1x16xf32>,
        %parallel_loop3A_684 = vector.shape_cast %parallel_loop3A_683 : vector<1x16xf32> to vector<16xf32>
        %parallel_loop3A_685 = arith.mulf %parallel_loop3A_680, %parallel_loop3A_684 : vector<16xf32>
        %parallel_loop3A_686 = arith.index_cast %parallel_loop3A_592 : i32 to index
        %parallel_loop3A_687 = arith.constant 96 : index
        %parallel_loop3A_688 = tpu.vector_load %arg9[%parallel_loop3A_686, %parallel_loop3A_687] {strides = array<i32>} : memref<80x128xf32, #tpu.memory_space<vmem>>, vector<1x16xf32>,
        %parallel_loop3A_689 = vector.shape_cast %parallel_loop3A_688 : vector<1x16xf32> to vector<16xf32>
        %parallel_loop3A_690 = vector.shape_cast %parallel_loop3A_685 : vector<16xf32> to vector<1x16xf32>
        tpu.vector_store %arg9[%parallel_loop3A_686, %parallel_loop3A_687], %parallel_loop3A_690 {strides = array<i32>} : memref<80x128xf32, #tpu.memory_space<vmem>>, vector<1x16xf32>,
        %parallel_loop3A_691 = arith.index_cast %parallel_loop3A_592 : i32 to index
        %parallel_loop3A_692 = arith.constant 112 : index
        %parallel_loop3A_693 = tpu.vector_load %arg9[%parallel_loop3A_691, %parallel_loop3A_692] {strides = array<i32>} : memref<80x128xf32, #tpu.memory_space<vmem>>, vector<1x16xf32>,
        %parallel_loop3A_694 = vector.shape_cast %parallel_loop3A_693 : vector<1x16xf32> to vector<16xf32>
        %parallel_loop3A_695 = arith.index_cast %parallel_loop3A_592 : i32 to index
        %parallel_loop3A_696 = arith.constant 112 : index
        %parallel_loop3A_697 = tpu.vector_load %arg11[%parallel_loop3A_695, %parallel_loop3A_696] {strides = array<i32>} : memref<80x128xf32, #tpu.memory_space<vmem>>, vector<1x16xf32>,
        %parallel_loop3A_698 = vector.shape_cast %parallel_loop3A_697 : vector<1x16xf32> to vector<16xf32>
        %parallel_loop3A_699 = arith.mulf %parallel_loop3A_694, %parallel_loop3A_698 : vector<16xf32>
        %parallel_loop3A_700 = arith.index_cast %parallel_loop3A_592 : i32 to index
        %parallel_loop3A_701 = arith.constant 112 : index
        %parallel_loop3A_702 = tpu.vector_load %arg9[%parallel_loop3A_700, %parallel_loop3A_701] {strides = array<i32>} : memref<80x128xf32, #tpu.memory_space<vmem>>, vector<1x16xf32>,
        %parallel_loop3A_703 = vector.shape_cast %parallel_loop3A_702 : vector<1x16xf32> to vector<16xf32>
        %parallel_loop3A_704 = vector.shape_cast %parallel_loop3A_699 : vector<16xf32> to vector<1x16xf32>
        tpu.vector_store %arg9[%parallel_loop3A_700, %parallel_loop3A_701], %parallel_loop3A_704 {strides = array<i32>} : memref<80x128xf32, #tpu.memory_space<vmem>>, vector<1x16xf32>,
      } {sc.loop_unroll_factor = 4 : i64, sc.parallel_access}
      %mul3A_332 = arith.constant 10000 : i32
      %mul3A_333 = arith.muli %add3A, %mul3A_332 : i32
      %mul3A_334 = arith.constant 80 : i32
      %mul3A_335 = arith.muli %mul3A_316, %mul3A_334 : i32
      %add3A_336 = arith.addi %mul3A_333, %mul3A_335 : i32
      %dma_wait3A_337 = tpu.memref_slice %arg4[%add3A_336] : memref<320000xi32, #tpu.memory_space<hbm>> -> memref<80xi32, #tpu.memory_space<hbm>>
      %dma_wait3A_338 = tpu.memref_slice %arg4[%add3A_336] : memref<320000xi32, #tpu.memory_space<hbm>> -> memref<80xi32, #tpu.memory_space<hbm>>
      tpu.wait_dma2 semaphore(%arg29 : memref<!tpu.dma_semaphore, #tpu.memory_space<semaphore_mem>>) src(%dma_wait3A_338 : memref<80xi32, #tpu.memory_space<hbm>>) dst(%arg17 : memref<80xi32, #tpu.memory_space<vmem>>)
      %dma_start3A_339 = arith.constant 0 : i32
      %dma_start3A_340 = arith.constant 0 : i32
      %dma_start3A_341 = tpu.memref_slice %arg8[%dma_start3A_339, %dma_start3A_340] : memref<10240x128xf32, #tpu.memory_space<vmem_shared>> -> memref<10240x128xf32, #tpu.memory_space<vmem_shared>>
      tpu.enqueue_indirect_dma source(%arg9 : memref<80x128xf32, #tpu.memory_space<vmem>>) target(%dma_start3A_341 : memref<10240x128xf32, #tpu.memory_space<vmem_shared>>) offsets(%arg17 : memref<80xi32, #tpu.memory_space<vmem>>) semaphore(%arg23 : memref<!tpu.dma_semaphore, #tpu.memory_space<semaphore_mem>>) {add = true}
      %add3A_342 = arith.constant 2 : i32
      %add3A_343 = arith.addi %mul3A_316, %add3A_342 : i32
      %mul3A_344 = arith.constant 10000 : i32
      %mul3A_345 = arith.muli %add3A, %mul3A_344 : i32
      %mul3A_346 = arith.constant 80 : i32
      %mul3A_347 = arith.muli %add3A_343, %mul3A_346 : i32
      %add3A_348 = arith.addi %mul3A_345, %mul3A_347 : i32
      %dma_wait3A_349 = tpu.memref_slice %arg3[%add3A_348] : memref<320000xi32, #tpu.memory_space<hbm>> -> memref<80xi32, #tpu.memory_space<hbm>>
      %dma_wait3A_350 = tpu.memref_slice %arg3[%add3A_348] : memref<320000xi32, #tpu.memory_space<hbm>> -> memref<80xi32, #tpu.memory_space<hbm>>
      tpu.wait_dma2 semaphore(%arg27 : memref<!tpu.dma_semaphore, #tpu.memory_space<semaphore_mem>>) src(%dma_wait3A_350 : memref<80xi32, #tpu.memory_space<hbm>>) dst(%arg15 : memref<80xi32, #tpu.memory_space<vmem>>)
      %add3A_351 = arith.constant 2 : i32
      %add3A_352 = arith.addi %mul3A_316, %add3A_351 : i32
      %dma_start3A_353 = arith.constant 0 : i32
      %dma_start3A_354 = arith.constant 0 : i32
      %dma_start3A_355 = tpu.memref_slice %arg2[%dma_start3A_353, %dma_start3A_354] : memref<10000x128xf32, #tpu.memory_space<hbm>> -> memref<10000x128xf32, #tpu.memory_space<hbm>>
      tpu.enqueue_indirect_dma source(%dma_start3A_355 : memref<10000x128xf32, #tpu.memory_space<hbm>>) target(%arg11 : memref<80x128xf32, #tpu.memory_space<vmem>>) offsets(%arg15 : memref<80xi32, #tpu.memory_space<vmem>>) semaphore(%arg21 : memref<!tpu.dma_semaphore, #tpu.memory_space<semaphore_mem>>)
      %dma_wait3A_356 = arith.constant 0 : i32
      %dma_wait3A_357 = arith.constant 0 : i32
      %dma_wait3A_358 = tpu.memref_slice %arg8[%dma_wait3A_356, %dma_wait3A_357] : memref<10240x128xf32, #tpu.memory_space<vmem_shared>> -> memref<10240x128xf32, #tpu.memory_space<vmem_shared>>
      tpu.wait_indirect_dma semaphore(%arg24 : memref<!tpu.dma_semaphore, #tpu.memory_space<semaphore_mem>>) src(%arg10 : memref<80x128xf32, #tpu.memory_space<vmem>>) dst(%dma_wait3A_358 : memref<10240x128xf32, #tpu.memory_space<vmem_shared>>)
      %add3A_359 = arith.constant 1 : i32
      %add3A_360 = arith.addi %mul3A_316, %add3A_359 : i32
      %mul3A_361 = arith.constant 10000 : i32
      %mul3A_362 = arith.muli %add3A, %mul3A_361 : i32
      %mul3A_363 = arith.constant 80 : i32
      %mul3A_364 = arith.muli %add3A_360, %mul3A_363 : i32
      %add3A_365 = arith.addi %mul3A_362, %mul3A_364 : i32
      %dma_start3A_366 = arith.constant 0 : i32
      %dma_start3A_367 = tpu.memref_slice %arg5[%add3A_365, %dma_start3A_366] : memref<320000x128xf32, #tpu.memory_space<hbm>> -> memref<80x128xf32, #tpu.memory_space<hbm>>
      %dma_start3A_368 = arith.constant 0 : i32
      %dma_start3A_369 = tpu.memref_slice %arg5[%add3A_365, %dma_start3A_368] : memref<320000x128xf32, #tpu.memory_space<hbm>> -> memref<80x128xf32, #tpu.memory_space<hbm>>
      tpu.enqueue_dma source(%dma_start3A_369 : memref<80x128xf32, #tpu.memory_space<hbm>>) target(%arg10 : memref<80x128xf32, #tpu.memory_space<vmem>>) target_semaphore(%arg20 : memref<!tpu.dma_semaphore, #tpu.memory_space<semaphore_mem>>)
      %add3A_370 = arith.constant 1 : i32
      %add3A_371 = arith.addi %mul3A_316, %add3A_370 : i32
      %mul3A_372 = arith.constant 10000 : i32
      %mul3A_373 = arith.muli %add3A, %mul3A_372 : i32
      %mul3A_374 = arith.constant 80 : i32
      %mul3A_375 = arith.muli %add3A_371, %mul3A_374 : i32
      %add3A_376 = arith.addi %mul3A_373, %mul3A_375 : i32
      %dma_start3A_377 = tpu.memref_slice %arg4[%add3A_376] : memref<320000xi32, #tpu.memory_space<hbm>> -> memref<80xi32, #tpu.memory_space<hbm>>
      %dma_start3A_378 = tpu.memref_slice %arg4[%add3A_376] : memref<320000xi32, #tpu.memory_space<hbm>> -> memref<80xi32, #tpu.memory_space<hbm>>
      tpu.enqueue_dma source(%dma_start3A_378 : memref<80xi32, #tpu.memory_space<hbm>>) target(%arg18 : memref<80xi32, #tpu.memory_space<vmem>>) target_semaphore(%arg30 : memref<!tpu.dma_semaphore, #tpu.memory_space<semaphore_mem>>)
      %add3A_379 = arith.constant 4 : i32
      %add3A_380 = arith.addi %mul3A_316, %add3A_379 : i32
      %mul3A_381 = arith.constant 10000 : i32
      %mul3A_382 = arith.muli %add3A, %mul3A_381 : i32
      %mul3A_383 = arith.constant 80 : i32
      %mul3A_384 = arith.muli %add3A_380, %mul3A_383 : i32
      %add3A_385 = arith.addi %mul3A_382, %mul3A_384 : i32
      %dma_start3A_386 = tpu.memref_slice %arg3[%add3A_385] : memref<320000xi32, #tpu.memory_space<hbm>> -> memref<80xi32, #tpu.memory_space<hbm>>
      %dma_start3A_387 = tpu.memref_slice %arg3[%add3A_385] : memref<320000xi32, #tpu.memory_space<hbm>> -> memref<80xi32, #tpu.memory_space<hbm>>
      tpu.enqueue_dma source(%dma_start3A_387 : memref<80xi32, #tpu.memory_space<hbm>>) target(%arg13 : memref<80xi32, #tpu.memory_space<vmem>>) target_semaphore(%arg25 : memref<!tpu.dma_semaphore, #tpu.memory_space<semaphore_mem>>)
      %add3A_388 = arith.constant 1 : i32
      %add3A_389 = arith.addi %mul3A_316, %add3A_388 : i32
      %add3A_390 = arith.constant 1 : i32
      %add3A_391 = arith.addi %mul3A_316, %add3A_390 : i32
      %le3A = arith.constant 120 : i32
      %le3A_392 = arith.cmpi sle, %add3A_391, %le3A : i32
      %mul3A_393 = arith.constant 10000 : i32
      %mul3A_394 = arith.muli %add3A, %mul3A_393 : i32
      %mul3A_395 = arith.constant 80 : i32
      %mul3A_396 = arith.muli %add3A_389, %mul3A_395 : i32
      %add3A_397 = arith.addi %mul3A_394, %mul3A_396 : i32
      %dma_wait3A_398 = arith.constant 0 : i32
      %dma_wait3A_399 = tpu.memref_slice %arg5[%add3A_397, %dma_wait3A_398] : memref<320000x128xf32, #tpu.memory_space<hbm>> -> memref<80x128xf32, #tpu.memory_space<hbm>>
      %dma_wait3A_400 = arith.constant 0 : i32
      %dma_wait3A_401 = tpu.memref_slice %arg5[%add3A_397, %dma_wait3A_400] : memref<320000x128xf32, #tpu.memory_space<hbm>> -> memref<80x128xf32, #tpu.memory_space<hbm>>
      tpu.wait_dma2 semaphore(%arg20 : memref<!tpu.dma_semaphore, #tpu.memory_space<semaphore_mem>>) src(%dma_wait3A_401 : memref<80x128xf32, #tpu.memory_space<hbm>>) dst(%arg10 : memref<80x128xf32, #tpu.memory_space<vmem>>)
      %dma_wait3A_402 = arith.constant 0 : i32
      %dma_wait3A_403 = arith.constant 0 : i32
      %dma_wait3A_404 = tpu.memref_slice %arg2[%dma_wait3A_402, %dma_wait3A_403] : memref<10000x128xf32, #tpu.memory_space<hbm>> -> memref<10000x128xf32, #tpu.memory_space<hbm>>
      tpu.wait_indirect_dma semaphore(%arg22 : memref<!tpu.dma_semaphore, #tpu.memory_space<semaphore_mem>>) src(%dma_wait3A_404 : memref<10000x128xf32, #tpu.memory_space<hbm>>) dst(%arg12 : memref<80x128xf32, #tpu.memory_space<vmem>>)
      %parallel_loop3A_405 = arith.constant 0 : i32
      %parallel_loop3A_406 = arith.constant 80 : i32
      %parallel_loop3A_407 = arith.constant 1 : i32
      scf.for %parallel_loop3A_592 = %parallel_loop3A_405 to %parallel_loop3A_406 step %parallel_loop3A_407  : i32 {
        %parallel_loop3A_593 = arith.index_cast %parallel_loop3A_592 : i32 to index
        %parallel_loop3A_594 = arith.constant 0 : index
        %parallel_loop3A_595 = tpu.vector_load %arg10[%parallel_loop3A_593, %parallel_loop3A_594] {strides = array<i32>} : memref<80x128xf32, #tpu.memory_space<vmem>>, vector<1x16xf32>,
        %parallel_loop3A_596 = vector.shape_cast %parallel_loop3A_595 : vector<1x16xf32> to vector<16xf32>
        %parallel_loop3A_597 = arith.index_cast %parallel_loop3A_592 : i32 to index
        %parallel_loop3A_598 = arith.constant 0 : index
        %parallel_loop3A_599 = tpu.vector_load %arg12[%parallel_loop3A_597, %parallel_loop3A_598] {strides = array<i32>} : memref<80x128xf32, #tpu.memory_space<vmem>>, vector<1x16xf32>,
        %parallel_loop3A_600 = vector.shape_cast %parallel_loop3A_599 : vector<1x16xf32> to vector<16xf32>
        %parallel_loop3A_601 = arith.mulf %parallel_loop3A_596, %parallel_loop3A_600 : vector<16xf32>
        %parallel_loop3A_602 = arith.index_cast %parallel_loop3A_592 : i32 to index
        %parallel_loop3A_603 = arith.constant 0 : index
        %parallel_loop3A_604 = tpu.vector_load %arg10[%parallel_loop3A_602, %parallel_loop3A_603] {strides = array<i32>} : memref<80x128xf32, #tpu.memory_space<vmem>>, vector<1x16xf32>,
        %parallel_loop3A_605 = vector.shape_cast %parallel_loop3A_604 : vector<1x16xf32> to vector<16xf32>
        %parallel_loop3A_606 = vector.shape_cast %parallel_loop3A_601 : vector<16xf32> to vector<1x16xf32>
        tpu.vector_store %arg10[%parallel_loop3A_602, %parallel_loop3A_603], %parallel_loop3A_606 {strides = array<i32>} : memref<80x128xf32, #tpu.memory_space<vmem>>, vector<1x16xf32>,
        %parallel_loop3A_607 = arith.index_cast %parallel_loop3A_592 : i32 to index
        %parallel_loop3A_608 = arith.constant 16 : index
        %parallel_loop3A_609 = tpu.vector_load %arg10[%parallel_loop3A_607, %parallel_loop3A_608] {strides = array<i32>} : memref<80x128xf32, #tpu.memory_space<vmem>>, vector<1x16xf32>,
        %parallel_loop3A_610 = vector.shape_cast %parallel_loop3A_609 : vector<1x16xf32> to vector<16xf32>
        %parallel_loop3A_611 = arith.index_cast %parallel_loop3A_592 : i32 to index
        %parallel_loop3A_612 = arith.constant 16 : index
        %parallel_loop3A_613 = tpu.vector_load %arg12[%parallel_loop3A_611, %parallel_loop3A_612] {strides = array<i32>} : memref<80x128xf32, #tpu.memory_space<vmem>>, vector<1x16xf32>,
        %parallel_loop3A_614 = vector.shape_cast %parallel_loop3A_613 : vector<1x16xf32> to vector<16xf32>
        %parallel_loop3A_615 = arith.mulf %parallel_loop3A_610, %parallel_loop3A_614 : vector<16xf32>
        %parallel_loop3A_616 = arith.index_cast %parallel_loop3A_592 : i32 to index
        %parallel_loop3A_617 = arith.constant 16 : index
        %parallel_loop3A_618 = tpu.vector_load %arg10[%parallel_loop3A_616, %parallel_loop3A_617] {strides = array<i32>} : memref<80x128xf32, #tpu.memory_space<vmem>>, vector<1x16xf32>,
        %parallel_loop3A_619 = vector.shape_cast %parallel_loop3A_618 : vector<1x16xf32> to vector<16xf32>
        %parallel_loop3A_620 = vector.shape_cast %parallel_loop3A_615 : vector<16xf32> to vector<1x16xf32>
        tpu.vector_store %arg10[%parallel_loop3A_616, %parallel_loop3A_617], %parallel_loop3A_620 {strides = array<i32>} : memref<80x128xf32, #tpu.memory_space<vmem>>, vector<1x16xf32>,
        %parallel_loop3A_621 = arith.index_cast %parallel_loop3A_592 : i32 to index
        %parallel_loop3A_622 = arith.constant 32 : index
        %parallel_loop3A_623 = tpu.vector_load %arg10[%parallel_loop3A_621, %parallel_loop3A_622] {strides = array<i32>} : memref<80x128xf32, #tpu.memory_space<vmem>>, vector<1x16xf32>,
        %parallel_loop3A_624 = vector.shape_cast %parallel_loop3A_623 : vector<1x16xf32> to vector<16xf32>
        %parallel_loop3A_625 = arith.index_cast %parallel_loop3A_592 : i32 to index
        %parallel_loop3A_626 = arith.constant 32 : index
        %parallel_loop3A_627 = tpu.vector_load %arg12[%parallel_loop3A_625, %parallel_loop3A_626] {strides = array<i32>} : memref<80x128xf32, #tpu.memory_space<vmem>>, vector<1x16xf32>,
        %parallel_loop3A_628 = vector.shape_cast %parallel_loop3A_627 : vector<1x16xf32> to vector<16xf32>
        %parallel_loop3A_629 = arith.mulf %parallel_loop3A_624, %parallel_loop3A_628 : vector<16xf32>
        %parallel_loop3A_630 = arith.index_cast %parallel_loop3A_592 : i32 to index
        %parallel_loop3A_631 = arith.constant 32 : index
        %parallel_loop3A_632 = tpu.vector_load %arg10[%parallel_loop3A_630, %parallel_loop3A_631] {strides = array<i32>} : memref<80x128xf32, #tpu.memory_space<vmem>>, vector<1x16xf32>,
        %parallel_loop3A_633 = vector.shape_cast %parallel_loop3A_632 : vector<1x16xf32> to vector<16xf32>
        %parallel_loop3A_634 = vector.shape_cast %parallel_loop3A_629 : vector<16xf32> to vector<1x16xf32>
        tpu.vector_store %arg10[%parallel_loop3A_630, %parallel_loop3A_631], %parallel_loop3A_634 {strides = array<i32>} : memref<80x128xf32, #tpu.memory_space<vmem>>, vector<1x16xf32>,
        %parallel_loop3A_635 = arith.index_cast %parallel_loop3A_592 : i32 to index
        %parallel_loop3A_636 = arith.constant 48 : index
        %parallel_loop3A_637 = tpu.vector_load %arg10[%parallel_loop3A_635, %parallel_loop3A_636] {strides = array<i32>} : memref<80x128xf32, #tpu.memory_space<vmem>>, vector<1x16xf32>,
        %parallel_loop3A_638 = vector.shape_cast %parallel_loop3A_637 : vector<1x16xf32> to vector<16xf32>
        %parallel_loop3A_639 = arith.index_cast %parallel_loop3A_592 : i32 to index
        %parallel_loop3A_640 = arith.constant 48 : index
        %parallel_loop3A_641 = tpu.vector_load %arg12[%parallel_loop3A_639, %parallel_loop3A_640] {strides = array<i32>} : memref<80x128xf32, #tpu.memory_space<vmem>>, vector<1x16xf32>,
        %parallel_loop3A_642 = vector.shape_cast %parallel_loop3A_641 : vector<1x16xf32> to vector<16xf32>
        %parallel_loop3A_643 = arith.mulf %parallel_loop3A_638, %parallel_loop3A_642 : vector<16xf32>
        %parallel_loop3A_644 = arith.index_cast %parallel_loop3A_592 : i32 to index
        %parallel_loop3A_645 = arith.constant 48 : index
        %parallel_loop3A_646 = tpu.vector_load %arg10[%parallel_loop3A_644, %parallel_loop3A_645] {strides = array<i32>} : memref<80x128xf32, #tpu.memory_space<vmem>>, vector<1x16xf32>,
        %parallel_loop3A_647 = vector.shape_cast %parallel_loop3A_646 : vector<1x16xf32> to vector<16xf32>
        %parallel_loop3A_648 = vector.shape_cast %parallel_loop3A_643 : vector<16xf32> to vector<1x16xf32>
        tpu.vector_store %arg10[%parallel_loop3A_644, %parallel_loop3A_645], %parallel_loop3A_648 {strides = array<i32>} : memref<80x128xf32, #tpu.memory_space<vmem>>, vector<1x16xf32>,
        %parallel_loop3A_649 = arith.index_cast %parallel_loop3A_592 : i32 to index
        %parallel_loop3A_650 = arith.constant 64 : index
        %parallel_loop3A_651 = tpu.vector_load %arg10[%parallel_loop3A_649, %parallel_loop3A_650] {strides = array<i32>} : memref<80x128xf32, #tpu.memory_space<vmem>>, vector<1x16xf32>,
        %parallel_loop3A_652 = vector.shape_cast %parallel_loop3A_651 : vector<1x16xf32> to vector<16xf32>
        %parallel_loop3A_653 = arith.index_cast %parallel_loop3A_592 : i32 to index
        %parallel_loop3A_654 = arith.constant 64 : index
        %parallel_loop3A_655 = tpu.vector_load %arg12[%parallel_loop3A_653, %parallel_loop3A_654] {strides = array<i32>} : memref<80x128xf32, #tpu.memory_space<vmem>>, vector<1x16xf32>,
        %parallel_loop3A_656 = vector.shape_cast %parallel_loop3A_655 : vector<1x16xf32> to vector<16xf32>
        %parallel_loop3A_657 = arith.mulf %parallel_loop3A_652, %parallel_loop3A_656 : vector<16xf32>
        %parallel_loop3A_658 = arith.index_cast %parallel_loop3A_592 : i32 to index
        %parallel_loop3A_659 = arith.constant 64 : index
        %parallel_loop3A_660 = tpu.vector_load %arg10[%parallel_loop3A_658, %parallel_loop3A_659] {strides = array<i32>} : memref<80x128xf32, #tpu.memory_space<vmem>>, vector<1x16xf32>,
        %parallel_loop3A_661 = vector.shape_cast %parallel_loop3A_660 : vector<1x16xf32> to vector<16xf32>
        %parallel_loop3A_662 = vector.shape_cast %parallel_loop3A_657 : vector<16xf32> to vector<1x16xf32>
        tpu.vector_store %arg10[%parallel_loop3A_658, %parallel_loop3A_659], %parallel_loop3A_662 {strides = array<i32>} : memref<80x128xf32, #tpu.memory_space<vmem>>, vector<1x16xf32>,
        %parallel_loop3A_663 = arith.index_cast %parallel_loop3A_592 : i32 to index
        %parallel_loop3A_664 = arith.constant 80 : index
        %parallel_loop3A_665 = tpu.vector_load %arg10[%parallel_loop3A_663, %parallel_loop3A_664] {strides = array<i32>} : memref<80x128xf32, #tpu.memory_space<vmem>>, vector<1x16xf32>,
        %parallel_loop3A_666 = vector.shape_cast %parallel_loop3A_665 : vector<1x16xf32> to vector<16xf32>
        %parallel_loop3A_667 = arith.index_cast %parallel_loop3A_592 : i32 to index
        %parallel_loop3A_668 = arith.constant 80 : index
        %parallel_loop3A_669 = tpu.vector_load %arg12[%parallel_loop3A_667, %parallel_loop3A_668] {strides = array<i32>} : memref<80x128xf32, #tpu.memory_space<vmem>>, vector<1x16xf32>,
        %parallel_loop3A_670 = vector.shape_cast %parallel_loop3A_669 : vector<1x16xf32> to vector<16xf32>
        %parallel_loop3A_671 = arith.mulf %parallel_loop3A_666, %parallel_loop3A_670 : vector<16xf32>
        %parallel_loop3A_672 = arith.index_cast %parallel_loop3A_592 : i32 to index
        %parallel_loop3A_673 = arith.constant 80 : index
        %parallel_loop3A_674 = tpu.vector_load %arg10[%parallel_loop3A_672, %parallel_loop3A_673] {strides = array<i32>} : memref<80x128xf32, #tpu.memory_space<vmem>>, vector<1x16xf32>,
        %parallel_loop3A_675 = vector.shape_cast %parallel_loop3A_674 : vector<1x16xf32> to vector<16xf32>
        %parallel_loop3A_676 = vector.shape_cast %parallel_loop3A_671 : vector<16xf32> to vector<1x16xf32>
        tpu.vector_store %arg10[%parallel_loop3A_672, %parallel_loop3A_673], %parallel_loop3A_676 {strides = array<i32>} : memref<80x128xf32, #tpu.memory_space<vmem>>, vector<1x16xf32>,
        %parallel_loop3A_677 = arith.index_cast %parallel_loop3A_592 : i32 to index
        %parallel_loop3A_678 = arith.constant 96 : index
        %parallel_loop3A_679 = tpu.vector_load %arg10[%parallel_loop3A_677, %parallel_loop3A_678] {strides = array<i32>} : memref<80x128xf32, #tpu.memory_space<vmem>>, vector<1x16xf32>,
        %parallel_loop3A_680 = vector.shape_cast %parallel_loop3A_679 : vector<1x16xf32> to vector<16xf32>
        %parallel_loop3A_681 = arith.index_cast %parallel_loop3A_592 : i32 to index
        %parallel_loop3A_682 = arith.constant 96 : index
        %parallel_loop3A_683 = tpu.vector_load %arg12[%parallel_loop3A_681, %parallel_loop3A_682] {strides = array<i32>} : memref<80x128xf32, #tpu.memory_space<vmem>>, vector<1x16xf32>,
        %parallel_loop3A_684 = vector.shape_cast %parallel_loop3A_683 : vector<1x16xf32> to vector<16xf32>
        %parallel_loop3A_685 = arith.mulf %parallel_loop3A_680, %parallel_loop3A_684 : vector<16xf32>
        %parallel_loop3A_686 = arith.index_cast %parallel_loop3A_592 : i32 to index
        %parallel_loop3A_687 = arith.constant 96 : index
        %parallel_loop3A_688 = tpu.vector_load %arg10[%parallel_loop3A_686, %parallel_loop3A_687] {strides = array<i32>} : memref<80x128xf32, #tpu.memory_space<vmem>>, vector<1x16xf32>,
        %parallel_loop3A_689 = vector.shape_cast %parallel_loop3A_688 : vector<1x16xf32> to vector<16xf32>
        %parallel_loop3A_690 = vector.shape_cast %parallel_loop3A_685 : vector<16xf32> to vector<1x16xf32>
        tpu.vector_store %arg10[%parallel_loop3A_686, %parallel_loop3A_687], %parallel_loop3A_690 {strides = array<i32>} : memref<80x128xf32, #tpu.memory_space<vmem>>, vector<1x16xf32>,
        %parallel_loop3A_691 = arith.index_cast %parallel_loop3A_592 : i32 to index
        %parallel_loop3A_692 = arith.constant 112 : index
        %parallel_loop3A_693 = tpu.vector_load %arg10[%parallel_loop3A_691, %parallel_loop3A_692] {strides = array<i32>} : memref<80x128xf32, #tpu.memory_space<vmem>>, vector<1x16xf32>,
        %parallel_loop3A_694 = vector.shape_cast %parallel_loop3A_693 : vector<1x16xf32> to vector<16xf32>
        %parallel_loop3A_695 = arith.index_cast %parallel_loop3A_592 : i32 to index
        %parallel_loop3A_696 = arith.constant 112 : index
        %parallel_loop3A_697 = tpu.vector_load %arg12[%parallel_loop3A_695, %parallel_loop3A_696] {strides = array<i32>} : memref<80x128xf32, #tpu.memory_space<vmem>>, vector<1x16xf32>,
        %parallel_loop3A_698 = vector.shape_cast %parallel_loop3A_697 : vector<1x16xf32> to vector<16xf32>
        %parallel_loop3A_699 = arith.mulf %parallel_loop3A_694, %parallel_loop3A_698 : vector<16xf32>
        %parallel_loop3A_700 = arith.index_cast %parallel_loop3A_592 : i32 to index
        %parallel_loop3A_701 = arith.constant 112 : index
        %parallel_loop3A_702 = tpu.vector_load %arg10[%parallel_loop3A_700, %parallel_loop3A_701] {strides = array<i32>} : memref<80x128xf32, #tpu.memory_space<vmem>>, vector<1x16xf32>,
        %parallel_loop3A_703 = vector.shape_cast %parallel_loop3A_702 : vector<1x16xf32> to vector<16xf32>
        %parallel_loop3A_704 = vector.shape_cast %parallel_loop3A_699 : vector<16xf32> to vector<1x16xf32>
        tpu.vector_store %arg10[%parallel_loop3A_700, %parallel_loop3A_701], %parallel_loop3A_704 {strides = array<i32>} : memref<80x128xf32, #tpu.memory_space<vmem>>, vector<1x16xf32>,
      } {sc.loop_unroll_factor = 4 : i64, sc.parallel_access}
      %mul3A_408 = arith.constant 10000 : i32
      %mul3A_409 = arith.muli %add3A, %mul3A_408 : i32
      %mul3A_410 = arith.constant 80 : i32
      %mul3A_411 = arith.muli %add3A_389, %mul3A_410 : i32
      %add3A_412 = arith.addi %mul3A_409, %mul3A_411 : i32
      %dma_wait3A_413 = tpu.memref_slice %arg4[%add3A_412] : memref<320000xi32, #tpu.memory_space<hbm>> -> memref<80xi32, #tpu.memory_space<hbm>>
      %dma_wait3A_414 = tpu.memref_slice %arg4[%add3A_412] : memref<320000xi32, #tpu.memory_space<hbm>> -> memref<80xi32, #tpu.memory_space<hbm>>
      tpu.wait_dma2 semaphore(%arg30 : memref<!tpu.dma_semaphore, #tpu.memory_space<semaphore_mem>>) src(%dma_wait3A_414 : memref<80xi32, #tpu.memory_space<hbm>>) dst(%arg18 : memref<80xi32, #tpu.memory_space<vmem>>)
      %dma_start3A_415 = arith.constant 0 : i32
      %dma_start3A_416 = arith.constant 0 : i32
      %dma_start3A_417 = tpu.memref_slice %arg8[%dma_start3A_415, %dma_start3A_416] : memref<10240x128xf32, #tpu.memory_space<vmem_shared>> -> memref<10240x128xf32, #tpu.memory_space<vmem_shared>>
      tpu.enqueue_indirect_dma source(%arg10 : memref<80x128xf32, #tpu.memory_space<vmem>>) target(%dma_start3A_417 : memref<10240x128xf32, #tpu.memory_space<vmem_shared>>) offsets(%arg18 : memref<80xi32, #tpu.memory_space<vmem>>) semaphore(%arg24 : memref<!tpu.dma_semaphore, #tpu.memory_space<semaphore_mem>>) {add = true}
      %add3A_418 = arith.constant 2 : i32
      %add3A_419 = arith.addi %add3A_389, %add3A_418 : i32
      %mul3A_420 = arith.constant 10000 : i32
      %mul3A_421 = arith.muli %add3A, %mul3A_420 : i32
      %mul3A_422 = arith.constant 80 : i32
      %mul3A_423 = arith.muli %add3A_419, %mul3A_422 : i32
      %add3A_424 = arith.addi %mul3A_421, %mul3A_423 : i32
      %dma_wait3A_425 = tpu.memref_slice %arg3[%add3A_424] : memref<320000xi32, #tpu.memory_space<hbm>> -> memref<80xi32, #tpu.memory_space<hbm>>
      %dma_wait3A_426 = tpu.memref_slice %arg3[%add3A_424] : memref<320000xi32, #tpu.memory_space<hbm>> -> memref<80xi32, #tpu.memory_space<hbm>>
      tpu.wait_dma2 semaphore(%arg28 : memref<!tpu.dma_semaphore, #tpu.memory_space<semaphore_mem>>) src(%dma_wait3A_426 : memref<80xi32, #tpu.memory_space<hbm>>) dst(%arg16 : memref<80xi32, #tpu.memory_space<vmem>>)
      %add3A_427 = arith.constant 2 : i32
      %add3A_428 = arith.addi %add3A_389, %add3A_427 : i32
      %dma_start3A_429 = arith.constant 0 : i32
      %dma_start3A_430 = arith.constant 0 : i32
      %dma_start3A_431 = tpu.memref_slice %arg2[%dma_start3A_429, %dma_start3A_430] : memref<10000x128xf32, #tpu.memory_space<hbm>> -> memref<10000x128xf32, #tpu.memory_space<hbm>>
      tpu.enqueue_indirect_dma source(%dma_start3A_431 : memref<10000x128xf32, #tpu.memory_space<hbm>>) target(%arg12 : memref<80x128xf32, #tpu.memory_space<vmem>>) offsets(%arg16 : memref<80xi32, #tpu.memory_space<vmem>>) semaphore(%arg22 : memref<!tpu.dma_semaphore, #tpu.memory_space<semaphore_mem>>)
      %dma_wait3A_432 = arith.constant 0 : i32
      %dma_wait3A_433 = arith.constant 0 : i32
      %dma_wait3A_434 = tpu.memref_slice %arg8[%dma_wait3A_432, %dma_wait3A_433] : memref<10240x128xf32, #tpu.memory_space<vmem_shared>> -> memref<10240x128xf32, #tpu.memory_space<vmem_shared>>
      tpu.wait_indirect_dma semaphore(%arg23 : memref<!tpu.dma_semaphore, #tpu.memory_space<semaphore_mem>>) src(%arg9 : memref<80x128xf32, #tpu.memory_space<vmem>>) dst(%dma_wait3A_434 : memref<10240x128xf32, #tpu.memory_space<vmem_shared>>)
      %add3A_435 = arith.constant 1 : i32
      %add3A_436 = arith.addi %add3A_389, %add3A_435 : i32
      %mul3A_437 = arith.constant 10000 : i32
      %mul3A_438 = arith.muli %add3A, %mul3A_437 : i32
      %mul3A_439 = arith.constant 80 : i32
      %mul3A_440 = arith.muli %add3A_436, %mul3A_439 : i32
      %add3A_441 = arith.addi %mul3A_438, %mul3A_440 : i32
      %dma_start3A_442 = arith.constant 0 : i32
      %dma_start3A_443 = tpu.memref_slice %arg5[%add3A_441, %dma_start3A_442] : memref<320000x128xf32, #tpu.memory_space<hbm>> -> memref<80x128xf32, #tpu.memory_space<hbm>>
      %dma_start3A_444 = arith.constant 0 : i32
      %dma_start3A_445 = tpu.memref_slice %arg5[%add3A_441, %dma_start3A_444] : memref<320000x128xf32, #tpu.memory_space<hbm>> -> memref<80x128xf32, #tpu.memory_space<hbm>>
      tpu.enqueue_dma source(%dma_start3A_445 : memref<80x128xf32, #tpu.memory_space<hbm>>) target(%arg9 : memref<80x128xf32, #tpu.memory_space<vmem>>) target_semaphore(%arg19 : memref<!tpu.dma_semaphore, #tpu.memory_space<semaphore_mem>>)
      %add3A_446 = arith.constant 1 : i32
      %add3A_447 = arith.addi %add3A_389, %add3A_446 : i32
      %mul3A_448 = arith.constant 10000 : i32
      %mul3A_449 = arith.muli %add3A, %mul3A_448 : i32
      %mul3A_450 = arith.constant 80 : i32
      %mul3A_451 = arith.muli %add3A_447, %mul3A_450 : i32
      %add3A_452 = arith.addi %mul3A_449, %mul3A_451 : i32
      %dma_start3A_453 = tpu.memref_slice %arg4[%add3A_452] : memref<320000xi32, #tpu.memory_space<hbm>> -> memref<80xi32, #tpu.memory_space<hbm>>
      %dma_start3A_454 = tpu.memref_slice %arg4[%add3A_452] : memref<320000xi32, #tpu.memory_space<hbm>> -> memref<80xi32, #tpu.memory_space<hbm>>
      tpu.enqueue_dma source(%dma_start3A_454 : memref<80xi32, #tpu.memory_space<hbm>>) target(%arg17 : memref<80xi32, #tpu.memory_space<vmem>>) target_semaphore(%arg29 : memref<!tpu.dma_semaphore, #tpu.memory_space<semaphore_mem>>)
      %convert_element_type3A = arith.extui %le3A_392 : i1 to i32
      %cond3A = arith.constant 0 : i32
      %cond3A_455 = arith.cmpi ne, %convert_element_type3A, %cond3A : i32
      scf.if %cond3A_455 {
        %add3A_592 = arith.constant 4 : i32
        %add3A_593 = arith.addi %add3A_389, %add3A_592 : i32
        %mul3A_594 = arith.constant 10000 : i32
        %mul3A_595 = arith.muli %add3A, %mul3A_594 : i32
        %mul3A_596 = arith.constant 80 : i32
        %mul3A_597 = arith.muli %add3A_593, %mul3A_596 : i32
        %add3A_598 = arith.addi %mul3A_595, %mul3A_597 : i32
        %dma_start3A_599 = tpu.memref_slice %arg3[%add3A_598] : memref<320000xi32, #tpu.memory_space<hbm>> -> memref<80xi32, #tpu.memory_space<hbm>>
        %dma_start3A_600 = tpu.memref_slice %arg3[%add3A_598] : memref<320000xi32, #tpu.memory_space<hbm>> -> memref<80xi32, #tpu.memory_space<hbm>>
        tpu.enqueue_dma source(%dma_start3A_600 : memref<80xi32, #tpu.memory_space<hbm>>) target(%arg14 : memref<80xi32, #tpu.memory_space<vmem>>) target_semaphore(%arg26 : memref<!tpu.dma_semaphore, #tpu.memory_space<semaphore_mem>>)
      } else {
      }
      %add3A_456 = arith.constant 2 : i32
      %add3A_457 = arith.addi %mul3A_316, %add3A_456 : i32
      %add3A_458 = arith.constant 2 : i32
      %add3A_459 = arith.addi %mul3A_316, %add3A_458 : i32
      %le3A_460 = arith.constant 120 : i32
      %le3A_461 = arith.cmpi sle, %add3A_459, %le3A_460 : i32
      %mul3A_462 = arith.constant 10000 : i32
      %mul3A_463 = arith.muli %add3A, %mul3A_462 : i32
      %mul3A_464 = arith.constant 80 : i32
      %mul3A_465 = arith.muli %add3A_457, %mul3A_464 : i32
      %add3A_466 = arith.addi %mul3A_463, %mul3A_465 : i32
      %dma_wait3A_467 = arith.constant 0 : i32
      %dma_wait3A_468 = tpu.memref_slice %arg5[%add3A_466, %dma_wait3A_467] : memref<320000x128xf32, #tpu.memory_space<hbm>> -> memref<80x128xf32, #tpu.memory_space<hbm>>
      %dma_wait3A_469 = arith.constant 0 : i32
      %dma_wait3A_470 = tpu.memref_slice %arg5[%add3A_466, %dma_wait3A_469] : memref<320000x128xf32, #tpu.memory_space<hbm>> -> memref<80x128xf32, #tpu.memory_space<hbm>>
      tpu.wait_dma2 semaphore(%arg19 : memref<!tpu.dma_semaphore, #tpu.memory_space<semaphore_mem>>) src(%dma_wait3A_470 : memref<80x128xf32, #tpu.memory_space<hbm>>) dst(%arg9 : memref<80x128xf32, #tpu.memory_space<vmem>>)
      %dma_wait3A_471 = arith.constant 0 : i32
      %dma_wait3A_472 = arith.constant 0 : i32
      %dma_wait3A_473 = tpu.memref_slice %arg2[%dma_wait3A_471, %dma_wait3A_472] : memref<10000x128xf32, #tpu.memory_space<hbm>> -> memref<10000x128xf32, #tpu.memory_space<hbm>>
      tpu.wait_indirect_dma semaphore(%arg21 : memref<!tpu.dma_semaphore, #tpu.memory_space<semaphore_mem>>) src(%dma_wait3A_473 : memref<10000x128xf32, #tpu.memory_space<hbm>>) dst(%arg11 : memref<80x128xf32, #tpu.memory_space<vmem>>)
      %parallel_loop3A_474 = arith.constant 0 : i32
      %parallel_loop3A_475 = arith.constant 80 : i32
      %parallel_loop3A_476 = arith.constant 1 : i32
      scf.for %parallel_loop3A_592 = %parallel_loop3A_474 to %parallel_loop3A_475 step %parallel_loop3A_476  : i32 {
        %parallel_loop3A_593 = arith.index_cast %parallel_loop3A_592 : i32 to index
        %parallel_loop3A_594 = arith.constant 0 : index
        %parallel_loop3A_595 = tpu.vector_load %arg9[%parallel_loop3A_593, %parallel_loop3A_594] {strides = array<i32>} : memref<80x128xf32, #tpu.memory_space<vmem>>, vector<1x16xf32>,
        %parallel_loop3A_596 = vector.shape_cast %parallel_loop3A_595 : vector<1x16xf32> to vector<16xf32>
        %parallel_loop3A_597 = arith.index_cast %parallel_loop3A_592 : i32 to index
        %parallel_loop3A_598 = arith.constant 0 : index
        %parallel_loop3A_599 = tpu.vector_load %arg11[%parallel_loop3A_597, %parallel_loop3A_598] {strides = array<i32>} : memref<80x128xf32, #tpu.memory_space<vmem>>, vector<1x16xf32>,
        %parallel_loop3A_600 = vector.shape_cast %parallel_loop3A_599 : vector<1x16xf32> to vector<16xf32>
        %parallel_loop3A_601 = arith.mulf %parallel_loop3A_596, %parallel_loop3A_600 : vector<16xf32>
        %parallel_loop3A_602 = arith.index_cast %parallel_loop3A_592 : i32 to index
        %parallel_loop3A_603 = arith.constant 0 : index
        %parallel_loop3A_604 = tpu.vector_load %arg9[%parallel_loop3A_602, %parallel_loop3A_603] {strides = array<i32>} : memref<80x128xf32, #tpu.memory_space<vmem>>, vector<1x16xf32>,
        %parallel_loop3A_605 = vector.shape_cast %parallel_loop3A_604 : vector<1x16xf32> to vector<16xf32>
        %parallel_loop3A_606 = vector.shape_cast %parallel_loop3A_601 : vector<16xf32> to vector<1x16xf32>
        tpu.vector_store %arg9[%parallel_loop3A_602, %parallel_loop3A_603], %parallel_loop3A_606 {strides = array<i32>} : memref<80x128xf32, #tpu.memory_space<vmem>>, vector<1x16xf32>,
        %parallel_loop3A_607 = arith.index_cast %parallel_loop3A_592 : i32 to index
        %parallel_loop3A_608 = arith.constant 16 : index
        %parallel_loop3A_609 = tpu.vector_load %arg9[%parallel_loop3A_607, %parallel_loop3A_608] {strides = array<i32>} : memref<80x128xf32, #tpu.memory_space<vmem>>, vector<1x16xf32>,
        %parallel_loop3A_610 = vector.shape_cast %parallel_loop3A_609 : vector<1x16xf32> to vector<16xf32>
        %parallel_loop3A_611 = arith.index_cast %parallel_loop3A_592 : i32 to index
        %parallel_loop3A_612 = arith.constant 16 : index
        %parallel_loop3A_613 = tpu.vector_load %arg11[%parallel_loop3A_611, %parallel_loop3A_612] {strides = array<i32>} : memref<80x128xf32, #tpu.memory_space<vmem>>, vector<1x16xf32>,
        %parallel_loop3A_614 = vector.shape_cast %parallel_loop3A_613 : vector<1x16xf32> to vector<16xf32>
        %parallel_loop3A_615 = arith.mulf %parallel_loop3A_610, %parallel_loop3A_614 : vector<16xf32>
        %parallel_loop3A_616 = arith.index_cast %parallel_loop3A_592 : i32 to index
        %parallel_loop3A_617 = arith.constant 16 : index
        %parallel_loop3A_618 = tpu.vector_load %arg9[%parallel_loop3A_616, %parallel_loop3A_617] {strides = array<i32>} : memref<80x128xf32, #tpu.memory_space<vmem>>, vector<1x16xf32>,
        %parallel_loop3A_619 = vector.shape_cast %parallel_loop3A_618 : vector<1x16xf32> to vector<16xf32>
        %parallel_loop3A_620 = vector.shape_cast %parallel_loop3A_615 : vector<16xf32> to vector<1x16xf32>
        tpu.vector_store %arg9[%parallel_loop3A_616, %parallel_loop3A_617], %parallel_loop3A_620 {strides = array<i32>} : memref<80x128xf32, #tpu.memory_space<vmem>>, vector<1x16xf32>,
        %parallel_loop3A_621 = arith.index_cast %parallel_loop3A_592 : i32 to index
        %parallel_loop3A_622 = arith.constant 32 : index
        %parallel_loop3A_623 = tpu.vector_load %arg9[%parallel_loop3A_621, %parallel_loop3A_622] {strides = array<i32>} : memref<80x128xf32, #tpu.memory_space<vmem>>, vector<1x16xf32>,
        %parallel_loop3A_624 = vector.shape_cast %parallel_loop3A_623 : vector<1x16xf32> to vector<16xf32>
        %parallel_loop3A_625 = arith.index_cast %parallel_loop3A_592 : i32 to index
        %parallel_loop3A_626 = arith.constant 32 : index
        %parallel_loop3A_627 = tpu.vector_load %arg11[%parallel_loop3A_625, %parallel_loop3A_626] {strides = array<i32>} : memref<80x128xf32, #tpu.memory_space<vmem>>, vector<1x16xf32>,
        %parallel_loop3A_628 = vector.shape_cast %parallel_loop3A_627 : vector<1x16xf32> to vector<16xf32>
        %parallel_loop3A_629 = arith.mulf %parallel_loop3A_624, %parallel_loop3A_628 : vector<16xf32>
        %parallel_loop3A_630 = arith.index_cast %parallel_loop3A_592 : i32 to index
        %parallel_loop3A_631 = arith.constant 32 : index
        %parallel_loop3A_632 = tpu.vector_load %arg9[%parallel_loop3A_630, %parallel_loop3A_631] {strides = array<i32>} : memref<80x128xf32, #tpu.memory_space<vmem>>, vector<1x16xf32>,
        %parallel_loop3A_633 = vector.shape_cast %parallel_loop3A_632 : vector<1x16xf32> to vector<16xf32>
        %parallel_loop3A_634 = vector.shape_cast %parallel_loop3A_629 : vector<16xf32> to vector<1x16xf32>
        tpu.vector_store %arg9[%parallel_loop3A_630, %parallel_loop3A_631], %parallel_loop3A_634 {strides = array<i32>} : memref<80x128xf32, #tpu.memory_space<vmem>>, vector<1x16xf32>,
        %parallel_loop3A_635 = arith.index_cast %parallel_loop3A_592 : i32 to index
        %parallel_loop3A_636 = arith.constant 48 : index
        %parallel_loop3A_637 = tpu.vector_load %arg9[%parallel_loop3A_635, %parallel_loop3A_636] {strides = array<i32>} : memref<80x128xf32, #tpu.memory_space<vmem>>, vector<1x16xf32>,
        %parallel_loop3A_638 = vector.shape_cast %parallel_loop3A_637 : vector<1x16xf32> to vector<16xf32>
        %parallel_loop3A_639 = arith.index_cast %parallel_loop3A_592 : i32 to index
        %parallel_loop3A_640 = arith.constant 48 : index
        %parallel_loop3A_641 = tpu.vector_load %arg11[%parallel_loop3A_639, %parallel_loop3A_640] {strides = array<i32>} : memref<80x128xf32, #tpu.memory_space<vmem>>, vector<1x16xf32>,
        %parallel_loop3A_642 = vector.shape_cast %parallel_loop3A_641 : vector<1x16xf32> to vector<16xf32>
        %parallel_loop3A_643 = arith.mulf %parallel_loop3A_638, %parallel_loop3A_642 : vector<16xf32>
        %parallel_loop3A_644 = arith.index_cast %parallel_loop3A_592 : i32 to index
        %parallel_loop3A_645 = arith.constant 48 : index
        %parallel_loop3A_646 = tpu.vector_load %arg9[%parallel_loop3A_644, %parallel_loop3A_645] {strides = array<i32>} : memref<80x128xf32, #tpu.memory_space<vmem>>, vector<1x16xf32>,
        %parallel_loop3A_647 = vector.shape_cast %parallel_loop3A_646 : vector<1x16xf32> to vector<16xf32>
        %parallel_loop3A_648 = vector.shape_cast %parallel_loop3A_643 : vector<16xf32> to vector<1x16xf32>
        tpu.vector_store %arg9[%parallel_loop3A_644, %parallel_loop3A_645], %parallel_loop3A_648 {strides = array<i32>} : memref<80x128xf32, #tpu.memory_space<vmem>>, vector<1x16xf32>,
        %parallel_loop3A_649 = arith.index_cast %parallel_loop3A_592 : i32 to index
        %parallel_loop3A_650 = arith.constant 64 : index
        %parallel_loop3A_651 = tpu.vector_load %arg9[%parallel_loop3A_649, %parallel_loop3A_650] {strides = array<i32>} : memref<80x128xf32, #tpu.memory_space<vmem>>, vector<1x16xf32>,
        %parallel_loop3A_652 = vector.shape_cast %parallel_loop3A_651 : vector<1x16xf32> to vector<16xf32>
        %parallel_loop3A_653 = arith.index_cast %parallel_loop3A_592 : i32 to index
        %parallel_loop3A_654 = arith.constant 64 : index
        %parallel_loop3A_655 = tpu.vector_load %arg11[%parallel_loop3A_653, %parallel_loop3A_654] {strides = array<i32>} : memref<80x128xf32, #tpu.memory_space<vmem>>, vector<1x16xf32>,
        %parallel_loop3A_656 = vector.shape_cast %parallel_loop3A_655 : vector<1x16xf32> to vector<16xf32>
        %parallel_loop3A_657 = arith.mulf %parallel_loop3A_652, %parallel_loop3A_656 : vector<16xf32>
        %parallel_loop3A_658 = arith.index_cast %parallel_loop3A_592 : i32 to index
        %parallel_loop3A_659 = arith.constant 64 : index
        %parallel_loop3A_660 = tpu.vector_load %arg9[%parallel_loop3A_658, %parallel_loop3A_659] {strides = array<i32>} : memref<80x128xf32, #tpu.memory_space<vmem>>, vector<1x16xf32>,
        %parallel_loop3A_661 = vector.shape_cast %parallel_loop3A_660 : vector<1x16xf32> to vector<16xf32>
        %parallel_loop3A_662 = vector.shape_cast %parallel_loop3A_657 : vector<16xf32> to vector<1x16xf32>
        tpu.vector_store %arg9[%parallel_loop3A_658, %parallel_loop3A_659], %parallel_loop3A_662 {strides = array<i32>} : memref<80x128xf32, #tpu.memory_space<vmem>>, vector<1x16xf32>,
        %parallel_loop3A_663 = arith.index_cast %parallel_loop3A_592 : i32 to index
        %parallel_loop3A_664 = arith.constant 80 : index
        %parallel_loop3A_665 = tpu.vector_load %arg9[%parallel_loop3A_663, %parallel_loop3A_664] {strides = array<i32>} : memref<80x128xf32, #tpu.memory_space<vmem>>, vector<1x16xf32>,
        %parallel_loop3A_666 = vector.shape_cast %parallel_loop3A_665 : vector<1x16xf32> to vector<16xf32>
        %parallel_loop3A_667 = arith.index_cast %parallel_loop3A_592 : i32 to index
        %parallel_loop3A_668 = arith.constant 80 : index
        %parallel_loop3A_669 = tpu.vector_load %arg11[%parallel_loop3A_667, %parallel_loop3A_668] {strides = array<i32>} : memref<80x128xf32, #tpu.memory_space<vmem>>, vector<1x16xf32>,
        %parallel_loop3A_670 = vector.shape_cast %parallel_loop3A_669 : vector<1x16xf32> to vector<16xf32>
        %parallel_loop3A_671 = arith.mulf %parallel_loop3A_666, %parallel_loop3A_670 : vector<16xf32>
        %parallel_loop3A_672 = arith.index_cast %parallel_loop3A_592 : i32 to index
        %parallel_loop3A_673 = arith.constant 80 : index
        %parallel_loop3A_674 = tpu.vector_load %arg9[%parallel_loop3A_672, %parallel_loop3A_673] {strides = array<i32>} : memref<80x128xf32, #tpu.memory_space<vmem>>, vector<1x16xf32>,
        %parallel_loop3A_675 = vector.shape_cast %parallel_loop3A_674 : vector<1x16xf32> to vector<16xf32>
        %parallel_loop3A_676 = vector.shape_cast %parallel_loop3A_671 : vector<16xf32> to vector<1x16xf32>
        tpu.vector_store %arg9[%parallel_loop3A_672, %parallel_loop3A_673], %parallel_loop3A_676 {strides = array<i32>} : memref<80x128xf32, #tpu.memory_space<vmem>>, vector<1x16xf32>,
        %parallel_loop3A_677 = arith.index_cast %parallel_loop3A_592 : i32 to index
        %parallel_loop3A_678 = arith.constant 96 : index
        %parallel_loop3A_679 = tpu.vector_load %arg9[%parallel_loop3A_677, %parallel_loop3A_678] {strides = array<i32>} : memref<80x128xf32, #tpu.memory_space<vmem>>, vector<1x16xf32>,
        %parallel_loop3A_680 = vector.shape_cast %parallel_loop3A_679 : vector<1x16xf32> to vector<16xf32>
        %parallel_loop3A_681 = arith.index_cast %parallel_loop3A_592 : i32 to index
        %parallel_loop3A_682 = arith.constant 96 : index
        %parallel_loop3A_683 = tpu.vector_load %arg11[%parallel_loop3A_681, %parallel_loop3A_682] {strides = array<i32>} : memref<80x128xf32, #tpu.memory_space<vmem>>, vector<1x16xf32>,
        %parallel_loop3A_684 = vector.shape_cast %parallel_loop3A_683 : vector<1x16xf32> to vector<16xf32>
        %parallel_loop3A_685 = arith.mulf %parallel_loop3A_680, %parallel_loop3A_684 : vector<16xf32>
        %parallel_loop3A_686 = arith.index_cast %parallel_loop3A_592 : i32 to index
        %parallel_loop3A_687 = arith.constant 96 : index
        %parallel_loop3A_688 = tpu.vector_load %arg9[%parallel_loop3A_686, %parallel_loop3A_687] {strides = array<i32>} : memref<80x128xf32, #tpu.memory_space<vmem>>, vector<1x16xf32>,
        %parallel_loop3A_689 = vector.shape_cast %parallel_loop3A_688 : vector<1x16xf32> to vector<16xf32>
        %parallel_loop3A_690 = vector.shape_cast %parallel_loop3A_685 : vector<16xf32> to vector<1x16xf32>
        tpu.vector_store %arg9[%parallel_loop3A_686, %parallel_loop3A_687], %parallel_loop3A_690 {strides = array<i32>} : memref<80x128xf32, #tpu.memory_space<vmem>>, vector<1x16xf32>,
        %parallel_loop3A_691 = arith.index_cast %parallel_loop3A_592 : i32 to index
        %parallel_loop3A_692 = arith.constant 112 : index
        %parallel_loop3A_693 = tpu.vector_load %arg9[%parallel_loop3A_691, %parallel_loop3A_692] {strides = array<i32>} : memref<80x128xf32, #tpu.memory_space<vmem>>, vector<1x16xf32>,
        %parallel_loop3A_694 = vector.shape_cast %parallel_loop3A_693 : vector<1x16xf32> to vector<16xf32>
        %parallel_loop3A_695 = arith.index_cast %parallel_loop3A_592 : i32 to index
        %parallel_loop3A_696 = arith.constant 112 : index
        %parallel_loop3A_697 = tpu.vector_load %arg11[%parallel_loop3A_695, %parallel_loop3A_696] {strides = array<i32>} : memref<80x128xf32, #tpu.memory_space<vmem>>, vector<1x16xf32>,
        %parallel_loop3A_698 = vector.shape_cast %parallel_loop3A_697 : vector<1x16xf32> to vector<16xf32>
        %parallel_loop3A_699 = arith.mulf %parallel_loop3A_694, %parallel_loop3A_698 : vector<16xf32>
        %parallel_loop3A_700 = arith.index_cast %parallel_loop3A_592 : i32 to index
        %parallel_loop3A_701 = arith.constant 112 : index
        %parallel_loop3A_702 = tpu.vector_load %arg9[%parallel_loop3A_700, %parallel_loop3A_701] {strides = array<i32>} : memref<80x128xf32, #tpu.memory_space<vmem>>, vector<1x16xf32>,
        %parallel_loop3A_703 = vector.shape_cast %parallel_loop3A_702 : vector<1x16xf32> to vector<16xf32>
        %parallel_loop3A_704 = vector.shape_cast %parallel_loop3A_699 : vector<16xf32> to vector<1x16xf32>
        tpu.vector_store %arg9[%parallel_loop3A_700, %parallel_loop3A_701], %parallel_loop3A_704 {strides = array<i32>} : memref<80x128xf32, #tpu.memory_space<vmem>>, vector<1x16xf32>,
      } {sc.loop_unroll_factor = 4 : i64, sc.parallel_access}
      %mul3A_477 = arith.constant 10000 : i32
      %mul3A_478 = arith.muli %add3A, %mul3A_477 : i32
      %mul3A_479 = arith.constant 80 : i32
      %mul3A_480 = arith.muli %add3A_457, %mul3A_479 : i32
      %add3A_481 = arith.addi %mul3A_478, %mul3A_480 : i32
      %dma_wait3A_482 = tpu.memref_slice %arg4[%add3A_481] : memref<320000xi32, #tpu.memory_space<hbm>> -> memref<80xi32, #tpu.memory_space<hbm>>
      %dma_wait3A_483 = tpu.memref_slice %arg4[%add3A_481] : memref<320000xi32, #tpu.memory_space<hbm>> -> memref<80xi32, #tpu.memory_space<hbm>>
      tpu.wait_dma2 semaphore(%arg29 : memref<!tpu.dma_semaphore, #tpu.memory_space<semaphore_mem>>) src(%dma_wait3A_483 : memref<80xi32, #tpu.memory_space<hbm>>) dst(%arg17 : memref<80xi32, #tpu.memory_space<vmem>>)
      %dma_start3A_484 = arith.constant 0 : i32
      %dma_start3A_485 = arith.constant 0 : i32
      %dma_start3A_486 = tpu.memref_slice %arg8[%dma_start3A_484, %dma_start3A_485] : memref<10240x128xf32, #tpu.memory_space<vmem_shared>> -> memref<10240x128xf32, #tpu.memory_space<vmem_shared>>
      tpu.enqueue_indirect_dma source(%arg9 : memref<80x128xf32, #tpu.memory_space<vmem>>) target(%dma_start3A_486 : memref<10240x128xf32, #tpu.memory_space<vmem_shared>>) offsets(%arg17 : memref<80xi32, #tpu.memory_space<vmem>>) semaphore(%arg23 : memref<!tpu.dma_semaphore, #tpu.memory_space<semaphore_mem>>) {add = true}
      %add3A_487 = arith.constant 2 : i32
      %add3A_488 = arith.addi %add3A_457, %add3A_487 : i32
      %mul3A_489 = arith.constant 10000 : i32
      %mul3A_490 = arith.muli %add3A, %mul3A_489 : i32
      %mul3A_491 = arith.constant 80 : i32
      %mul3A_492 = arith.muli %add3A_488, %mul3A_491 : i32
      %add3A_493 = arith.addi %mul3A_490, %mul3A_492 : i32
      %dma_wait3A_494 = tpu.memref_slice %arg3[%add3A_493] : memref<320000xi32, #tpu.memory_space<hbm>> -> memref<80xi32, #tpu.memory_space<hbm>>
      %dma_wait3A_495 = tpu.memref_slice %arg3[%add3A_493] : memref<320000xi32, #tpu.memory_space<hbm>> -> memref<80xi32, #tpu.memory_space<hbm>>
      tpu.wait_dma2 semaphore(%arg25 : memref<!tpu.dma_semaphore, #tpu.memory_space<semaphore_mem>>) src(%dma_wait3A_495 : memref<80xi32, #tpu.memory_space<hbm>>) dst(%arg13 : memref<80xi32, #tpu.memory_space<vmem>>)
      %add3A_496 = arith.constant 2 : i32
      %add3A_497 = arith.addi %add3A_457, %add3A_496 : i32
      %dma_start3A_498 = arith.constant 0 : i32
      %dma_start3A_499 = arith.constant 0 : i32
      %dma_start3A_500 = tpu.memref_slice %arg2[%dma_start3A_498, %dma_start3A_499] : memref<10000x128xf32, #tpu.memory_space<hbm>> -> memref<10000x128xf32, #tpu.memory_space<hbm>>
      tpu.enqueue_indirect_dma source(%dma_start3A_500 : memref<10000x128xf32, #tpu.memory_space<hbm>>) target(%arg11 : memref<80x128xf32, #tpu.memory_space<vmem>>) offsets(%arg13 : memref<80xi32, #tpu.memory_space<vmem>>) semaphore(%arg21 : memref<!tpu.dma_semaphore, #tpu.memory_space<semaphore_mem>>)
      %dma_wait3A_501 = arith.constant 0 : i32
      %dma_wait3A_502 = arith.constant 0 : i32
      %dma_wait3A_503 = tpu.memref_slice %arg8[%dma_wait3A_501, %dma_wait3A_502] : memref<10240x128xf32, #tpu.memory_space<vmem_shared>> -> memref<10240x128xf32, #tpu.memory_space<vmem_shared>>
      tpu.wait_indirect_dma semaphore(%arg24 : memref<!tpu.dma_semaphore, #tpu.memory_space<semaphore_mem>>) src(%arg10 : memref<80x128xf32, #tpu.memory_space<vmem>>) dst(%dma_wait3A_503 : memref<10240x128xf32, #tpu.memory_space<vmem_shared>>)
      %add3A_504 = arith.constant 1 : i32
      %add3A_505 = arith.addi %add3A_457, %add3A_504 : i32
      %mul3A_506 = arith.constant 10000 : i32
      %mul3A_507 = arith.muli %add3A, %mul3A_506 : i32
      %mul3A_508 = arith.constant 80 : i32
      %mul3A_509 = arith.muli %add3A_505, %mul3A_508 : i32
      %add3A_510 = arith.addi %mul3A_507, %mul3A_509 : i32
      %dma_start3A_511 = arith.constant 0 : i32
      %dma_start3A_512 = tpu.memref_slice %arg5[%add3A_510, %dma_start3A_511] : memref<320000x128xf32, #tpu.memory_space<hbm>> -> memref<80x128xf32, #tpu.memory_space<hbm>>
      %dma_start3A_513 = arith.constant 0 : i32
      %dma_start3A_514 = tpu.memref_slice %arg5[%add3A_510, %dma_start3A_513] : memref<320000x128xf32, #tpu.memory_space<hbm>> -> memref<80x128xf32, #tpu.memory_space<hbm>>
      tpu.enqueue_dma source(%dma_start3A_514 : memref<80x128xf32, #tpu.memory_space<hbm>>) target(%arg10 : memref<80x128xf32, #tpu.memory_space<vmem>>) target_semaphore(%arg20 : memref<!tpu.dma_semaphore, #tpu.memory_space<semaphore_mem>>)
      %add3A_515 = arith.constant 1 : i32
      %add3A_516 = arith.addi %add3A_457, %add3A_515 : i32
      %mul3A_517 = arith.constant 10000 : i32
      %mul3A_518 = arith.muli %add3A, %mul3A_517 : i32
      %mul3A_519 = arith.constant 80 : i32
      %mul3A_520 = arith.muli %add3A_516, %mul3A_519 : i32
      %add3A_521 = arith.addi %mul3A_518, %mul3A_520 : i32
      %dma_start3A_522 = tpu.memref_slice %arg4[%add3A_521] : memref<320000xi32, #tpu.memory_space<hbm>> -> memref<80xi32, #tpu.memory_space<hbm>>
      %dma_start3A_523 = tpu.memref_slice %arg4[%add3A_521] : memref<320000xi32, #tpu.memory_space<hbm>> -> memref<80xi32, #tpu.memory_space<hbm>>
      tpu.enqueue_dma source(%dma_start3A_523 : memref<80xi32, #tpu.memory_space<hbm>>) target(%arg18 : memref<80xi32, #tpu.memory_space<vmem>>) target_semaphore(%arg30 : memref<!tpu.dma_semaphore, #tpu.memory_space<semaphore_mem>>)
      %convert_element_type3A_524 = arith.extui %le3A_461 : i1 to i32
      %cond3A_525 = arith.constant 0 : i32
      %cond3A_526 = arith.cmpi ne, %convert_element_type3A_524, %cond3A_525 : i32
      scf.if %cond3A_526 {
        %add3A_592 = arith.constant 4 : i32
        %add3A_593 = arith.addi %add3A_457, %add3A_592 : i32
        %mul3A_594 = arith.constant 10000 : i32
        %mul3A_595 = arith.muli %add3A, %mul3A_594 : i32
        %mul3A_596 = arith.constant 80 : i32
        %mul3A_597 = arith.muli %add3A_593, %mul3A_596 : i32
        %add3A_598 = arith.addi %mul3A_595, %mul3A_597 : i32
        %dma_start3A_599 = tpu.memref_slice %arg3[%add3A_598] : memref<320000xi32, #tpu.memory_space<hbm>> -> memref<80xi32, #tpu.memory_space<hbm>>
        %dma_start3A_600 = tpu.memref_slice %arg3[%add3A_598] : memref<320000xi32, #tpu.memory_space<hbm>> -> memref<80xi32, #tpu.memory_space<hbm>>
        tpu.enqueue_dma source(%dma_start3A_600 : memref<80xi32, #tpu.memory_space<hbm>>) target(%arg15 : memref<80xi32, #tpu.memory_space<vmem>>) target_semaphore(%arg27 : memref<!tpu.dma_semaphore, #tpu.memory_space<semaphore_mem>>)
      } else {
      }
      %add3A_527 = arith.constant 3 : i32
      %add3A_528 = arith.addi %mul3A_316, %add3A_527 : i32
      %add3A_529 = arith.constant 3 : i32
      %add3A_530 = arith.addi %mul3A_316, %add3A_529 : i32
      %le3A_531 = arith.constant 122 : i32
      %le3A_532 = arith.cmpi sle, %add3A_530, %le3A_531 : i32
      %add3A_533 = arith.constant 3 : i32
      %add3A_534 = arith.addi %mul3A_316, %add3A_533 : i32
      %le3A_535 = arith.constant 120 : i32
      %le3A_536 = arith.cmpi sle, %add3A_534, %le3A_535 : i32
      %mul3A_537 = arith.constant 10000 : i32
      %mul3A_538 = arith.muli %add3A, %mul3A_537 : i32
      %mul3A_539 = arith.constant 80 : i32
      %mul3A_540 = arith.muli %add3A_528, %mul3A_539 : i32
      %add3A_541 = arith.addi %mul3A_538, %mul3A_540 : i32
      %dma_wait3A_542 = arith.constant 0 : i32
      %dma_wait3A_543 = tpu.memref_slice %arg5[%add3A_541, %dma_wait3A_542] : memref<320000x128xf32, #tpu.memory_space<hbm>> -> memref<80x128xf32, #tpu.memory_space<hbm>>
      %dma_wait3A_544 = arith.constant 0 : i32
      %dma_wait3A_545 = tpu.memref_slice %arg5[%add3A_541, %dma_wait3A_544] : memref<320000x128xf32, #tpu.memory_space<hbm>> -> memref<80x128xf32, #tpu.memory_space<hbm>>
      tpu.wait_dma2 semaphore(%arg20 : memref<!tpu.dma_semaphore, #tpu.memory_space<semaphore_mem>>) src(%dma_wait3A_545 : memref<80x128xf32, #tpu.memory_space<hbm>>) dst(%arg10 : memref<80x128xf32, #tpu.memory_space<vmem>>)
      %dma_wait3A_546 = arith.constant 0 : i32
      %dma_wait3A_547 = arith.constant 0 : i32
      %dma_wait3A_548 = tpu.memref_slice %arg2[%dma_wait3A_546, %dma_wait3A_547] : memref<10000x128xf32, #tpu.memory_space<hbm>> -> memref<10000x128xf32, #tpu.memory_space<hbm>>
      tpu.wait_indirect_dma semaphore(%arg22 : memref<!tpu.dma_semaphore, #tpu.memory_space<semaphore_mem>>) src(%dma_wait3A_548 : memref<10000x128xf32, #tpu.memory_space<hbm>>) dst(%arg12 : memref<80x128xf32, #tpu.memory_space<vmem>>)
      %parallel_loop3A_549 = arith.constant 0 : i32
      %parallel_loop3A_550 = arith.constant 80 : i32
      %parallel_loop3A_551 = arith.constant 1 : i32
      scf.for %parallel_loop3A_592 = %parallel_loop3A_549 to %parallel_loop3A_550 step %parallel_loop3A_551  : i32 {
        %parallel_loop3A_593 = arith.index_cast %parallel_loop3A_592 : i32 to index
        %parallel_loop3A_594 = arith.constant 0 : index
        %parallel_loop3A_595 = tpu.vector_load %arg10[%parallel_loop3A_593, %parallel_loop3A_594] {strides = array<i32>} : memref<80x128xf32, #tpu.memory_space<vmem>>, vector<1x16xf32>,
        %parallel_loop3A_596 = vector.shape_cast %parallel_loop3A_595 : vector<1x16xf32> to vector<16xf32>
        %parallel_loop3A_597 = arith.index_cast %parallel_loop3A_592 : i32 to index
        %parallel_loop3A_598 = arith.constant 0 : index
        %parallel_loop3A_599 = tpu.vector_load %arg12[%parallel_loop3A_597, %parallel_loop3A_598] {strides = array<i32>} : memref<80x128xf32, #tpu.memory_space<vmem>>, vector<1x16xf32>,
        %parallel_loop3A_600 = vector.shape_cast %parallel_loop3A_599 : vector<1x16xf32> to vector<16xf32>
        %parallel_loop3A_601 = arith.mulf %parallel_loop3A_596, %parallel_loop3A_600 : vector<16xf32>
        %parallel_loop3A_602 = arith.index_cast %parallel_loop3A_592 : i32 to index
        %parallel_loop3A_603 = arith.constant 0 : index
        %parallel_loop3A_604 = tpu.vector_load %arg10[%parallel_loop3A_602, %parallel_loop3A_603] {strides = array<i32>} : memref<80x128xf32, #tpu.memory_space<vmem>>, vector<1x16xf32>,
        %parallel_loop3A_605 = vector.shape_cast %parallel_loop3A_604 : vector<1x16xf32> to vector<16xf32>
        %parallel_loop3A_606 = vector.shape_cast %parallel_loop3A_601 : vector<16xf32> to vector<1x16xf32>
        tpu.vector_store %arg10[%parallel_loop3A_602, %parallel_loop3A_603], %parallel_loop3A_606 {strides = array<i32>} : memref<80x128xf32, #tpu.memory_space<vmem>>, vector<1x16xf32>,
        %parallel_loop3A_607 = arith.index_cast %parallel_loop3A_592 : i32 to index
        %parallel_loop3A_608 = arith.constant 16 : index
        %parallel_loop3A_609 = tpu.vector_load %arg10[%parallel_loop3A_607, %parallel_loop3A_608] {strides = array<i32>} : memref<80x128xf32, #tpu.memory_space<vmem>>, vector<1x16xf32>,
        %parallel_loop3A_610 = vector.shape_cast %parallel_loop3A_609 : vector<1x16xf32> to vector<16xf32>
        %parallel_loop3A_611 = arith.index_cast %parallel_loop3A_592 : i32 to index
        %parallel_loop3A_612 = arith.constant 16 : index
        %parallel_loop3A_613 = tpu.vector_load %arg12[%parallel_loop3A_611, %parallel_loop3A_612] {strides = array<i32>} : memref<80x128xf32, #tpu.memory_space<vmem>>, vector<1x16xf32>,
        %parallel_loop3A_614 = vector.shape_cast %parallel_loop3A_613 : vector<1x16xf32> to vector<16xf32>
        %parallel_loop3A_615 = arith.mulf %parallel_loop3A_610, %parallel_loop3A_614 : vector<16xf32>
        %parallel_loop3A_616 = arith.index_cast %parallel_loop3A_592 : i32 to index
        %parallel_loop3A_617 = arith.constant 16 : index
        %parallel_loop3A_618 = tpu.vector_load %arg10[%parallel_loop3A_616, %parallel_loop3A_617] {strides = array<i32>} : memref<80x128xf32, #tpu.memory_space<vmem>>, vector<1x16xf32>,
        %parallel_loop3A_619 = vector.shape_cast %parallel_loop3A_618 : vector<1x16xf32> to vector<16xf32>
        %parallel_loop3A_620 = vector.shape_cast %parallel_loop3A_615 : vector<16xf32> to vector<1x16xf32>
        tpu.vector_store %arg10[%parallel_loop3A_616, %parallel_loop3A_617], %parallel_loop3A_620 {strides = array<i32>} : memref<80x128xf32, #tpu.memory_space<vmem>>, vector<1x16xf32>,
        %parallel_loop3A_621 = arith.index_cast %parallel_loop3A_592 : i32 to index
        %parallel_loop3A_622 = arith.constant 32 : index
        %parallel_loop3A_623 = tpu.vector_load %arg10[%parallel_loop3A_621, %parallel_loop3A_622] {strides = array<i32>} : memref<80x128xf32, #tpu.memory_space<vmem>>, vector<1x16xf32>,
        %parallel_loop3A_624 = vector.shape_cast %parallel_loop3A_623 : vector<1x16xf32> to vector<16xf32>
        %parallel_loop3A_625 = arith.index_cast %parallel_loop3A_592 : i32 to index
        %parallel_loop3A_626 = arith.constant 32 : index
        %parallel_loop3A_627 = tpu.vector_load %arg12[%parallel_loop3A_625, %parallel_loop3A_626] {strides = array<i32>} : memref<80x128xf32, #tpu.memory_space<vmem>>, vector<1x16xf32>,
        %parallel_loop3A_628 = vector.shape_cast %parallel_loop3A_627 : vector<1x16xf32> to vector<16xf32>
        %parallel_loop3A_629 = arith.mulf %parallel_loop3A_624, %parallel_loop3A_628 : vector<16xf32>
        %parallel_loop3A_630 = arith.index_cast %parallel_loop3A_592 : i32 to index
        %parallel_loop3A_631 = arith.constant 32 : index
        %parallel_loop3A_632 = tpu.vector_load %arg10[%parallel_loop3A_630, %parallel_loop3A_631] {strides = array<i32>} : memref<80x128xf32, #tpu.memory_space<vmem>>, vector<1x16xf32>,
        %parallel_loop3A_633 = vector.shape_cast %parallel_loop3A_632 : vector<1x16xf32> to vector<16xf32>
        %parallel_loop3A_634 = vector.shape_cast %parallel_loop3A_629 : vector<16xf32> to vector<1x16xf32>
        tpu.vector_store %arg10[%parallel_loop3A_630, %parallel_loop3A_631], %parallel_loop3A_634 {strides = array<i32>} : memref<80x128xf32, #tpu.memory_space<vmem>>, vector<1x16xf32>,
        %parallel_loop3A_635 = arith.index_cast %parallel_loop3A_592 : i32 to index
        %parallel_loop3A_636 = arith.constant 48 : index
        %parallel_loop3A_637 = tpu.vector_load %arg10[%parallel_loop3A_635, %parallel_loop3A_636] {strides = array<i32>} : memref<80x128xf32, #tpu.memory_space<vmem>>, vector<1x16xf32>,
        %parallel_loop3A_638 = vector.shape_cast %parallel_loop3A_637 : vector<1x16xf32> to vector<16xf32>
        %parallel_loop3A_639 = arith.index_cast %parallel_loop3A_592 : i32 to index
        %parallel_loop3A_640 = arith.constant 48 : index
        %parallel_loop3A_641 = tpu.vector_load %arg12[%parallel_loop3A_639, %parallel_loop3A_640] {strides = array<i32>} : memref<80x128xf32, #tpu.memory_space<vmem>>, vector<1x16xf32>,
        %parallel_loop3A_642 = vector.shape_cast %parallel_loop3A_641 : vector<1x16xf32> to vector<16xf32>
        %parallel_loop3A_643 = arith.mulf %parallel_loop3A_638, %parallel_loop3A_642 : vector<16xf32>
        %parallel_loop3A_644 = arith.index_cast %parallel_loop3A_592 : i32 to index
        %parallel_loop3A_645 = arith.constant 48 : index
        %parallel_loop3A_646 = tpu.vector_load %arg10[%parallel_loop3A_644, %parallel_loop3A_645] {strides = array<i32>} : memref<80x128xf32, #tpu.memory_space<vmem>>, vector<1x16xf32>,
        %parallel_loop3A_647 = vector.shape_cast %parallel_loop3A_646 : vector<1x16xf32> to vector<16xf32>
        %parallel_loop3A_648 = vector.shape_cast %parallel_loop3A_643 : vector<16xf32> to vector<1x16xf32>
        tpu.vector_store %arg10[%parallel_loop3A_644, %parallel_loop3A_645], %parallel_loop3A_648 {strides = array<i32>} : memref<80x128xf32, #tpu.memory_space<vmem>>, vector<1x16xf32>,
        %parallel_loop3A_649 = arith.index_cast %parallel_loop3A_592 : i32 to index
        %parallel_loop3A_650 = arith.constant 64 : index
        %parallel_loop3A_651 = tpu.vector_load %arg10[%parallel_loop3A_649, %parallel_loop3A_650] {strides = array<i32>} : memref<80x128xf32, #tpu.memory_space<vmem>>, vector<1x16xf32>,
        %parallel_loop3A_652 = vector.shape_cast %parallel_loop3A_651 : vector<1x16xf32> to vector<16xf32>
        %parallel_loop3A_653 = arith.index_cast %parallel_loop3A_592 : i32 to index
        %parallel_loop3A_654 = arith.constant 64 : index
        %parallel_loop3A_655 = tpu.vector_load %arg12[%parallel_loop3A_653, %parallel_loop3A_654] {strides = array<i32>} : memref<80x128xf32, #tpu.memory_space<vmem>>, vector<1x16xf32>,
        %parallel_loop3A_656 = vector.shape_cast %parallel_loop3A_655 : vector<1x16xf32> to vector<16xf32>
        %parallel_loop3A_657 = arith.mulf %parallel_loop3A_652, %parallel_loop3A_656 : vector<16xf32>
        %parallel_loop3A_658 = arith.index_cast %parallel_loop3A_592 : i32 to index
        %parallel_loop3A_659 = arith.constant 64 : index
        %parallel_loop3A_660 = tpu.vector_load %arg10[%parallel_loop3A_658, %parallel_loop3A_659] {strides = array<i32>} : memref<80x128xf32, #tpu.memory_space<vmem>>, vector<1x16xf32>,
        %parallel_loop3A_661 = vector.shape_cast %parallel_loop3A_660 : vector<1x16xf32> to vector<16xf32>
        %parallel_loop3A_662 = vector.shape_cast %parallel_loop3A_657 : vector<16xf32> to vector<1x16xf32>
        tpu.vector_store %arg10[%parallel_loop3A_658, %parallel_loop3A_659], %parallel_loop3A_662 {strides = array<i32>} : memref<80x128xf32, #tpu.memory_space<vmem>>, vector<1x16xf32>,
        %parallel_loop3A_663 = arith.index_cast %parallel_loop3A_592 : i32 to index
        %parallel_loop3A_664 = arith.constant 80 : index
        %parallel_loop3A_665 = tpu.vector_load %arg10[%parallel_loop3A_663, %parallel_loop3A_664] {strides = array<i32>} : memref<80x128xf32, #tpu.memory_space<vmem>>, vector<1x16xf32>,
        %parallel_loop3A_666 = vector.shape_cast %parallel_loop3A_665 : vector<1x16xf32> to vector<16xf32>
        %parallel_loop3A_667 = arith.index_cast %parallel_loop3A_592 : i32 to index
        %parallel_loop3A_668 = arith.constant 80 : index
        %parallel_loop3A_669 = tpu.vector_load %arg12[%parallel_loop3A_667, %parallel_loop3A_668] {strides = array<i32>} : memref<80x128xf32, #tpu.memory_space<vmem>>, vector<1x16xf32>,
        %parallel_loop3A_670 = vector.shape_cast %parallel_loop3A_669 : vector<1x16xf32> to vector<16xf32>
        %parallel_loop3A_671 = arith.mulf %parallel_loop3A_666, %parallel_loop3A_670 : vector<16xf32>
        %parallel_loop3A_672 = arith.index_cast %parallel_loop3A_592 : i32 to index
        %parallel_loop3A_673 = arith.constant 80 : index
        %parallel_loop3A_674 = tpu.vector_load %arg10[%parallel_loop3A_672, %parallel_loop3A_673] {strides = array<i32>} : memref<80x128xf32, #tpu.memory_space<vmem>>, vector<1x16xf32>,
        %parallel_loop3A_675 = vector.shape_cast %parallel_loop3A_674 : vector<1x16xf32> to vector<16xf32>
        %parallel_loop3A_676 = vector.shape_cast %parallel_loop3A_671 : vector<16xf32> to vector<1x16xf32>
        tpu.vector_store %arg10[%parallel_loop3A_672, %parallel_loop3A_673], %parallel_loop3A_676 {strides = array<i32>} : memref<80x128xf32, #tpu.memory_space<vmem>>, vector<1x16xf32>,
        %parallel_loop3A_677 = arith.index_cast %parallel_loop3A_592 : i32 to index
        %parallel_loop3A_678 = arith.constant 96 : index
        %parallel_loop3A_679 = tpu.vector_load %arg10[%parallel_loop3A_677, %parallel_loop3A_678] {strides = array<i32>} : memref<80x128xf32, #tpu.memory_space<vmem>>, vector<1x16xf32>,
        %parallel_loop3A_680 = vector.shape_cast %parallel_loop3A_679 : vector<1x16xf32> to vector<16xf32>
        %parallel_loop3A_681 = arith.index_cast %parallel_loop3A_592 : i32 to index
        %parallel_loop3A_682 = arith.constant 96 : index
        %parallel_loop3A_683 = tpu.vector_load %arg12[%parallel_loop3A_681, %parallel_loop3A_682] {strides = array<i32>} : memref<80x128xf32, #tpu.memory_space<vmem>>, vector<1x16xf32>,
        %parallel_loop3A_684 = vector.shape_cast %parallel_loop3A_683 : vector<1x16xf32> to vector<16xf32>
        %parallel_loop3A_685 = arith.mulf %parallel_loop3A_680, %parallel_loop3A_684 : vector<16xf32>
        %parallel_loop3A_686 = arith.index_cast %parallel_loop3A_592 : i32 to index
        %parallel_loop3A_687 = arith.constant 96 : index
        %parallel_loop3A_688 = tpu.vector_load %arg10[%parallel_loop3A_686, %parallel_loop3A_687] {strides = array<i32>} : memref<80x128xf32, #tpu.memory_space<vmem>>, vector<1x16xf32>,
        %parallel_loop3A_689 = vector.shape_cast %parallel_loop3A_688 : vector<1x16xf32> to vector<16xf32>
        %parallel_loop3A_690 = vector.shape_cast %parallel_loop3A_685 : vector<16xf32> to vector<1x16xf32>
        tpu.vector_store %arg10[%parallel_loop3A_686, %parallel_loop3A_687], %parallel_loop3A_690 {strides = array<i32>} : memref<80x128xf32, #tpu.memory_space<vmem>>, vector<1x16xf32>,
        %parallel_loop3A_691 = arith.index_cast %parallel_loop3A_592 : i32 to index
        %parallel_loop3A_692 = arith.constant 112 : index
        %parallel_loop3A_693 = tpu.vector_load %arg10[%parallel_loop3A_691, %parallel_loop3A_692] {strides = array<i32>} : memref<80x128xf32, #tpu.memory_space<vmem>>, vector<1x16xf32>,
        %parallel_loop3A_694 = vector.shape_cast %parallel_loop3A_693 : vector<1x16xf32> to vector<16xf32>
        %parallel_loop3A_695 = arith.index_cast %parallel_loop3A_592 : i32 to index
        %parallel_loop3A_696 = arith.constant 112 : index
        %parallel_loop3A_697 = tpu.vector_load %arg12[%parallel_loop3A_695, %parallel_loop3A_696] {strides = array<i32>} : memref<80x128xf32, #tpu.memory_space<vmem>>, vector<1x16xf32>,
        %parallel_loop3A_698 = vector.shape_cast %parallel_loop3A_697 : vector<1x16xf32> to vector<16xf32>
        %parallel_loop3A_699 = arith.mulf %parallel_loop3A_694, %parallel_loop3A_698 : vector<16xf32>
        %parallel_loop3A_700 = arith.index_cast %parallel_loop3A_592 : i32 to index
        %parallel_loop3A_701 = arith.constant 112 : index
        %parallel_loop3A_702 = tpu.vector_load %arg10[%parallel_loop3A_700, %parallel_loop3A_701] {strides = array<i32>} : memref<80x128xf32, #tpu.memory_space<vmem>>, vector<1x16xf32>,
        %parallel_loop3A_703 = vector.shape_cast %parallel_loop3A_702 : vector<1x16xf32> to vector<16xf32>
        %parallel_loop3A_704 = vector.shape_cast %parallel_loop3A_699 : vector<16xf32> to vector<1x16xf32>
        tpu.vector_store %arg10[%parallel_loop3A_700, %parallel_loop3A_701], %parallel_loop3A_704 {strides = array<i32>} : memref<80x128xf32, #tpu.memory_space<vmem>>, vector<1x16xf32>,
      } {sc.loop_unroll_factor = 4 : i64, sc.parallel_access}
      %mul3A_552 = arith.constant 10000 : i32
      %mul3A_553 = arith.muli %add3A, %mul3A_552 : i32
      %mul3A_554 = arith.constant 80 : i32
      %mul3A_555 = arith.muli %add3A_528, %mul3A_554 : i32
      %add3A_556 = arith.addi %mul3A_553, %mul3A_555 : i32
      %dma_wait3A_557 = tpu.memref_slice %arg4[%add3A_556] : memref<320000xi32, #tpu.memory_space<hbm>> -> memref<80xi32, #tpu.memory_space<hbm>>
      %dma_wait3A_558 = tpu.memref_slice %arg4[%add3A_556] : memref<320000xi32, #tpu.memory_space<hbm>> -> memref<80xi32, #tpu.memory_space<hbm>>
      tpu.wait_dma2 semaphore(%arg30 : memref<!tpu.dma_semaphore, #tpu.memory_space<semaphore_mem>>) src(%dma_wait3A_558 : memref<80xi32, #tpu.memory_space<hbm>>) dst(%arg18 : memref<80xi32, #tpu.memory_space<vmem>>)
      %dma_start3A_559 = arith.constant 0 : i32
      %dma_start3A_560 = arith.constant 0 : i32
      %dma_start3A_561 = tpu.memref_slice %arg8[%dma_start3A_559, %dma_start3A_560] : memref<10240x128xf32, #tpu.memory_space<vmem_shared>> -> memref<10240x128xf32, #tpu.memory_space<vmem_shared>>
      tpu.enqueue_indirect_dma source(%arg10 : memref<80x128xf32, #tpu.memory_space<vmem>>) target(%dma_start3A_561 : memref<10240x128xf32, #tpu.memory_space<vmem_shared>>) offsets(%arg18 : memref<80xi32, #tpu.memory_space<vmem>>) semaphore(%arg24 : memref<!tpu.dma_semaphore, #tpu.memory_space<semaphore_mem>>) {add = true}
      %convert_element_type3A_562 = arith.extui %le3A_532 : i1 to i32
      %cond3A_563 = arith.constant 0 : i32
      %cond3A_564 = arith.cmpi ne, %convert_element_type3A_562, %cond3A_563 : i32
      scf.if %cond3A_564 {
        %add3A_592 = arith.constant 2 : i32
        %add3A_593 = arith.addi %add3A_528, %add3A_592 : i32
        %mul3A_594 = arith.constant 10000 : i32
        %mul3A_595 = arith.muli %add3A, %mul3A_594 : i32
        %mul3A_596 = arith.constant 80 : i32
        %mul3A_597 = arith.muli %add3A_593, %mul3A_596 : i32
        %add3A_598 = arith.addi %mul3A_595, %mul3A_597 : i32
        %dma_wait3A_599 = tpu.memref_slice %arg3[%add3A_598] : memref<320000xi32, #tpu.memory_space<hbm>> -> memref<80xi32, #tpu.memory_space<hbm>>
        %dma_wait3A_600 = tpu.memref_slice %arg3[%add3A_598] : memref<320000xi32, #tpu.memory_space<hbm>> -> memref<80xi32, #tpu.memory_space<hbm>>
        tpu.wait_dma2 semaphore(%arg26 : memref<!tpu.dma_semaphore, #tpu.memory_space<semaphore_mem>>) src(%dma_wait3A_600 : memref<80xi32, #tpu.memory_space<hbm>>) dst(%arg14 : memref<80xi32, #tpu.memory_space<vmem>>)
        %add3A_601 = arith.constant 2 : i32
        %add3A_602 = arith.addi %add3A_528, %add3A_601 : i32
        %dma_start3A_603 = arith.constant 0 : i32
        %dma_start3A_604 = arith.constant 0 : i32
        %dma_start3A_605 = tpu.memref_slice %arg2[%dma_start3A_603, %dma_start3A_604] : memref<10000x128xf32, #tpu.memory_space<hbm>> -> memref<10000x128xf32, #tpu.memory_space<hbm>>
        tpu.enqueue_indirect_dma source(%dma_start3A_605 : memref<10000x128xf32, #tpu.memory_space<hbm>>) target(%arg12 : memref<80x128xf32, #tpu.memory_space<vmem>>) offsets(%arg14 : memref<80xi32, #tpu.memory_space<vmem>>) semaphore(%arg22 : memref<!tpu.dma_semaphore, #tpu.memory_space<semaphore_mem>>)
      } else {
      }
      %dma_wait3A_565 = arith.constant 0 : i32
      %dma_wait3A_566 = arith.constant 0 : i32
      %dma_wait3A_567 = tpu.memref_slice %arg8[%dma_wait3A_565, %dma_wait3A_566] : memref<10240x128xf32, #tpu.memory_space<vmem_shared>> -> memref<10240x128xf32, #tpu.memory_space<vmem_shared>>
      tpu.wait_indirect_dma semaphore(%arg23 : memref<!tpu.dma_semaphore, #tpu.memory_space<semaphore_mem>>) src(%arg9 : memref<80x128xf32, #tpu.memory_space<vmem>>) dst(%dma_wait3A_567 : memref<10240x128xf32, #tpu.memory_space<vmem_shared>>)
      %add3A_568 = arith.constant 1 : i32
      %add3A_569 = arith.addi %add3A_528, %add3A_568 : i32
      %mul3A_570 = arith.constant 10000 : i32
      %mul3A_571 = arith.muli %add3A, %mul3A_570 : i32
      %mul3A_572 = arith.constant 80 : i32
      %mul3A_573 = arith.muli %add3A_569, %mul3A_572 : i32
      %add3A_574 = arith.addi %mul3A_571, %mul3A_573 : i32
      %dma_start3A_575 = arith.constant 0 : i32
      %dma_start3A_576 = tpu.memref_slice %arg5[%add3A_574, %dma_start3A_575] : memref<320000x128xf32, #tpu.memory_space<hbm>> -> memref<80x128xf32, #tpu.memory_space<hbm>>
      %dma_start3A_577 = arith.constant 0 : i32
      %dma_start3A_578 = tpu.memref_slice %arg5[%add3A_574, %dma_start3A_577] : memref<320000x128xf32, #tpu.memory_space<hbm>> -> memref<80x128xf32, #tpu.memory_space<hbm>>
      tpu.enqueue_dma source(%dma_start3A_578 : memref<80x128xf32, #tpu.memory_space<hbm>>) target(%arg9 : memref<80x128xf32, #tpu.memory_space<vmem>>) target_semaphore(%arg19 : memref<!tpu.dma_semaphore, #tpu.memory_space<semaphore_mem>>)
      %add3A_579 = arith.constant 1 : i32
      %add3A_580 = arith.addi %add3A_528, %add3A_579 : i32
      %mul3A_581 = arith.constant 10000 : i32
      %mul3A_582 = arith.muli %add3A, %mul3A_581 : i32
      %mul3A_583 = arith.constant 80 : i32
      %mul3A_584 = arith.muli %add3A_580, %mul3A_583 : i32
      %add3A_585 = arith.addi %mul3A_582, %mul3A_584 : i32
      %dma_start3A_586 = tpu.memref_slice %arg4[%add3A_585] : memref<320000xi32, #tpu.memory_space<hbm>> -> memref<80xi32, #tpu.memory_space<hbm>>
      %dma_start3A_587 = tpu.memref_slice %arg4[%add3A_585] : memref<320000xi32, #tpu.memory_space<hbm>> -> memref<80xi32, #tpu.memory_space<hbm>>
      tpu.enqueue_dma source(%dma_start3A_587 : memref<80xi32, #tpu.memory_space<hbm>>) target(%arg17 : memref<80xi32, #tpu.memory_space<vmem>>) target_semaphore(%arg29 : memref<!tpu.dma_semaphore, #tpu.memory_space<semaphore_mem>>)
      %convert_element_type3A_588 = arith.extui %le3A_536 : i1 to i32
      %cond3A_589 = arith.constant 0 : i32
      %cond3A_590 = arith.cmpi ne, %convert_element_type3A_588, %cond3A_589 : i32
      scf.if %cond3A_590 {
        %add3A_592 = arith.constant 4 : i32
        %add3A_593 = arith.addi %add3A_528, %add3A_592 : i32
        %mul3A_594 = arith.constant 10000 : i32
        %mul3A_595 = arith.muli %add3A, %mul3A_594 : i32
        %mul3A_596 = arith.constant 80 : i32
        %mul3A_597 = arith.muli %add3A_593, %mul3A_596 : i32
        %add3A_598 = arith.addi %mul3A_595, %mul3A_597 : i32
        %dma_start3A_599 = tpu.memref_slice %arg3[%add3A_598] : memref<320000xi32, #tpu.memory_space<hbm>> -> memref<80xi32, #tpu.memory_space<hbm>>
        %dma_start3A_600 = tpu.memref_slice %arg3[%add3A_598] : memref<320000xi32, #tpu.memory_space<hbm>> -> memref<80xi32, #tpu.memory_space<hbm>>
        tpu.enqueue_dma source(%dma_start3A_600 : memref<80xi32, #tpu.memory_space<hbm>>) target(%arg16 : memref<80xi32, #tpu.memory_space<vmem>>) target_semaphore(%arg28 : memref<!tpu.dma_semaphore, #tpu.memory_space<semaphore_mem>>)
      } else {
      }
      %scan3A_591 = arith.constant 0 : i32
      scf.yield %scan3A_591 : i32
    }
    %scan3A_278 = arith.constant 30 : i32
    %mul3A_279 = arith.constant 10000 : i32
    %mul3A_280 = arith.muli %add3A, %mul3A_279 : i32
    %add3A_281 = arith.constant 9920 : i32
    %add3A_282 = arith.addi %mul3A_280, %add3A_281 : i32
    %dma_wait3A_283 = arith.constant 0 : i32
    %dma_wait3A_284 = tpu.memref_slice %arg5[%add3A_282, %dma_wait3A_283] : memref<320000x128xf32, #tpu.memory_space<hbm>> -> memref<80x128xf32, #tpu.memory_space<hbm>>
    %dma_wait3A_285 = arith.constant 0 : i32
    %dma_wait3A_286 = tpu.memref_slice %arg5[%add3A_282, %dma_wait3A_285] : memref<320000x128xf32, #tpu.memory_space<hbm>> -> memref<80x128xf32, #tpu.memory_space<hbm>>
    tpu.wait_dma2 semaphore(%arg19 : memref<!tpu.dma_semaphore, #tpu.memory_space<semaphore_mem>>) src(%dma_wait3A_286 : memref<80x128xf32, #tpu.memory_space<hbm>>) dst(%arg9 : memref<80x128xf32, #tpu.memory_space<vmem>>)
    %dma_wait3A_287 = arith.constant 0 : i32
    %dma_wait3A_288 = arith.constant 0 : i32
    %dma_wait3A_289 = tpu.memref_slice %arg2[%dma_wait3A_287, %dma_wait3A_288] : memref<10000x128xf32, #tpu.memory_space<hbm>> -> memref<10000x128xf32, #tpu.memory_space<hbm>>
    tpu.wait_indirect_dma semaphore(%arg21 : memref<!tpu.dma_semaphore, #tpu.memory_space<semaphore_mem>>) src(%dma_wait3A_289 : memref<10000x128xf32, #tpu.memory_space<hbm>>) dst(%arg11 : memref<80x128xf32, #tpu.memory_space<vmem>>)
    %parallel_loop3A_290 = arith.constant 0 : i32
    %parallel_loop3A_291 = arith.constant 80 : i32
    %parallel_loop3A_292 = arith.constant 1 : i32
    scf.for %parallel_loop3A_313 = %parallel_loop3A_290 to %parallel_loop3A_291 step %parallel_loop3A_292  : i32 {
      %parallel_loop3A_314 = arith.index_cast %parallel_loop3A_313 : i32 to index
      %parallel_loop3A_315 = arith.constant 0 : index
      %parallel_loop3A_316 = tpu.vector_load %arg9[%parallel_loop3A_314, %parallel_loop3A_315] {strides = array<i32>} : memref<80x128xf32, #tpu.memory_space<vmem>>, vector<1x16xf32>,
      %parallel_loop3A_317 = vector.shape_cast %parallel_loop3A_316 : vector<1x16xf32> to vector<16xf32>
      %parallel_loop3A_318 = arith.index_cast %parallel_loop3A_313 : i32 to index
      %parallel_loop3A_319 = arith.constant 0 : index
      %parallel_loop3A_320 = tpu.vector_load %arg11[%parallel_loop3A_318, %parallel_loop3A_319] {strides = array<i32>} : memref<80x128xf32, #tpu.memory_space<vmem>>, vector<1x16xf32>,
      %parallel_loop3A_321 = vector.shape_cast %parallel_loop3A_320 : vector<1x16xf32> to vector<16xf32>
      %parallel_loop3A_322 = arith.mulf %parallel_loop3A_317, %parallel_loop3A_321 : vector<16xf32>
      %parallel_loop3A_323 = arith.index_cast %parallel_loop3A_313 : i32 to index
      %parallel_loop3A_324 = arith.constant 0 : index
      %parallel_loop3A_325 = tpu.vector_load %arg9[%parallel_loop3A_323, %parallel_loop3A_324] {strides = array<i32>} : memref<80x128xf32, #tpu.memory_space<vmem>>, vector<1x16xf32>,
      %parallel_loop3A_326 = vector.shape_cast %parallel_loop3A_325 : vector<1x16xf32> to vector<16xf32>
      %parallel_loop3A_327 = vector.shape_cast %parallel_loop3A_322 : vector<16xf32> to vector<1x16xf32>
      tpu.vector_store %arg9[%parallel_loop3A_323, %parallel_loop3A_324], %parallel_loop3A_327 {strides = array<i32>} : memref<80x128xf32, #tpu.memory_space<vmem>>, vector<1x16xf32>,
      %parallel_loop3A_328 = arith.index_cast %parallel_loop3A_313 : i32 to index
      %parallel_loop3A_329 = arith.constant 16 : index
      %parallel_loop3A_330 = tpu.vector_load %arg9[%parallel_loop3A_328, %parallel_loop3A_329] {strides = array<i32>} : memref<80x128xf32, #tpu.memory_space<vmem>>, vector<1x16xf32>,
      %parallel_loop3A_331 = vector.shape_cast %parallel_loop3A_330 : vector<1x16xf32> to vector<16xf32>
      %parallel_loop3A_332 = arith.index_cast %parallel_loop3A_313 : i32 to index
      %parallel_loop3A_333 = arith.constant 16 : index
      %parallel_loop3A_334 = tpu.vector_load %arg11[%parallel_loop3A_332, %parallel_loop3A_333] {strides = array<i32>} : memref<80x128xf32, #tpu.memory_space<vmem>>, vector<1x16xf32>,
      %parallel_loop3A_335 = vector.shape_cast %parallel_loop3A_334 : vector<1x16xf32> to vector<16xf32>
      %parallel_loop3A_336 = arith.mulf %parallel_loop3A_331, %parallel_loop3A_335 : vector<16xf32>
      %parallel_loop3A_337 = arith.index_cast %parallel_loop3A_313 : i32 to index
      %parallel_loop3A_338 = arith.constant 16 : index
      %parallel_loop3A_339 = tpu.vector_load %arg9[%parallel_loop3A_337, %parallel_loop3A_338] {strides = array<i32>} : memref<80x128xf32, #tpu.memory_space<vmem>>, vector<1x16xf32>,
      %parallel_loop3A_340 = vector.shape_cast %parallel_loop3A_339 : vector<1x16xf32> to vector<16xf32>
      %parallel_loop3A_341 = vector.shape_cast %parallel_loop3A_336 : vector<16xf32> to vector<1x16xf32>
      tpu.vector_store %arg9[%parallel_loop3A_337, %parallel_loop3A_338], %parallel_loop3A_341 {strides = array<i32>} : memref<80x128xf32, #tpu.memory_space<vmem>>, vector<1x16xf32>,
      %parallel_loop3A_342 = arith.index_cast %parallel_loop3A_313 : i32 to index
      %parallel_loop3A_343 = arith.constant 32 : index
      %parallel_loop3A_344 = tpu.vector_load %arg9[%parallel_loop3A_342, %parallel_loop3A_343] {strides = array<i32>} : memref<80x128xf32, #tpu.memory_space<vmem>>, vector<1x16xf32>,
      %parallel_loop3A_345 = vector.shape_cast %parallel_loop3A_344 : vector<1x16xf32> to vector<16xf32>
      %parallel_loop3A_346 = arith.index_cast %parallel_loop3A_313 : i32 to index
      %parallel_loop3A_347 = arith.constant 32 : index
      %parallel_loop3A_348 = tpu.vector_load %arg11[%parallel_loop3A_346, %parallel_loop3A_347] {strides = array<i32>} : memref<80x128xf32, #tpu.memory_space<vmem>>, vector<1x16xf32>,
      %parallel_loop3A_349 = vector.shape_cast %parallel_loop3A_348 : vector<1x16xf32> to vector<16xf32>
      %parallel_loop3A_350 = arith.mulf %parallel_loop3A_345, %parallel_loop3A_349 : vector<16xf32>
      %parallel_loop3A_351 = arith.index_cast %parallel_loop3A_313 : i32 to index
      %parallel_loop3A_352 = arith.constant 32 : index
      %parallel_loop3A_353 = tpu.vector_load %arg9[%parallel_loop3A_351, %parallel_loop3A_352] {strides = array<i32>} : memref<80x128xf32, #tpu.memory_space<vmem>>, vector<1x16xf32>,
      %parallel_loop3A_354 = vector.shape_cast %parallel_loop3A_353 : vector<1x16xf32> to vector<16xf32>
      %parallel_loop3A_355 = vector.shape_cast %parallel_loop3A_350 : vector<16xf32> to vector<1x16xf32>
      tpu.vector_store %arg9[%parallel_loop3A_351, %parallel_loop3A_352], %parallel_loop3A_355 {strides = array<i32>} : memref<80x128xf32, #tpu.memory_space<vmem>>, vector<1x16xf32>,
      %parallel_loop3A_356 = arith.index_cast %parallel_loop3A_313 : i32 to index
      %parallel_loop3A_357 = arith.constant 48 : index
      %parallel_loop3A_358 = tpu.vector_load %arg9[%parallel_loop3A_356, %parallel_loop3A_357] {strides = array<i32>} : memref<80x128xf32, #tpu.memory_space<vmem>>, vector<1x16xf32>,
      %parallel_loop3A_359 = vector.shape_cast %parallel_loop3A_358 : vector<1x16xf32> to vector<16xf32>
      %parallel_loop3A_360 = arith.index_cast %parallel_loop3A_313 : i32 to index
      %parallel_loop3A_361 = arith.constant 48 : index
      %parallel_loop3A_362 = tpu.vector_load %arg11[%parallel_loop3A_360, %parallel_loop3A_361] {strides = array<i32>} : memref<80x128xf32, #tpu.memory_space<vmem>>, vector<1x16xf32>,
      %parallel_loop3A_363 = vector.shape_cast %parallel_loop3A_362 : vector<1x16xf32> to vector<16xf32>
      %parallel_loop3A_364 = arith.mulf %parallel_loop3A_359, %parallel_loop3A_363 : vector<16xf32>
      %parallel_loop3A_365 = arith.index_cast %parallel_loop3A_313 : i32 to index
      %parallel_loop3A_366 = arith.constant 48 : index
      %parallel_loop3A_367 = tpu.vector_load %arg9[%parallel_loop3A_365, %parallel_loop3A_366] {strides = array<i32>} : memref<80x128xf32, #tpu.memory_space<vmem>>, vector<1x16xf32>,
      %parallel_loop3A_368 = vector.shape_cast %parallel_loop3A_367 : vector<1x16xf32> to vector<16xf32>
      %parallel_loop3A_369 = vector.shape_cast %parallel_loop3A_364 : vector<16xf32> to vector<1x16xf32>
      tpu.vector_store %arg9[%parallel_loop3A_365, %parallel_loop3A_366], %parallel_loop3A_369 {strides = array<i32>} : memref<80x128xf32, #tpu.memory_space<vmem>>, vector<1x16xf32>,
      %parallel_loop3A_370 = arith.index_cast %parallel_loop3A_313 : i32 to index
      %parallel_loop3A_371 = arith.constant 64 : index
      %parallel_loop3A_372 = tpu.vector_load %arg9[%parallel_loop3A_370, %parallel_loop3A_371] {strides = array<i32>} : memref<80x128xf32, #tpu.memory_space<vmem>>, vector<1x16xf32>,
      %parallel_loop3A_373 = vector.shape_cast %parallel_loop3A_372 : vector<1x16xf32> to vector<16xf32>
      %parallel_loop3A_374 = arith.index_cast %parallel_loop3A_313 : i32 to index
      %parallel_loop3A_375 = arith.constant 64 : index
      %parallel_loop3A_376 = tpu.vector_load %arg11[%parallel_loop3A_374, %parallel_loop3A_375] {strides = array<i32>} : memref<80x128xf32, #tpu.memory_space<vmem>>, vector<1x16xf32>,
      %parallel_loop3A_377 = vector.shape_cast %parallel_loop3A_376 : vector<1x16xf32> to vector<16xf32>
      %parallel_loop3A_378 = arith.mulf %parallel_loop3A_373, %parallel_loop3A_377 : vector<16xf32>
      %parallel_loop3A_379 = arith.index_cast %parallel_loop3A_313 : i32 to index
      %parallel_loop3A_380 = arith.constant 64 : index
      %parallel_loop3A_381 = tpu.vector_load %arg9[%parallel_loop3A_379, %parallel_loop3A_380] {strides = array<i32>} : memref<80x128xf32, #tpu.memory_space<vmem>>, vector<1x16xf32>,
      %parallel_loop3A_382 = vector.shape_cast %parallel_loop3A_381 : vector<1x16xf32> to vector<16xf32>
      %parallel_loop3A_383 = vector.shape_cast %parallel_loop3A_378 : vector<16xf32> to vector<1x16xf32>
      tpu.vector_store %arg9[%parallel_loop3A_379, %parallel_loop3A_380], %parallel_loop3A_383 {strides = array<i32>} : memref<80x128xf32, #tpu.memory_space<vmem>>, vector<1x16xf32>,
      %parallel_loop3A_384 = arith.index_cast %parallel_loop3A_313 : i32 to index
      %parallel_loop3A_385 = arith.constant 80 : index
      %parallel_loop3A_386 = tpu.vector_load %arg9[%parallel_loop3A_384, %parallel_loop3A_385] {strides = array<i32>} : memref<80x128xf32, #tpu.memory_space<vmem>>, vector<1x16xf32>,
      %parallel_loop3A_387 = vector.shape_cast %parallel_loop3A_386 : vector<1x16xf32> to vector<16xf32>
      %parallel_loop3A_388 = arith.index_cast %parallel_loop3A_313 : i32 to index
      %parallel_loop3A_389 = arith.constant 80 : index
      %parallel_loop3A_390 = tpu.vector_load %arg11[%parallel_loop3A_388, %parallel_loop3A_389] {strides = array<i32>} : memref<80x128xf32, #tpu.memory_space<vmem>>, vector<1x16xf32>,
      %parallel_loop3A_391 = vector.shape_cast %parallel_loop3A_390 : vector<1x16xf32> to vector<16xf32>
      %parallel_loop3A_392 = arith.mulf %parallel_loop3A_387, %parallel_loop3A_391 : vector<16xf32>
      %parallel_loop3A_393 = arith.index_cast %parallel_loop3A_313 : i32 to index
      %parallel_loop3A_394 = arith.constant 80 : index
      %parallel_loop3A_395 = tpu.vector_load %arg9[%parallel_loop3A_393, %parallel_loop3A_394] {strides = array<i32>} : memref<80x128xf32, #tpu.memory_space<vmem>>, vector<1x16xf32>,
      %parallel_loop3A_396 = vector.shape_cast %parallel_loop3A_395 : vector<1x16xf32> to vector<16xf32>
      %parallel_loop3A_397 = vector.shape_cast %parallel_loop3A_392 : vector<16xf32> to vector<1x16xf32>
      tpu.vector_store %arg9[%parallel_loop3A_393, %parallel_loop3A_394], %parallel_loop3A_397 {strides = array<i32>} : memref<80x128xf32, #tpu.memory_space<vmem>>, vector<1x16xf32>,
      %parallel_loop3A_398 = arith.index_cast %parallel_loop3A_313 : i32 to index
      %parallel_loop3A_399 = arith.constant 96 : index
      %parallel_loop3A_400 = tpu.vector_load %arg9[%parallel_loop3A_398, %parallel_loop3A_399] {strides = array<i32>} : memref<80x128xf32, #tpu.memory_space<vmem>>, vector<1x16xf32>,
      %parallel_loop3A_401 = vector.shape_cast %parallel_loop3A_400 : vector<1x16xf32> to vector<16xf32>
      %parallel_loop3A_402 = arith.index_cast %parallel_loop3A_313 : i32 to index
      %parallel_loop3A_403 = arith.constant 96 : index
      %parallel_loop3A_404 = tpu.vector_load %arg11[%parallel_loop3A_402, %parallel_loop3A_403] {strides = array<i32>} : memref<80x128xf32, #tpu.memory_space<vmem>>, vector<1x16xf32>,
      %parallel_loop3A_405 = vector.shape_cast %parallel_loop3A_404 : vector<1x16xf32> to vector<16xf32>
      %parallel_loop3A_406 = arith.mulf %parallel_loop3A_401, %parallel_loop3A_405 : vector<16xf32>
      %parallel_loop3A_407 = arith.index_cast %parallel_loop3A_313 : i32 to index
      %parallel_loop3A_408 = arith.constant 96 : index
      %parallel_loop3A_409 = tpu.vector_load %arg9[%parallel_loop3A_407, %parallel_loop3A_408] {strides = array<i32>} : memref<80x128xf32, #tpu.memory_space<vmem>>, vector<1x16xf32>,
      %parallel_loop3A_410 = vector.shape_cast %parallel_loop3A_409 : vector<1x16xf32> to vector<16xf32>
      %parallel_loop3A_411 = vector.shape_cast %parallel_loop3A_406 : vector<16xf32> to vector<1x16xf32>
      tpu.vector_store %arg9[%parallel_loop3A_407, %parallel_loop3A_408], %parallel_loop3A_411 {strides = array<i32>} : memref<80x128xf32, #tpu.memory_space<vmem>>, vector<1x16xf32>,
      %parallel_loop3A_412 = arith.index_cast %parallel_loop3A_313 : i32 to index
      %parallel_loop3A_413 = arith.constant 112 : index
      %parallel_loop3A_414 = tpu.vector_load %arg9[%parallel_loop3A_412, %parallel_loop3A_413] {strides = array<i32>} : memref<80x128xf32, #tpu.memory_space<vmem>>, vector<1x16xf32>,
      %parallel_loop3A_415 = vector.shape_cast %parallel_loop3A_414 : vector<1x16xf32> to vector<16xf32>
      %parallel_loop3A_416 = arith.index_cast %parallel_loop3A_313 : i32 to index
      %parallel_loop3A_417 = arith.constant 112 : index
      %parallel_loop3A_418 = tpu.vector_load %arg11[%parallel_loop3A_416, %parallel_loop3A_417] {strides = array<i32>} : memref<80x128xf32, #tpu.memory_space<vmem>>, vector<1x16xf32>,
      %parallel_loop3A_419 = vector.shape_cast %parallel_loop3A_418 : vector<1x16xf32> to vector<16xf32>
      %parallel_loop3A_420 = arith.mulf %parallel_loop3A_415, %parallel_loop3A_419 : vector<16xf32>
      %parallel_loop3A_421 = arith.index_cast %parallel_loop3A_313 : i32 to index
      %parallel_loop3A_422 = arith.constant 112 : index
      %parallel_loop3A_423 = tpu.vector_load %arg9[%parallel_loop3A_421, %parallel_loop3A_422] {strides = array<i32>} : memref<80x128xf32, #tpu.memory_space<vmem>>, vector<1x16xf32>,
      %parallel_loop3A_424 = vector.shape_cast %parallel_loop3A_423 : vector<1x16xf32> to vector<16xf32>
      %parallel_loop3A_425 = vector.shape_cast %parallel_loop3A_420 : vector<16xf32> to vector<1x16xf32>
      tpu.vector_store %arg9[%parallel_loop3A_421, %parallel_loop3A_422], %parallel_loop3A_425 {strides = array<i32>} : memref<80x128xf32, #tpu.memory_space<vmem>>, vector<1x16xf32>,
    } {sc.loop_unroll_factor = 4 : i64, sc.parallel_access}
    %mul3A_293 = arith.constant 10000 : i32
    %mul3A_294 = arith.muli %add3A, %mul3A_293 : i32
    %add3A_295 = arith.constant 9920 : i32
    %add3A_296 = arith.addi %mul3A_294, %add3A_295 : i32
    %dma_wait3A_297 = tpu.memref_slice %arg4[%add3A_296] : memref<320000xi32, #tpu.memory_space<hbm>> -> memref<80xi32, #tpu.memory_space<hbm>>
    %dma_wait3A_298 = tpu.memref_slice %arg4[%add3A_296] : memref<320000xi32, #tpu.memory_space<hbm>> -> memref<80xi32, #tpu.memory_space<hbm>>
    tpu.wait_dma2 semaphore(%arg29 : memref<!tpu.dma_semaphore, #tpu.memory_space<semaphore_mem>>) src(%dma_wait3A_298 : memref<80xi32, #tpu.memory_space<hbm>>) dst(%arg17 : memref<80xi32, #tpu.memory_space<vmem>>)
    %dma_start3A_299 = arith.constant 0 : i32
    %dma_start3A_300 = arith.constant 0 : i32
    %dma_start3A_301 = tpu.memref_slice %arg8[%dma_start3A_299, %dma_start3A_300] : memref<10240x128xf32, #tpu.memory_space<vmem_shared>> -> memref<10240x128xf32, #tpu.memory_space<vmem_shared>>
    tpu.enqueue_indirect_dma source(%arg9 : memref<80x128xf32, #tpu.memory_space<vmem>>) target(%dma_start3A_301 : memref<10240x128xf32, #tpu.memory_space<vmem_shared>>) offsets(%arg17 : memref<80xi32, #tpu.memory_space<vmem>>) semaphore(%arg23 : memref<!tpu.dma_semaphore, #tpu.memory_space<semaphore_mem>>) {add = true}
    %dma_wait3A_302 = arith.constant 0 : i32
    %dma_wait3A_303 = arith.constant 0 : i32
    %dma_wait3A_304 = tpu.memref_slice %arg8[%dma_wait3A_302, %dma_wait3A_303] : memref<10240x128xf32, #tpu.memory_space<vmem_shared>> -> memref<10240x128xf32, #tpu.memory_space<vmem_shared>>
    tpu.wait_indirect_dma semaphore(%arg24 : memref<!tpu.dma_semaphore, #tpu.memory_space<semaphore_mem>>) src(%arg10 : memref<80x128xf32, #tpu.memory_space<vmem>>) dst(%dma_wait3A_304 : memref<10240x128xf32, #tpu.memory_space<vmem_shared>>)
    %dma_wait3A_305 = arith.constant 0 : i32
    %dma_wait3A_306 = arith.constant 0 : i32
    %dma_wait3A_307 = tpu.memref_slice %arg8[%dma_wait3A_305, %dma_wait3A_306] : memref<10240x128xf32, #tpu.memory_space<vmem_shared>> -> memref<10240x128xf32, #tpu.memory_space<vmem_shared>>
    tpu.wait_indirect_dma semaphore(%arg23 : memref<!tpu.dma_semaphore, #tpu.memory_space<semaphore_mem>>) src(%arg9 : memref<80x128xf32, #tpu.memory_space<vmem>>) dst(%dma_wait3A_307 : memref<10240x128xf32, #tpu.memory_space<vmem_shared>>)
    %barrier3A_308 = arith.constant 0 : index
    tpu.barrier barrier_id(%barrier3A_308)
    %mul3A_309 = arith.constant 640 : i32
    %mul3A_310 = arith.muli %arg1, %mul3A_309 : i32
    %mul3A_311 = arith.constant 640 : i32
    %mul3A_312 = arith.muli %arg1, %mul3A_311 : i32
    "tpu.region"() ({
      %run_scoped3A = tpu.sem_alloc : memref<!tpu.dma_semaphore, #tpu.memory_space<semaphore_mem>>
      %dma_start3A_313 = arith.constant 0 : i32
      %dma_start3A_314 = tpu.memref_slice %arg7[%arg0, %mul3A_312, %dma_start3A_313] : memref<2x10240x128xf32, #tpu.memory_space<hbm>> -> memref<1x640x128xf32, #tpu.memory_space<hbm>>
      %dma_start3A_315 = tpu.memref_squeeze %dma_start3A_314 : memref<1x640x128xf32, #tpu.memory_space<hbm>> -> memref<640x128xf32, #tpu.memory_space<hbm>>
      %dma_start3A_316 = arith.constant 0 : i32
      %dma_start3A_317 = tpu.memref_slice %arg8[%mul3A_310, %dma_start3A_316] : memref<10240x128xf32, #tpu.memory_space<vmem_shared>> -> memref<640x128xf32, #tpu.memory_space<vmem_shared>>
      tpu.enqueue_dma source(%dma_start3A_317 : memref<640x128xf32, #tpu.memory_space<vmem_shared>>) target(%dma_start3A_315 : memref<640x128xf32, #tpu.memory_space<hbm>>) target_semaphore(%run_scoped3A : memref<!tpu.dma_semaphore, #tpu.memory_space<semaphore_mem>>)
      %dma_wait3A_318 = arith.constant 0 : i32
      %dma_wait3A_319 = tpu.memref_slice %arg7[%arg0, %mul3A_312, %dma_wait3A_318] : memref<2x10240x128xf32, #tpu.memory_space<hbm>> -> memref<1x640x128xf32, #tpu.memory_space<hbm>>
      %dma_wait3A_320 = tpu.memref_squeeze %dma_wait3A_319 : memref<1x640x128xf32, #tpu.memory_space<hbm>> -> memref<640x128xf32, #tpu.memory_space<hbm>>
      %dma_wait3A_321 = arith.constant 0 : i32
      %dma_wait3A_322 = tpu.memref_slice %arg8[%mul3A_310, %dma_wait3A_321] : memref<10240x128xf32, #tpu.memory_space<vmem_shared>> -> memref<640x128xf32, #tpu.memory_space<vmem_shared>>
      tpu.wait_dma2 semaphore(%run_scoped3A : memref<!tpu.dma_semaphore, #tpu.memory_space<semaphore_mem>>) src(%dma_wait3A_322 : memref<640x128xf32, #tpu.memory_space<vmem_shared>>) dst(%dma_wait3A_320 : memref<640x128xf32, #tpu.memory_space<hbm>>)
      tpu.yield
    }) : () -> ()
    return
  }
}

module attributes {stable_mosaic.version = 14 : i64} {
  func.func @_g_body(%arg0: i32, %arg1: memref<16000x16xf32, #tpu.memory_space<vmem>>, %arg2: memref<16x128xf32, #tpu.memory_space<vmem>>, %arg3: memref<1x128xf32, #tpu.memory_space<vmem>>, %arg4: memref<16000x128xf32, #tpu.memory_space<vmem>>) attributes {dimension_semantics = [#tpu.dimension_semantics<arbitrary>], iteration_bounds = array<i64: 20>, scalar_prefetch = 0 : i64, scratch_operands = 0 : i64, tpu.core_type = #tpu.core_type<tc>, window_params = [{transform_indices = @transform_0, window_bounds = array<i64: 16000, 16>}, {pipeline_mode = #tpu.pipeline_mode<synchronous>, transform_indices = @transform_1, window_bounds = array<i64: 16, 128>}, {pipeline_mode = #tpu.pipeline_mode<synchronous>, transform_indices = @transform_2, window_bounds = array<i64: 1, 128>}, {transform_indices = @transform_3, window_bounds = array<i64: 16000, 128>}]} {
    %get3A = arith.constant 0 : index
    %get3A_0 = arith.constant 0 : index
    %get3A_1 = vector.load %arg1[%get3A, %get3A_0] : memref<16000x16xf32, #tpu.memory_space<vmem>>, vector<16000x16xf32>
    %get3A_2 = arith.constant 0 : index
    %get3A_3 = arith.constant 0 : index
    %get3A_4 = vector.load %arg2[%get3A_2, %get3A_3] : memref<16x128xf32, #tpu.memory_space<vmem>>, vector<16x128xf32>
    %dot_general3A = arith.constant dense<0.000000e+00> : vector<16000x128xf32>
    %dot_general3A_5 = tpu.matmul %get3A_1, %get3A_4, %dot_general3A {dimension_numbers = #tpu.dot_dimension_numbers<[1], [0], [0], [1], [0, 0, 1, 1], [], []>, transpose_lhs_hint = false} : vector<16000x16xf32>, vector<16x128xf32>, vector<16000x128xf32> -> vector<16000x128xf32>
    %get3A_6 = arith.constant 0 : index
    %get3A_7 = arith.constant 0 : index
    %get3A_8 = vector.load %arg3[%get3A_6, %get3A_7] : memref<1x128xf32, #tpu.memory_space<vmem>>, vector<1x128xf32>
    %add3A = vector.broadcast %get3A_8 : vector<1x128xf32> to vector<16000x128xf32>
    %add3A_9 = arith.addf %dot_general3A_5, %add3A : vector<16000x128xf32>
    %swap3A = arith.constant 0 : index
    %swap3A_10 = arith.constant 0 : index
    %swap3A_11 = vector.load %arg4[%swap3A, %swap3A_10] : memref<16000x128xf32, #tpu.memory_space<vmem>>, vector<16000x128xf32>
    tpu.vector_store %arg4[%swap3A, %swap3A_10], %add3A_9 {strides = array<i32>} : memref<16000x128xf32, #tpu.memory_space<vmem>>, vector<16000x128xf32>,
    return
  }
  func.func @transform_0(%arg0: i32) -> (i32, i32) {
    %c0_i32 = arith.constant 0 : i32
    %c0_i32_0 = arith.constant 0 : i32
    return %arg0, %c0_i32 : i32, i32
  }
  func.func @transform_1(%arg0: i32) -> (i32, i32) {
    %c0_i32 = arith.constant 0 : i32
    %c0_i32_0 = arith.constant 0 : i32
    %c0_i32_1 = arith.constant 0 : i32
    return %c0_i32, %c0_i32_0 : i32, i32
  }
  func.func @transform_2(%arg0: i32) -> (i32, i32) {
    %c0_i32 = arith.constant 0 : i32
    %c0_i32_0 = arith.constant 0 : i32
    %c0_i32_1 = arith.constant 0 : i32
    return %c0_i32, %c0_i32_0 : i32, i32
  }
  func.func @transform_3(%arg0: i32) -> (i32, i32) {
    %c0_i32 = arith.constant 0 : i32
    %c0_i32_0 = arith.constant 0 : i32
    return %arg0, %c0_i32 : i32, i32
  }
}

module attributes {stable_mosaic.version = 14 : i64} {
  func.func @_y_body(%arg0: i32, %arg1: memref<1000x128xf32, #tpu.memory_space<vmem>>, %arg2: memref<128x128xf32, #tpu.memory_space<vmem>>, %arg3: memref<1x128xf32, #tpu.memory_space<vmem>>, %arg4: memref<1000x128xf32, #tpu.memory_space<vmem>>) attributes {dimension_semantics = [#tpu.dimension_semantics<arbitrary>], iteration_bounds = array<i64: 10>, scalar_prefetch = 0 : i64, scratch_operands = 0 : i64, tpu.core_type = #tpu.core_type<tc>, window_params = [{transform_indices = @transform_0, window_bounds = array<i64: 1000, 128>}, {pipeline_mode = #tpu.pipeline_mode<synchronous>, transform_indices = @transform_1, window_bounds = array<i64: 128, 128>}, {pipeline_mode = #tpu.pipeline_mode<synchronous>, transform_indices = @transform_2, window_bounds = array<i64: 1, 128>}, {transform_indices = @transform_3, window_bounds = array<i64: 1000, 128>}]} {
    %get3A = arith.constant 0 : index
    %get3A_0 = arith.constant 0 : index
    %get3A_1 = vector.load %arg1[%get3A, %get3A_0] : memref<1000x128xf32, #tpu.memory_space<vmem>>, vector<1000x128xf32>
    %get3A_2 = arith.constant 0 : index
    %get3A_3 = arith.constant 0 : index
    %get3A_4 = vector.load %arg2[%get3A_2, %get3A_3] : memref<128x128xf32, #tpu.memory_space<vmem>>, vector<128x128xf32>
    %dot_general3A = arith.constant dense<0.000000e+00> : vector<1000x128xf32>
    %dot_general3A_5 = tpu.matmul %get3A_1, %get3A_4, %dot_general3A {dimension_numbers = #tpu.dot_dimension_numbers<[1], [0], [0], [1], [0, 0, 1, 1], [], []>, transpose_lhs_hint = false} : vector<1000x128xf32>, vector<128x128xf32>, vector<1000x128xf32> -> vector<1000x128xf32>
    %get3A_6 = arith.constant 0 : index
    %get3A_7 = arith.constant 0 : index
    %get3A_8 = vector.load %arg3[%get3A_6, %get3A_7] : memref<1x128xf32, #tpu.memory_space<vmem>>, vector<1x128xf32>
    %add3A = vector.broadcast %get3A_8 : vector<1x128xf32> to vector<1000x128xf32>
    %add3A_9 = arith.addf %dot_general3A_5, %add3A : vector<1000x128xf32>
    %swap3A = arith.constant 0 : index
    %swap3A_10 = arith.constant 0 : index
    %swap3A_11 = vector.load %arg4[%swap3A, %swap3A_10] : memref<1000x128xf32, #tpu.memory_space<vmem>>, vector<1000x128xf32>
    tpu.vector_store %arg4[%swap3A, %swap3A_10], %add3A_9 {strides = array<i32>} : memref<1000x128xf32, #tpu.memory_space<vmem>>, vector<1000x128xf32>,
    return
  }
  func.func @transform_0(%arg0: i32) -> (i32, i32) {
    %c0_i32 = arith.constant 0 : i32
    %c0_i32_0 = arith.constant 0 : i32
    return %arg0, %c0_i32 : i32, i32
  }
  func.func @transform_1(%arg0: i32) -> (i32, i32) {
    %c0_i32 = arith.constant 0 : i32
    %c0_i32_0 = arith.constant 0 : i32
    %c0_i32_1 = arith.constant 0 : i32
    return %c0_i32, %c0_i32_0 : i32, i32
  }
  func.func @transform_2(%arg0: i32) -> (i32, i32) {
    %c0_i32 = arith.constant 0 : i32
    %c0_i32_0 = arith.constant 0 : i32
    %c0_i32_1 = arith.constant 0 : i32
    return %c0_i32, %c0_i32_0 : i32, i32
  }
  func.func @transform_3(%arg0: i32) -> (i32, i32) {
    %c0_i32 = arith.constant 0 : i32
    %c0_i32_0 = arith.constant 0 : i32
    return %arg0, %c0_i32 : i32, i32
  }
}

module attributes {stable_mosaic.version = 14 : i64} {
  func.func @_post_body(%arg0: i32, %arg1: memref<2x1000x128xf32, #tpu.memory_space<vmem>>, %arg2: memref<1000x128xf32, #tpu.memory_space<vmem>>, %arg3: memref<1x128xf32, #tpu.memory_space<vmem>>, %arg4: memref<5x128x128xf32, #tpu.memory_space<vmem>>, %arg5: memref<5x1x128xf32, #tpu.memory_space<vmem>>, %arg6: memref<5x128x128xf32, #tpu.memory_space<vmem>>, %arg7: memref<5x1x128xf32, #tpu.memory_space<vmem>>, %arg8: memref<128x128xf32, #tpu.memory_space<vmem>>, %arg9: memref<1x128xf32, #tpu.memory_space<vmem>>, %arg10: memref<5x128x128xf32, #tpu.memory_space<vmem>>, %arg11: memref<5x1x128xf32, #tpu.memory_space<vmem>>, %arg12: memref<5x128x128xf32, #tpu.memory_space<vmem>>, %arg13: memref<5x1x128xf32, #tpu.memory_space<vmem>>, %arg14: memref<1000x128xf32, #tpu.memory_space<vmem>>) attributes {dimension_semantics = [#tpu.dimension_semantics<arbitrary>], iteration_bounds = array<i64: 10>, scalar_prefetch = 0 : i64, scratch_operands = 0 : i64, tpu.core_type = #tpu.core_type<tc>, window_params = [{transform_indices = @transform_0, window_bounds = array<i64: 2, 1000, 128>}, {transform_indices = @transform_1, window_bounds = array<i64: 1000, 128>}, {pipeline_mode = #tpu.pipeline_mode<synchronous>, transform_indices = @transform_2, window_bounds = array<i64: 1, 128>}, {pipeline_mode = #tpu.pipeline_mode<synchronous>, transform_indices = @transform_3, window_bounds = array<i64: 5, 128, 128>}, {pipeline_mode = #tpu.pipeline_mode<synchronous>, transform_indices = @transform_4, window_bounds = array<i64: 5, 1, 128>}, {pipeline_mode = #tpu.pipeline_mode<synchronous>, transform_indices = @transform_5, window_bounds = array<i64: 5, 128, 128>}, {pipeline_mode = #tpu.pipeline_mode<synchronous>, transform_indices = @transform_6, window_bounds = array<i64: 5, 1, 128>}, {pipeline_mode = #tpu.pipeline_mode<synchronous>, transform_indices = @transform_7, window_bounds = array<i64: 128, 128>}, {pipeline_mode = #tpu.pipeline_mode<synchronous>, transform_indices = @transform_8, window_bounds = array<i64: 1, 128>}, {pipeline_mode = #tpu.pipeline_mode<synchronous>, transform_indices = @transform_9, window_bounds = array<i64: 5, 128, 128>}, {pipeline_mode = #tpu.pipeline_mode<synchronous>, transform_indices = @transform_10, window_bounds = array<i64: 5, 1, 128>}, {pipeline_mode = #tpu.pipeline_mode<synchronous>, transform_indices = @transform_11, window_bounds = array<i64: 5, 128, 128>}, {pipeline_mode = #tpu.pipeline_mode<synchronous>, transform_indices = @transform_12, window_bounds = array<i64: 5, 1, 128>}, {transform_indices = @transform_13, window_bounds = array<i64: 1000, 128>}]} {
    %get3A = arith.constant 0 : index
    %get3A_0 = arith.constant 0 : index
    %get3A_1 = arith.constant 0 : index
    %get3A_2 = vector.load %arg1[%get3A, %get3A_0, %get3A_1] : memref<2x1000x128xf32, #tpu.memory_space<vmem>>, vector<1x1000x128xf32>
    %get3A_3 = vector.shape_cast %get3A_2 : vector<1x1000x128xf32> to vector<1000x128xf32>
    %get3A_4 = arith.constant 1 : index
    %get3A_5 = arith.constant 0 : index
    %get3A_6 = arith.constant 0 : index
    %get3A_7 = vector.load %arg1[%get3A_4, %get3A_5, %get3A_6] : memref<2x1000x128xf32, #tpu.memory_space<vmem>>, vector<1x1000x128xf32>
    %get3A_8 = vector.shape_cast %get3A_7 : vector<1x1000x128xf32> to vector<1000x128xf32>
    %add3A = arith.addf %get3A_3, %get3A_8 : vector<1000x128xf32>
    %get3A_9 = arith.constant 0 : index
    %get3A_10 = arith.constant 0 : index
    %get3A_11 = arith.constant 0 : index
    %get3A_12 = vector.load %arg4[%get3A_9, %get3A_10, %get3A_11] : memref<5x128x128xf32, #tpu.memory_space<vmem>>, vector<1x128x128xf32>
    %get3A_13 = vector.shape_cast %get3A_12 : vector<1x128x128xf32> to vector<128x128xf32>
    %dot_general3A = arith.constant dense<0.000000e+00> : vector<1000x128xf32>
    %dot_general3A_14 = tpu.matmul %add3A, %get3A_13, %dot_general3A {dimension_numbers = #tpu.dot_dimension_numbers<[1], [0], [0], [1], [0, 0, 1, 1], [], []>, transpose_lhs_hint = false} : vector<1000x128xf32>, vector<128x128xf32>, vector<1000x128xf32> -> vector<1000x128xf32>
    %get3A_15 = arith.constant 0 : index
    %get3A_16 = arith.constant 0 : index
    %get3A_17 = arith.constant 0 : index
    %get3A_18 = vector.load %arg5[%get3A_15, %get3A_16, %get3A_17] : memref<5x1x128xf32, #tpu.memory_space<vmem>>, vector<1x1x128xf32>
    %get3A_19 = vector.shape_cast %get3A_18 : vector<1x1x128xf32> to vector<1x128xf32>
    %add3A_20 = vector.broadcast %get3A_19 : vector<1x128xf32> to vector<1000x128xf32>
    %add3A_21 = arith.addf %dot_general3A_14, %add3A_20 : vector<1000x128xf32>
    %get3A_22 = arith.constant 0 : index
    %get3A_23 = arith.constant 0 : index
    %get3A_24 = arith.constant 0 : index
    %get3A_25 = vector.load %arg6[%get3A_22, %get3A_23, %get3A_24] : memref<5x128x128xf32, #tpu.memory_space<vmem>>, vector<1x128x128xf32>
    %get3A_26 = vector.shape_cast %get3A_25 : vector<1x128x128xf32> to vector<128x128xf32>
    %dot_general3A_27 = arith.constant dense<0.000000e+00> : vector<1000x128xf32>
    %dot_general3A_28 = tpu.matmul %add3A_21, %get3A_26, %dot_general3A_27 {dimension_numbers = #tpu.dot_dimension_numbers<[1], [0], [0], [1], [0, 0, 1, 1], [], []>, transpose_lhs_hint = false} : vector<1000x128xf32>, vector<128x128xf32>, vector<1000x128xf32> -> vector<1000x128xf32>
    %add3A_29 = arith.addf %add3A, %dot_general3A_28 : vector<1000x128xf32>
    %get3A_30 = arith.constant 0 : index
    %get3A_31 = arith.constant 0 : index
    %get3A_32 = arith.constant 0 : index
    %get3A_33 = vector.load %arg7[%get3A_30, %get3A_31, %get3A_32] : memref<5x1x128xf32, #tpu.memory_space<vmem>>, vector<1x1x128xf32>
    %get3A_34 = vector.shape_cast %get3A_33 : vector<1x1x128xf32> to vector<1x128xf32>
    %add3A_35 = vector.broadcast %get3A_34 : vector<1x128xf32> to vector<1000x128xf32>
    %add3A_36 = arith.addf %add3A_29, %add3A_35 : vector<1000x128xf32>
    %get3A_37 = arith.constant 1 : index
    %get3A_38 = arith.constant 0 : index
    %get3A_39 = arith.constant 0 : index
    %get3A_40 = vector.load %arg4[%get3A_37, %get3A_38, %get3A_39] : memref<5x128x128xf32, #tpu.memory_space<vmem>>, vector<1x128x128xf32>
    %get3A_41 = vector.shape_cast %get3A_40 : vector<1x128x128xf32> to vector<128x128xf32>
    %dot_general3A_42 = arith.constant dense<0.000000e+00> : vector<1000x128xf32>
    %dot_general3A_43 = tpu.matmul %add3A_36, %get3A_41, %dot_general3A_42 {dimension_numbers = #tpu.dot_dimension_numbers<[1], [0], [0], [1], [0, 0, 1, 1], [], []>, transpose_lhs_hint = false} : vector<1000x128xf32>, vector<128x128xf32>, vector<1000x128xf32> -> vector<1000x128xf32>
    %get3A_44 = arith.constant 1 : index
    %get3A_45 = arith.constant 0 : index
    %get3A_46 = arith.constant 0 : index
    %get3A_47 = vector.load %arg5[%get3A_44, %get3A_45, %get3A_46] : memref<5x1x128xf32, #tpu.memory_space<vmem>>, vector<1x1x128xf32>
    %get3A_48 = vector.shape_cast %get3A_47 : vector<1x1x128xf32> to vector<1x128xf32>
    %add3A_49 = vector.broadcast %get3A_48 : vector<1x128xf32> to vector<1000x128xf32>
    %add3A_50 = arith.addf %dot_general3A_43, %add3A_49 : vector<1000x128xf32>
    %get3A_51 = arith.constant 1 : index
    %get3A_52 = arith.constant 0 : index
    %get3A_53 = arith.constant 0 : index
    %get3A_54 = vector.load %arg6[%get3A_51, %get3A_52, %get3A_53] : memref<5x128x128xf32, #tpu.memory_space<vmem>>, vector<1x128x128xf32>
    %get3A_55 = vector.shape_cast %get3A_54 : vector<1x128x128xf32> to vector<128x128xf32>
    %dot_general3A_56 = arith.constant dense<0.000000e+00> : vector<1000x128xf32>
    %dot_general3A_57 = tpu.matmul %add3A_50, %get3A_55, %dot_general3A_56 {dimension_numbers = #tpu.dot_dimension_numbers<[1], [0], [0], [1], [0, 0, 1, 1], [], []>, transpose_lhs_hint = false} : vector<1000x128xf32>, vector<128x128xf32>, vector<1000x128xf32> -> vector<1000x128xf32>
    %add3A_58 = arith.addf %add3A_36, %dot_general3A_57 : vector<1000x128xf32>
    %get3A_59 = arith.constant 1 : index
    %get3A_60 = arith.constant 0 : index
    %get3A_61 = arith.constant 0 : index
    %get3A_62 = vector.load %arg7[%get3A_59, %get3A_60, %get3A_61] : memref<5x1x128xf32, #tpu.memory_space<vmem>>, vector<1x1x128xf32>
    %get3A_63 = vector.shape_cast %get3A_62 : vector<1x1x128xf32> to vector<1x128xf32>
    %add3A_64 = vector.broadcast %get3A_63 : vector<1x128xf32> to vector<1000x128xf32>
    %add3A_65 = arith.addf %add3A_58, %add3A_64 : vector<1000x128xf32>
    %get3A_66 = arith.constant 2 : index
    %get3A_67 = arith.constant 0 : index
    %get3A_68 = arith.constant 0 : index
    %get3A_69 = vector.load %arg4[%get3A_66, %get3A_67, %get3A_68] : memref<5x128x128xf32, #tpu.memory_space<vmem>>, vector<1x128x128xf32>
    %get3A_70 = vector.shape_cast %get3A_69 : vector<1x128x128xf32> to vector<128x128xf32>
    %dot_general3A_71 = arith.constant dense<0.000000e+00> : vector<1000x128xf32>
    %dot_general3A_72 = tpu.matmul %add3A_65, %get3A_70, %dot_general3A_71 {dimension_numbers = #tpu.dot_dimension_numbers<[1], [0], [0], [1], [0, 0, 1, 1], [], []>, transpose_lhs_hint = false} : vector<1000x128xf32>, vector<128x128xf32>, vector<1000x128xf32> -> vector<1000x128xf32>
    %get3A_73 = arith.constant 2 : index
    %get3A_74 = arith.constant 0 : index
    %get3A_75 = arith.constant 0 : index
    %get3A_76 = vector.load %arg5[%get3A_73, %get3A_74, %get3A_75] : memref<5x1x128xf32, #tpu.memory_space<vmem>>, vector<1x1x128xf32>
    %get3A_77 = vector.shape_cast %get3A_76 : vector<1x1x128xf32> to vector<1x128xf32>
    %add3A_78 = vector.broadcast %get3A_77 : vector<1x128xf32> to vector<1000x128xf32>
    %add3A_79 = arith.addf %dot_general3A_72, %add3A_78 : vector<1000x128xf32>
    %get3A_80 = arith.constant 2 : index
    %get3A_81 = arith.constant 0 : index
    %get3A_82 = arith.constant 0 : index
    %get3A_83 = vector.load %arg6[%get3A_80, %get3A_81, %get3A_82] : memref<5x128x128xf32, #tpu.memory_space<vmem>>, vector<1x128x128xf32>
    %get3A_84 = vector.shape_cast %get3A_83 : vector<1x128x128xf32> to vector<128x128xf32>
    %dot_general3A_85 = arith.constant dense<0.000000e+00> : vector<1000x128xf32>
    %dot_general3A_86 = tpu.matmul %add3A_79, %get3A_84, %dot_general3A_85 {dimension_numbers = #tpu.dot_dimension_numbers<[1], [0], [0], [1], [0, 0, 1, 1], [], []>, transpose_lhs_hint = false} : vector<1000x128xf32>, vector<128x128xf32>, vector<1000x128xf32> -> vector<1000x128xf32>
    %add3A_87 = arith.addf %add3A_65, %dot_general3A_86 : vector<1000x128xf32>
    %get3A_88 = arith.constant 2 : index
    %get3A_89 = arith.constant 0 : index
    %get3A_90 = arith.constant 0 : index
    %get3A_91 = vector.load %arg7[%get3A_88, %get3A_89, %get3A_90] : memref<5x1x128xf32, #tpu.memory_space<vmem>>, vector<1x1x128xf32>
    %get3A_92 = vector.shape_cast %get3A_91 : vector<1x1x128xf32> to vector<1x128xf32>
    %add3A_93 = vector.broadcast %get3A_92 : vector<1x128xf32> to vector<1000x128xf32>
    %add3A_94 = arith.addf %add3A_87, %add3A_93 : vector<1000x128xf32>
    %get3A_95 = arith.constant 3 : index
    %get3A_96 = arith.constant 0 : index
    %get3A_97 = arith.constant 0 : index
    %get3A_98 = vector.load %arg4[%get3A_95, %get3A_96, %get3A_97] : memref<5x128x128xf32, #tpu.memory_space<vmem>>, vector<1x128x128xf32>
    %get3A_99 = vector.shape_cast %get3A_98 : vector<1x128x128xf32> to vector<128x128xf32>
    %dot_general3A_100 = arith.constant dense<0.000000e+00> : vector<1000x128xf32>
    %dot_general3A_101 = tpu.matmul %add3A_94, %get3A_99, %dot_general3A_100 {dimension_numbers = #tpu.dot_dimension_numbers<[1], [0], [0], [1], [0, 0, 1, 1], [], []>, transpose_lhs_hint = false} : vector<1000x128xf32>, vector<128x128xf32>, vector<1000x128xf32> -> vector<1000x128xf32>
    %get3A_102 = arith.constant 3 : index
    %get3A_103 = arith.constant 0 : index
    %get3A_104 = arith.constant 0 : index
    %get3A_105 = vector.load %arg5[%get3A_102, %get3A_103, %get3A_104] : memref<5x1x128xf32, #tpu.memory_space<vmem>>, vector<1x1x128xf32>
    %get3A_106 = vector.shape_cast %get3A_105 : vector<1x1x128xf32> to vector<1x128xf32>
    %add3A_107 = vector.broadcast %get3A_106 : vector<1x128xf32> to vector<1000x128xf32>
    %add3A_108 = arith.addf %dot_general3A_101, %add3A_107 : vector<1000x128xf32>
    %get3A_109 = arith.constant 3 : index
    %get3A_110 = arith.constant 0 : index
    %get3A_111 = arith.constant 0 : index
    %get3A_112 = vector.load %arg6[%get3A_109, %get3A_110, %get3A_111] : memref<5x128x128xf32, #tpu.memory_space<vmem>>, vector<1x128x128xf32>
    %get3A_113 = vector.shape_cast %get3A_112 : vector<1x128x128xf32> to vector<128x128xf32>
    %dot_general3A_114 = arith.constant dense<0.000000e+00> : vector<1000x128xf32>
    %dot_general3A_115 = tpu.matmul %add3A_108, %get3A_113, %dot_general3A_114 {dimension_numbers = #tpu.dot_dimension_numbers<[1], [0], [0], [1], [0, 0, 1, 1], [], []>, transpose_lhs_hint = false} : vector<1000x128xf32>, vector<128x128xf32>, vector<1000x128xf32> -> vector<1000x128xf32>
    %add3A_116 = arith.addf %add3A_94, %dot_general3A_115 : vector<1000x128xf32>
    %get3A_117 = arith.constant 3 : index
    %get3A_118 = arith.constant 0 : index
    %get3A_119 = arith.constant 0 : index
    %get3A_120 = vector.load %arg7[%get3A_117, %get3A_118, %get3A_119] : memref<5x1x128xf32, #tpu.memory_space<vmem>>, vector<1x1x128xf32>
    %get3A_121 = vector.shape_cast %get3A_120 : vector<1x1x128xf32> to vector<1x128xf32>
    %add3A_122 = vector.broadcast %get3A_121 : vector<1x128xf32> to vector<1000x128xf32>
    %add3A_123 = arith.addf %add3A_116, %add3A_122 : vector<1000x128xf32>
    %get3A_124 = arith.constant 4 : index
    %get3A_125 = arith.constant 0 : index
    %get3A_126 = arith.constant 0 : index
    %get3A_127 = vector.load %arg4[%get3A_124, %get3A_125, %get3A_126] : memref<5x128x128xf32, #tpu.memory_space<vmem>>, vector<1x128x128xf32>
    %get3A_128 = vector.shape_cast %get3A_127 : vector<1x128x128xf32> to vector<128x128xf32>
    %dot_general3A_129 = arith.constant dense<0.000000e+00> : vector<1000x128xf32>
    %dot_general3A_130 = tpu.matmul %add3A_123, %get3A_128, %dot_general3A_129 {dimension_numbers = #tpu.dot_dimension_numbers<[1], [0], [0], [1], [0, 0, 1, 1], [], []>, transpose_lhs_hint = false} : vector<1000x128xf32>, vector<128x128xf32>, vector<1000x128xf32> -> vector<1000x128xf32>
    %get3A_131 = arith.constant 4 : index
    %get3A_132 = arith.constant 0 : index
    %get3A_133 = arith.constant 0 : index
    %get3A_134 = vector.load %arg5[%get3A_131, %get3A_132, %get3A_133] : memref<5x1x128xf32, #tpu.memory_space<vmem>>, vector<1x1x128xf32>
    %get3A_135 = vector.shape_cast %get3A_134 : vector<1x1x128xf32> to vector<1x128xf32>
    %add3A_136 = vector.broadcast %get3A_135 : vector<1x128xf32> to vector<1000x128xf32>
    %add3A_137 = arith.addf %dot_general3A_130, %add3A_136 : vector<1000x128xf32>
    %get3A_138 = arith.constant 4 : index
    %get3A_139 = arith.constant 0 : index
    %get3A_140 = arith.constant 0 : index
    %get3A_141 = vector.load %arg6[%get3A_138, %get3A_139, %get3A_140] : memref<5x128x128xf32, #tpu.memory_space<vmem>>, vector<1x128x128xf32>
    %get3A_142 = vector.shape_cast %get3A_141 : vector<1x128x128xf32> to vector<128x128xf32>
    %dot_general3A_143 = arith.constant dense<0.000000e+00> : vector<1000x128xf32>
    %dot_general3A_144 = tpu.matmul %add3A_137, %get3A_142, %dot_general3A_143 {dimension_numbers = #tpu.dot_dimension_numbers<[1], [0], [0], [1], [0, 0, 1, 1], [], []>, transpose_lhs_hint = false} : vector<1000x128xf32>, vector<128x128xf32>, vector<1000x128xf32> -> vector<1000x128xf32>
    %add3A_145 = arith.addf %add3A_123, %dot_general3A_144 : vector<1000x128xf32>
    %get3A_146 = arith.constant 4 : index
    %get3A_147 = arith.constant 0 : index
    %get3A_148 = arith.constant 0 : index
    %get3A_149 = vector.load %arg7[%get3A_146, %get3A_147, %get3A_148] : memref<5x1x128xf32, #tpu.memory_space<vmem>>, vector<1x1x128xf32>
    %get3A_150 = vector.shape_cast %get3A_149 : vector<1x1x128xf32> to vector<1x128xf32>
    %add3A_151 = vector.broadcast %get3A_150 : vector<1x128xf32> to vector<1000x128xf32>
    %add3A_152 = arith.addf %add3A_145, %add3A_151 : vector<1000x128xf32>
    %get3A_153 = arith.constant 0 : index
    %get3A_154 = arith.constant 0 : index
    %get3A_155 = vector.load %arg3[%get3A_153, %get3A_154] : memref<1x128xf32, #tpu.memory_space<vmem>>, vector<1x128xf32>
    %get3A_156 = arith.constant 0 : index
    %get3A_157 = arith.constant 0 : index
    %get3A_158 = vector.load %arg2[%get3A_156, %get3A_157] : memref<1000x128xf32, #tpu.memory_space<vmem>>, vector<1000x128xf32>
    %mul3A = vector.broadcast %get3A_155 : vector<1x128xf32> to vector<1000x128xf32>
    %mul3A_159 = arith.mulf %mul3A, %get3A_158 : vector<1000x128xf32>
    %get3A_160 = arith.constant 0 : index
    %get3A_161 = arith.constant 0 : index
    %get3A_162 = vector.load %arg8[%get3A_160, %get3A_161] : memref<128x128xf32, #tpu.memory_space<vmem>>, vector<128x128xf32>
    %dot_general3A_163 = arith.constant dense<0.000000e+00> : vector<1000x128xf32>
    %dot_general3A_164 = tpu.matmul %add3A_152, %get3A_162, %dot_general3A_163 {dimension_numbers = #tpu.dot_dimension_numbers<[1], [0], [0], [1], [0, 0, 1, 1], [], []>, transpose_lhs_hint = false} : vector<1000x128xf32>, vector<128x128xf32>, vector<1000x128xf32> -> vector<1000x128xf32>
    %get3A_165 = arith.constant 0 : index
    %get3A_166 = arith.constant 0 : index
    %get3A_167 = vector.load %arg9[%get3A_165, %get3A_166] : memref<1x128xf32, #tpu.memory_space<vmem>>, vector<1x128xf32>
    %add3A_168 = vector.broadcast %get3A_167 : vector<1x128xf32> to vector<1000x128xf32>
    %add3A_169 = arith.addf %dot_general3A_164, %add3A_168 : vector<1000x128xf32>
    %add3A_170 = arith.addf %mul3A_159, %add3A_169 : vector<1000x128xf32>
    %get3A_171 = arith.constant 0 : index
    %get3A_172 = arith.constant 0 : index
    %get3A_173 = arith.constant 0 : index
    %get3A_174 = vector.load %arg10[%get3A_171, %get3A_172, %get3A_173] : memref<5x128x128xf32, #tpu.memory_space<vmem>>, vector<1x128x128xf32>
    %get3A_175 = vector.shape_cast %get3A_174 : vector<1x128x128xf32> to vector<128x128xf32>
    %dot_general3A_176 = arith.constant dense<0.000000e+00> : vector<1000x128xf32>
    %dot_general3A_177 = tpu.matmul %add3A_170, %get3A_175, %dot_general3A_176 {dimension_numbers = #tpu.dot_dimension_numbers<[1], [0], [0], [1], [0, 0, 1, 1], [], []>, transpose_lhs_hint = false} : vector<1000x128xf32>, vector<128x128xf32>, vector<1000x128xf32> -> vector<1000x128xf32>
    %get3A_178 = arith.constant 0 : index
    %get3A_179 = arith.constant 0 : index
    %get3A_180 = arith.constant 0 : index
    %get3A_181 = vector.load %arg11[%get3A_178, %get3A_179, %get3A_180] : memref<5x1x128xf32, #tpu.memory_space<vmem>>, vector<1x1x128xf32>
    %get3A_182 = vector.shape_cast %get3A_181 : vector<1x1x128xf32> to vector<1x128xf32>
    %add3A_183 = vector.broadcast %get3A_182 : vector<1x128xf32> to vector<1000x128xf32>
    %add3A_184 = arith.addf %dot_general3A_177, %add3A_183 : vector<1000x128xf32>
    %get3A_185 = arith.constant 0 : index
    %get3A_186 = arith.constant 0 : index
    %get3A_187 = arith.constant 0 : index
    %get3A_188 = vector.load %arg12[%get3A_185, %get3A_186, %get3A_187] : memref<5x128x128xf32, #tpu.memory_space<vmem>>, vector<1x128x128xf32>
    %get3A_189 = vector.shape_cast %get3A_188 : vector<1x128x128xf32> to vector<128x128xf32>
    %dot_general3A_190 = arith.constant dense<0.000000e+00> : vector<1000x128xf32>
    %dot_general3A_191 = tpu.matmul %add3A_184, %get3A_189, %dot_general3A_190 {dimension_numbers = #tpu.dot_dimension_numbers<[1], [0], [0], [1], [0, 0, 1, 1], [], []>, transpose_lhs_hint = false} : vector<1000x128xf32>, vector<128x128xf32>, vector<1000x128xf32> -> vector<1000x128xf32>
    %add3A_192 = arith.addf %add3A_170, %dot_general3A_191 : vector<1000x128xf32>
    %get3A_193 = arith.constant 0 : index
    %get3A_194 = arith.constant 0 : index
    %get3A_195 = arith.constant 0 : index
    %get3A_196 = vector.load %arg13[%get3A_193, %get3A_194, %get3A_195] : memref<5x1x128xf32, #tpu.memory_space<vmem>>, vector<1x1x128xf32>
    %get3A_197 = vector.shape_cast %get3A_196 : vector<1x1x128xf32> to vector<1x128xf32>
    %add3A_198 = vector.broadcast %get3A_197 : vector<1x128xf32> to vector<1000x128xf32>
    %add3A_199 = arith.addf %add3A_192, %add3A_198 : vector<1000x128xf32>
    %get3A_200 = arith.constant 1 : index
    %get3A_201 = arith.constant 0 : index
    %get3A_202 = arith.constant 0 : index
    %get3A_203 = vector.load %arg10[%get3A_200, %get3A_201, %get3A_202] : memref<5x128x128xf32, #tpu.memory_space<vmem>>, vector<1x128x128xf32>
    %get3A_204 = vector.shape_cast %get3A_203 : vector<1x128x128xf32> to vector<128x128xf32>
    %dot_general3A_205 = arith.constant dense<0.000000e+00> : vector<1000x128xf32>
    %dot_general3A_206 = tpu.matmul %add3A_199, %get3A_204, %dot_general3A_205 {dimension_numbers = #tpu.dot_dimension_numbers<[1], [0], [0], [1], [0, 0, 1, 1], [], []>, transpose_lhs_hint = false} : vector<1000x128xf32>, vector<128x128xf32>, vector<1000x128xf32> -> vector<1000x128xf32>
    %get3A_207 = arith.constant 1 : index
    %get3A_208 = arith.constant 0 : index
    %get3A_209 = arith.constant 0 : index
    %get3A_210 = vector.load %arg11[%get3A_207, %get3A_208, %get3A_209] : memref<5x1x128xf32, #tpu.memory_space<vmem>>, vector<1x1x128xf32>
    %get3A_211 = vector.shape_cast %get3A_210 : vector<1x1x128xf32> to vector<1x128xf32>
    %add3A_212 = vector.broadcast %get3A_211 : vector<1x128xf32> to vector<1000x128xf32>
    %add3A_213 = arith.addf %dot_general3A_206, %add3A_212 : vector<1000x128xf32>
    %get3A_214 = arith.constant 1 : index
    %get3A_215 = arith.constant 0 : index
    %get3A_216 = arith.constant 0 : index
    %get3A_217 = vector.load %arg12[%get3A_214, %get3A_215, %get3A_216] : memref<5x128x128xf32, #tpu.memory_space<vmem>>, vector<1x128x128xf32>
    %get3A_218 = vector.shape_cast %get3A_217 : vector<1x128x128xf32> to vector<128x128xf32>
    %dot_general3A_219 = arith.constant dense<0.000000e+00> : vector<1000x128xf32>
    %dot_general3A_220 = tpu.matmul %add3A_213, %get3A_218, %dot_general3A_219 {dimension_numbers = #tpu.dot_dimension_numbers<[1], [0], [0], [1], [0, 0, 1, 1], [], []>, transpose_lhs_hint = false} : vector<1000x128xf32>, vector<128x128xf32>, vector<1000x128xf32> -> vector<1000x128xf32>
    %add3A_221 = arith.addf %add3A_199, %dot_general3A_220 : vector<1000x128xf32>
    %get3A_222 = arith.constant 1 : index
    %get3A_223 = arith.constant 0 : index
    %get3A_224 = arith.constant 0 : index
    %get3A_225 = vector.load %arg13[%get3A_222, %get3A_223, %get3A_224] : memref<5x1x128xf32, #tpu.memory_space<vmem>>, vector<1x1x128xf32>
    %get3A_226 = vector.shape_cast %get3A_225 : vector<1x1x128xf32> to vector<1x128xf32>
    %add3A_227 = vector.broadcast %get3A_226 : vector<1x128xf32> to vector<1000x128xf32>
    %add3A_228 = arith.addf %add3A_221, %add3A_227 : vector<1000x128xf32>
    %get3A_229 = arith.constant 2 : index
    %get3A_230 = arith.constant 0 : index
    %get3A_231 = arith.constant 0 : index
    %get3A_232 = vector.load %arg10[%get3A_229, %get3A_230, %get3A_231] : memref<5x128x128xf32, #tpu.memory_space<vmem>>, vector<1x128x128xf32>
    %get3A_233 = vector.shape_cast %get3A_232 : vector<1x128x128xf32> to vector<128x128xf32>
    %dot_general3A_234 = arith.constant dense<0.000000e+00> : vector<1000x128xf32>
    %dot_general3A_235 = tpu.matmul %add3A_228, %get3A_233, %dot_general3A_234 {dimension_numbers = #tpu.dot_dimension_numbers<[1], [0], [0], [1], [0, 0, 1, 1], [], []>, transpose_lhs_hint = false} : vector<1000x128xf32>, vector<128x128xf32>, vector<1000x128xf32> -> vector<1000x128xf32>
    %get3A_236 = arith.constant 2 : index
    %get3A_237 = arith.constant 0 : index
    %get3A_238 = arith.constant 0 : index
    %get3A_239 = vector.load %arg11[%get3A_236, %get3A_237, %get3A_238] : memref<5x1x128xf32, #tpu.memory_space<vmem>>, vector<1x1x128xf32>
    %get3A_240 = vector.shape_cast %get3A_239 : vector<1x1x128xf32> to vector<1x128xf32>
    %add3A_241 = vector.broadcast %get3A_240 : vector<1x128xf32> to vector<1000x128xf32>
    %add3A_242 = arith.addf %dot_general3A_235, %add3A_241 : vector<1000x128xf32>
    %get3A_243 = arith.constant 2 : index
    %get3A_244 = arith.constant 0 : index
    %get3A_245 = arith.constant 0 : index
    %get3A_246 = vector.load %arg12[%get3A_243, %get3A_244, %get3A_245] : memref<5x128x128xf32, #tpu.memory_space<vmem>>, vector<1x128x128xf32>
    %get3A_247 = vector.shape_cast %get3A_246 : vector<1x128x128xf32> to vector<128x128xf32>
    %dot_general3A_248 = arith.constant dense<0.000000e+00> : vector<1000x128xf32>
    %dot_general3A_249 = tpu.matmul %add3A_242, %get3A_247, %dot_general3A_248 {dimension_numbers = #tpu.dot_dimension_numbers<[1], [0], [0], [1], [0, 0, 1, 1], [], []>, transpose_lhs_hint = false} : vector<1000x128xf32>, vector<128x128xf32>, vector<1000x128xf32> -> vector<1000x128xf32>
    %add3A_250 = arith.addf %add3A_228, %dot_general3A_249 : vector<1000x128xf32>
    %get3A_251 = arith.constant 2 : index
    %get3A_252 = arith.constant 0 : index
    %get3A_253 = arith.constant 0 : index
    %get3A_254 = vector.load %arg13[%get3A_251, %get3A_252, %get3A_253] : memref<5x1x128xf32, #tpu.memory_space<vmem>>, vector<1x1x128xf32>
    %get3A_255 = vector.shape_cast %get3A_254 : vector<1x1x128xf32> to vector<1x128xf32>
    %add3A_256 = vector.broadcast %get3A_255 : vector<1x128xf32> to vector<1000x128xf32>
    %add3A_257 = arith.addf %add3A_250, %add3A_256 : vector<1000x128xf32>
    %get3A_258 = arith.constant 3 : index
    %get3A_259 = arith.constant 0 : index
    %get3A_260 = arith.constant 0 : index
    %get3A_261 = vector.load %arg10[%get3A_258, %get3A_259, %get3A_260] : memref<5x128x128xf32, #tpu.memory_space<vmem>>, vector<1x128x128xf32>
    %get3A_262 = vector.shape_cast %get3A_261 : vector<1x128x128xf32> to vector<128x128xf32>
    %dot_general3A_263 = arith.constant dense<0.000000e+00> : vector<1000x128xf32>
    %dot_general3A_264 = tpu.matmul %add3A_257, %get3A_262, %dot_general3A_263 {dimension_numbers = #tpu.dot_dimension_numbers<[1], [0], [0], [1], [0, 0, 1, 1], [], []>, transpose_lhs_hint = false} : vector<1000x128xf32>, vector<128x128xf32>, vector<1000x128xf32> -> vector<1000x128xf32>
    %get3A_265 = arith.constant 3 : index
    %get3A_266 = arith.constant 0 : index
    %get3A_267 = arith.constant 0 : index
    %get3A_268 = vector.load %arg11[%get3A_265, %get3A_266, %get3A_267] : memref<5x1x128xf32, #tpu.memory_space<vmem>>, vector<1x1x128xf32>
    %get3A_269 = vector.shape_cast %get3A_268 : vector<1x1x128xf32> to vector<1x128xf32>
    %add3A_270 = vector.broadcast %get3A_269 : vector<1x128xf32> to vector<1000x128xf32>
    %add3A_271 = arith.addf %dot_general3A_264, %add3A_270 : vector<1000x128xf32>
    %get3A_272 = arith.constant 3 : index
    %get3A_273 = arith.constant 0 : index
    %get3A_274 = arith.constant 0 : index
    %get3A_275 = vector.load %arg12[%get3A_272, %get3A_273, %get3A_274] : memref<5x128x128xf32, #tpu.memory_space<vmem>>, vector<1x128x128xf32>
    %get3A_276 = vector.shape_cast %get3A_275 : vector<1x128x128xf32> to vector<128x128xf32>
    %dot_general3A_277 = arith.constant dense<0.000000e+00> : vector<1000x128xf32>
    %dot_general3A_278 = tpu.matmul %add3A_271, %get3A_276, %dot_general3A_277 {dimension_numbers = #tpu.dot_dimension_numbers<[1], [0], [0], [1], [0, 0, 1, 1], [], []>, transpose_lhs_hint = false} : vector<1000x128xf32>, vector<128x128xf32>, vector<1000x128xf32> -> vector<1000x128xf32>
    %add3A_279 = arith.addf %add3A_257, %dot_general3A_278 : vector<1000x128xf32>
    %get3A_280 = arith.constant 3 : index
    %get3A_281 = arith.constant 0 : index
    %get3A_282 = arith.constant 0 : index
    %get3A_283 = vector.load %arg13[%get3A_280, %get3A_281, %get3A_282] : memref<5x1x128xf32, #tpu.memory_space<vmem>>, vector<1x1x128xf32>
    %get3A_284 = vector.shape_cast %get3A_283 : vector<1x1x128xf32> to vector<1x128xf32>
    %add3A_285 = vector.broadcast %get3A_284 : vector<1x128xf32> to vector<1000x128xf32>
    %add3A_286 = arith.addf %add3A_279, %add3A_285 : vector<1000x128xf32>
    %get3A_287 = arith.constant 4 : index
    %get3A_288 = arith.constant 0 : index
    %get3A_289 = arith.constant 0 : index
    %get3A_290 = vector.load %arg10[%get3A_287, %get3A_288, %get3A_289] : memref<5x128x128xf32, #tpu.memory_space<vmem>>, vector<1x128x128xf32>
    %get3A_291 = vector.shape_cast %get3A_290 : vector<1x128x128xf32> to vector<128x128xf32>
    %dot_general3A_292 = arith.constant dense<0.000000e+00> : vector<1000x128xf32>
    %dot_general3A_293 = tpu.matmul %add3A_286, %get3A_291, %dot_general3A_292 {dimension_numbers = #tpu.dot_dimension_numbers<[1], [0], [0], [1], [0, 0, 1, 1], [], []>, transpose_lhs_hint = false} : vector<1000x128xf32>, vector<128x128xf32>, vector<1000x128xf32> -> vector<1000x128xf32>
    %get3A_294 = arith.constant 4 : index
    %get3A_295 = arith.constant 0 : index
    %get3A_296 = arith.constant 0 : index
    %get3A_297 = vector.load %arg11[%get3A_294, %get3A_295, %get3A_296] : memref<5x1x128xf32, #tpu.memory_space<vmem>>, vector<1x1x128xf32>
    %get3A_298 = vector.shape_cast %get3A_297 : vector<1x1x128xf32> to vector<1x128xf32>
    %add3A_299 = vector.broadcast %get3A_298 : vector<1x128xf32> to vector<1000x128xf32>
    %add3A_300 = arith.addf %dot_general3A_293, %add3A_299 : vector<1000x128xf32>
    %get3A_301 = arith.constant 4 : index
    %get3A_302 = arith.constant 0 : index
    %get3A_303 = arith.constant 0 : index
    %get3A_304 = vector.load %arg12[%get3A_301, %get3A_302, %get3A_303] : memref<5x128x128xf32, #tpu.memory_space<vmem>>, vector<1x128x128xf32>
    %get3A_305 = vector.shape_cast %get3A_304 : vector<1x128x128xf32> to vector<128x128xf32>
    %dot_general3A_306 = arith.constant dense<0.000000e+00> : vector<1000x128xf32>
    %dot_general3A_307 = tpu.matmul %add3A_300, %get3A_305, %dot_general3A_306 {dimension_numbers = #tpu.dot_dimension_numbers<[1], [0], [0], [1], [0, 0, 1, 1], [], []>, transpose_lhs_hint = false} : vector<1000x128xf32>, vector<128x128xf32>, vector<1000x128xf32> -> vector<1000x128xf32>
    %add3A_308 = arith.addf %add3A_286, %dot_general3A_307 : vector<1000x128xf32>
    %get3A_309 = arith.constant 4 : index
    %get3A_310 = arith.constant 0 : index
    %get3A_311 = arith.constant 0 : index
    %get3A_312 = vector.load %arg13[%get3A_309, %get3A_310, %get3A_311] : memref<5x1x128xf32, #tpu.memory_space<vmem>>, vector<1x1x128xf32>
    %get3A_313 = vector.shape_cast %get3A_312 : vector<1x1x128xf32> to vector<1x128xf32>
    %add3A_314 = vector.broadcast %get3A_313 : vector<1x128xf32> to vector<1000x128xf32>
    %add3A_315 = arith.addf %add3A_308, %add3A_314 : vector<1000x128xf32>
    %swap3A = arith.constant 0 : index
    %swap3A_316 = arith.constant 0 : index
    %swap3A_317 = vector.load %arg14[%swap3A, %swap3A_316] : memref<1000x128xf32, #tpu.memory_space<vmem>>, vector<1000x128xf32>
    tpu.vector_store %arg14[%swap3A, %swap3A_316], %add3A_315 {strides = array<i32>} : memref<1000x128xf32, #tpu.memory_space<vmem>>, vector<1000x128xf32>,
    return
  }
  func.func @transform_0(%arg0: i32) -> (i32, i32, i32) {
    %c0_i32 = arith.constant 0 : i32
    %c0_i32_0 = arith.constant 0 : i32
    %c0_i32_1 = arith.constant 0 : i32
    return %c0_i32, %arg0, %c0_i32_0 : i32, i32, i32
  }
  func.func @transform_1(%arg0: i32) -> (i32, i32) {
    %c0_i32 = arith.constant 0 : i32
    %c0_i32_0 = arith.constant 0 : i32
    return %arg0, %c0_i32 : i32, i32
  }
  func.func @transform_2(%arg0: i32) -> (i32, i32) {
    %c0_i32 = arith.constant 0 : i32
    %c0_i32_0 = arith.constant 0 : i32
    %c0_i32_1 = arith.constant 0 : i32
    return %c0_i32, %c0_i32_0 : i32, i32
  }
  func.func @transform_3(%arg0: i32) -> (i32, i32, i32) {
    %c0_i32 = arith.constant 0 : i32
    %c0_i32_0 = arith.constant 0 : i32
    %c0_i32_1 = arith.constant 0 : i32
    %c0_i32_2 = arith.constant 0 : i32
    return %c0_i32, %c0_i32_0, %c0_i32_1 : i32, i32, i32
  }
  func.func @transform_4(%arg0: i32) -> (i32, i32, i32) {
    %c0_i32 = arith.constant 0 : i32
    %c0_i32_0 = arith.constant 0 : i32
    %c0_i32_1 = arith.constant 0 : i32
    %c0_i32_2 = arith.constant 0 : i32
    return %c0_i32, %c0_i32_0, %c0_i32_1 : i32, i32, i32
  }
  func.func @transform_5(%arg0: i32) -> (i32, i32, i32) {
    %c0_i32 = arith.constant 0 : i32
    %c0_i32_0 = arith.constant 0 : i32
    %c0_i32_1 = arith.constant 0 : i32
    %c0_i32_2 = arith.constant 0 : i32
    return %c0_i32, %c0_i32_0, %c0_i32_1 : i32, i32, i32
  }
  func.func @transform_6(%arg0: i32) -> (i32, i32, i32) {
    %c0_i32 = arith.constant 0 : i32
    %c0_i32_0 = arith.constant 0 : i32
    %c0_i32_1 = arith.constant 0 : i32
    %c0_i32_2 = arith.constant 0 : i32
    return %c0_i32, %c0_i32_0, %c0_i32_1 : i32, i32, i32
  }
  func.func @transform_7(%arg0: i32) -> (i32, i32) {
    %c0_i32 = arith.constant 0 : i32
    %c0_i32_0 = arith.constant 0 : i32
    %c0_i32_1 = arith.constant 0 : i32
    return %c0_i32, %c0_i32_0 : i32, i32
  }
  func.func @transform_8(%arg0: i32) -> (i32, i32) {
    %c0_i32 = arith.constant 0 : i32
    %c0_i32_0 = arith.constant 0 : i32
    %c0_i32_1 = arith.constant 0 : i32
    return %c0_i32, %c0_i32_0 : i32, i32
  }
  func.func @transform_9(%arg0: i32) -> (i32, i32, i32) {
    %c0_i32 = arith.constant 0 : i32
    %c0_i32_0 = arith.constant 0 : i32
    %c0_i32_1 = arith.constant 0 : i32
    %c0_i32_2 = arith.constant 0 : i32
    return %c0_i32, %c0_i32_0, %c0_i32_1 : i32, i32, i32
  }
  func.func @transform_10(%arg0: i32) -> (i32, i32, i32) {
    %c0_i32 = arith.constant 0 : i32
    %c0_i32_0 = arith.constant 0 : i32
    %c0_i32_1 = arith.constant 0 : i32
    %c0_i32_2 = arith.constant 0 : i32
    return %c0_i32, %c0_i32_0, %c0_i32_1 : i32, i32, i32
  }
  func.func @transform_11(%arg0: i32) -> (i32, i32, i32) {
    %c0_i32 = arith.constant 0 : i32
    %c0_i32_0 = arith.constant 0 : i32
    %c0_i32_1 = arith.constant 0 : i32
    %c0_i32_2 = arith.constant 0 : i32
    return %c0_i32, %c0_i32_0, %c0_i32_1 : i32, i32, i32
  }
  func.func @transform_12(%arg0: i32) -> (i32, i32, i32) {
    %c0_i32 = arith.constant 0 : i32
    %c0_i32_0 = arith.constant 0 : i32
    %c0_i32_1 = arith.constant 0 : i32
    %c0_i32_2 = arith.constant 0 : i32
    return %c0_i32, %c0_i32_0, %c0_i32_1 : i32, i32, i32
  }
  func.func @transform_13(%arg0: i32) -> (i32, i32) {
    %c0_i32 = arith.constant 0 : i32
    %c0_i32_0 = arith.constant 0 : i32
    return %arg0, %c0_i32 : i32, i32
  }
}

</mosaic_0001>

<sc_bundles>
// kernel: kernel.6.cloned.1.call-start
scs
__scs_entry_jumppad:
0x0: {  	(pc) =	sbr.rel $0x88, $3  }
0x1: {  	(tag) =	ssettag $0x0;
	lr =	simm.s32 $0x1  }
0x2: {  	[smem:$0x3F8F] =	sst lr;
	_ =	strace $0xD0000000  }
0x3: {  	_ = 	snop  }
0x4: {  	_ = 	snop  }
0x5: {  	_ = 	snop  }
0x6: {  	_ = 	snop  }
0x7: {  	_ = 	snop  }
__scs_overlays_trampoline_lowered:
0x8: {  	[smem:$0x3F9E] =	sst s0  }
0x9: {  	[smem:$0x3F9F] =	sst s1  }
0xa: {  	[smem:$0x3FA0] =	sst s2  }
0xb: {  	[smem:$0x3FA1] =	sst s3  }
0xc: {  	[smem:$0x3FA2] =	sst s4  }
0xd: {  	[smem:$0x3FA3] =	sst s5  }
0xe: {  	[smem:$0x3FA4] =	sst s6  }
0xf: {  	[smem:$0x3FA5] =	sst s7  }
0x10: {  	[smem:$0x3FA6] =	sst s8  }
0x11: {  	[smem:$0x3FA7] =	sst s9;
	s0 =	simm.s32 @!p0 $0x0  }
0x12: {  	s1 =	sld [smem:$0x3F8D];
	s0 =	simm.s32 @p0 $0x1  }
0x13: {  	[smem:$0x3FA8] =	sst s0;
	s0 =	simm.s32 @!p1 $0x0  }
0x14: {  	s2 =	sld [smem:$0x3F8C];
	s0 =	simm.s32 @p1 $0x1  }
0x15: {  	[smem:$0x3FA9] =	sst s0;
	s0 =	simm.s32 @!p2 $0x0  }
0x16: {  	s3 =	sld [smem:$0x3FDB];
	s0 =	simm.s32 @p2 $0x1  }
0x17: {  	s4 =	simm.s32 $0x1BF5;
	[smem:$0x3FAB] =	sst s0  }
0x18: {  	s0 =	sld [smem:$0x3F8E];
	_ =	swait.ge [sflag:s4], $0x0  }
0x19: {  	s7 =	sld [smem:$0x3F8F]  }
0x1a: {  	s8 =	sadd.s32 $0xFFFFE003, lr  }
0x1b: {  	s9 =	sadd.s32 $0xFFFFFEF7, lr;
	s5 =	simm.s32 $0xFFFFFFFF;
	p2 =	slt.u32 s8, $0xFFFFF086  }
0x1c: {  	p1 =	slt.u32 s9, $0xF7A;
	s5 =	simm.s32 @!p2 $0x0  }
0x1d: {  	s5 =	simm.s32 @p1 $0x1;
	p0 =	seq.s32 s7, s2  }
0x1e: {  	s7 =	smul.u32 @!p0 $0xF7A, s2;
	p2 =	seq.s32 @!p0 s5, $0x0  }
0x1f: {  	s9 =	smul.u32 $0xF7A, s1;
	s8 =	simm.s32 @!p0 $0x1BF5;
	p2 =	por !p2, p0  }
0x20: {  	[sflag:s8] =	ssyncset.s32 @!p0 $0xFFFFF086;
	s6 =	sadd.s32 @!p0 s3, s7;
	s7 =	simm.s32 @!p0 $0x108  }
0x21: {  	s3 =	sadd.s32 s3, s9;
	s6 =	sadd.s32 @!p0 $0x88, s6;
	s7 =	simm.s32 @p2 $0x1082  }
0x22: {  	[simem:s7], [sflag:s8] =	dma.local @!p0 [hbm:s6], $0xF7A  }
0x23: {  	s9 =	sor.u32 $0xD0000000, s2;
	s6 =	simm.s32 $0x108;
	_ =	swait.ge @!p0 [sflag:s8], $0x0  }
0x24: {  	s3 =	sadd.s32 $0x88, s3;
	s6 =	simm.s32 @!p1 $0x1082;
	[sflag:s4] =	ssyncset.s32 $0xFFFFF086  }
0x25: {  	[simem:s6], [sflag:s4] =	dma.local [hbm:s3], $0xF7A  }
0x26: {  	[smem:$0x3F8F] =	sst s1;
	(tag) =	ssettag s2;
	_ =	strace s9  }
0x27: {  	s1 =	sld [smem:$0x3F9F]  }
0x28: {  	s2 =	sld [smem:$0x3FA0]  }
0x29: {  	s4 =	sld [smem:$0x3FA2]  }
0x2a: {  	p0 =	seq.s32 s5, $0x0;
	s5 =	sld [smem:$0x3FA3]  }
0x2b: {  	s6 =	sld [smem:$0x3FA4]  }
0x2c: {  	s7 =	sld [smem:$0x3FA5]  }
0x2d: {  	s3 =	simm.s32 $0x108;
	s8 =	sld [smem:$0x3FA6]  }
0x2e: {  	s3 =	simm.s32 @!p0 $0x1082;
	s9 =	sld [smem:$0x3FA7]  }
0x2f: {  	lr =	sadd.s32 s0, s3;
	s0 =	sld [smem:$0x3F9E]  }
0x30: {  	s3 =	sld [smem:$0x3FA1]  }
0x31: {  	[smem:$0x3FAA] =	sst s10  }
0x32: {  	s10 =	sld [smem:$0x3FA8];
	_ =	sdelay $0x3  }
0x33: {  	p0 =	seq.s32 s10, $0x1;
	s10 =	sld [smem:$0x3FAA];
	_ =	sdelay $0x3  }
0x34: {  	[smem:$0x3FAA] =	sst s10  }
0x35: {  	s10 =	sld [smem:$0x3FA9];
	_ =	sdelay $0x3  }
0x36: {  	p1 =	seq.s32 s10, $0x1;
	s10 =	sld [smem:$0x3FAA];
	_ =	sdelay $0x3  }
0x37: {  	[smem:$0x3FAA] =	sst s10  }
0x38: {  	s10 =	sld [smem:$0x3FAB]  }
0x39: {  	_ = 	snop;
	(pc) =	sbr.ind lr, $3  }
0x3a: {  	_ = 	snop  }
0x3b: {  	_ = 	snop  }
0x3c: {  	p2 =	seq.s32 s10, $0x1;
	s10 =	sld [smem:$0x3FAA]  }
0x3d: {  	_ =	shalt  }
0x3e: {  	_ =	shalt  }
0x3f: {  	_ =	shalt  }
0x40: {  	_ =	shalt  }
0x41: {  	_ =	shalt  }
0x42: {  	_ =	shalt  }
0x43: {  	_ =	shalt  }
0x44: {  	_ =	shalt  }
0x45: {  	_ =	shalt  }
0x46: {  	_ =	shalt  }
0x47: {  	_ =	shalt  }
0x48: {  	_ =	shalt  }
0x49: {  	_ =	shalt  }
0x4a: {  	_ =	shalt  }
0x4b: {  	_ =	shalt  }
0x4c: {  	_ =	shalt  }
0x4d: {  	_ =	shalt  }
0x4e: {  	_ =	shalt  }
0x4f: {  	_ =	shalt  }
0x50: {  	_ =	shalt  }
0x51: {  	_ =	shalt  }
0x52: {  	_ =	shalt  }
0x53: {  	_ =	shalt  }
0x54: {  	_ =	shalt  }
0x55: {  	_ =	shalt  }
0x56: {  	_ =	shalt  }
0x57: {  	_ =	shalt  }
0x58: {  	_ =	shalt  }
0x59: {  	_ =	shalt  }
0x5a: {  	_ =	shalt  }
0x5b: {  	_ =	shalt  }
0x5c: {  	_ =	shalt  }
0x5d: {  	_ =	shalt  }
0x5e: {  	_ =	shalt  }
0x5f: {  	_ =	shalt  }
0x60: {  	_ =	shalt  }
0x61: {  	_ =	shalt  }
0x62: {  	_ =	shalt  }
0x63: {  	_ =	shalt  }
0x64: {  	_ =	shalt  }
0x65: {  	_ =	shalt  }
0x66: {  	_ =	shalt  }
0x67: {  	_ =	shalt  }
0x68: {  	_ =	shalt  }
0x69: {  	_ =	shalt  }
0x6a: {  	_ =	shalt  }
0x6b: {  	_ =	shalt  }
0x6c: {  	_ =	shalt  }
0x6d: {  	_ =	shalt  }
0x6e: {  	_ =	shalt  }
0x6f: {  	_ =	shalt  }
0x70: {  	_ =	shalt  }
0x71: {  	_ =	shalt  }
0x72: {  	_ =	shalt  }
0x73: {  	_ =	shalt  }
0x74: {  	_ =	shalt  }
0x75: {  	_ =	shalt  }
0x76: {  	_ =	shalt  }
0x77: {  	_ =	shalt  }
0x78: {  	_ =	shalt  }
0x79: {  	_ =	shalt  }
0x7a: {  	_ =	shalt  }
0x7b: {  	_ =	shalt  }
0x7c: {  	_ =	shalt  }
0x7d: {  	_ =	shalt  }
0x7e: {  	_ =	shalt  }
0x7f: {  	_ =	shalt  }
0x80: {  	_ =	shalt  }
0x81: {  	_ =	shalt  }
0x82: {  	_ =	shalt  }
0x83: {  	_ =	shalt  }
0x84: {  	_ =	shalt  }
0x85: {  	_ =	shalt  }
0x86: {  	_ =	shalt  }
0x87: {  	_ =	shalt  }
.Lfunc_end0:
.L_simem_size_0:
called_computation_lowered:
.L_overlay_start_0:
0x88: {  	s2 =	sld [smem:$0x3FD9]  }
0x89: {  	s3 =	sld [smem:$0x3FFE];
	_ =	sdelay $0x1  }
0x8a: {  	s1 =	srdreg.scid  }
0x8b: {  	s0 =	sand.u32 $0x1, s1  }
0x8c: {  	s14 =	sshll.u32 s0, $0xA;
	s2 =	sadd.s32 s3, s2  }
0x8d: {  	s2 =	sadd.s32 s2, s14  }
0x8e: {  	[smem:$0x3FB6] =	sst s2  }
0x8f: {  	_ = 	snop  }
0x90: {  	s2 =	sld [smem:$0x3FD0];
	_ =	sdelay $0x2  }
0x91: {  	s15 =	simm.s32 $0xA;
	s4 =	simm.s32 $0x10  }
0x92: {  	[smem:s4], [sflag:s15] =	dma.local [hbm:s2], $0x1  }
0x93: {  	_ =	swait.eq [sflag:s15], $0x1  }
0x94: {  	[sflag:s15] =	ssyncset.done $0x0  }
0x95: {  	s16 =	sld [smem:$0x10];
	[sflag:s15] =	ssyncadd.s32 $0xFFFFFFFF  }
0x96: {  	s17 =	sld [smem:$0x11];
	(tm) =	ssettm $0x1  }
0x97: {  	s18 =	sld [smem:$0x3FFB];
	_ =	sdelay $0x3  }
0x98: {  	_ =	strace s18  }
0x99: {  	s4 =	sld [smem:$0x3FFC];
	_ =	sdelay $0x3  }
0x9a: {  	_ =	strace s4  }
0x9b: {  	s4 =	sld [smem:$0x3FFD];
	_ =	sdelay $0x3  }
0x9c: {  	_ =	strace s4  }
0x9d: {  	_ =	strace $0x8FFFFFFF  }
0x9e: {  	s19 =	sld [smem:$0x3FDB];
	_ =	sdelay $0x1  }
0x9f: {  	s5 =	simm.s32 $_scs_section_size  }
0xa0: {  	s6 =	simm.s32 $_size__tile_overlayer_lowered;
	s7 =	simm.s32 $_tile_overlayer_lowered  }
0xa1: {  	s22 =	simm.s32 $0x1BFF;
	s21 =	sshll.u32 s7, $0x1;
	s4 =	sadd.s32 s5, s19  }
0xa2: {  	s8 =	simm.s32 $0x0;
	s20 =	sshll.u32 s6, $0x1;
	s6 =	sadd.s32 s21, s4  }
0xa3: {  	[timem:s8], [sflag:s22] =	dma.local [hbm:s6], s20  }
0xa4: {  	_ =	swait.ge [sflag:s22], s20  }
0xa5: {  	s5 =	ssub.s32 $0x0, s20;
	[sflag:s22] =	ssyncset.done $0x0  }
0xa6: {  	[sflag:s22] =	ssyncadd.s32 s5;
	_ =	sdelay $0x1  }
0xa7: {  	s23 =	simm.s32 $0x1B8B  }
0xa8: {  	_ =	swait.ge [sflag:s23], $0x1  }
0xa9: {  	[sflag:s23] =	ssyncset.done $0x0  }
0xaa: {  	s25 =	simm.s32 $0x1B8E;
	s24 =	sld [smem:$0x3FFE];
	[sflag:s23] =	ssyncadd.s32 $0xFFFFFFFF  }
0xab: {  	s26 =	simm.s32 $execute0_lowered;
	[smem:$0x3FD2] =	sst s25  }
0xac: {  	s6 =	sshll.u32 s26, $0x1;
	_ =	strace $0x80000046;
	[dreg:$0x1] =	wrdreg $0xFFFFFFFF  }
0xad: {  	s28 =	simm.s32 $_size_execute0_lowered;
	s4 =	sadd.s32 s4, s6;
	[dreg:$0x0] =	wrdreg $0x0  }
0xae: {  	s6 =	sshll.u32 s28, $0x1;
	[dreg:$0x2] =	wrdreg s4  }
0xaf: {  	[dreg:$0x3] =	wrdreg s6  }
0xb0: {  	[dreg:$0x4] =	wrdreg $0xC0  }
0xb1: {  	_ =	task [dreg:s8], $0x5FFFF  }
0xb2: {  	[dreg:$0x1] =	wrdreg $0xFFFFFFFF  }
0xb3: {  	[dreg:$0x0] =	wrdreg $0x60  }
0xb4: {  	[dreg:$0x2] =	wrdreg s16  }
0xb5: {  	[dreg:$0x3] =	wrdreg s24  }
0xb6: {  	[dreg:$0x4] =	wrdreg s17  }
0xb7: {  	[dreg:$0x5] =	wrdreg $0x0  }
0xb8: {  	[dreg:$0x6] =	wrdreg $0x9  }
0xb9: {  	_ =	task.clear_ibuf [dreg:s8], $0x7FFFF;
	_ =	strace $0x90000046  }
0xba: {  	s29 =	simm.s32 $0x9;
	_ =	strace $0x80000048  }
0xbb: {  	_ =	swait.ge [sflag:s29], $0x1  }
0xbc: {  	[sflag:s29] =	ssyncadd.s32 $0xFFFFFFFF  }
0xbd: {  	_ =	strace $0x90000048  }
0xbe: {  	_ =	sfence  }
0xbf: {  	s30 =	sld [smem:$0x0];
	_ =	sdelay $0x2  }
0xc0: {  	s31 =	sshll.u32 s1, $0xD;
	s1 =	sshrl.u32 s1, $0x2  }
0xc1: {  	s3 =	sand.u32 $0x4000, s31;
	s1 =	sadd.s32 s1, s30  }
0xc2: {  	s0 =	sor.u32 s3, s0;
	s1 =	sshll.u32 s1, $0x11  }
0xc3: {  	s0 =	sor.u32 s1, s0  }
0xc4: {  	s0 =	sadd.s32 $0x8F2B, s0  }
0xc5: {  	[sflag:s0] =	ssyncadd.remote.s32 $0x1  }
0xc6: {  	_ =	sfence.sel $0xFFFF  }
0xc7: {  	[dreg:$0x0] =	wrdreg $0xFFFFFFFF;
	(pc) =	sbr.abs _section_cstart, $3  }
0xc8: {  	[dreg:$0x1] =	wrdreg $0xFFFFFFFF  }
0xc9: {  	_ =	task.clear_ibuf [dreg:s8], $0x2FFFF;
	_ =	strace $0x9FFFFFFF  }
0xca: {  	(tm) =	ssettm $0x7FFFFFFF  }
0xcb: {  	_ =	shalt  }
tec
execute0_lowered:
.L_overlay_start_1:
0x0: {  	(tag) =	ssettag $0x1  }
0x1: {  	s1 =	rddreg [dreg:$0x0]  }
0x2: {  	s0 =	rddreg [dreg:$0x1]  }
0x3: {  	s2 =	rddreg [dreg:$0x2]  }
0x4: {  	s3 =	rddreg [dreg:$0x3];
	s4 =	srdreg.scid;
	s5 =	simm.s32 $0x0  }
0x5: {  	s17 =	stileid.u32;
	s30 =	simm.s32 $0x1;
	s31 =	simm.s32 $0x3  }
0x6: {  	s28 =	simm.s32 $0x5;
	s4 =	sand.u32 $0x1, s4;
	s9 =	smul.u32 $0x14000, s17  }
0x7: {  	[smem:$0x7FF] =	sst s5;
	s6 =	sadd.s32 $0x4EE800, s0;
	s22 =	smul.u32 $0x50000, s17  }
0x8: {  	s7 =	sadd.s32 $0x4E4A00, s0;
	s11 =	sadd.s32 $0x2A00, s0;
	s8 =	smul.u32 $0x140000, s4  }
0x9: {  	_ =	strace $0x80000047;
	s10 =	sshll.u32 s4, $0x4;
	s4 =	ssub.s32 $0x2, s4  }
0xa: {  	[dreg:$0x5] =	wrdreg s11;
	s11 =	simm.s32 $0x0;
	s23 =	sor.u32 s17, s10  }
0xb: {  	s25 =	sshrl.u32 s4, $0x1;
	s8 =	sadd.s32 s9, s8;
	s9 =	smul.u32 $0x27100, s23  }
0xc: {  	s4 =	ssub.s32 s4, s25;
	s24 =	sshrl.u32 s8, $0x3;
	s8 =	smul.u32 $0x2710, s23  }
0xd: {  	s25 =	sshrl.u32 s22, $0x2;
	s0 =	sadd.s32 s24, s0;
	s9 =	sadd.s32 s2, s9  }
0xe: {  	s26 =	sshrl.u32 s8, $0x3;
	[dreg:$0xa] =	wrdreg s9;
	s9 =	sadd.s32 s25, s3  }
0xf: {  	s29 =	sadd.s32 $0x50, s8;
	s22 =	sadd.s32 $0x230, s8;
	[dreg:$0xe] =	wrdreg s9  }
0x10: {  	s13 =	sadd.s32 $0xA0, s8;
	s0 =	sadd.s32 $0x5200, s0;
	[dreg:$0x18] =	wrdreg s22  }
0x11: {  	s15 =	sadd.s32 $0xF0, s8;
	s12 =	sadd.s32 s6, s26;
	[dreg:$0x1d] =	wrdreg s0  }
0x12: {  	s18 =	sshrl.u32 s29, $0x3;
	s10 =	sadd.s32 s7, s26;
	[dreg:$0x6] =	wrdreg s12  }
0x13: {  	s21 =	sshll.u32 s29, $0x4;
	s29 =	sadd.s32 $0x190, s8;
	[dreg:$0x9] =	wrdreg s10  }
0x14: {  	s19 =	sshrl.u32 s13, $0x3;
	s14 =	sadd.s32 s6, s18;
	[dreg:$0xd] =	wrdreg s29  }
0x15: {  	s20 =	sshrl.u32 s15, $0x3;
	s16 =	sadd.s32 s6, s19;
	[dreg:$0x7] =	wrdreg s14  }
0x16: {  	s26 =	sshll.u32 s13, $0x4;
	s23 =	sadd.s32 s7, s18;
	[dreg:$0x8] =	wrdreg s16  }
0x17: {  	s15 =	sshll.u32 s15, $0x4;
	s24 =	sadd.s32 s2, s21;
	[dreg:$0xb] =	wrdreg s23  }
0x18: {  	s0 =	simm.s32 $0xB;
	s12 =	sadd.s32 s2, s26;
	[dreg:$0xc] =	wrdreg s24  }
0x19: {  	s13 =	sshrl.u32 s29, $0x3;
	s17 =	sadd.s32 s6, s20;
	[dreg:$0xf] =	wrdreg s12  }
0x1a: {  	s18 =	sadd.s32 $0x1E0, s8;
	s29 =	smax.u32 s4, $0x1;
	[dreg:$0x13] =	wrdreg s17  }
0x1b: {  	s10 =	simm.s32 $0x4;
	s14 =	sadd.s32 s7, s19;
	[dreg:$0x14] =	wrdreg s18  }
0x1c: {  	s9 =	sadd.s32 s6, s13;
	s19 =	sadd.s32 s7, s20;
	[dreg:$0x1e] =	wrdreg s29  }
0x1d: {  	s20 =	sadd.s32 $0x140, s8;
	s24 =	sshrl.u32 s22, $0x3;
	[dreg:$0x10] =	wrdreg s14  }
0x1e: {  	s16 =	simm.s32 $0x14000;
	s22 =	simm.s32 $0x8;
	[dreg:$0x11] =	wrdreg s9  }
0x1f: {  	s12 =	simm.s32 $0xC;
	s13 =	simm.s32 $0x6;
	[dreg:$0x15] =	wrdreg s19  }
0x20: {  	s9 =	sadd.s32 s2, s15;
	s21 =	sshll.u32 s20, $0x4;
	[dreg:$0x16] =	wrdreg s20  }
0x21: {  	s23 =	sshrl.u32 s20, $0x3;
	s26 =	sadd.s32 s6, s24;
	s20 =	simm.s32 $0x1E080  }
0x22: {  	s15 =	simm.s32 $0x1E200;
	s19 =	simm.s32 $0x16800;
	[dreg:$0x12] =	wrdreg s9  }
0x23: {  	s9 =	sshrl.u32 s18, $0x3;
	s25 =	sadd.s32 s6, s23;
	[dreg:$0x1c] =	wrdreg s26  }
0x24: {  	s14 =	simm.s32 $0xD;
	s9 =	sadd.s32 s6, s9;
	[dreg:$0x1a] =	wrdreg s25  }
0x25: {  	s18 =	simm.s32 $0x1E280;
	[dreg:$0x17] =	wrdreg s9;
	s9 =	sadd.s32 s2, s21  }
0x26: {  	s21 =	simm.s32 $0x50;
	[dreg:$0x19] =	wrdreg s9;
	s9 =	sadd.s32 s7, s23  }
0x27: {  	s23 =	simm.s32 $0x1E000;
	[dreg:$0x1b] =	wrdreg s9;
	s9 =	simm.s32 $0x2  }
.LBB2_1:
0x28: {  	[dreg:$0x1f] =	wrdreg s11  }
0x29: {  	s4 =	rddreg [dreg:$0x6]  }
0x2a: {  	[tilespmem:s23], [sflag:$0x7] =	stream.linear.gather [hbm4b:s4+s5], $0x50, $0x38;
	[tilespmem:$0x1E300] =	vst v63  }
0x2b: {  	s17 =	rddreg [dreg:$0x7]  }
0x2c: {  	[tilespmem:s20], [sflag:$0x8] =	stream.linear.gather [hbm4b:s17+s5], $0x50, $0x38;
	[tilespmem:$0x1E300] =	vst v63  }
0x2d: {  	s24 =	rddreg [dreg:$0x8];
	s25 =	simm.s32 $0x1E100  }
0x2e: {  	[tilespmem:s25], [sflag:$0x9] =	stream.linear.gather [hbm4b:s24+s5], $0x50, $0x38;
	[tilespmem:$0x1E300] =	vst v63  }
0x2f: {  	s26 =	rddreg [dreg:$0x13];
	s29 =	simm.s32 $0x1E180  }
0x30: {  	[tilespmem:s29], [sflag:$0xA] =	stream.linear.gather [hbm4b:s26+s5], $0x50, $0x38;
	[tilespmem:$0x1E300] =	vst v63  }
0x31: {  	s17 =	rddreg [dreg:$0x9]  }
0x32: {  	[tilespmem:s15], [sflag:$0xB] =	stream.linear.gather [hbm4b:s17+s5], $0x50, $0x38;
	[tilespmem:$0x1E300] =	vst v63  }
0x33: {  	s24 =	rddreg [dreg:$0xa]  }
0x34: {  	[tilespmem:s16], [sflag:$0x1] =	stream.linear.gather [hbm4b:s24+s5], $0x2800, $0x38;
	[tilespmem:$0x1E300] =	vst v63  }
0x35: {  	s25 =	rddreg [dreg:$0xb]  }
0x36: {  	[tilespmem:s18], [sflag:$0xC] =	stream.linear.gather [hbm4b:s25+s5], $0x50, $0x38;
	[tilespmem:$0x1E300] =	vst v63  }
0x37: {  	s26 =	rddreg [dreg:$0xc];
	s29 =	simm.s32 $0x7  }
0x38: {  	[tilespmem:s19], [sflag:$0x2] =	stream.linear.gather [hbm4b:s26+s5], $0x2800, $0x38;
	[tilespmem:$0x1E300] =	vst v63  }
0x39: {  	_ =	swait.ge [sflag:s29], $0x50  }
0x3a: {  	[sflag:s29] =	ssyncset.done $0x0  }
0x3b: {  	s11 =	simm.s32 $0x19000;
	[sflag:s29] =	ssyncadd.s32 $0xFFFFFFB0  }
0x3c: {  	[tilespmem:s11], [sflag:$0x3] =	stream.indirect.gather [hbm4b:s1+s21], $0x80, s23, s21, $0xb8;
	[tilespmem:$0x1E300] =	vst v63  }
0x3d: {  	s17 =	simm.s32 $0x1B800;
	s24 =	stileid.u32;
	_ =	swait.ge [sflag:s22], $0x50  }
0x3e: {  	s4 =	sshll.u32 s24, $0x6;
	[sflag:s22] =	ssyncset.done $0x0;
	s26 =	rddreg [dreg:$0xe]  }
0x3f: {  	s25 =	sor.u32 $0x1C0D, s4;
	s29 =	rddreg [dreg:$0x5];
	[sflag:s22] =	ssyncadd.s32 $0xFFFFFFB0  }
0x40: {  	[tilespmem:s17], [sflag:$0x4] =	stream.indirect.gather [hbm4b:s1+s21], $0x80, s20, s21, $0xb8;
	[tilespmem:$0x1E300] =	vst v63  }
0x41: {  	[smem:$0x7FC] =	sst s25;
	s17 =	sshrl.u32 s26, $0x3  }
0x42: {  	[smem:$0x7FD] =	sst s17  }
0x43: {  	[spmem:s17], [sflag:s25] =	dma.local [hbm:s29], $0x2800  }
0x44: {  	_ =	swait.ge [sflag:s14], $0x2800  }
0x45: {  	[sflag:s14] =	ssyncset.done $0x0  }
0x46: {  	[sflag:s14] =	ssyncadd.s32 $0xFFFFD800  }
0x47: {  	[bflag:$0x0] =	sbarrier.arrive $0xFFFF  }
0x48: {  	_ =	swait.ge [sflag:s30], $0x2800  }
0x49: {  	[sflag:s30] =	ssyncset.done $0x0  }
0x4a: {  	[sflag:s30] =	ssyncadd.s32 $0xFFFFD800  }
0x4b: {  	_ =	swait.ge [sflag:s31], $0x2800  }
0x4c: {  	[sflag:s31] =	ssyncset.done $0x0  }
0x4d: {  	s14 =	simm.s32 $0x14100;
	[sflag:s31] =	ssyncadd.s32 $0xFFFFD800  }
0x4e: {  	s11 =	simm.s32 $0x19100;
	v0 =	vld [tilespmem:s14+$0x80]  }
0x4f: {  	v1 =	vld [tilespmem:s11+$0x80]  }
0x50: {  	v2 =	vld [tilespmem:s14+$0xFFFFFF80]  }
0x51: {  	v3 =	vld [tilespmem:s11+$0xFFFFFF80]  }
0x52: {  	v4 =	vld [tilespmem:s14+$0x0]  }
0x53: {  	v5 =	vld [tilespmem:s11+$0x0]  }
0x54: {  	v6 =	vld [tilespmem:s14+$0xFFFFFF00];
	v0 =	vmul.f32 v1, v0  }
0x55: {  	v1 =	vld [tilespmem:s11+$0xFFFFFF00]  }
0x56: {  	[tilespmem:s14+$0x80] =	vst v0;
	v0 =	vld [tilespmem:s14+$0x90]  }
0x57: {  	v2 =	vmul.f32 v3, v2;
	v3 =	vld [tilespmem:s11+$0x90]  }
0x58: {  	v7 =	vld [tilespmem:s14+$0xFFFFFF10]  }
0x59: {  	[tilespmem:s14+$0xFFFFFF80] =	vst v2;
	v2 =	vmul.f32 v5, v4;
	v4 =	vld [tilespmem:s14+$0xFFFFFF90]  }
0x5a: {  	v5 =	vld [tilespmem:s11+$0xFFFFFF90];
	v1 =	vmul.f32 v1, v6  }
0x5b: {  	[tilespmem:s14+$0x0] =	vst v2;
	v2 =	vld [tilespmem:s14+$0x10]  }
0x5c: {  	v6 =	vld [tilespmem:s11+$0x10];
	[tilespmem:s14+$0xFFFFFF00] =	vst v1;
	v0 =	vmul.f32 v3, v0  }
0x5d: {  	v1 =	vld [tilespmem:s11+$0xFFFFFF10]  }
0x5e: {  	[tilespmem:s14+$0x90] =	vst v0;
	v0 =	vld [tilespmem:s14+$0xA0]  }
0x5f: {  	v3 =	vmul.f32 v5, v4;
	v4 =	vld [tilespmem:s11+$0xA0]  }
0x60: {  	v5 =	vld [tilespmem:s14+$0xFFFFFF20]  }
0x61: {  	[tilespmem:s14+$0xFFFFFF90] =	vst v3;
	v2 =	vmul.f32 v6, v2;
	v3 =	vld [tilespmem:s14+$0xFFFFFFA0]  }
0x62: {  	v6 =	vld [tilespmem:s11+$0xFFFFFFA0];
	v1 =	vmul.f32 v1, v7  }
0x63: {  	[tilespmem:s14+$0x10] =	vst v2;
	v2 =	vld [tilespmem:s14+$0x20]  }
0x64: {  	v7 =	vld [tilespmem:s11+$0x20];
	[tilespmem:s14+$0xFFFFFF10] =	vst v1;
	v0 =	vmul.f32 v4, v0  }
0x65: {  	v1 =	vld [tilespmem:s11+$0xFFFFFF20]  }
0x66: {  	[tilespmem:s14+$0xA0] =	vst v0;
	v0 =	vld [tilespmem:s14+$0xB0]  }
0x67: {  	v3 =	vmul.f32 v6, v3;
	v4 =	vld [tilespmem:s11+$0xB0]  }
0x68: {  	v6 =	vld [tilespmem:s14+$0xFFFFFF30]  }
0x69: {  	[tilespmem:s14+$0xFFFFFFA0] =	vst v3;
	v2 =	vmul.f32 v7, v2;
	v3 =	vld [tilespmem:s14+$0xFFFFFFB0]  }
0x6a: {  	v7 =	vld [tilespmem:s11+$0xFFFFFFB0];
	v1 =	vmul.f32 v1, v5  }
0x6b: {  	[tilespmem:s14+$0x20] =	vst v2;
	v2 =	vld [tilespmem:s14+$0x30]  }
0x6c: {  	v5 =	vld [tilespmem:s11+$0x30];
	[tilespmem:s14+$0xFFFFFF20] =	vst v1;
	v0 =	vmul.f32 v4, v0  }
0x6d: {  	v1 =	vld [tilespmem:s11+$0xFFFFFF30]  }
0x6e: {  	[tilespmem:s14+$0xB0] =	vst v0;
	v0 =	vld [tilespmem:s14+$0xC0]  }
0x6f: {  	v3 =	vmul.f32 v7, v3;
	v4 =	vld [tilespmem:s11+$0xC0]  }
0x70: {  	v7 =	vld [tilespmem:s14+$0xFFFFFF40]  }
0x71: {  	[tilespmem:s14+$0xFFFFFFB0] =	vst v3;
	v2 =	vmul.f32 v5, v2;
	v3 =	vld [tilespmem:s14+$0xFFFFFFC0]  }
0x72: {  	v5 =	vld [tilespmem:s11+$0xFFFFFFC0];
	v1 =	vmul.f32 v1, v6  }
0x73: {  	[tilespmem:s14+$0x30] =	vst v2;
	v2 =	vld [tilespmem:s14+$0x40]  }
0x74: {  	v6 =	vld [tilespmem:s11+$0x40];
	[tilespmem:s14+$0xFFFFFF30] =	vst v1;
	v0 =	vmul.f32 v4, v0  }
0x75: {  	v1 =	vld [tilespmem:s11+$0xFFFFFF40]  }
0x76: {  	[tilespmem:s14+$0xC0] =	vst v0;
	v0 =	vld [tilespmem:s14+$0xD0]  }
0x77: {  	v3 =	vmul.f32 v5, v3;
	v4 =	vld [tilespmem:s11+$0xD0]  }
0x78: {  	v5 =	vld [tilespmem:s14+$0xFFFFFF50]  }
0x79: {  	[tilespmem:s14+$0xFFFFFFC0] =	vst v3;
	v2 =	vmul.f32 v6, v2;
	v3 =	vld [tilespmem:s14+$0xFFFFFFD0]  }
0x7a: {  	v6 =	vld [tilespmem:s11+$0xFFFFFFD0];
	v1 =	vmul.f32 v1, v7  }
0x7b: {  	[tilespmem:s14+$0x40] =	vst v2;
	v2 =	vld [tilespmem:s14+$0x50]  }
0x7c: {  	v7 =	vld [tilespmem:s11+$0x50];
	[tilespmem:s14+$0xFFFFFF40] =	vst v1;
	v0 =	vmul.f32 v4, v0  }
0x7d: {  	v1 =	vld [tilespmem:s11+$0xFFFFFF50]  }
0x7e: {  	[tilespmem:s14+$0xD0] =	vst v0;
	v0 =	vld [tilespmem:s14+$0xE0]  }
0x7f: {  	v3 =	vmul.f32 v6, v3;
	v4 =	vld [tilespmem:s11+$0xE0]  }
0x80: {  	v6 =	vld [tilespmem:s14+$0xFFFFFF60]  }
0x81: {  	[tilespmem:s14+$0xFFFFFFD0] =	vst v3;
	v2 =	vmul.f32 v7, v2;
	v3 =	vld [tilespmem:s14+$0xFFFFFFE0]  }
0x82: {  	v7 =	vld [tilespmem:s11+$0xFFFFFFE0];
	v1 =	vmul.f32 v1, v5  }
0x83: {  	[tilespmem:s14+$0x50] =	vst v2;
	v2 =	vld [tilespmem:s14+$0x60]  }
0x84: {  	v5 =	vld [tilespmem:s11+$0x60];
	[tilespmem:s14+$0xFFFFFF50] =	vst v1;
	v0 =	vmul.f32 v4, v0  }
0x85: {  	v4 =	vld [tilespmem:s11+$0xFFFFFF60]  }
0x86: {  	v8 =	vld [tilespmem:s14+$0xF0];
	[tilespmem:s14+$0xE0] =	vst v0  }
0x87: {  	v1 =	vmul.f32 v7, v3;
	v7 =	vld [tilespmem:s11+$0xF0]  }
0x88: {  	v0 =	vld [tilespmem:s14+$0xFFFFFF70]  }
0x89: {  	[tilespmem:s14+$0xFFFFFFE0] =	vst v1;
	v2 =	vmul.f32 v5, v2;
	v1 =	vld [tilespmem:s14+$0xFFFFFFF0]  }
0x8a: {  	v3 =	vld [tilespmem:s11+$0xFFFFFFF0];
	v4 =	vmul.f32 v4, v6  }
0x8b: {  	[tilespmem:s14+$0x60] =	vst v2;
	v2 =	vld [tilespmem:s14+$0x70]  }
0x8c: {  	[tilespmem:s14+$0xFFFFFF60] =	vst v4;
	v4 =	vld [tilespmem:s11+$0x70];
	v6 =	vmul.f32 v7, v8  }
0x8d: {  	s4 =	simm.s32 $0x0;
	s17 =	simm.s32 $0x14300;
	v5 =	vld [tilespmem:s11+$0xFFFFFF70]  }
.LBB2_2:
0x8e: {  	v7 =	vld [tilespmem:s17+$0x80];
	[tilespmem:s14+$0xF0] =	vst v6;
	s11 =	sadd.s32 $0x200, s11  }
0x8f: {  	s4 =	sadd.s32 $0x4, s4;
	v6 =	vld [tilespmem:s11+$0x80];
	v1 =	vmul.f32 v3, v1  }
0x90: {  	p0 =	slt.u32 s4, $0x4C;
	v3 =	vld [tilespmem:s11+$0xFFFFFF00]  }
0x91: {  	v8 =	vld [tilespmem:s17+$0xFFFFFF80];
	[tilespmem:s14+$0xFFFFFFF0] =	vst v1;
	v1 =	vmul.f32 v4, v2  }
0x92: {  	v2 =	vld [tilespmem:s11+$0xFFFFFF80];
	v0 =	vmul.f32 v5, v0  }
0x93: {  	v4 =	vld [tilespmem:s17+$0x0];
	[tilespmem:s14+$0x70] =	vst v1  }
0x94: {  	v1 =	vld [tilespmem:s11+$0x0];
	v5 =	vmul.f32 v6, v7;
	[tilespmem:s14+$0xFFFFFF70] =	vst v0;
	s14 =	smov.u32 s17  }
0x95: {  	v0 =	vld [tilespmem:s17+$0xFFFFFF00]  }
0x96: {  	[tilespmem:s17+$0x80] =	vst v5;
	v5 =	vld [tilespmem:s17+$0x90]  }
0x97: {  	v2 =	vmul.f32 v2, v8;
	v6 =	vld [tilespmem:s11+$0x90]  }
0x98: {  	v7 =	vld [tilespmem:s17+$0xFFFFFF10]  }
0x99: {  	[tilespmem:s17+$0xFFFFFF80] =	vst v2;
	v2 =	vld [tilespmem:s17+$0xFFFFFF90];
	v1 =	vmul.f32 v1, v4  }
0x9a: {  	v0 =	vmul.f32 v3, v0;
	v3 =	vld [tilespmem:s11+$0xFFFFFF90]  }
0x9b: {  	[tilespmem:s17+$0x0] =	vst v1;
	v1 =	vld [tilespmem:s17+$0x10]  }
0x9c: {  	[tilespmem:s17+$0xFFFFFF00] =	vst v0;
	v0 =	vld [tilespmem:s11+$0x10];
	v4 =	vmul.f32 v6, v5  }
0x9d: {  	v5 =	vld [tilespmem:s11+$0xFFFFFF10]  }
0x9e: {  	[tilespmem:s17+$0x90] =	vst v4;
	v4 =	vld [tilespmem:s17+$0xA0]  }
0x9f: {  	v2 =	vmul.f32 v3, v2;
	v3 =	vld [tilespmem:s11+$0xA0]  }
0xa0: {  	v6 =	vld [tilespmem:s17+$0xFFFFFF20]  }
0xa1: {  	[tilespmem:s17+$0xFFFFFF90] =	vst v2;
	v2 =	vld [tilespmem:s17+$0xFFFFFFA0];
	v0 =	vmul.f32 v0, v1  }
0xa2: {  	v1 =	vmul.f32 v5, v7;
	v5 =	vld [tilespmem:s11+$0xFFFFFFA0]  }
0xa3: {  	[tilespmem:s17+$0x10] =	vst v0;
	v0 =	vld [tilespmem:s17+$0x20]  }
0xa4: {  	[tilespmem:s17+$0xFFFFFF10] =	vst v1;
	v1 =	vld [tilespmem:s11+$0x20];
	v3 =	vmul.f32 v3, v4  }
0xa5: {  	v4 =	vld [tilespmem:s11+$0xFFFFFF20]  }
0xa6: {  	[tilespmem:s17+$0xA0] =	vst v3;
	v3 =	vld [tilespmem:s17+$0xB0]  }
0xa7: {  	v2 =	vmul.f32 v5, v2;
	v5 =	vld [tilespmem:s11+$0xB0]  }
0xa8: {  	v7 =	vld [tilespmem:s17+$0xFFFFFF30]  }
0xa9: {  	[tilespmem:s17+$0xFFFFFFA0] =	vst v2;
	v2 =	vld [tilespmem:s17+$0xFFFFFFB0];
	v0 =	vmul.f32 v1, v0  }
0xaa: {  	v1 =	vmul.f32 v4, v6;
	v4 =	vld [tilespmem:s11+$0xFFFFFFB0]  }
0xab: {  	[tilespmem:s17+$0x20] =	vst v0;
	v0 =	vld [tilespmem:s17+$0x30]  }
0xac: {  	[tilespmem:s17+$0xFFFFFF20] =	vst v1;
	v1 =	vld [tilespmem:s11+$0x30];
	v3 =	vmul.f32 v5, v3  }
0xad: {  	v5 =	vld [tilespmem:s11+$0xFFFFFF30]  }
0xae: {  	[tilespmem:s17+$0xB0] =	vst v3;
	v3 =	vld [tilespmem:s17+$0xC0]  }
0xaf: {  	v2 =	vmul.f32 v4, v2;
	v4 =	vld [tilespmem:s11+$0xC0]  }
0xb0: {  	v6 =	vld [tilespmem:s17+$0xFFFFFF40]  }
0xb1: {  	[tilespmem:s17+$0xFFFFFFB0] =	vst v2;
	v2 =	vld [tilespmem:s17+$0xFFFFFFC0];
	v0 =	vmul.f32 v1, v0  }
0xb2: {  	v1 =	vmul.f32 v5, v7;
	v5 =	vld [tilespmem:s11+$0xFFFFFFC0]  }
0xb3: {  	[tilespmem:s17+$0x30] =	vst v0;
	v0 =	vld [tilespmem:s17+$0x40]  }
0xb4: {  	[tilespmem:s17+$0xFFFFFF30] =	vst v1;
	v1 =	vld [tilespmem:s11+$0x40];
	v3 =	vmul.f32 v4, v3  }
0xb5: {  	v4 =	vld [tilespmem:s11+$0xFFFFFF40]  }
0xb6: {  	[tilespmem:s17+$0xC0] =	vst v3;
	v3 =	vld [tilespmem:s17+$0xD0]  }
0xb7: {  	v2 =	vmul.f32 v5, v2;
	v5 =	vld [tilespmem:s11+$0xD0]  }
0xb8: {  	v7 =	vld [tilespmem:s17+$0xFFFFFF50]  }
0xb9: {  	[tilespmem:s17+$0xFFFFFFC0] =	vst v2;
	v2 =	vld [tilespmem:s17+$0xFFFFFFD0];
	v0 =	vmul.f32 v1, v0  }
0xba: {  	v1 =	vmul.f32 v4, v6;
	v4 =	vld [tilespmem:s11+$0xFFFFFFD0]  }
0xbb: {  	[tilespmem:s17+$0x40] =	vst v0;
	v0 =	vld [tilespmem:s17+$0x50]  }
0xbc: {  	[tilespmem:s17+$0xFFFFFF40] =	vst v1;
	v1 =	vld [tilespmem:s11+$0x50];
	v3 =	vmul.f32 v5, v3  }
0xbd: {  	v5 =	vld [tilespmem:s11+$0xFFFFFF50]  }
0xbe: {  	[tilespmem:s17+$0xD0] =	vst v3;
	v3 =	vld [tilespmem:s17+$0xE0]  }
0xbf: {  	v2 =	vmul.f32 v4, v2;
	v4 =	vld [tilespmem:s11+$0xE0]  }
0xc0: {  	v6 =	vld [tilespmem:s17+$0xFFFFFF60]  }
0xc1: {  	[tilespmem:s17+$0xFFFFFFD0] =	vst v2;
	v2 =	vld [tilespmem:s17+$0xFFFFFFE0];
	v0 =	vmul.f32 v1, v0  }
0xc2: {  	v1 =	vmul.f32 v5, v7;
	v5 =	vld [tilespmem:s11+$0xFFFFFFE0]  }
0xc3: {  	[tilespmem:s17+$0x50] =	vst v0;
	v7 =	vld [tilespmem:s17+$0x60]  }
0xc4: {  	[tilespmem:s17+$0xFFFFFF50] =	vst v1;
	v8 =	vld [tilespmem:s11+$0x60];
	v0 =	vmul.f32 v4, v3  }
0xc5: {  	v3 =	vld [tilespmem:s11+$0xFFFFFF60]  }
0xc6: {  	[tilespmem:s17+$0xE0] =	vst v0;
	v9 =	vld [tilespmem:s17+$0xF0]  }
0xc7: {  	v1 =	vmul.f32 v5, v2;
	v5 =	vld [tilespmem:s11+$0xF0]  }
0xc8: {  	v0 =	vld [tilespmem:s17+$0xFFFFFF70]  }
.Ltmp0:
0xc9: {  	[tilespmem:s17+$0xFFFFFFE0] =	vst v1;
	v1 =	vld [tilespmem:s17+$0xFFFFFFF0];
	v2 =	vmul.f32 v8, v7;
	(pc) =	sbr.rel @p0 .LBB2_2-.Ltmp0, $4  }
0xca: {  	v4 =	vmul.f32 v3, v6;
	v3 =	vld [tilespmem:s11+$0xFFFFFFF0]  }
0xcb: {  	[tilespmem:s17+$0x60] =	vst v2;
	v2 =	vld [tilespmem:s17+$0x70]  }
0xcc: {  	[tilespmem:s17+$0xFFFFFF60] =	vst v4;
	v4 =	vld [tilespmem:s11+$0x70];
	v6 =	vmul.f32 v5, v9  }
0xcd: {  	s17 =	sadd.s32 $0x200, s17;
	v5 =	vld [tilespmem:s11+$0xFFFFFF70]  }
0xce: {  	_ =	sdelay $0x1  }
0xcf: {  	v1 =	vmul.f32 v3, v1  }
0xd0: {  	[tilespmem:s14+$0xF0] =	vst v6;
	v2 =	vmul.f32 v4, v2  }
0xd1: {  	[tilespmem:s14+$0xFFFFFFF0] =	vst v1;
	v0 =	vmul.f32 v5, v0  }
0xd2: {  	[tilespmem:s14+$0x70] =	vst v2  }
0xd3: {  	[tilespmem:s14+$0xFFFFFF70] =	vst v0  }
0xd4: {  	_ =	swait.ge [sflag:s0], $0x50  }
0xd5: {  	[sflag:s0] =	ssyncset.done $0x0  }
0xd6: {  	s4 =	simm.s32 $0x9;
	[sflag:s0] =	ssyncadd.s32 $0xFFFFFFB0  }
0xd7: {  	[spmem:s3] =	stream.indirect.scatter.add.f32 [tilespmem:s16], [sflag:$0x5], $0x80, s15, s21, $0xb8;
	[tilespmem:$0x1E300] =	vst v63  }
0xd8: {  	_ =	swait.ge [sflag:s4], $0x50  }
0xd9: {  	[sflag:s4] =	ssyncset.done $0x0  }
0xda: {  	s26 =	simm.s32 $0x1E100;
	s11 =	simm.s32 $0x19000;
	[sflag:s4] =	ssyncadd.s32 $0xFFFFFFB0  }
0xdb: {  	[tilespmem:s11], [sflag:$0x3] =	stream.indirect.gather [hbm4b:s1+s21], $0x80, s26, s21, $0xb8;
	[tilespmem:$0x1E300] =	vst v63  }
0xdc: {  	s29 =	rddreg [dreg:$0x1a]  }
0xdd: {  	[tilespmem:s23], [sflag:$0x7] =	stream.linear.gather [hbm4b:s29+s5], $0x50, $0x38;
	[tilespmem:$0x1E300] =	vst v63  }
0xde: {  	_ =	swait.ge [sflag:s9], $0x2800  }
0xdf: {  	[sflag:s9] =	ssyncset.done $0x0  }
0xe0: {  	[sflag:s9] =	ssyncadd.s32 $0xFFFFD800  }
0xe1: {  	_ =	swait.ge [sflag:s10], $0x2800  }
0xe2: {  	[sflag:s10] =	ssyncset.done $0x0  }
0xe3: {  	s14 =	simm.s32 $0x16900;
	[sflag:s10] =	ssyncadd.s32 $0xFFFFD800  }
0xe4: {  	s11 =	simm.s32 $0x1B900;
	v0 =	vld [tilespmem:s14+$0x80]  }
0xe5: {  	v1 =	vld [tilespmem:s11+$0x80]  }
0xe6: {  	v2 =	vld [tilespmem:s14+$0xFFFFFF80]  }
0xe7: {  	v3 =	vld [tilespmem:s11+$0xFFFFFF80]  }
0xe8: {  	v4 =	vld [tilespmem:s14+$0x0]  }
0xe9: {  	v5 =	vld [tilespmem:s11+$0x0]  }
0xea: {  	v6 =	vld [tilespmem:s14+$0xFFFFFF00];
	v0 =	vmul.f32 v1, v0  }
0xeb: {  	v1 =	vld [tilespmem:s11+$0xFFFFFF00]  }
0xec: {  	[tilespmem:s14+$0x80] =	vst v0;
	v0 =	vld [tilespmem:s14+$0x90]  }
0xed: {  	v2 =	vmul.f32 v3, v2;
	v3 =	vld [tilespmem:s11+$0x90]  }
0xee: {  	v7 =	vld [tilespmem:s14+$0xFFFFFF10]  }
0xef: {  	[tilespmem:s14+$0xFFFFFF80] =	vst v2;
	v2 =	vmul.f32 v5, v4;
	v4 =	vld [tilespmem:s14+$0xFFFFFF90]  }
0xf0: {  	v5 =	vld [tilespmem:s11+$0xFFFFFF90];
	v1 =	vmul.f32 v1, v6  }
0xf1: {  	[tilespmem:s14+$0x0] =	vst v2;
	v2 =	vld [tilespmem:s14+$0x10]  }
0xf2: {  	v6 =	vld [tilespmem:s11+$0x10];
	[tilespmem:s14+$0xFFFFFF00] =	vst v1;
	v0 =	vmul.f32 v3, v0  }
0xf3: {  	v1 =	vld [tilespmem:s11+$0xFFFFFF10]  }
0xf4: {  	[tilespmem:s14+$0x90] =	vst v0;
	v0 =	vld [tilespmem:s14+$0xA0]  }
0xf5: {  	v3 =	vmul.f32 v5, v4;
	v4 =	vld [tilespmem:s11+$0xA0]  }
0xf6: {  	v5 =	vld [tilespmem:s14+$0xFFFFFF20]  }
0xf7: {  	[tilespmem:s14+$0xFFFFFF90] =	vst v3;
	v2 =	vmul.f32 v6, v2;
	v3 =	vld [tilespmem:s14+$0xFFFFFFA0]  }
0xf8: {  	v6 =	vld [tilespmem:s11+$0xFFFFFFA0];
	v1 =	vmul.f32 v1, v7  }
0xf9: {  	[tilespmem:s14+$0x10] =	vst v2;
	v2 =	vld [tilespmem:s14+$0x20]  }
0xfa: {  	v7 =	vld [tilespmem:s11+$0x20];
	[tilespmem:s14+$0xFFFFFF10] =	vst v1;
	v0 =	vmul.f32 v4, v0  }
0xfb: {  	v1 =	vld [tilespmem:s11+$0xFFFFFF20]  }
0xfc: {  	[tilespmem:s14+$0xA0] =	vst v0;
	v0 =	vld [tilespmem:s14+$0xB0]  }
0xfd: {  	v3 =	vmul.f32 v6, v3;
	v4 =	vld [tilespmem:s11+$0xB0]  }
0xfe: {  	v6 =	vld [tilespmem:s14+$0xFFFFFF30]  }
0xff: {  	[tilespmem:s14+$0xFFFFFFA0] =	vst v3;
	v2 =	vmul.f32 v7, v2;
	v3 =	vld [tilespmem:s14+$0xFFFFFFB0]  }
0x100: {  	v7 =	vld [tilespmem:s11+$0xFFFFFFB0];
	v1 =	vmul.f32 v1, v5  }
0x101: {  	[tilespmem:s14+$0x20] =	vst v2;
	v2 =	vld [tilespmem:s14+$0x30]  }
0x102: {  	v5 =	vld [tilespmem:s11+$0x30];
	[tilespmem:s14+$0xFFFFFF20] =	vst v1;
	v0 =	vmul.f32 v4, v0  }
0x103: {  	v1 =	vld [tilespmem:s11+$0xFFFFFF30]  }
0x104: {  	[tilespmem:s14+$0xB0] =	vst v0;
	v0 =	vld [tilespmem:s14+$0xC0]  }
0x105: {  	v3 =	vmul.f32 v7, v3;
	v4 =	vld [tilespmem:s11+$0xC0]  }
0x106: {  	v7 =	vld [tilespmem:s14+$0xFFFFFF40]  }
0x107: {  	[tilespmem:s14+$0xFFFFFFB0] =	vst v3;
	v2 =	vmul.f32 v5, v2;
	v3 =	vld [tilespmem:s14+$0xFFFFFFC0]  }
0x108: {  	v5 =	vld [tilespmem:s11+$0xFFFFFFC0];
	v1 =	vmul.f32 v1, v6  }
0x109: {  	[tilespmem:s14+$0x30] =	vst v2;
	v2 =	vld [tilespmem:s14+$0x40]  }
0x10a: {  	v6 =	vld [tilespmem:s11+$0x40];
	[tilespmem:s14+$0xFFFFFF30] =	vst v1;
	v0 =	vmul.f32 v4, v0  }
0x10b: {  	v1 =	vld [tilespmem:s11+$0xFFFFFF40]  }
0x10c: {  	[tilespmem:s14+$0xC0] =	vst v0;
	v0 =	vld [tilespmem:s14+$0xD0]  }
0x10d: {  	v3 =	vmul.f32 v5, v3;
	v4 =	vld [tilespmem:s11+$0xD0]  }
0x10e: {  	v5 =	vld [tilespmem:s14+$0xFFFFFF50]  }
0x10f: {  	[tilespmem:s14+$0xFFFFFFC0] =	vst v3;
	v2 =	vmul.f32 v6, v2;
	v3 =	vld [tilespmem:s14+$0xFFFFFFD0]  }
0x110: {  	v6 =	vld [tilespmem:s11+$0xFFFFFFD0];
	v1 =	vmul.f32 v1, v7  }
0x111: {  	[tilespmem:s14+$0x40] =	vst v2;
	v2 =	vld [tilespmem:s14+$0x50]  }
0x112: {  	v7 =	vld [tilespmem:s11+$0x50];
	[tilespmem:s14+$0xFFFFFF40] =	vst v1;
	v0 =	vmul.f32 v4, v0  }
0x113: {  	v1 =	vld [tilespmem:s11+$0xFFFFFF50]  }
0x114: {  	[tilespmem:s14+$0xD0] =	vst v0;
	v0 =	vld [tilespmem:s14+$0xE0]  }
0x115: {  	v3 =	vmul.f32 v6, v3;
	v4 =	vld [tilespmem:s11+$0xE0]  }
0x116: {  	v6 =	vld [tilespmem:s14+$0xFFFFFF60]  }
0x117: {  	[tilespmem:s14+$0xFFFFFFD0] =	vst v3;
	v2 =	vmul.f32 v7, v2;
	v3 =	vld [tilespmem:s14+$0xFFFFFFE0]  }
0x118: {  	v7 =	vld [tilespmem:s11+$0xFFFFFFE0];
	v1 =	vmul.f32 v1, v5  }
0x119: {  	[tilespmem:s14+$0x50] =	vst v2;
	v2 =	vld [tilespmem:s14+$0x60]  }
0x11a: {  	v5 =	vld [tilespmem:s11+$0x60];
	[tilespmem:s14+$0xFFFFFF50] =	vst v1;
	v0 =	vmul.f32 v4, v0  }
0x11b: {  	v4 =	vld [tilespmem:s11+$0xFFFFFF60]  }
0x11c: {  	v8 =	vld [tilespmem:s14+$0xF0];
	[tilespmem:s14+$0xE0] =	vst v0  }
0x11d: {  	v1 =	vmul.f32 v7, v3;
	v7 =	vld [tilespmem:s11+$0xF0]  }
0x11e: {  	v0 =	vld [tilespmem:s14+$0xFFFFFF70]  }
0x11f: {  	[tilespmem:s14+$0xFFFFFFE0] =	vst v1;
	v2 =	vmul.f32 v5, v2;
	v1 =	vld [tilespmem:s14+$0xFFFFFFF0]  }
0x120: {  	v3 =	vld [tilespmem:s11+$0xFFFFFFF0];
	v4 =	vmul.f32 v4, v6  }
0x121: {  	[tilespmem:s14+$0x60] =	vst v2;
	v2 =	vld [tilespmem:s14+$0x70]  }
0x122: {  	[tilespmem:s14+$0xFFFFFF60] =	vst v4;
	v4 =	vld [tilespmem:s11+$0x70];
	v6 =	vmul.f32 v7, v8  }
0x123: {  	s17 =	simm.s32 $0x16B00;
	s4 =	simm.s32 $0x0;
	v5 =	vld [tilespmem:s11+$0xFFFFFF70]  }
.LBB2_4:
0x124: {  	v7 =	vld [tilespmem:s17+$0x80];
	[tilespmem:s14+$0xF0] =	vst v6;
	s11 =	sadd.s32 $0x200, s11  }
0x125: {  	s4 =	sadd.s32 $0x4, s4;
	v6 =	vld [tilespmem:s11+$0x80];
	v1 =	vmul.f32 v3, v1  }
0x126: {  	p0 =	slt.u32 s4, $0x4C;
	v3 =	vld [tilespmem:s11+$0xFFFFFF00]  }
0x127: {  	v8 =	vld [tilespmem:s17+$0xFFFFFF80];
	[tilespmem:s14+$0xFFFFFFF0] =	vst v1;
	v1 =	vmul.f32 v4, v2  }
0x128: {  	v2 =	vld [tilespmem:s11+$0xFFFFFF80];
	v0 =	vmul.f32 v5, v0  }
0x129: {  	v4 =	vld [tilespmem:s17+$0x0];
	[tilespmem:s14+$0x70] =	vst v1  }
0x12a: {  	v1 =	vld [tilespmem:s11+$0x0];
	v5 =	vmul.f32 v6, v7;
	[tilespmem:s14+$0xFFFFFF70] =	vst v0;
	s14 =	smov.u32 s17  }
0x12b: {  	v0 =	vld [tilespmem:s17+$0xFFFFFF00]  }
0x12c: {  	[tilespmem:s17+$0x80] =	vst v5;
	v5 =	vld [tilespmem:s17+$0x90]  }
0x12d: {  	v2 =	vmul.f32 v2, v8;
	v6 =	vld [tilespmem:s11+$0x90]  }
0x12e: {  	v7 =	vld [tilespmem:s17+$0xFFFFFF10]  }
0x12f: {  	[tilespmem:s17+$0xFFFFFF80] =	vst v2;
	v2 =	vld [tilespmem:s17+$0xFFFFFF90];
	v1 =	vmul.f32 v1, v4  }
0x130: {  	v0 =	vmul.f32 v3, v0;
	v3 =	vld [tilespmem:s11+$0xFFFFFF90]  }
0x131: {  	[tilespmem:s17+$0x0] =	vst v1;
	v1 =	vld [tilespmem:s17+$0x10]  }
0x132: {  	[tilespmem:s17+$0xFFFFFF00] =	vst v0;
	v0 =	vld [tilespmem:s11+$0x10];
	v4 =	vmul.f32 v6, v5  }
0x133: {  	v5 =	vld [tilespmem:s11+$0xFFFFFF10]  }
0x134: {  	[tilespmem:s17+$0x90] =	vst v4;
	v4 =	vld [tilespmem:s17+$0xA0]  }
0x135: {  	v2 =	vmul.f32 v3, v2;
	v3 =	vld [tilespmem:s11+$0xA0]  }
0x136: {  	v6 =	vld [tilespmem:s17+$0xFFFFFF20]  }
0x137: {  	[tilespmem:s17+$0xFFFFFF90] =	vst v2;
	v2 =	vld [tilespmem:s17+$0xFFFFFFA0];
	v0 =	vmul.f32 v0, v1  }
0x138: {  	v1 =	vmul.f32 v5, v7;
	v5 =	vld [tilespmem:s11+$0xFFFFFFA0]  }
0x139: {  	[tilespmem:s17+$0x10] =	vst v0;
	v0 =	vld [tilespmem:s17+$0x20]  }
0x13a: {  	[tilespmem:s17+$0xFFFFFF10] =	vst v1;
	v1 =	vld [tilespmem:s11+$0x20];
	v3 =	vmul.f32 v3, v4  }
0x13b: {  	v4 =	vld [tilespmem:s11+$0xFFFFFF20]  }
0x13c: {  	[tilespmem:s17+$0xA0] =	vst v3;
	v3 =	vld [tilespmem:s17+$0xB0]  }
0x13d: {  	v2 =	vmul.f32 v5, v2;
	v5 =	vld [tilespmem:s11+$0xB0]  }
0x13e: {  	v7 =	vld [tilespmem:s17+$0xFFFFFF30]  }
0x13f: {  	[tilespmem:s17+$0xFFFFFFA0] =	vst v2;
	v2 =	vld [tilespmem:s17+$0xFFFFFFB0];
	v0 =	vmul.f32 v1, v0  }
0x140: {  	v1 =	vmul.f32 v4, v6;
	v4 =	vld [tilespmem:s11+$0xFFFFFFB0]  }
0x141: {  	[tilespmem:s17+$0x20] =	vst v0;
	v0 =	vld [tilespmem:s17+$0x30]  }
0x142: {  	[tilespmem:s17+$0xFFFFFF20] =	vst v1;
	v1 =	vld [tilespmem:s11+$0x30];
	v3 =	vmul.f32 v5, v3  }
0x143: {  	v5 =	vld [tilespmem:s11+$0xFFFFFF30]  }
0x144: {  	[tilespmem:s17+$0xB0] =	vst v3;
	v3 =	vld [tilespmem:s17+$0xC0]  }
0x145: {  	v2 =	vmul.f32 v4, v2;
	v4 =	vld [tilespmem:s11+$0xC0]  }
0x146: {  	v6 =	vld [tilespmem:s17+$0xFFFFFF40]  }
0x147: {  	[tilespmem:s17+$0xFFFFFFB0] =	vst v2;
	v2 =	vld [tilespmem:s17+$0xFFFFFFC0];
	v0 =	vmul.f32 v1, v0  }
0x148: {  	v1 =	vmul.f32 v5, v7;
	v5 =	vld [tilespmem:s11+$0xFFFFFFC0]  }
0x149: {  	[tilespmem:s17+$0x30] =	vst v0;
	v0 =	vld [tilespmem:s17+$0x40]  }
0x14a: {  	[tilespmem:s17+$0xFFFFFF30] =	vst v1;
	v1 =	vld [tilespmem:s11+$0x40];
	v3 =	vmul.f32 v4, v3  }
0x14b: {  	v4 =	vld [tilespmem:s11+$0xFFFFFF40]  }
0x14c: {  	[tilespmem:s17+$0xC0] =	vst v3;
	v3 =	vld [tilespmem:s17+$0xD0]  }
0x14d: {  	v2 =	vmul.f32 v5, v2;
	v5 =	vld [tilespmem:s11+$0xD0]  }
0x14e: {  	v7 =	vld [tilespmem:s17+$0xFFFFFF50]  }
0x14f: {  	[tilespmem:s17+$0xFFFFFFC0] =	vst v2;
	v2 =	vld [tilespmem:s17+$0xFFFFFFD0];
	v0 =	vmul.f32 v1, v0  }
0x150: {  	v1 =	vmul.f32 v4, v6;
	v4 =	vld [tilespmem:s11+$0xFFFFFFD0]  }
0x151: {  	[tilespmem:s17+$0x40] =	vst v0;
	v0 =	vld [tilespmem:s17+$0x50]  }
0x152: {  	[tilespmem:s17+$0xFFFFFF40] =	vst v1;
	v1 =	vld [tilespmem:s11+$0x50];
	v3 =	vmul.f32 v5, v3  }
0x153: {  	v5 =	vld [tilespmem:s11+$0xFFFFFF50]  }
0x154: {  	[tilespmem:s17+$0xD0] =	vst v3;
	v3 =	vld [tilespmem:s17+$0xE0]  }
0x155: {  	v2 =	vmul.f32 v4, v2;
	v4 =	vld [tilespmem:s11+$0xE0]  }
0x156: {  	v6 =	vld [tilespmem:s17+$0xFFFFFF60]  }
0x157: {  	[tilespmem:s17+$0xFFFFFFD0] =	vst v2;
	v2 =	vld [tilespmem:s17+$0xFFFFFFE0];
	v0 =	vmul.f32 v1, v0  }
0x158: {  	v1 =	vmul.f32 v5, v7;
	v5 =	vld [tilespmem:s11+$0xFFFFFFE0]  }
0x159: {  	[tilespmem:s17+$0x50] =	vst v0;
	v7 =	vld [tilespmem:s17+$0x60]  }
0x15a: {  	[tilespmem:s17+$0xFFFFFF50] =	vst v1;
	v8 =	vld [tilespmem:s11+$0x60];
	v0 =	vmul.f32 v4, v3  }
0x15b: {  	v3 =	vld [tilespmem:s11+$0xFFFFFF60]  }
0x15c: {  	[tilespmem:s17+$0xE0] =	vst v0;
	v9 =	vld [tilespmem:s17+$0xF0]  }
0x15d: {  	v1 =	vmul.f32 v5, v2;
	v5 =	vld [tilespmem:s11+$0xF0]  }
0x15e: {  	v0 =	vld [tilespmem:s17+$0xFFFFFF70]  }
.Ltmp1:
0x15f: {  	[tilespmem:s17+$0xFFFFFFE0] =	vst v1;
	v1 =	vld [tilespmem:s17+$0xFFFFFFF0];
	v2 =	vmul.f32 v8, v7;
	(pc) =	sbr.rel @p0 .LBB2_4-.Ltmp1, $4  }
0x160: {  	v4 =	vmul.f32 v3, v6;
	v3 =	vld [tilespmem:s11+$0xFFFFFFF0]  }
0x161: {  	[tilespmem:s17+$0x60] =	vst v2;
	v2 =	vld [tilespmem:s17+$0x70]  }
0x162: {  	[tilespmem:s17+$0xFFFFFF60] =	vst v4;
	v4 =	vld [tilespmem:s11+$0x70];
	v6 =	vmul.f32 v5, v9  }
0x163: {  	s17 =	sadd.s32 $0x200, s17;
	v5 =	vld [tilespmem:s11+$0xFFFFFF70]  }
0x164: {  	_ =	sdelay $0x1  }
0x165: {  	v1 =	vmul.f32 v3, v1  }
0x166: {  	[tilespmem:s14+$0xF0] =	vst v6;
	v2 =	vmul.f32 v4, v2  }
0x167: {  	[tilespmem:s14+$0xFFFFFFF0] =	vst v1;
	v0 =	vmul.f32 v5, v0  }
0x168: {  	[tilespmem:s14+$0x70] =	vst v2  }
0x169: {  	[tilespmem:s14+$0xFFFFFF70] =	vst v0  }
0x16a: {  	_ =	swait.ge [sflag:s12], $0x50  }
0x16b: {  	[sflag:s12] =	ssyncset.done $0x0  }
0x16c: {  	s4 =	simm.s32 $0xA;
	[sflag:s12] =	ssyncadd.s32 $0xFFFFFFB0  }
0x16d: {  	[spmem:s3] =	stream.indirect.scatter.add.f32 [tilespmem:s19], [sflag:$0x6], $0x80, s18, s21, $0xb8;
	[tilespmem:$0x1E300] =	vst v63  }
0x16e: {  	_ =	swait.ge [sflag:s4], $0x50  }
0x16f: {  	[sflag:s4] =	ssyncset.done $0x0  }
0x170: {  	s24 =	simm.s32 $0x1E180;
	s11 =	simm.s32 $0x1B800;
	[sflag:s4] =	ssyncadd.s32 $0xFFFFFFB0  }
0x171: {  	[tilespmem:s11], [sflag:$0x4] =	stream.indirect.gather [hbm4b:s1+s21], $0x80, s24, s21, $0xb8;
	[tilespmem:$0x1E300] =	vst v63  }
0x172: {  	_ =	swait.ge [sflag:s28], $0x2800  }
0x173: {  	[sflag:s28] =	ssyncset.done $0x0  }
0x174: {  	s25 =	rddreg [dreg:$0xf];
	[sflag:s28] =	ssyncadd.s32 $0xFFFFD800  }
0x175: {  	[tilespmem:s16], [sflag:$0x1] =	stream.linear.gather [hbm4b:s25+s5], $0x2800, $0x38;
	[tilespmem:$0x1E300] =	vst v63  }
0x176: {  	s26 =	rddreg [dreg:$0x10]  }
0x177: {  	[tilespmem:s15], [sflag:$0xB] =	stream.linear.gather [hbm4b:s26+s5], $0x50, $0x38;
	[tilespmem:$0x1E300] =	vst v63  }
0x178: {  	s29 =	rddreg [dreg:$0x11]  }
0x179: {  	[tilespmem:s20], [sflag:$0x8] =	stream.linear.gather [hbm4b:s29+s5], $0x50, $0x38;
	[tilespmem:$0x1E300] =	vst v63  }
0x17a: {  	_ =	swait.ge [sflag:s30], $0x2800  }
0x17b: {  	[sflag:s30] =	ssyncset.done $0x0  }
0x17c: {  	[sflag:s30] =	ssyncadd.s32 $0xFFFFD800  }
0x17d: {  	_ =	swait.ge [sflag:s31], $0x2800  }
0x17e: {  	[sflag:s31] =	ssyncset.done $0x0  }
0x17f: {  	s14 =	simm.s32 $0x14100;
	[sflag:s31] =	ssyncadd.s32 $0xFFFFD800  }
0x180: {  	s11 =	simm.s32 $0x19100;
	v0 =	vld [tilespmem:s14+$0x80]  }
0x181: {  	v1 =	vld [tilespmem:s11+$0x80]  }
0x182: {  	v2 =	vld [tilespmem:s14+$0xFFFFFF80]  }
0x183: {  	v3 =	vld [tilespmem:s11+$0xFFFFFF80]  }
0x184: {  	v4 =	vld [tilespmem:s14+$0x0]  }
0x185: {  	v5 =	vld [tilespmem:s11+$0x0]  }
0x186: {  	v6 =	vld [tilespmem:s14+$0xFFFFFF00];
	v0 =	vmul.f32 v1, v0  }
0x187: {  	v1 =	vld [tilespmem:s11+$0xFFFFFF00]  }
0x188: {  	[tilespmem:s14+$0x80] =	vst v0;
	v0 =	vld [tilespmem:s14+$0x90]  }
0x189: {  	v2 =	vmul.f32 v3, v2;
	v3 =	vld [tilespmem:s11+$0x90]  }
0x18a: {  	v7 =	vld [tilespmem:s14+$0xFFFFFF10]  }
0x18b: {  	[tilespmem:s14+$0xFFFFFF80] =	vst v2;
	v2 =	vmul.f32 v5, v4;
	v4 =	vld [tilespmem:s14+$0xFFFFFF90]  }
0x18c: {  	v5 =	vld [tilespmem:s11+$0xFFFFFF90];
	v1 =	vmul.f32 v1, v6  }
0x18d: {  	[tilespmem:s14+$0x0] =	vst v2;
	v2 =	vld [tilespmem:s14+$0x10]  }
0x18e: {  	v6 =	vld [tilespmem:s11+$0x10];
	[tilespmem:s14+$0xFFFFFF00] =	vst v1;
	v0 =	vmul.f32 v3, v0  }
0x18f: {  	v1 =	vld [tilespmem:s11+$0xFFFFFF10]  }
0x190: {  	[tilespmem:s14+$0x90] =	vst v0;
	v0 =	vld [tilespmem:s14+$0xA0]  }
0x191: {  	v3 =	vmul.f32 v5, v4;
	v4 =	vld [tilespmem:s11+$0xA0]  }
0x192: {  	v5 =	vld [tilespmem:s14+$0xFFFFFF20]  }
0x193: {  	[tilespmem:s14+$0xFFFFFF90] =	vst v3;
	v2 =	vmul.f32 v6, v2;
	v3 =	vld [tilespmem:s14+$0xFFFFFFA0]  }
0x194: {  	v6 =	vld [tilespmem:s11+$0xFFFFFFA0];
	v1 =	vmul.f32 v1, v7  }
0x195: {  	[tilespmem:s14+$0x10] =	vst v2;
	v2 =	vld [tilespmem:s14+$0x20]  }
0x196: {  	v7 =	vld [tilespmem:s11+$0x20];
	[tilespmem:s14+$0xFFFFFF10] =	vst v1;
	v0 =	vmul.f32 v4, v0  }
0x197: {  	v1 =	vld [tilespmem:s11+$0xFFFFFF20]  }
0x198: {  	[tilespmem:s14+$0xA0] =	vst v0;
	v0 =	vld [tilespmem:s14+$0xB0]  }
0x199: {  	v3 =	vmul.f32 v6, v3;
	v4 =	vld [tilespmem:s11+$0xB0]  }
0x19a: {  	v6 =	vld [tilespmem:s14+$0xFFFFFF30]  }
0x19b: {  	[tilespmem:s14+$0xFFFFFFA0] =	vst v3;
	v2 =	vmul.f32 v7, v2;
	v3 =	vld [tilespmem:s14+$0xFFFFFFB0]  }
0x19c: {  	v7 =	vld [tilespmem:s11+$0xFFFFFFB0];
	v1 =	vmul.f32 v1, v5  }
0x19d: {  	[tilespmem:s14+$0x20] =	vst v2;
	v2 =	vld [tilespmem:s14+$0x30]  }
0x19e: {  	v5 =	vld [tilespmem:s11+$0x30];
	[tilespmem:s14+$0xFFFFFF20] =	vst v1;
	v0 =	vmul.f32 v4, v0  }
0x19f: {  	v1 =	vld [tilespmem:s11+$0xFFFFFF30]  }
0x1a0: {  	[tilespmem:s14+$0xB0] =	vst v0;
	v0 =	vld [tilespmem:s14+$0xC0]  }
0x1a1: {  	v3 =	vmul.f32 v7, v3;
	v4 =	vld [tilespmem:s11+$0xC0]  }
0x1a2: {  	v7 =	vld [tilespmem:s14+$0xFFFFFF40]  }
0x1a3: {  	[tilespmem:s14+$0xFFFFFFB0] =	vst v3;
	v2 =	vmul.f32 v5, v2;
	v3 =	vld [tilespmem:s14+$0xFFFFFFC0]  }
0x1a4: {  	v5 =	vld [tilespmem:s11+$0xFFFFFFC0];
	v1 =	vmul.f32 v1, v6  }
0x1a5: {  	[tilespmem:s14+$0x30] =	vst v2;
	v2 =	vld [tilespmem:s14+$0x40]  }
0x1a6: {  	v6 =	vld [tilespmem:s11+$0x40];
	[tilespmem:s14+$0xFFFFFF30] =	vst v1;
	v0 =	vmul.f32 v4, v0  }
0x1a7: {  	v1 =	vld [tilespmem:s11+$0xFFFFFF40]  }
0x1a8: {  	[tilespmem:s14+$0xC0] =	vst v0;
	v0 =	vld [tilespmem:s14+$0xD0]  }
0x1a9: {  	v3 =	vmul.f32 v5, v3;
	v4 =	vld [tilespmem:s11+$0xD0]  }
0x1aa: {  	v5 =	vld [tilespmem:s14+$0xFFFFFF50]  }
0x1ab: {  	[tilespmem:s14+$0xFFFFFFC0] =	vst v3;
	v2 =	vmul.f32 v6, v2;
	v3 =	vld [tilespmem:s14+$0xFFFFFFD0]  }
0x1ac: {  	v6 =	vld [tilespmem:s11+$0xFFFFFFD0];
	v1 =	vmul.f32 v1, v7  }
0x1ad: {  	[tilespmem:s14+$0x40] =	vst v2;
	v2 =	vld [tilespmem:s14+$0x50]  }
0x1ae: {  	v7 =	vld [tilespmem:s11+$0x50];
	[tilespmem:s14+$0xFFFFFF40] =	vst v1;
	v0 =	vmul.f32 v4, v0  }
0x1af: {  	v1 =	vld [tilespmem:s11+$0xFFFFFF50]  }
0x1b0: {  	[tilespmem:s14+$0xD0] =	vst v0;
	v0 =	vld [tilespmem:s14+$0xE0]  }
0x1b1: {  	v3 =	vmul.f32 v6, v3;
	v4 =	vld [tilespmem:s11+$0xE0]  }
0x1b2: {  	v6 =	vld [tilespmem:s14+$0xFFFFFF60]  }
0x1b3: {  	[tilespmem:s14+$0xFFFFFFD0] =	vst v3;
	v2 =	vmul.f32 v7, v2;
	v3 =	vld [tilespmem:s14+$0xFFFFFFE0]  }
0x1b4: {  	v7 =	vld [tilespmem:s11+$0xFFFFFFE0];
	v1 =	vmul.f32 v1, v5  }
0x1b5: {  	[tilespmem:s14+$0x50] =	vst v2;
	v2 =	vld [tilespmem:s14+$0x60]  }
0x1b6: {  	v5 =	vld [tilespmem:s11+$0x60];
	[tilespmem:s14+$0xFFFFFF50] =	vst v1;
	v0 =	vmul.f32 v4, v0  }
0x1b7: {  	v4 =	vld [tilespmem:s11+$0xFFFFFF60]  }
0x1b8: {  	v8 =	vld [tilespmem:s14+$0xF0];
	[tilespmem:s14+$0xE0] =	vst v0  }
0x1b9: {  	v1 =	vmul.f32 v7, v3;
	v7 =	vld [tilespmem:s11+$0xF0]  }
0x1ba: {  	v0 =	vld [tilespmem:s14+$0xFFFFFF70]  }
0x1bb: {  	[tilespmem:s14+$0xFFFFFFE0] =	vst v1;
	v2 =	vmul.f32 v5, v2;
	v1 =	vld [tilespmem:s14+$0xFFFFFFF0]  }
0x1bc: {  	v3 =	vld [tilespmem:s11+$0xFFFFFFF0];
	v4 =	vmul.f32 v4, v6  }
0x1bd: {  	[tilespmem:s14+$0x60] =	vst v2;
	v2 =	vld [tilespmem:s14+$0x70]  }
0x1be: {  	[tilespmem:s14+$0xFFFFFF60] =	vst v4;
	v4 =	vld [tilespmem:s11+$0x70];
	v6 =	vmul.f32 v7, v8  }
0x1bf: {  	s17 =	simm.s32 $0x14300;
	s4 =	simm.s32 $0x0;
	v5 =	vld [tilespmem:s11+$0xFFFFFF70]  }
.LBB2_6:
0x1c0: {  	v7 =	vld [tilespmem:s17+$0x80];
	[tilespmem:s14+$0xF0] =	vst v6;
	s11 =	sadd.s32 $0x200, s11  }
0x1c1: {  	s4 =	sadd.s32 $0x4, s4;
	v6 =	vld [tilespmem:s11+$0x80];
	v1 =	vmul.f32 v3, v1  }
0x1c2: {  	p0 =	slt.u32 s4, $0x4C;
	v3 =	vld [tilespmem:s11+$0xFFFFFF00]  }
0x1c3: {  	v8 =	vld [tilespmem:s17+$0xFFFFFF80];
	[tilespmem:s14+$0xFFFFFFF0] =	vst v1;
	v1 =	vmul.f32 v4, v2  }
0x1c4: {  	v2 =	vld [tilespmem:s11+$0xFFFFFF80];
	v0 =	vmul.f32 v5, v0  }
0x1c5: {  	v4 =	vld [tilespmem:s17+$0x0];
	[tilespmem:s14+$0x70] =	vst v1  }
0x1c6: {  	v1 =	vld [tilespmem:s11+$0x0];
	v5 =	vmul.f32 v6, v7;
	[tilespmem:s14+$0xFFFFFF70] =	vst v0;
	s14 =	smov.u32 s17  }
0x1c7: {  	v0 =	vld [tilespmem:s17+$0xFFFFFF00]  }
0x1c8: {  	[tilespmem:s17+$0x80] =	vst v5;
	v5 =	vld [tilespmem:s17+$0x90]  }
0x1c9: {  	v2 =	vmul.f32 v2, v8;
	v6 =	vld [tilespmem:s11+$0x90]  }
0x1ca: {  	v7 =	vld [tilespmem:s17+$0xFFFFFF10]  }
0x1cb: {  	[tilespmem:s17+$0xFFFFFF80] =	vst v2;
	v2 =	vld [tilespmem:s17+$0xFFFFFF90];
	v1 =	vmul.f32 v1, v4  }
0x1cc: {  	v0 =	vmul.f32 v3, v0;
	v3 =	vld [tilespmem:s11+$0xFFFFFF90]  }
0x1cd: {  	[tilespmem:s17+$0x0] =	vst v1;
	v1 =	vld [tilespmem:s17+$0x10]  }
0x1ce: {  	[tilespmem:s17+$0xFFFFFF00] =	vst v0;
	v0 =	vld [tilespmem:s11+$0x10];
	v4 =	vmul.f32 v6, v5  }
0x1cf: {  	v5 =	vld [tilespmem:s11+$0xFFFFFF10]  }
0x1d0: {  	[tilespmem:s17+$0x90] =	vst v4;
	v4 =	vld [tilespmem:s17+$0xA0]  }
0x1d1: {  	v2 =	vmul.f32 v3, v2;
	v3 =	vld [tilespmem:s11+$0xA0]  }
0x1d2: {  	v6 =	vld [tilespmem:s17+$0xFFFFFF20]  }
0x1d3: {  	[tilespmem:s17+$0xFFFFFF90] =	vst v2;
	v2 =	vld [tilespmem:s17+$0xFFFFFFA0];
	v0 =	vmul.f32 v0, v1  }
0x1d4: {  	v1 =	vmul.f32 v5, v7;
	v5 =	vld [tilespmem:s11+$0xFFFFFFA0]  }
0x1d5: {  	[tilespmem:s17+$0x10] =	vst v0;
	v0 =	vld [tilespmem:s17+$0x20]  }
0x1d6: {  	[tilespmem:s17+$0xFFFFFF10] =	vst v1;
	v1 =	vld [tilespmem:s11+$0x20];
	v3 =	vmul.f32 v3, v4  }
0x1d7: {  	v4 =	vld [tilespmem:s11+$0xFFFFFF20]  }
0x1d8: {  	[tilespmem:s17+$0xA0] =	vst v3;
	v3 =	vld [tilespmem:s17+$0xB0]  }
0x1d9: {  	v2 =	vmul.f32 v5, v2;
	v5 =	vld [tilespmem:s11+$0xB0]  }
0x1da: {  	v7 =	vld [tilespmem:s17+$0xFFFFFF30]  }
0x1db: {  	[tilespmem:s17+$0xFFFFFFA0] =	vst v2;
	v2 =	vld [tilespmem:s17+$0xFFFFFFB0];
	v0 =	vmul.f32 v1, v0  }
0x1dc: {  	v1 =	vmul.f32 v4, v6;
	v4 =	vld [tilespmem:s11+$0xFFFFFFB0]  }
0x1dd: {  	[tilespmem:s17+$0x20] =	vst v0;
	v0 =	vld [tilespmem:s17+$0x30]  }
0x1de: {  	[tilespmem:s17+$0xFFFFFF20] =	vst v1;
	v1 =	vld [tilespmem:s11+$0x30];
	v3 =	vmul.f32 v5, v3  }
0x1df: {  	v5 =	vld [tilespmem:s11+$0xFFFFFF30]  }
0x1e0: {  	[tilespmem:s17+$0xB0] =	vst v3;
	v3 =	vld [tilespmem:s17+$0xC0]  }
0x1e1: {  	v2 =	vmul.f32 v4, v2;
	v4 =	vld [tilespmem:s11+$0xC0]  }
0x1e2: {  	v6 =	vld [tilespmem:s17+$0xFFFFFF40]  }
0x1e3: {  	[tilespmem:s17+$0xFFFFFFB0] =	vst v2;
	v2 =	vld [tilespmem:s17+$0xFFFFFFC0];
	v0 =	vmul.f32 v1, v0  }
0x1e4: {  	v1 =	vmul.f32 v5, v7;
	v5 =	vld [tilespmem:s11+$0xFFFFFFC0]  }
0x1e5: {  	[tilespmem:s17+$0x30] =	vst v0;
	v0 =	vld [tilespmem:s17+$0x40]  }
0x1e6: {  	[tilespmem:s17+$0xFFFFFF30] =	vst v1;
	v1 =	vld [tilespmem:s11+$0x40];
	v3 =	vmul.f32 v4, v3  }
0x1e7: {  	v4 =	vld [tilespmem:s11+$0xFFFFFF40]  }
0x1e8: {  	[tilespmem:s17+$0xC0] =	vst v3;
	v3 =	vld [tilespmem:s17+$0xD0]  }
0x1e9: {  	v2 =	vmul.f32 v5, v2;
	v5 =	vld [tilespmem:s11+$0xD0]  }
0x1ea: {  	v7 =	vld [tilespmem:s17+$0xFFFFFF50]  }
0x1eb: {  	[tilespmem:s17+$0xFFFFFFC0] =	vst v2;
	v2 =	vld [tilespmem:s17+$0xFFFFFFD0];
	v0 =	vmul.f32 v1, v0  }
0x1ec: {  	v1 =	vmul.f32 v4, v6;
	v4 =	vld [tilespmem:s11+$0xFFFFFFD0]  }
0x1ed: {  	[tilespmem:s17+$0x40] =	vst v0;
	v0 =	vld [tilespmem:s17+$0x50]  }
0x1ee: {  	[tilespmem:s17+$0xFFFFFF40] =	vst v1;
	v1 =	vld [tilespmem:s11+$0x50];
	v3 =	vmul.f32 v5, v3  }
0x1ef: {  	v5 =	vld [tilespmem:s11+$0xFFFFFF50]  }
0x1f0: {  	[tilespmem:s17+$0xD0] =	vst v3;
	v3 =	vld [tilespmem:s17+$0xE0]  }
0x1f1: {  	v2 =	vmul.f32 v4, v2;
	v4 =	vld [tilespmem:s11+$0xE0]  }
0x1f2: {  	v6 =	vld [tilespmem:s17+$0xFFFFFF60]  }
0x1f3: {  	[tilespmem:s17+$0xFFFFFFD0] =	vst v2;
	v2 =	vld [tilespmem:s17+$0xFFFFFFE0];
	v0 =	vmul.f32 v1, v0  }
0x1f4: {  	v1 =	vmul.f32 v5, v7;
	v5 =	vld [tilespmem:s11+$0xFFFFFFE0]  }
0x1f5: {  	[tilespmem:s17+$0x50] =	vst v0;
	v7 =	vld [tilespmem:s17+$0x60]  }
0x1f6: {  	[tilespmem:s17+$0xFFFFFF50] =	vst v1;
	v8 =	vld [tilespmem:s11+$0x60];
	v0 =	vmul.f32 v4, v3  }
0x1f7: {  	v3 =	vld [tilespmem:s11+$0xFFFFFF60]  }
0x1f8: {  	[tilespmem:s17+$0xE0] =	vst v0;
	v9 =	vld [tilespmem:s17+$0xF0]  }
0x1f9: {  	v1 =	vmul.f32 v5, v2;
	v5 =	vld [tilespmem:s11+$0xF0]  }
0x1fa: {  	v0 =	vld [tilespmem:s17+$0xFFFFFF70]  }
.Ltmp2:
0x1fb: {  	[tilespmem:s17+$0xFFFFFFE0] =	vst v1;
	v1 =	vld [tilespmem:s17+$0xFFFFFFF0];
	v2 =	vmul.f32 v8, v7;
	(pc) =	sbr.rel @p0 .LBB2_6-.Ltmp2, $4  }
0x1fc: {  	v4 =	vmul.f32 v3, v6;
	v3 =	vld [tilespmem:s11+$0xFFFFFFF0]  }
0x1fd: {  	[tilespmem:s17+$0x60] =	vst v2;
	v2 =	vld [tilespmem:s17+$0x70]  }
0x1fe: {  	[tilespmem:s17+$0xFFFFFF60] =	vst v4;
	v4 =	vld [tilespmem:s11+$0x70];
	v6 =	vmul.f32 v5, v9  }
0x1ff: {  	s17 =	sadd.s32 $0x200, s17;
	v5 =	vld [tilespmem:s11+$0xFFFFFF70]  }
0x200: {  	_ =	sdelay $0x1  }
0x201: {  	v1 =	vmul.f32 v3, v1  }
0x202: {  	[tilespmem:s14+$0xF0] =	vst v6;
	v2 =	vmul.f32 v4, v2  }
0x203: {  	[tilespmem:s14+$0xFFFFFFF0] =	vst v1;
	v0 =	vmul.f32 v5, v0  }
0x204: {  	[tilespmem:s14+$0x70] =	vst v2  }
0x205: {  	[tilespmem:s14+$0xFFFFFF70] =	vst v0  }
0x206: {  	_ =	swait.ge [sflag:s0], $0x50  }
0x207: {  	[sflag:s0] =	ssyncset.done $0x0  }
0x208: {  	s4 =	simm.s32 $0x7;
	[sflag:s0] =	ssyncadd.s32 $0xFFFFFFB0  }
0x209: {  	[spmem:s3] =	stream.indirect.scatter.add.f32 [tilespmem:s16], [sflag:$0x5], $0x80, s15, s21, $0xb8;
	[tilespmem:$0x1E300] =	vst v63  }
0x20a: {  	_ =	swait.ge [sflag:s4], $0x50  }
0x20b: {  	[sflag:s4] =	ssyncset.done $0x0  }
0x20c: {  	s24 =	simm.s32 $0x19000;
	[sflag:s4] =	ssyncadd.s32 $0xFFFFFFB0  }
0x20d: {  	[tilespmem:s24], [sflag:$0x3] =	stream.indirect.gather [hbm4b:s1+s21], $0x80, s23, s21, $0xb8;
	[tilespmem:$0x1E300] =	vst v63  }
0x20e: {  	_ =	swait.ge [sflag:s13], $0x2800  }
0x20f: {  	[sflag:s13] =	ssyncset.done $0x0  }
0x210: {  	s25 =	rddreg [dreg:$0x12];
	[sflag:s13] =	ssyncadd.s32 $0xFFFFD800  }
0x211: {  	[tilespmem:s19], [sflag:$0x2] =	stream.linear.gather [hbm4b:s25+s5], $0x2800, $0x38;
	[tilespmem:$0x1E300] =	vst v63  }
0x212: {  	s26 =	rddreg [dreg:$0x15]  }
0x213: {  	[tilespmem:s18], [sflag:$0xC] =	stream.linear.gather [hbm4b:s26+s5], $0x50, $0x38;
	[tilespmem:$0x1E300] =	vst v63  }
0x214: {  	s11 =	simm.s32 $0x1E100;
	s29 =	rddreg [dreg:$0x17]  }
0x215: {  	[tilespmem:s11], [sflag:$0x9] =	stream.linear.gather [hbm4b:s29+s5], $0x50, $0x38;
	[tilespmem:$0x1E300] =	vst v63  }
0x216: {  	_ =	swait.ge [sflag:s9], $0x2800  }
0x217: {  	[sflag:s9] =	ssyncset.done $0x0  }
0x218: {  	[sflag:s9] =	ssyncadd.s32 $0xFFFFD800  }
0x219: {  	_ =	swait.ge [sflag:s10], $0x2800  }
0x21a: {  	[sflag:s10] =	ssyncset.done $0x0  }
0x21b: {  	s14 =	simm.s32 $0x16900;
	[sflag:s10] =	ssyncadd.s32 $0xFFFFD800  }
0x21c: {  	s11 =	simm.s32 $0x1B900;
	v0 =	vld [tilespmem:s14+$0x80]  }
0x21d: {  	v1 =	vld [tilespmem:s11+$0x80]  }
0x21e: {  	v2 =	vld [tilespmem:s14+$0xFFFFFF80]  }
0x21f: {  	v3 =	vld [tilespmem:s11+$0xFFFFFF80]  }
0x220: {  	v4 =	vld [tilespmem:s14+$0x0]  }
0x221: {  	v5 =	vld [tilespmem:s11+$0x0]  }
0x222: {  	v6 =	vld [tilespmem:s14+$0xFFFFFF00];
	v0 =	vmul.f32 v1, v0  }
0x223: {  	v1 =	vld [tilespmem:s11+$0xFFFFFF00]  }
0x224: {  	[tilespmem:s14+$0x80] =	vst v0;
	v0 =	vld [tilespmem:s14+$0x90]  }
0x225: {  	v2 =	vmul.f32 v3, v2;
	v3 =	vld [tilespmem:s11+$0x90]  }
0x226: {  	v7 =	vld [tilespmem:s14+$0xFFFFFF10]  }
0x227: {  	[tilespmem:s14+$0xFFFFFF80] =	vst v2;
	v2 =	vmul.f32 v5, v4;
	v4 =	vld [tilespmem:s14+$0xFFFFFF90]  }
0x228: {  	v5 =	vld [tilespmem:s11+$0xFFFFFF90];
	v1 =	vmul.f32 v1, v6  }
0x229: {  	[tilespmem:s14+$0x0] =	vst v2;
	v2 =	vld [tilespmem:s14+$0x10]  }
0x22a: {  	v6 =	vld [tilespmem:s11+$0x10];
	[tilespmem:s14+$0xFFFFFF00] =	vst v1;
	v0 =	vmul.f32 v3, v0  }
0x22b: {  	v1 =	vld [tilespmem:s11+$0xFFFFFF10]  }
0x22c: {  	[tilespmem:s14+$0x90] =	vst v0;
	v0 =	vld [tilespmem:s14+$0xA0]  }
0x22d: {  	v3 =	vmul.f32 v5, v4;
	v4 =	vld [tilespmem:s11+$0xA0]  }
0x22e: {  	v5 =	vld [tilespmem:s14+$0xFFFFFF20]  }
0x22f: {  	[tilespmem:s14+$0xFFFFFF90] =	vst v3;
	v2 =	vmul.f32 v6, v2;
	v3 =	vld [tilespmem:s14+$0xFFFFFFA0]  }
0x230: {  	v6 =	vld [tilespmem:s11+$0xFFFFFFA0];
	v1 =	vmul.f32 v1, v7  }
0x231: {  	[tilespmem:s14+$0x10] =	vst v2;
	v2 =	vld [tilespmem:s14+$0x20]  }
0x232: {  	v7 =	vld [tilespmem:s11+$0x20];
	[tilespmem:s14+$0xFFFFFF10] =	vst v1;
	v0 =	vmul.f32 v4, v0  }
0x233: {  	v1 =	vld [tilespmem:s11+$0xFFFFFF20]  }
0x234: {  	[tilespmem:s14+$0xA0] =	vst v0;
	v0 =	vld [tilespmem:s14+$0xB0]  }
0x235: {  	v3 =	vmul.f32 v6, v3;
	v4 =	vld [tilespmem:s11+$0xB0]  }
0x236: {  	v6 =	vld [tilespmem:s14+$0xFFFFFF30]  }
0x237: {  	[tilespmem:s14+$0xFFFFFFA0] =	vst v3;
	v2 =	vmul.f32 v7, v2;
	v3 =	vld [tilespmem:s14+$0xFFFFFFB0]  }
0x238: {  	v7 =	vld [tilespmem:s11+$0xFFFFFFB0];
	v1 =	vmul.f32 v1, v5  }
0x239: {  	[tilespmem:s14+$0x20] =	vst v2;
	v2 =	vld [tilespmem:s14+$0x30]  }
0x23a: {  	v5 =	vld [tilespmem:s11+$0x30];
	[tilespmem:s14+$0xFFFFFF20] =	vst v1;
	v0 =	vmul.f32 v4, v0  }
0x23b: {  	v1 =	vld [tilespmem:s11+$0xFFFFFF30]  }
0x23c: {  	[tilespmem:s14+$0xB0] =	vst v0;
	v0 =	vld [tilespmem:s14+$0xC0]  }
0x23d: {  	v3 =	vmul.f32 v7, v3;
	v4 =	vld [tilespmem:s11+$0xC0]  }
0x23e: {  	v7 =	vld [tilespmem:s14+$0xFFFFFF40]  }
0x23f: {  	[tilespmem:s14+$0xFFFFFFB0] =	vst v3;
	v2 =	vmul.f32 v5, v2;
	v3 =	vld [tilespmem:s14+$0xFFFFFFC0]  }
0x240: {  	v5 =	vld [tilespmem:s11+$0xFFFFFFC0];
	v1 =	vmul.f32 v1, v6  }
0x241: {  	[tilespmem:s14+$0x30] =	vst v2;
	v2 =	vld [tilespmem:s14+$0x40]  }
0x242: {  	v6 =	vld [tilespmem:s11+$0x40];
	[tilespmem:s14+$0xFFFFFF30] =	vst v1;
	v0 =	vmul.f32 v4, v0  }
0x243: {  	v1 =	vld [tilespmem:s11+$0xFFFFFF40]  }
0x244: {  	[tilespmem:s14+$0xC0] =	vst v0;
	v0 =	vld [tilespmem:s14+$0xD0]  }
0x245: {  	v3 =	vmul.f32 v5, v3;
	v4 =	vld [tilespmem:s11+$0xD0]  }
0x246: {  	v5 =	vld [tilespmem:s14+$0xFFFFFF50]  }
0x247: {  	[tilespmem:s14+$0xFFFFFFC0] =	vst v3;
	v2 =	vmul.f32 v6, v2;
	v3 =	vld [tilespmem:s14+$0xFFFFFFD0]  }
0x248: {  	v6 =	vld [tilespmem:s11+$0xFFFFFFD0];
	v1 =	vmul.f32 v1, v7  }
0x249: {  	[tilespmem:s14+$0x40] =	vst v2;
	v2 =	vld [tilespmem:s14+$0x50]  }
0x24a: {  	v7 =	vld [tilespmem:s11+$0x50];
	[tilespmem:s14+$0xFFFFFF40] =	vst v1;
	v0 =	vmul.f32 v4, v0  }
0x24b: {  	v1 =	vld [tilespmem:s11+$0xFFFFFF50]  }
0x24c: {  	[tilespmem:s14+$0xD0] =	vst v0;
	v0 =	vld [tilespmem:s14+$0xE0]  }
0x24d: {  	v3 =	vmul.f32 v6, v3;
	v4 =	vld [tilespmem:s11+$0xE0]  }
0x24e: {  	v6 =	vld [tilespmem:s14+$0xFFFFFF60]  }
0x24f: {  	[tilespmem:s14+$0xFFFFFFD0] =	vst v3;
	v2 =	vmul.f32 v7, v2;
	v3 =	vld [tilespmem:s14+$0xFFFFFFE0]  }
0x250: {  	v7 =	vld [tilespmem:s11+$0xFFFFFFE0];
	v1 =	vmul.f32 v1, v5  }
0x251: {  	[tilespmem:s14+$0x50] =	vst v2;
	v2 =	vld [tilespmem:s14+$0x60]  }
0x252: {  	v5 =	vld [tilespmem:s11+$0x60];
	[tilespmem:s14+$0xFFFFFF50] =	vst v1;
	v0 =	vmul.f32 v4, v0  }
0x253: {  	v4 =	vld [tilespmem:s11+$0xFFFFFF60]  }
0x254: {  	v8 =	vld [tilespmem:s14+$0xF0];
	[tilespmem:s14+$0xE0] =	vst v0  }
0x255: {  	v1 =	vmul.f32 v7, v3;
	v7 =	vld [tilespmem:s11+$0xF0]  }
0x256: {  	v0 =	vld [tilespmem:s14+$0xFFFFFF70]  }
0x257: {  	[tilespmem:s14+$0xFFFFFFE0] =	vst v1;
	v2 =	vmul.f32 v5, v2;
	v1 =	vld [tilespmem:s14+$0xFFFFFFF0]  }
0x258: {  	v3 =	vld [tilespmem:s11+$0xFFFFFFF0];
	v4 =	vmul.f32 v4, v6  }
0x259: {  	[tilespmem:s14+$0x60] =	vst v2;
	v2 =	vld [tilespmem:s14+$0x70]  }
0x25a: {  	[tilespmem:s14+$0xFFFFFF60] =	vst v4;
	v4 =	vld [tilespmem:s11+$0x70];
	v6 =	vmul.f32 v7, v8  }
0x25b: {  	s17 =	simm.s32 $0x16B00;
	s4 =	simm.s32 $0x0;
	v5 =	vld [tilespmem:s11+$0xFFFFFF70]  }
.LBB2_8:
0x25c: {  	v7 =	vld [tilespmem:s17+$0x80];
	[tilespmem:s14+$0xF0] =	vst v6;
	s11 =	sadd.s32 $0x200, s11  }
0x25d: {  	s4 =	sadd.s32 $0x4, s4;
	v6 =	vld [tilespmem:s11+$0x80];
	v1 =	vmul.f32 v3, v1  }
0x25e: {  	p0 =	slt.u32 s4, $0x4C;
	v3 =	vld [tilespmem:s11+$0xFFFFFF00]  }
0x25f: {  	v8 =	vld [tilespmem:s17+$0xFFFFFF80];
	[tilespmem:s14+$0xFFFFFFF0] =	vst v1;
	v1 =	vmul.f32 v4, v2  }
0x260: {  	v2 =	vld [tilespmem:s11+$0xFFFFFF80];
	v0 =	vmul.f32 v5, v0  }
0x261: {  	v4 =	vld [tilespmem:s17+$0x0];
	[tilespmem:s14+$0x70] =	vst v1  }
0x262: {  	v1 =	vld [tilespmem:s11+$0x0];
	v5 =	vmul.f32 v6, v7;
	[tilespmem:s14+$0xFFFFFF70] =	vst v0;
	s14 =	smov.u32 s17  }
0x263: {  	v0 =	vld [tilespmem:s17+$0xFFFFFF00]  }
0x264: {  	[tilespmem:s17+$0x80] =	vst v5;
	v5 =	vld [tilespmem:s17+$0x90]  }
0x265: {  	v2 =	vmul.f32 v2, v8;
	v6 =	vld [tilespmem:s11+$0x90]  }
0x266: {  	v7 =	vld [tilespmem:s17+$0xFFFFFF10]  }
0x267: {  	[tilespmem:s17+$0xFFFFFF80] =	vst v2;
	v2 =	vld [tilespmem:s17+$0xFFFFFF90];
	v1 =	vmul.f32 v1, v4  }
0x268: {  	v0 =	vmul.f32 v3, v0;
	v3 =	vld [tilespmem:s11+$0xFFFFFF90]  }
0x269: {  	[tilespmem:s17+$0x0] =	vst v1;
	v1 =	vld [tilespmem:s17+$0x10]  }
0x26a: {  	[tilespmem:s17+$0xFFFFFF00] =	vst v0;
	v0 =	vld [tilespmem:s11+$0x10];
	v4 =	vmul.f32 v6, v5  }
0x26b: {  	v5 =	vld [tilespmem:s11+$0xFFFFFF10]  }
0x26c: {  	[tilespmem:s17+$0x90] =	vst v4;
	v4 =	vld [tilespmem:s17+$0xA0]  }
0x26d: {  	v2 =	vmul.f32 v3, v2;
	v3 =	vld [tilespmem:s11+$0xA0]  }
0x26e: {  	v6 =	vld [tilespmem:s17+$0xFFFFFF20]  }
0x26f: {  	[tilespmem:s17+$0xFFFFFF90] =	vst v2;
	v2 =	vld [tilespmem:s17+$0xFFFFFFA0];
	v0 =	vmul.f32 v0, v1  }
0x270: {  	v1 =	vmul.f32 v5, v7;
	v5 =	vld [tilespmem:s11+$0xFFFFFFA0]  }
0x271: {  	[tilespmem:s17+$0x10] =	vst v0;
	v0 =	vld [tilespmem:s17+$0x20]  }
0x272: {  	[tilespmem:s17+$0xFFFFFF10] =	vst v1;
	v1 =	vld [tilespmem:s11+$0x20];
	v3 =	vmul.f32 v3, v4  }
0x273: {  	v4 =	vld [tilespmem:s11+$0xFFFFFF20]  }
0x274: {  	[tilespmem:s17+$0xA0] =	vst v3;
	v3 =	vld [tilespmem:s17+$0xB0]  }
0x275: {  	v2 =	vmul.f32 v5, v2;
	v5 =	vld [tilespmem:s11+$0xB0]  }
0x276: {  	v7 =	vld [tilespmem:s17+$0xFFFFFF30]  }
0x277: {  	[tilespmem:s17+$0xFFFFFFA0] =	vst v2;
	v2 =	vld [tilespmem:s17+$0xFFFFFFB0];
	v0 =	vmul.f32 v1, v0  }
0x278: {  	v1 =	vmul.f32 v4, v6;
	v4 =	vld [tilespmem:s11+$0xFFFFFFB0]  }
0x279: {  	[tilespmem:s17+$0x20] =	vst v0;
	v0 =	vld [tilespmem:s17+$0x30]  }
0x27a: {  	[tilespmem:s17+$0xFFFFFF20] =	vst v1;
	v1 =	vld [tilespmem:s11+$0x30];
	v3 =	vmul.f32 v5, v3  }
0x27b: {  	v5 =	vld [tilespmem:s11+$0xFFFFFF30]  }
0x27c: {  	[tilespmem:s17+$0xB0] =	vst v3;
	v3 =	vld [tilespmem:s17+$0xC0]  }
0x27d: {  	v2 =	vmul.f32 v4, v2;
	v4 =	vld [tilespmem:s11+$0xC0]  }
0x27e: {  	v6 =	vld [tilespmem:s17+$0xFFFFFF40]  }
0x27f: {  	[tilespmem:s17+$0xFFFFFFB0] =	vst v2;
	v2 =	vld [tilespmem:s17+$0xFFFFFFC0];
	v0 =	vmul.f32 v1, v0  }
0x280: {  	v1 =	vmul.f32 v5, v7;
	v5 =	vld [tilespmem:s11+$0xFFFFFFC0]  }
0x281: {  	[tilespmem:s17+$0x30] =	vst v0;
	v0 =	vld [tilespmem:s17+$0x40]  }
0x282: {  	[tilespmem:s17+$0xFFFFFF30] =	vst v1;
	v1 =	vld [tilespmem:s11+$0x40];
	v3 =	vmul.f32 v4, v3  }
0x283: {  	v4 =	vld [tilespmem:s11+$0xFFFFFF40]  }
0x284: {  	[tilespmem:s17+$0xC0] =	vst v3;
	v3 =	vld [tilespmem:s17+$0xD0]  }
0x285: {  	v2 =	vmul.f32 v5, v2;
	v5 =	vld [tilespmem:s11+$0xD0]  }
0x286: {  	v7 =	vld [tilespmem:s17+$0xFFFFFF50]  }
0x287: {  	[tilespmem:s17+$0xFFFFFFC0] =	vst v2;
	v2 =	vld [tilespmem:s17+$0xFFFFFFD0];
	v0 =	vmul.f32 v1, v0  }
0x288: {  	v1 =	vmul.f32 v4, v6;
	v4 =	vld [tilespmem:s11+$0xFFFFFFD0]  }
0x289: {  	[tilespmem:s17+$0x40] =	vst v0;
	v0 =	vld [tilespmem:s17+$0x50]  }
0x28a: {  	[tilespmem:s17+$0xFFFFFF40] =	vst v1;
	v1 =	vld [tilespmem:s11+$0x50];
	v3 =	vmul.f32 v5, v3  }
0x28b: {  	v5 =	vld [tilespmem:s11+$0xFFFFFF50]  }
0x28c: {  	[tilespmem:s17+$0xD0] =	vst v3;
	v3 =	vld [tilespmem:s17+$0xE0]  }
0x28d: {  	v2 =	vmul.f32 v4, v2;
	v4 =	vld [tilespmem:s11+$0xE0]  }
0x28e: {  	v6 =	vld [tilespmem:s17+$0xFFFFFF60]  }
0x28f: {  	[tilespmem:s17+$0xFFFFFFD0] =	vst v2;
	v2 =	vld [tilespmem:s17+$0xFFFFFFE0];
	v0 =	vmul.f32 v1, v0  }
0x290: {  	v1 =	vmul.f32 v5, v7;
	v5 =	vld [tilespmem:s11+$0xFFFFFFE0]  }
0x291: {  	[tilespmem:s17+$0x50] =	vst v0;
	v7 =	vld [tilespmem:s17+$0x60]  }
0x292: {  	[tilespmem:s17+$0xFFFFFF50] =	vst v1;
	v8 =	vld [tilespmem:s11+$0x60];
	v0 =	vmul.f32 v4, v3  }
0x293: {  	v3 =	vld [tilespmem:s11+$0xFFFFFF60]  }
0x294: {  	[tilespmem:s17+$0xE0] =	vst v0;
	v9 =	vld [tilespmem:s17+$0xF0]  }
0x295: {  	v1 =	vmul.f32 v5, v2;
	v5 =	vld [tilespmem:s11+$0xF0]  }
0x296: {  	v0 =	vld [tilespmem:s17+$0xFFFFFF70]  }
.Ltmp3:
0x297: {  	[tilespmem:s17+$0xFFFFFFE0] =	vst v1;
	v1 =	vld [tilespmem:s17+$0xFFFFFFF0];
	v2 =	vmul.f32 v8, v7;
	(pc) =	sbr.rel @p0 .LBB2_8-.Ltmp3, $4  }
0x298: {  	v4 =	vmul.f32 v3, v6;
	v3 =	vld [tilespmem:s11+$0xFFFFFFF0]  }
0x299: {  	[tilespmem:s17+$0x60] =	vst v2;
	v2 =	vld [tilespmem:s17+$0x70]  }
0x29a: {  	[tilespmem:s17+$0xFFFFFF60] =	vst v4;
	v4 =	vld [tilespmem:s11+$0x70];
	v6 =	vmul.f32 v5, v9  }
0x29b: {  	s17 =	sadd.s32 $0x200, s17;
	v5 =	vld [tilespmem:s11+$0xFFFFFF70]  }
0x29c: {  	_ =	sdelay $0x1  }
0x29d: {  	v1 =	vmul.f32 v3, v1  }
0x29e: {  	[tilespmem:s14+$0xF0] =	vst v6;
	v2 =	vmul.f32 v4, v2  }
0x29f: {  	[tilespmem:s14+$0xFFFFFFF0] =	vst v1;
	v0 =	vmul.f32 v5, v0  }
0x2a0: {  	[tilespmem:s14+$0x70] =	vst v2  }
0x2a1: {  	[tilespmem:s14+$0xFFFFFF70] =	vst v0  }
0x2a2: {  	_ =	swait.ge [sflag:s12], $0x50  }
0x2a3: {  	[sflag:s12] =	ssyncset.done $0x0  }
0x2a4: {  	[sflag:s12] =	ssyncadd.s32 $0xFFFFFFB0  }
0x2a5: {  	[spmem:s3] =	stream.indirect.scatter.add.f32 [tilespmem:s19], [sflag:$0x6], $0x80, s18, s21, $0xb8;
	[tilespmem:$0x1E300] =	vst v63  }
0x2a6: {  	_ =	swait.ge [sflag:s22], $0x50  }
0x2a7: {  	[sflag:s22] =	ssyncset.done $0x0  }
0x2a8: {  	s4 =	simm.s32 $0x1B800;
	[sflag:s22] =	ssyncadd.s32 $0xFFFFFFB0  }
0x2a9: {  	[tilespmem:s4], [sflag:$0x4] =	stream.indirect.gather [hbm4b:s1+s21], $0x80, s20, s21, $0xb8;
	[tilespmem:$0x1E300] =	vst v63  }
0x2aa: {  	_ =	swait.ge [sflag:s28], $0x2800  }
0x2ab: {  	[sflag:s28] =	ssyncset.done $0x0  }
0x2ac: {  	s25 =	rddreg [dreg:$0x19];
	[sflag:s28] =	ssyncadd.s32 $0xFFFFD800  }
0x2ad: {  	[tilespmem:s16], [sflag:$0x1] =	stream.linear.gather [hbm4b:s25+s5], $0x2800, $0x38;
	[tilespmem:$0x1E300] =	vst v63  }
0x2ae: {  	s26 =	rddreg [dreg:$0x1b]  }
0x2af: {  	[tilespmem:s15], [sflag:$0xB] =	stream.linear.gather [hbm4b:s26+s5], $0x50, $0x38;
	[tilespmem:$0x1E300] =	vst v63  }
0x2b0: {  	s11 =	simm.s32 $0x1E180;
	s14 =	simm.s32 $0x1;
	s29 =	rddreg [dreg:$0x1c]  }
0x2b1: {  	[tilespmem:s11], [sflag:$0xA] =	stream.linear.gather [hbm4b:s29+s5], $0x50, $0x38;
	[tilespmem:$0x1E300] =	vst v63  }
.LBB2_10:
0x2b2: {  	_ =	swait.ge [sflag:s30], $0x2800  }
0x2b3: {  	[sflag:s30] =	ssyncset.done $0x0  }
0x2b4: {  	[sflag:s30] =	ssyncadd.s32 $0xFFFFD800  }
0x2b5: {  	_ =	swait.ge [sflag:s31], $0x2800  }
0x2b6: {  	[sflag:s31] =	ssyncset.done $0x0  }
0x2b7: {  	s17 =	simm.s32 $0x14100;
	[sflag:s31] =	ssyncadd.s32 $0xFFFFD800  }
0x2b8: {  	s11 =	simm.s32 $0x19100;
	v0 =	vld [tilespmem:s17+$0x80]  }
0x2b9: {  	v1 =	vld [tilespmem:s11+$0x80]  }
0x2ba: {  	v2 =	vld [tilespmem:s17+$0xFFFFFF80]  }
0x2bb: {  	v3 =	vld [tilespmem:s11+$0xFFFFFF80]  }
0x2bc: {  	v4 =	vld [tilespmem:s17+$0x0]  }
0x2bd: {  	v5 =	vld [tilespmem:s11+$0x0]  }
0x2be: {  	v6 =	vld [tilespmem:s17+$0xFFFFFF00];
	v0 =	vmul.f32 v1, v0  }
0x2bf: {  	v1 =	vld [tilespmem:s11+$0xFFFFFF00]  }
0x2c0: {  	[tilespmem:s17+$0x80] =	vst v0;
	v0 =	vld [tilespmem:s17+$0x90]  }
0x2c1: {  	v2 =	vmul.f32 v3, v2;
	v3 =	vld [tilespmem:s11+$0x90]  }
0x2c2: {  	v7 =	vld [tilespmem:s17+$0xFFFFFF10]  }
0x2c3: {  	[tilespmem:s17+$0xFFFFFF80] =	vst v2;
	v2 =	vmul.f32 v5, v4;
	v4 =	vld [tilespmem:s17+$0xFFFFFF90]  }
0x2c4: {  	v5 =	vld [tilespmem:s11+$0xFFFFFF90];
	v1 =	vmul.f32 v1, v6  }
0x2c5: {  	[tilespmem:s17+$0x0] =	vst v2;
	v2 =	vld [tilespmem:s17+$0x10]  }
0x2c6: {  	v6 =	vld [tilespmem:s11+$0x10];
	[tilespmem:s17+$0xFFFFFF00] =	vst v1;
	v0 =	vmul.f32 v3, v0  }
0x2c7: {  	v1 =	vld [tilespmem:s11+$0xFFFFFF10]  }
0x2c8: {  	[tilespmem:s17+$0x90] =	vst v0;
	v0 =	vld [tilespmem:s17+$0xA0]  }
0x2c9: {  	v3 =	vmul.f32 v5, v4;
	v4 =	vld [tilespmem:s11+$0xA0]  }
0x2ca: {  	v5 =	vld [tilespmem:s17+$0xFFFFFF20]  }
0x2cb: {  	[tilespmem:s17+$0xFFFFFF90] =	vst v3;
	v2 =	vmul.f32 v6, v2;
	v3 =	vld [tilespmem:s17+$0xFFFFFFA0]  }
0x2cc: {  	v6 =	vld [tilespmem:s11+$0xFFFFFFA0];
	v1 =	vmul.f32 v1, v7  }
0x2cd: {  	[tilespmem:s17+$0x10] =	vst v2;
	v2 =	vld [tilespmem:s17+$0x20]  }
0x2ce: {  	v7 =	vld [tilespmem:s11+$0x20];
	[tilespmem:s17+$0xFFFFFF10] =	vst v1;
	v0 =	vmul.f32 v4, v0  }
0x2cf: {  	v1 =	vld [tilespmem:s11+$0xFFFFFF20]  }
0x2d0: {  	[tilespmem:s17+$0xA0] =	vst v0;
	v0 =	vld [tilespmem:s17+$0xB0]  }
0x2d1: {  	v3 =	vmul.f32 v6, v3;
	v4 =	vld [tilespmem:s11+$0xB0]  }
0x2d2: {  	v6 =	vld [tilespmem:s17+$0xFFFFFF30]  }
0x2d3: {  	[tilespmem:s17+$0xFFFFFFA0] =	vst v3;
	v2 =	vmul.f32 v7, v2;
	v3 =	vld [tilespmem:s17+$0xFFFFFFB0]  }
0x2d4: {  	v7 =	vld [tilespmem:s11+$0xFFFFFFB0];
	v1 =	vmul.f32 v1, v5  }
0x2d5: {  	[tilespmem:s17+$0x20] =	vst v2;
	v2 =	vld [tilespmem:s17+$0x30]  }
0x2d6: {  	v5 =	vld [tilespmem:s11+$0x30];
	[tilespmem:s17+$0xFFFFFF20] =	vst v1;
	v0 =	vmul.f32 v4, v0  }
0x2d7: {  	v1 =	vld [tilespmem:s11+$0xFFFFFF30]  }
0x2d8: {  	[tilespmem:s17+$0xB0] =	vst v0;
	v0 =	vld [tilespmem:s17+$0xC0]  }
0x2d9: {  	v3 =	vmul.f32 v7, v3;
	v4 =	vld [tilespmem:s11+$0xC0]  }
0x2da: {  	v7 =	vld [tilespmem:s17+$0xFFFFFF40]  }
0x2db: {  	[tilespmem:s17+$0xFFFFFFB0] =	vst v3;
	v2 =	vmul.f32 v5, v2;
	v3 =	vld [tilespmem:s17+$0xFFFFFFC0]  }
0x2dc: {  	v5 =	vld [tilespmem:s11+$0xFFFFFFC0];
	v1 =	vmul.f32 v1, v6  }
0x2dd: {  	[tilespmem:s17+$0x30] =	vst v2;
	v2 =	vld [tilespmem:s17+$0x40]  }
0x2de: {  	v6 =	vld [tilespmem:s11+$0x40];
	[tilespmem:s17+$0xFFFFFF30] =	vst v1;
	v0 =	vmul.f32 v4, v0  }
0x2df: {  	v1 =	vld [tilespmem:s11+$0xFFFFFF40]  }
0x2e0: {  	[tilespmem:s17+$0xC0] =	vst v0;
	v0 =	vld [tilespmem:s17+$0xD0]  }
0x2e1: {  	v3 =	vmul.f32 v5, v3;
	v4 =	vld [tilespmem:s11+$0xD0]  }
0x2e2: {  	v5 =	vld [tilespmem:s17+$0xFFFFFF50]  }
0x2e3: {  	[tilespmem:s17+$0xFFFFFFC0] =	vst v3;
	v2 =	vmul.f32 v6, v2;
	v3 =	vld [tilespmem:s17+$0xFFFFFFD0]  }
0x2e4: {  	v6 =	vld [tilespmem:s11+$0xFFFFFFD0];
	v1 =	vmul.f32 v1, v7  }
0x2e5: {  	[tilespmem:s17+$0x40] =	vst v2;
	v2 =	vld [tilespmem:s17+$0x50]  }
0x2e6: {  	v7 =	vld [tilespmem:s11+$0x50];
	[tilespmem:s17+$0xFFFFFF40] =	vst v1;
	v0 =	vmul.f32 v4, v0  }
0x2e7: {  	v1 =	vld [tilespmem:s11+$0xFFFFFF50]  }
0x2e8: {  	[tilespmem:s17+$0xD0] =	vst v0;
	v0 =	vld [tilespmem:s17+$0xE0]  }
0x2e9: {  	v3 =	vmul.f32 v6, v3;
	v4 =	vld [tilespmem:s11+$0xE0]  }
0x2ea: {  	v6 =	vld [tilespmem:s17+$0xFFFFFF60]  }
0x2eb: {  	[tilespmem:s17+$0xFFFFFFD0] =	vst v3;
	v2 =	vmul.f32 v7, v2;
	v3 =	vld [tilespmem:s17+$0xFFFFFFE0]  }
0x2ec: {  	v7 =	vld [tilespmem:s11+$0xFFFFFFE0];
	v1 =	vmul.f32 v1, v5  }
0x2ed: {  	[tilespmem:s17+$0x50] =	vst v2;
	v2 =	vld [tilespmem:s17+$0x60]  }
0x2ee: {  	v5 =	vld [tilespmem:s11+$0x60];
	[tilespmem:s17+$0xFFFFFF50] =	vst v1;
	v0 =	vmul.f32 v4, v0  }
0x2ef: {  	v4 =	vld [tilespmem:s11+$0xFFFFFF60]  }
0x2f0: {  	v8 =	vld [tilespmem:s17+$0xF0];
	[tilespmem:s17+$0xE0] =	vst v0  }
0x2f1: {  	v1 =	vmul.f32 v7, v3;
	v7 =	vld [tilespmem:s11+$0xF0]  }
0x2f2: {  	v0 =	vld [tilespmem:s17+$0xFFFFFF70]  }
0x2f3: {  	[tilespmem:s17+$0xFFFFFFE0] =	vst v1;
	v2 =	vmul.f32 v5, v2;
	v1 =	vld [tilespmem:s17+$0xFFFFFFF0]  }
0x2f4: {  	v3 =	vld [tilespmem:s11+$0xFFFFFFF0];
	v4 =	vmul.f32 v4, v6  }
0x2f5: {  	[tilespmem:s17+$0x60] =	vst v2;
	v2 =	vld [tilespmem:s17+$0x70]  }
0x2f6: {  	[tilespmem:s17+$0xFFFFFF60] =	vst v4;
	v4 =	vld [tilespmem:s11+$0x70];
	v6 =	vmul.f32 v7, v8  }
0x2f7: {  	s4 =	simm.s32 $0x0;
	s22 =	simm.s32 $0x14300;
	v5 =	vld [tilespmem:s11+$0xFFFFFF70]  }
.LBB2_11:
0x2f8: {  	v7 =	vld [tilespmem:s22+$0x80];
	[tilespmem:s17+$0xF0] =	vst v6;
	s11 =	sadd.s32 $0x200, s11  }
0x2f9: {  	s4 =	sadd.s32 $0x4, s4;
	v6 =	vld [tilespmem:s11+$0x80];
	v1 =	vmul.f32 v3, v1  }
0x2fa: {  	p0 =	slt.u32 s4, $0x4C;
	v3 =	vld [tilespmem:s11+$0xFFFFFF00]  }
0x2fb: {  	v8 =	vld [tilespmem:s22+$0xFFFFFF80];
	[tilespmem:s17+$0xFFFFFFF0] =	vst v1;
	v1 =	vmul.f32 v4, v2  }
0x2fc: {  	v2 =	vld [tilespmem:s11+$0xFFFFFF80];
	v0 =	vmul.f32 v5, v0  }
0x2fd: {  	v4 =	vld [tilespmem:s22+$0x0];
	[tilespmem:s17+$0x70] =	vst v1  }
0x2fe: {  	v1 =	vld [tilespmem:s11+$0x0];
	v5 =	vmul.f32 v6, v7;
	[tilespmem:s17+$0xFFFFFF70] =	vst v0;
	s17 =	smov.u32 s22  }
0x2ff: {  	v0 =	vld [tilespmem:s22+$0xFFFFFF00]  }
0x300: {  	[tilespmem:s22+$0x80] =	vst v5;
	v5 =	vld [tilespmem:s22+$0x90]  }
0x301: {  	v2 =	vmul.f32 v2, v8;
	v6 =	vld [tilespmem:s11+$0x90]  }
0x302: {  	v7 =	vld [tilespmem:s22+$0xFFFFFF10]  }
0x303: {  	[tilespmem:s22+$0xFFFFFF80] =	vst v2;
	v2 =	vld [tilespmem:s22+$0xFFFFFF90];
	v1 =	vmul.f32 v1, v4  }
0x304: {  	v0 =	vmul.f32 v3, v0;
	v3 =	vld [tilespmem:s11+$0xFFFFFF90]  }
0x305: {  	[tilespmem:s22+$0x0] =	vst v1;
	v1 =	vld [tilespmem:s22+$0x10]  }
0x306: {  	[tilespmem:s22+$0xFFFFFF00] =	vst v0;
	v0 =	vld [tilespmem:s11+$0x10];
	v4 =	vmul.f32 v6, v5  }
0x307: {  	v5 =	vld [tilespmem:s11+$0xFFFFFF10]  }
0x308: {  	[tilespmem:s22+$0x90] =	vst v4;
	v4 =	vld [tilespmem:s22+$0xA0]  }
0x309: {  	v2 =	vmul.f32 v3, v2;
	v3 =	vld [tilespmem:s11+$0xA0]  }
0x30a: {  	v6 =	vld [tilespmem:s22+$0xFFFFFF20]  }
0x30b: {  	[tilespmem:s22+$0xFFFFFF90] =	vst v2;
	v2 =	vld [tilespmem:s22+$0xFFFFFFA0];
	v0 =	vmul.f32 v0, v1  }
0x30c: {  	v1 =	vmul.f32 v5, v7;
	v5 =	vld [tilespmem:s11+$0xFFFFFFA0]  }
0x30d: {  	[tilespmem:s22+$0x10] =	vst v0;
	v0 =	vld [tilespmem:s22+$0x20]  }
0x30e: {  	[tilespmem:s22+$0xFFFFFF10] =	vst v1;
	v1 =	vld [tilespmem:s11+$0x20];
	v3 =	vmul.f32 v3, v4  }
0x30f: {  	v4 =	vld [tilespmem:s11+$0xFFFFFF20]  }
0x310: {  	[tilespmem:s22+$0xA0] =	vst v3;
	v3 =	vld [tilespmem:s22+$0xB0]  }
0x311: {  	v2 =	vmul.f32 v5, v2;
	v5 =	vld [tilespmem:s11+$0xB0]  }
0x312: {  	v7 =	vld [tilespmem:s22+$0xFFFFFF30]  }
0x313: {  	[tilespmem:s22+$0xFFFFFFA0] =	vst v2;
	v2 =	vld [tilespmem:s22+$0xFFFFFFB0];
	v0 =	vmul.f32 v1, v0  }
0x314: {  	v1 =	vmul.f32 v4, v6;
	v4 =	vld [tilespmem:s11+$0xFFFFFFB0]  }
0x315: {  	[tilespmem:s22+$0x20] =	vst v0;
	v0 =	vld [tilespmem:s22+$0x30]  }
0x316: {  	[tilespmem:s22+$0xFFFFFF20] =	vst v1;
	v1 =	vld [tilespmem:s11+$0x30];
	v3 =	vmul.f32 v5, v3  }
0x317: {  	v5 =	vld [tilespmem:s11+$0xFFFFFF30]  }
0x318: {  	[tilespmem:s22+$0xB0] =	vst v3;
	v3 =	vld [tilespmem:s22+$0xC0]  }
0x319: {  	v2 =	vmul.f32 v4, v2;
	v4 =	vld [tilespmem:s11+$0xC0]  }
0x31a: {  	v6 =	vld [tilespmem:s22+$0xFFFFFF40]  }
0x31b: {  	[tilespmem:s22+$0xFFFFFFB0] =	vst v2;
	v2 =	vld [tilespmem:s22+$0xFFFFFFC0];
	v0 =	vmul.f32 v1, v0  }
0x31c: {  	v1 =	vmul.f32 v5, v7;
	v5 =	vld [tilespmem:s11+$0xFFFFFFC0]  }
0x31d: {  	[tilespmem:s22+$0x30] =	vst v0;
	v0 =	vld [tilespmem:s22+$0x40]  }
0x31e: {  	[tilespmem:s22+$0xFFFFFF30] =	vst v1;
	v1 =	vld [tilespmem:s11+$0x40];
	v3 =	vmul.f32 v4, v3  }
0x31f: {  	v4 =	vld [tilespmem:s11+$0xFFFFFF40]  }
0x320: {  	[tilespmem:s22+$0xC0] =	vst v3;
	v3 =	vld [tilespmem:s22+$0xD0]  }
0x321: {  	v2 =	vmul.f32 v5, v2;
	v5 =	vld [tilespmem:s11+$0xD0]  }
0x322: {  	v7 =	vld [tilespmem:s22+$0xFFFFFF50]  }
0x323: {  	[tilespmem:s22+$0xFFFFFFC0] =	vst v2;
	v2 =	vld [tilespmem:s22+$0xFFFFFFD0];
	v0 =	vmul.f32 v1, v0  }
0x324: {  	v1 =	vmul.f32 v4, v6;
	v4 =	vld [tilespmem:s11+$0xFFFFFFD0]  }
0x325: {  	[tilespmem:s22+$0x40] =	vst v0;
	v0 =	vld [tilespmem:s22+$0x50]  }
0x326: {  	[tilespmem:s22+$0xFFFFFF40] =	vst v1;
	v1 =	vld [tilespmem:s11+$0x50];
	v3 =	vmul.f32 v5, v3  }
0x327: {  	v5 =	vld [tilespmem:s11+$0xFFFFFF50]  }
0x328: {  	[tilespmem:s22+$0xD0] =	vst v3;
	v3 =	vld [tilespmem:s22+$0xE0]  }
0x329: {  	v2 =	vmul.f32 v4, v2;
	v4 =	vld [tilespmem:s11+$0xE0]  }
0x32a: {  	v6 =	vld [tilespmem:s22+$0xFFFFFF60]  }
0x32b: {  	[tilespmem:s22+$0xFFFFFFD0] =	vst v2;
	v2 =	vld [tilespmem:s22+$0xFFFFFFE0];
	v0 =	vmul.f32 v1, v0  }
0x32c: {  	v1 =	vmul.f32 v5, v7;
	v5 =	vld [tilespmem:s11+$0xFFFFFFE0]  }
0x32d: {  	[tilespmem:s22+$0x50] =	vst v0;
	v7 =	vld [tilespmem:s22+$0x60]  }
0x32e: {  	[tilespmem:s22+$0xFFFFFF50] =	vst v1;
	v8 =	vld [tilespmem:s11+$0x60];
	v0 =	vmul.f32 v4, v3  }
0x32f: {  	v3 =	vld [tilespmem:s11+$0xFFFFFF60]  }
0x330: {  	[tilespmem:s22+$0xE0] =	vst v0;
	v9 =	vld [tilespmem:s22+$0xF0]  }
0x331: {  	v1 =	vmul.f32 v5, v2;
	v5 =	vld [tilespmem:s11+$0xF0]  }
0x332: {  	v0 =	vld [tilespmem:s22+$0xFFFFFF70]  }
.Ltmp4:
0x333: {  	[tilespmem:s22+$0xFFFFFFE0] =	vst v1;
	v1 =	vld [tilespmem:s22+$0xFFFFFFF0];
	v2 =	vmul.f32 v8, v7;
	(pc) =	sbr.rel @p0 .LBB2_11-.Ltmp4, $4  }
0x334: {  	v4 =	vmul.f32 v3, v6;
	v3 =	vld [tilespmem:s11+$0xFFFFFFF0]  }
0x335: {  	[tilespmem:s22+$0x60] =	vst v2;
	v2 =	vld [tilespmem:s22+$0x70]  }
0x336: {  	[tilespmem:s22+$0xFFFFFF60] =	vst v4;
	v4 =	vld [tilespmem:s11+$0x70];
	v6 =	vmul.f32 v5, v9  }
0x337: {  	s22 =	sadd.s32 $0x200, s22;
	v5 =	vld [tilespmem:s11+$0xFFFFFF70]  }
0x338: {  	_ =	sdelay $0x1  }
0x339: {  	v1 =	vmul.f32 v3, v1  }
0x33a: {  	[tilespmem:s17+$0xF0] =	vst v6;
	v2 =	vmul.f32 v4, v2  }
0x33b: {  	[tilespmem:s17+$0xFFFFFFF0] =	vst v1;
	v0 =	vmul.f32 v5, v0  }
0x33c: {  	[tilespmem:s17+$0x70] =	vst v2  }
0x33d: {  	[tilespmem:s17+$0xFFFFFF70] =	vst v0  }
0x33e: {  	_ =	swait.ge [sflag:s0], $0x50  }
0x33f: {  	s26 =	sshll.u32 s14, $0x2;
	[sflag:s0] =	ssyncset.done $0x0  }
0x340: {  	s4 =	simm.s32 $0x9;
	s22 =	sor.u32 $0x1, s26;
	[sflag:s0] =	ssyncadd.s32 $0xFFFFFFB0  }
0x341: {  	[spmem:s3] =	stream.indirect.scatter.add.f32 [tilespmem:s16], [sflag:$0x5], $0x80, s15, s21, $0xb8;
	[tilespmem:$0x1E300] =	vst v63  }
0x342: {  	s20 =	smul.u32 $0x50, s22;
	_ =	swait.ge [sflag:s4], $0x50  }
0x343: {  	s11 =	simm.s32 $0x1E100;
	[sflag:s4] =	ssyncset.done $0x0  }
0x344: {  	s24 =	simm.s32 $0x19000;
	[sflag:s4] =	ssyncadd.s32 $0xFFFFFFB0;
	s4 =	sadd.s32 s8, s20  }
0x345: {  	[tilespmem:s24], [sflag:$0x3] =	stream.indirect.gather [hbm4b:s1+s21], $0x80, s11, s21, $0xb8;
	[tilespmem:$0x1E300] =	vst v63  }
0x346: {  	s25 =	sshll.u32 s4, $0x4  }
0x347: {  	_ =	swait.ge [sflag:s13], $0x2800;
	s11 =	sadd.s32 s2, s25;
	s25 =	smul.u32 $0x140, s14  }
0x348: {  	[sflag:s13] =	ssyncset.done $0x0;
	s17 =	rddreg [dreg:$0x16]  }
0x349: {  	s4 =	sshrl.u32 s4, $0x3;
	[sflag:s13] =	ssyncadd.s32 $0xFFFFD800;
	s24 =	sadd.s32 s25, s17  }
0x34a: {  	[tilespmem:s19], [sflag:$0x2] =	stream.linear.gather [hbm4b:s11+s5], $0x2800, $0x38;
	[tilespmem:$0x1E300] =	vst v63  }
0x34b: {  	s4 =	sadd.s32 s7, s4;
	s17 =	sshrl.u32 s24, $0x3  }
0x34c: {  	[tilespmem:s18], [sflag:$0xC] =	stream.linear.gather [hbm4b:s4+s5], $0x50, $0x38;
	[tilespmem:$0x1E300] =	vst v63  }
0x34d: {  	s20 =	sadd.s32 s6, s17  }
0x34e: {  	[tilespmem:s23], [sflag:$0x7] =	stream.linear.gather [hbm4b:s20+s5], $0x50, $0x38;
	[tilespmem:$0x1E300] =	vst v63  }
0x34f: {  	_ =	swait.ge [sflag:s9], $0x2800  }
0x350: {  	[sflag:s9] =	ssyncset.done $0x0  }
0x351: {  	[sflag:s9] =	ssyncadd.s32 $0xFFFFD800  }
0x352: {  	_ =	swait.ge [sflag:s10], $0x2800  }
0x353: {  	[sflag:s10] =	ssyncset.done $0x0  }
0x354: {  	s29 =	simm.s32 $0x16900;
	[sflag:s10] =	ssyncadd.s32 $0xFFFFD800  }
0x355: {  	s11 =	simm.s32 $0x1B900;
	v0 =	vld [tilespmem:s29+$0x80]  }
0x356: {  	v1 =	vld [tilespmem:s11+$0x80]  }
0x357: {  	v2 =	vld [tilespmem:s29+$0xFFFFFF80]  }
0x358: {  	v3 =	vld [tilespmem:s11+$0xFFFFFF80]  }
0x359: {  	v4 =	vld [tilespmem:s29+$0x0]  }
0x35a: {  	v5 =	vld [tilespmem:s11+$0x0]  }
0x35b: {  	v6 =	vld [tilespmem:s29+$0xFFFFFF00];
	v0 =	vmul.f32 v1, v0  }
0x35c: {  	v1 =	vld [tilespmem:s11+$0xFFFFFF00]  }
0x35d: {  	[tilespmem:s29+$0x80] =	vst v0;
	v0 =	vld [tilespmem:s29+$0x90]  }
0x35e: {  	v2 =	vmul.f32 v3, v2;
	v3 =	vld [tilespmem:s11+$0x90]  }
0x35f: {  	v7 =	vld [tilespmem:s29+$0xFFFFFF10]  }
0x360: {  	[tilespmem:s29+$0xFFFFFF80] =	vst v2;
	v2 =	vmul.f32 v5, v4;
	v4 =	vld [tilespmem:s29+$0xFFFFFF90]  }
0x361: {  	v5 =	vld [tilespmem:s11+$0xFFFFFF90];
	v1 =	vmul.f32 v1, v6  }
0x362: {  	[tilespmem:s29+$0x0] =	vst v2;
	v2 =	vld [tilespmem:s29+$0x10]  }
0x363: {  	v6 =	vld [tilespmem:s11+$0x10];
	[tilespmem:s29+$0xFFFFFF00] =	vst v1;
	v0 =	vmul.f32 v3, v0  }
0x364: {  	v1 =	vld [tilespmem:s11+$0xFFFFFF10]  }
0x365: {  	[tilespmem:s29+$0x90] =	vst v0;
	v0 =	vld [tilespmem:s29+$0xA0]  }
0x366: {  	v3 =	vmul.f32 v5, v4;
	v4 =	vld [tilespmem:s11+$0xA0]  }
0x367: {  	v5 =	vld [tilespmem:s29+$0xFFFFFF20]  }
0x368: {  	[tilespmem:s29+$0xFFFFFF90] =	vst v3;
	v2 =	vmul.f32 v6, v2;
	v3 =	vld [tilespmem:s29+$0xFFFFFFA0]  }
0x369: {  	v6 =	vld [tilespmem:s11+$0xFFFFFFA0];
	v1 =	vmul.f32 v1, v7  }
0x36a: {  	[tilespmem:s29+$0x10] =	vst v2;
	v2 =	vld [tilespmem:s29+$0x20]  }
0x36b: {  	v7 =	vld [tilespmem:s11+$0x20];
	[tilespmem:s29+$0xFFFFFF10] =	vst v1;
	v0 =	vmul.f32 v4, v0  }
0x36c: {  	v1 =	vld [tilespmem:s11+$0xFFFFFF20]  }
0x36d: {  	[tilespmem:s29+$0xA0] =	vst v0;
	v0 =	vld [tilespmem:s29+$0xB0]  }
0x36e: {  	v3 =	vmul.f32 v6, v3;
	v4 =	vld [tilespmem:s11+$0xB0]  }
0x36f: {  	v6 =	vld [tilespmem:s29+$0xFFFFFF30]  }
0x370: {  	[tilespmem:s29+$0xFFFFFFA0] =	vst v3;
	v2 =	vmul.f32 v7, v2;
	v3 =	vld [tilespmem:s29+$0xFFFFFFB0]  }
0x371: {  	v7 =	vld [tilespmem:s11+$0xFFFFFFB0];
	v1 =	vmul.f32 v1, v5  }
0x372: {  	[tilespmem:s29+$0x20] =	vst v2;
	v2 =	vld [tilespmem:s29+$0x30]  }
0x373: {  	v5 =	vld [tilespmem:s11+$0x30];
	[tilespmem:s29+$0xFFFFFF20] =	vst v1;
	v0 =	vmul.f32 v4, v0  }
0x374: {  	v1 =	vld [tilespmem:s11+$0xFFFFFF30]  }
0x375: {  	[tilespmem:s29+$0xB0] =	vst v0;
	v0 =	vld [tilespmem:s29+$0xC0]  }
0x376: {  	v3 =	vmul.f32 v7, v3;
	v4 =	vld [tilespmem:s11+$0xC0]  }
0x377: {  	v7 =	vld [tilespmem:s29+$0xFFFFFF40]  }
0x378: {  	[tilespmem:s29+$0xFFFFFFB0] =	vst v3;
	v2 =	vmul.f32 v5, v2;
	v3 =	vld [tilespmem:s29+$0xFFFFFFC0]  }
0x379: {  	v5 =	vld [tilespmem:s11+$0xFFFFFFC0];
	v1 =	vmul.f32 v1, v6  }
0x37a: {  	[tilespmem:s29+$0x30] =	vst v2;
	v2 =	vld [tilespmem:s29+$0x40]  }
0x37b: {  	v6 =	vld [tilespmem:s11+$0x40];
	[tilespmem:s29+$0xFFFFFF30] =	vst v1;
	v0 =	vmul.f32 v4, v0  }
0x37c: {  	v1 =	vld [tilespmem:s11+$0xFFFFFF40]  }
0x37d: {  	[tilespmem:s29+$0xC0] =	vst v0;
	v0 =	vld [tilespmem:s29+$0xD0]  }
0x37e: {  	v3 =	vmul.f32 v5, v3;
	v4 =	vld [tilespmem:s11+$0xD0]  }
0x37f: {  	v5 =	vld [tilespmem:s29+$0xFFFFFF50]  }
0x380: {  	[tilespmem:s29+$0xFFFFFFC0] =	vst v3;
	v2 =	vmul.f32 v6, v2;
	v3 =	vld [tilespmem:s29+$0xFFFFFFD0]  }
0x381: {  	v6 =	vld [tilespmem:s11+$0xFFFFFFD0];
	v1 =	vmul.f32 v1, v7  }
0x382: {  	[tilespmem:s29+$0x40] =	vst v2;
	v2 =	vld [tilespmem:s29+$0x50]  }
0x383: {  	v7 =	vld [tilespmem:s11+$0x50];
	[tilespmem:s29+$0xFFFFFF40] =	vst v1;
	v0 =	vmul.f32 v4, v0  }
0x384: {  	v1 =	vld [tilespmem:s11+$0xFFFFFF50]  }
0x385: {  	[tilespmem:s29+$0xD0] =	vst v0;
	v0 =	vld [tilespmem:s29+$0xE0]  }
0x386: {  	v3 =	vmul.f32 v6, v3;
	v4 =	vld [tilespmem:s11+$0xE0]  }
0x387: {  	v6 =	vld [tilespmem:s29+$0xFFFFFF60]  }
0x388: {  	[tilespmem:s29+$0xFFFFFFD0] =	vst v3;
	v2 =	vmul.f32 v7, v2;
	v3 =	vld [tilespmem:s29+$0xFFFFFFE0]  }
0x389: {  	v7 =	vld [tilespmem:s11+$0xFFFFFFE0];
	v1 =	vmul.f32 v1, v5  }
0x38a: {  	[tilespmem:s29+$0x50] =	vst v2;
	v2 =	vld [tilespmem:s29+$0x60]  }
0x38b: {  	v5 =	vld [tilespmem:s11+$0x60];
	[tilespmem:s29+$0xFFFFFF50] =	vst v1;
	v0 =	vmul.f32 v4, v0  }
0x38c: {  	v4 =	vld [tilespmem:s11+$0xFFFFFF60]  }
0x38d: {  	v8 =	vld [tilespmem:s29+$0xF0];
	[tilespmem:s29+$0xE0] =	vst v0  }
0x38e: {  	v1 =	vmul.f32 v7, v3;
	v7 =	vld [tilespmem:s11+$0xF0]  }
0x38f: {  	v0 =	vld [tilespmem:s29+$0xFFFFFF70]  }
0x390: {  	[tilespmem:s29+$0xFFFFFFE0] =	vst v1;
	v2 =	vmul.f32 v5, v2;
	v1 =	vld [tilespmem:s29+$0xFFFFFFF0]  }
0x391: {  	v3 =	vld [tilespmem:s11+$0xFFFFFFF0];
	v4 =	vmul.f32 v4, v6  }
0x392: {  	[tilespmem:s29+$0x60] =	vst v2;
	v2 =	vld [tilespmem:s29+$0x70]  }
0x393: {  	[tilespmem:s29+$0xFFFFFF60] =	vst v4;
	v4 =	vld [tilespmem:s11+$0x70];
	v6 =	vmul.f32 v7, v8  }
0x394: {  	s4 =	simm.s32 $0x0;
	s23 =	simm.s32 $0x16B00;
	v5 =	vld [tilespmem:s11+$0xFFFFFF70]  }
.LBB2_13:
0x395: {  	v7 =	vld [tilespmem:s23+$0x80];
	[tilespmem:s29+$0xF0] =	vst v6;
	s11 =	sadd.s32 $0x200, s11  }
0x396: {  	s4 =	sadd.s32 $0x4, s4;
	v6 =	vld [tilespmem:s11+$0x80];
	v1 =	vmul.f32 v3, v1  }
0x397: {  	p0 =	slt.u32 s4, $0x4C;
	v3 =	vld [tilespmem:s11+$0xFFFFFF00]  }
0x398: {  	v8 =	vld [tilespmem:s23+$0xFFFFFF80];
	[tilespmem:s29+$0xFFFFFFF0] =	vst v1;
	v1 =	vmul.f32 v4, v2  }
0x399: {  	v2 =	vld [tilespmem:s11+$0xFFFFFF80];
	v0 =	vmul.f32 v5, v0  }
0x39a: {  	v4 =	vld [tilespmem:s23+$0x0];
	[tilespmem:s29+$0x70] =	vst v1  }
0x39b: {  	v1 =	vld [tilespmem:s11+$0x0];
	v5 =	vmul.f32 v6, v7;
	[tilespmem:s29+$0xFFFFFF70] =	vst v0;
	s29 =	smov.u32 s23  }
0x39c: {  	v0 =	vld [tilespmem:s23+$0xFFFFFF00]  }
0x39d: {  	[tilespmem:s23+$0x80] =	vst v5;
	v5 =	vld [tilespmem:s23+$0x90]  }
0x39e: {  	v2 =	vmul.f32 v2, v8;
	v6 =	vld [tilespmem:s11+$0x90]  }
0x39f: {  	v7 =	vld [tilespmem:s23+$0xFFFFFF10]  }
0x3a0: {  	[tilespmem:s23+$0xFFFFFF80] =	vst v2;
	v2 =	vld [tilespmem:s23+$0xFFFFFF90];
	v1 =	vmul.f32 v1, v4  }
0x3a1: {  	v0 =	vmul.f32 v3, v0;
	v3 =	vld [tilespmem:s11+$0xFFFFFF90]  }
0x3a2: {  	[tilespmem:s23+$0x0] =	vst v1;
	v1 =	vld [tilespmem:s23+$0x10]  }
0x3a3: {  	[tilespmem:s23+$0xFFFFFF00] =	vst v0;
	v0 =	vld [tilespmem:s11+$0x10];
	v4 =	vmul.f32 v6, v5  }
0x3a4: {  	v5 =	vld [tilespmem:s11+$0xFFFFFF10]  }
0x3a5: {  	[tilespmem:s23+$0x90] =	vst v4;
	v4 =	vld [tilespmem:s23+$0xA0]  }
0x3a6: {  	v2 =	vmul.f32 v3, v2;
	v3 =	vld [tilespmem:s11+$0xA0]  }
0x3a7: {  	v6 =	vld [tilespmem:s23+$0xFFFFFF20]  }
0x3a8: {  	[tilespmem:s23+$0xFFFFFF90] =	vst v2;
	v2 =	vld [tilespmem:s23+$0xFFFFFFA0];
	v0 =	vmul.f32 v0, v1  }
0x3a9: {  	v1 =	vmul.f32 v5, v7;
	v5 =	vld [tilespmem:s11+$0xFFFFFFA0]  }
0x3aa: {  	[tilespmem:s23+$0x10] =	vst v0;
	v0 =	vld [tilespmem:s23+$0x20]  }
0x3ab: {  	[tilespmem:s23+$0xFFFFFF10] =	vst v1;
	v1 =	vld [tilespmem:s11+$0x20];
	v3 =	vmul.f32 v3, v4  }
0x3ac: {  	v4 =	vld [tilespmem:s11+$0xFFFFFF20]  }
0x3ad: {  	[tilespmem:s23+$0xA0] =	vst v3;
	v3 =	vld [tilespmem:s23+$0xB0]  }
0x3ae: {  	v2 =	vmul.f32 v5, v2;
	v5 =	vld [tilespmem:s11+$0xB0]  }
0x3af: {  	v7 =	vld [tilespmem:s23+$0xFFFFFF30]  }
0x3b0: {  	[tilespmem:s23+$0xFFFFFFA0] =	vst v2;
	v2 =	vld [tilespmem:s23+$0xFFFFFFB0];
	v0 =	vmul.f32 v1, v0  }
0x3b1: {  	v1 =	vmul.f32 v4, v6;
	v4 =	vld [tilespmem:s11+$0xFFFFFFB0]  }
0x3b2: {  	[tilespmem:s23+$0x20] =	vst v0;
	v0 =	vld [tilespmem:s23+$0x30]  }
0x3b3: {  	[tilespmem:s23+$0xFFFFFF20] =	vst v1;
	v1 =	vld [tilespmem:s11+$0x30];
	v3 =	vmul.f32 v5, v3  }
0x3b4: {  	v5 =	vld [tilespmem:s11+$0xFFFFFF30]  }
0x3b5: {  	[tilespmem:s23+$0xB0] =	vst v3;
	v3 =	vld [tilespmem:s23+$0xC0]  }
0x3b6: {  	v2 =	vmul.f32 v4, v2;
	v4 =	vld [tilespmem:s11+$0xC0]  }
0x3b7: {  	v6 =	vld [tilespmem:s23+$0xFFFFFF40]  }
0x3b8: {  	[tilespmem:s23+$0xFFFFFFB0] =	vst v2;
	v2 =	vld [tilespmem:s23+$0xFFFFFFC0];
	v0 =	vmul.f32 v1, v0  }
0x3b9: {  	v1 =	vmul.f32 v5, v7;
	v5 =	vld [tilespmem:s11+$0xFFFFFFC0]  }
0x3ba: {  	[tilespmem:s23+$0x30] =	vst v0;
	v0 =	vld [tilespmem:s23+$0x40]  }
0x3bb: {  	[tilespmem:s23+$0xFFFFFF30] =	vst v1;
	v1 =	vld [tilespmem:s11+$0x40];
	v3 =	vmul.f32 v4, v3  }
0x3bc: {  	v4 =	vld [tilespmem:s11+$0xFFFFFF40]  }
0x3bd: {  	[tilespmem:s23+$0xC0] =	vst v3;
	v3 =	vld [tilespmem:s23+$0xD0]  }
0x3be: {  	v2 =	vmul.f32 v5, v2;
	v5 =	vld [tilespmem:s11+$0xD0]  }
0x3bf: {  	v7 =	vld [tilespmem:s23+$0xFFFFFF50]  }
0x3c0: {  	[tilespmem:s23+$0xFFFFFFC0] =	vst v2;
	v2 =	vld [tilespmem:s23+$0xFFFFFFD0];
	v0 =	vmul.f32 v1, v0  }
0x3c1: {  	v1 =	vmul.f32 v4, v6;
	v4 =	vld [tilespmem:s11+$0xFFFFFFD0]  }
0x3c2: {  	[tilespmem:s23+$0x40] =	vst v0;
	v0 =	vld [tilespmem:s23+$0x50]  }
0x3c3: {  	[tilespmem:s23+$0xFFFFFF40] =	vst v1;
	v1 =	vld [tilespmem:s11+$0x50];
	v3 =	vmul.f32 v5, v3  }
0x3c4: {  	v5 =	vld [tilespmem:s11+$0xFFFFFF50]  }
0x3c5: {  	[tilespmem:s23+$0xD0] =	vst v3;
	v3 =	vld [tilespmem:s23+$0xE0]  }
0x3c6: {  	v2 =	vmul.f32 v4, v2;
	v4 =	vld [tilespmem:s11+$0xE0]  }
0x3c7: {  	v6 =	vld [tilespmem:s23+$0xFFFFFF60]  }
0x3c8: {  	[tilespmem:s23+$0xFFFFFFD0] =	vst v2;
	v2 =	vld [tilespmem:s23+$0xFFFFFFE0];
	v0 =	vmul.f32 v1, v0  }
0x3c9: {  	v1 =	vmul.f32 v5, v7;
	v5 =	vld [tilespmem:s11+$0xFFFFFFE0]  }
0x3ca: {  	[tilespmem:s23+$0x50] =	vst v0;
	v7 =	vld [tilespmem:s23+$0x60]  }
0x3cb: {  	[tilespmem:s23+$0xFFFFFF50] =	vst v1;
	v8 =	vld [tilespmem:s11+$0x60];
	v0 =	vmul.f32 v4, v3  }
0x3cc: {  	v3 =	vld [tilespmem:s11+$0xFFFFFF60]  }
0x3cd: {  	[tilespmem:s23+$0xE0] =	vst v0;
	v9 =	vld [tilespmem:s23+$0xF0]  }
0x3ce: {  	v1 =	vmul.f32 v5, v2;
	v5 =	vld [tilespmem:s11+$0xF0]  }
0x3cf: {  	v0 =	vld [tilespmem:s23+$0xFFFFFF70]  }
.Ltmp5:
0x3d0: {  	[tilespmem:s23+$0xFFFFFFE0] =	vst v1;
	v1 =	vld [tilespmem:s23+$0xFFFFFFF0];
	v2 =	vmul.f32 v8, v7;
	(pc) =	sbr.rel @p0 .LBB2_13-.Ltmp5, $4  }
0x3d1: {  	v4 =	vmul.f32 v3, v6;
	v3 =	vld [tilespmem:s11+$0xFFFFFFF0]  }
0x3d2: {  	[tilespmem:s23+$0x60] =	vst v2;
	v2 =	vld [tilespmem:s23+$0x70]  }
0x3d3: {  	[tilespmem:s23+$0xFFFFFF60] =	vst v4;
	v4 =	vld [tilespmem:s11+$0x70];
	v6 =	vmul.f32 v5, v9  }
0x3d4: {  	s23 =	sadd.s32 $0x200, s23;
	v5 =	vld [tilespmem:s11+$0xFFFFFF70]  }
0x3d5: {  	_ =	sdelay $0x1  }
0x3d6: {  	v1 =	vmul.f32 v3, v1  }
0x3d7: {  	[tilespmem:s29+$0xF0] =	vst v6;
	v2 =	vmul.f32 v4, v2  }
0x3d8: {  	[tilespmem:s29+$0xFFFFFFF0] =	vst v1;
	v0 =	vmul.f32 v5, v0  }
0x3d9: {  	[tilespmem:s29+$0x70] =	vst v2  }
0x3da: {  	[tilespmem:s29+$0xFFFFFF70] =	vst v0  }
0x3db: {  	_ =	swait.ge [sflag:s12], $0x50  }
0x3dc: {  	[sflag:s12] =	ssyncset.done $0x0  }
0x3dd: {  	s11 =	simm.s32 $0xA;
	[sflag:s12] =	ssyncadd.s32 $0xFFFFFFB0  }
0x3de: {  	[spmem:s3] =	stream.indirect.scatter.add.f32 [tilespmem:s19], [sflag:$0x6], $0x80, s18, s21, $0xb8;
	[tilespmem:$0x1E300] =	vst v63  }
0x3df: {  	_ =	swait.ge [sflag:s11], $0x50  }
0x3e0: {  	s23 =	simm.s32 $0x1E180;
	s29 =	sor.u32 $0x2, s26;
	[sflag:s11] =	ssyncset.done $0x0  }
0x3e1: {  	s20 =	simm.s32 $0x1B800;
	s4 =	smul.u32 $0x50, s29;
	[sflag:s11] =	ssyncadd.s32 $0xFFFFFFB0  }
0x3e2: {  	[tilespmem:s20], [sflag:$0x4] =	stream.indirect.gather [hbm4b:s1+s21], $0x80, s23, s21, $0xb8;
	[tilespmem:$0x1E300] =	vst v63  }
0x3e3: {  	s4 =	sadd.s32 s8, s4;
	_ =	swait.ge [sflag:s28], $0x2800  }
0x3e4: {  	s20 =	sshll.u32 s4, $0x4;
	[sflag:s28] =	ssyncset.done $0x0  }
0x3e5: {  	s4 =	sshrl.u32 s4, $0x3;
	s11 =	sadd.s32 s2, s20;
	[sflag:s28] =	ssyncadd.s32 $0xFFFFD800  }
0x3e6: {  	[tilespmem:s16], [sflag:$0x1] =	stream.linear.gather [hbm4b:s11+s5], $0x2800, $0x38;
	[tilespmem:$0x1E300] =	vst v63  }
0x3e7: {  	s4 =	sadd.s32 s7, s4  }
0x3e8: {  	[tilespmem:s15], [sflag:$0xB] =	stream.linear.gather [hbm4b:s4+s5], $0x50, $0x38;
	[tilespmem:$0x1E300] =	vst v63  }
0x3e9: {  	p0 =	sgt.u32 s22, $0x78;
	s4 =	rddreg [dreg:$0xd]  }
0x3ea: {  	s4 =	sadd.s32 @!p0 s25, s4  }
0x3eb: {  	s4 =	sshrl.u32 @!p0 s4, $0x3  }
0x3ec: {  	s20 =	simm.s32 @!p0 $0x1E080;
	s11 =	simm.s32 @!p0 $0x0;
	s4 =	sadd.s32 @!p0 s6, s4  }
0x3ed: {  	[tilespmem:s20], [sflag:$0x8] =	stream.linear.gather @!p0 [hbm4b:s4+s11], $0x50, $0x38;
	[tilespmem:$0x1E300] =	vst v63  }
0x3ee: {  	_ =	swait.ge [sflag:s30], $0x2800  }
0x3ef: {  	[sflag:s30] =	ssyncset.done $0x0  }
0x3f0: {  	[sflag:s30] =	ssyncadd.s32 $0xFFFFD800  }
0x3f1: {  	_ =	swait.ge [sflag:s31], $0x2800  }
0x3f2: {  	[sflag:s31] =	ssyncset.done $0x0  }
0x3f3: {  	s22 =	simm.s32 $0x14100;
	[sflag:s31] =	ssyncadd.s32 $0xFFFFD800  }
0x3f4: {  	s11 =	simm.s32 $0x19100;
	v0 =	vld [tilespmem:s22+$0x80]  }
0x3f5: {  	v1 =	vld [tilespmem:s11+$0x80]  }
0x3f6: {  	v2 =	vld [tilespmem:s22+$0xFFFFFF80]  }
0x3f7: {  	v3 =	vld [tilespmem:s11+$0xFFFFFF80]  }
0x3f8: {  	v4 =	vld [tilespmem:s22+$0x0]  }
0x3f9: {  	v5 =	vld [tilespmem:s11+$0x0]  }
0x3fa: {  	v6 =	vld [tilespmem:s22+$0xFFFFFF00];
	v0 =	vmul.f32 v1, v0  }
0x3fb: {  	v1 =	vld [tilespmem:s11+$0xFFFFFF00]  }
0x3fc: {  	[tilespmem:s22+$0x80] =	vst v0;
	v0 =	vld [tilespmem:s22+$0x90]  }
0x3fd: {  	v2 =	vmul.f32 v3, v2;
	v3 =	vld [tilespmem:s11+$0x90]  }
0x3fe: {  	v7 =	vld [tilespmem:s22+$0xFFFFFF10]  }
0x3ff: {  	[tilespmem:s22+$0xFFFFFF80] =	vst v2;
	v2 =	vmul.f32 v5, v4;
	v4 =	vld [tilespmem:s22+$0xFFFFFF90]  }
0x400: {  	v5 =	vld [tilespmem:s11+$0xFFFFFF90];
	v1 =	vmul.f32 v1, v6  }
0x401: {  	[tilespmem:s22+$0x0] =	vst v2;
	v2 =	vld [tilespmem:s22+$0x10]  }
0x402: {  	v6 =	vld [tilespmem:s11+$0x10];
	[tilespmem:s22+$0xFFFFFF00] =	vst v1;
	v0 =	vmul.f32 v3, v0  }
0x403: {  	v1 =	vld [tilespmem:s11+$0xFFFFFF10]  }
0x404: {  	[tilespmem:s22+$0x90] =	vst v0;
	v0 =	vld [tilespmem:s22+$0xA0]  }
0x405: {  	v3 =	vmul.f32 v5, v4;
	v4 =	vld [tilespmem:s11+$0xA0]  }
0x406: {  	v5 =	vld [tilespmem:s22+$0xFFFFFF20]  }
0x407: {  	[tilespmem:s22+$0xFFFFFF90] =	vst v3;
	v2 =	vmul.f32 v6, v2;
	v3 =	vld [tilespmem:s22+$0xFFFFFFA0]  }
0x408: {  	v6 =	vld [tilespmem:s11+$0xFFFFFFA0];
	v1 =	vmul.f32 v1, v7  }
0x409: {  	[tilespmem:s22+$0x10] =	vst v2;
	v2 =	vld [tilespmem:s22+$0x20]  }
0x40a: {  	v7 =	vld [tilespmem:s11+$0x20];
	[tilespmem:s22+$0xFFFFFF10] =	vst v1;
	v0 =	vmul.f32 v4, v0  }
0x40b: {  	v1 =	vld [tilespmem:s11+$0xFFFFFF20]  }
0x40c: {  	[tilespmem:s22+$0xA0] =	vst v0;
	v0 =	vld [tilespmem:s22+$0xB0]  }
0x40d: {  	v3 =	vmul.f32 v6, v3;
	v4 =	vld [tilespmem:s11+$0xB0]  }
0x40e: {  	v6 =	vld [tilespmem:s22+$0xFFFFFF30]  }
0x40f: {  	[tilespmem:s22+$0xFFFFFFA0] =	vst v3;
	v2 =	vmul.f32 v7, v2;
	v3 =	vld [tilespmem:s22+$0xFFFFFFB0]  }
0x410: {  	v7 =	vld [tilespmem:s11+$0xFFFFFFB0];
	v1 =	vmul.f32 v1, v5  }
0x411: {  	[tilespmem:s22+$0x20] =	vst v2;
	v2 =	vld [tilespmem:s22+$0x30]  }
0x412: {  	v5 =	vld [tilespmem:s11+$0x30];
	[tilespmem:s22+$0xFFFFFF20] =	vst v1;
	v0 =	vmul.f32 v4, v0  }
0x413: {  	v1 =	vld [tilespmem:s11+$0xFFFFFF30]  }
0x414: {  	[tilespmem:s22+$0xB0] =	vst v0;
	v0 =	vld [tilespmem:s22+$0xC0]  }
0x415: {  	v3 =	vmul.f32 v7, v3;
	v4 =	vld [tilespmem:s11+$0xC0]  }
0x416: {  	v7 =	vld [tilespmem:s22+$0xFFFFFF40]  }
0x417: {  	[tilespmem:s22+$0xFFFFFFB0] =	vst v3;
	v2 =	vmul.f32 v5, v2;
	v3 =	vld [tilespmem:s22+$0xFFFFFFC0]  }
0x418: {  	v5 =	vld [tilespmem:s11+$0xFFFFFFC0];
	v1 =	vmul.f32 v1, v6  }
0x419: {  	[tilespmem:s22+$0x30] =	vst v2;
	v2 =	vld [tilespmem:s22+$0x40]  }
0x41a: {  	v6 =	vld [tilespmem:s11+$0x40];
	[tilespmem:s22+$0xFFFFFF30] =	vst v1;
	v0 =	vmul.f32 v4, v0  }
0x41b: {  	v1 =	vld [tilespmem:s11+$0xFFFFFF40]  }
0x41c: {  	[tilespmem:s22+$0xC0] =	vst v0;
	v0 =	vld [tilespmem:s22+$0xD0]  }
0x41d: {  	v3 =	vmul.f32 v5, v3;
	v4 =	vld [tilespmem:s11+$0xD0]  }
0x41e: {  	v5 =	vld [tilespmem:s22+$0xFFFFFF50]  }
0x41f: {  	[tilespmem:s22+$0xFFFFFFC0] =	vst v3;
	v2 =	vmul.f32 v6, v2;
	v3 =	vld [tilespmem:s22+$0xFFFFFFD0]  }
0x420: {  	v6 =	vld [tilespmem:s11+$0xFFFFFFD0];
	v1 =	vmul.f32 v1, v7  }
0x421: {  	[tilespmem:s22+$0x40] =	vst v2;
	v2 =	vld [tilespmem:s22+$0x50]  }
0x422: {  	v7 =	vld [tilespmem:s11+$0x50];
	[tilespmem:s22+$0xFFFFFF40] =	vst v1;
	v0 =	vmul.f32 v4, v0  }
0x423: {  	v1 =	vld [tilespmem:s11+$0xFFFFFF50]  }
0x424: {  	[tilespmem:s22+$0xD0] =	vst v0;
	v0 =	vld [tilespmem:s22+$0xE0]  }
0x425: {  	v3 =	vmul.f32 v6, v3;
	v4 =	vld [tilespmem:s11+$0xE0]  }
0x426: {  	v6 =	vld [tilespmem:s22+$0xFFFFFF60]  }
0x427: {  	[tilespmem:s22+$0xFFFFFFD0] =	vst v3;
	v2 =	vmul.f32 v7, v2;
	v3 =	vld [tilespmem:s22+$0xFFFFFFE0]  }
0x428: {  	v7 =	vld [tilespmem:s11+$0xFFFFFFE0];
	v1 =	vmul.f32 v1, v5  }
0x429: {  	[tilespmem:s22+$0x50] =	vst v2;
	v2 =	vld [tilespmem:s22+$0x60]  }
0x42a: {  	v5 =	vld [tilespmem:s11+$0x60];
	[tilespmem:s22+$0xFFFFFF50] =	vst v1;
	v0 =	vmul.f32 v4, v0  }
0x42b: {  	v4 =	vld [tilespmem:s11+$0xFFFFFF60]  }
0x42c: {  	v8 =	vld [tilespmem:s22+$0xF0];
	[tilespmem:s22+$0xE0] =	vst v0  }
0x42d: {  	v1 =	vmul.f32 v7, v3;
	v7 =	vld [tilespmem:s11+$0xF0]  }
0x42e: {  	v0 =	vld [tilespmem:s22+$0xFFFFFF70]  }
0x42f: {  	[tilespmem:s22+$0xFFFFFFE0] =	vst v1;
	v2 =	vmul.f32 v5, v2;
	v1 =	vld [tilespmem:s22+$0xFFFFFFF0]  }
0x430: {  	s26 =	sor.u32 $0x3, s26;
	v3 =	vld [tilespmem:s11+$0xFFFFFFF0];
	v4 =	vmul.f32 v4, v6  }
0x431: {  	s23 =	smul.u32 $0x50, s26;
	[tilespmem:s22+$0x60] =	vst v2;
	v2 =	vld [tilespmem:s22+$0x70]  }
0x432: {  	[tilespmem:s22+$0xFFFFFF60] =	vst v4;
	v4 =	vld [tilespmem:s11+$0x70];
	v6 =	vmul.f32 v7, v8  }
0x433: {  	s4 =	sadd.s32 s8, s23;
	s23 =	simm.s32 $0x0;
	s20 =	simm.s32 $0x14300;
	v5 =	vld [tilespmem:s11+$0xFFFFFF70]  }
.LBB2_15:
0x434: {  	v7 =	vld [tilespmem:s20+$0x80];
	[tilespmem:s22+$0xF0] =	vst v6;
	s11 =	sadd.s32 $0x200, s11  }
0x435: {  	s23 =	sadd.s32 $0x4, s23;
	v6 =	vld [tilespmem:s11+$0x80];
	v1 =	vmul.f32 v3, v1  }
0x436: {  	p0 =	slt.u32 s23, $0x4C;
	v3 =	vld [tilespmem:s11+$0xFFFFFF00]  }
0x437: {  	v8 =	vld [tilespmem:s20+$0xFFFFFF80];
	[tilespmem:s22+$0xFFFFFFF0] =	vst v1;
	v1 =	vmul.f32 v4, v2  }
0x438: {  	v2 =	vld [tilespmem:s11+$0xFFFFFF80];
	v0 =	vmul.f32 v5, v0  }
0x439: {  	v4 =	vld [tilespmem:s20+$0x0];
	[tilespmem:s22+$0x70] =	vst v1  }
0x43a: {  	v1 =	vld [tilespmem:s11+$0x0];
	v5 =	vmul.f32 v6, v7;
	[tilespmem:s22+$0xFFFFFF70] =	vst v0;
	s22 =	smov.u32 s20  }
0x43b: {  	v0 =	vld [tilespmem:s20+$0xFFFFFF00]  }
0x43c: {  	[tilespmem:s20+$0x80] =	vst v5;
	v5 =	vld [tilespmem:s20+$0x90]  }
0x43d: {  	v2 =	vmul.f32 v2, v8;
	v6 =	vld [tilespmem:s11+$0x90]  }
0x43e: {  	v7 =	vld [tilespmem:s20+$0xFFFFFF10]  }
0x43f: {  	[tilespmem:s20+$0xFFFFFF80] =	vst v2;
	v2 =	vld [tilespmem:s20+$0xFFFFFF90];
	v1 =	vmul.f32 v1, v4  }
0x440: {  	v0 =	vmul.f32 v3, v0;
	v3 =	vld [tilespmem:s11+$0xFFFFFF90]  }
0x441: {  	[tilespmem:s20+$0x0] =	vst v1;
	v1 =	vld [tilespmem:s20+$0x10]  }
0x442: {  	[tilespmem:s20+$0xFFFFFF00] =	vst v0;
	v0 =	vld [tilespmem:s11+$0x10];
	v4 =	vmul.f32 v6, v5  }
0x443: {  	v5 =	vld [tilespmem:s11+$0xFFFFFF10]  }
0x444: {  	[tilespmem:s20+$0x90] =	vst v4;
	v4 =	vld [tilespmem:s20+$0xA0]  }
0x445: {  	v2 =	vmul.f32 v3, v2;
	v3 =	vld [tilespmem:s11+$0xA0]  }
0x446: {  	v6 =	vld [tilespmem:s20+$0xFFFFFF20]  }
0x447: {  	[tilespmem:s20+$0xFFFFFF90] =	vst v2;
	v2 =	vld [tilespmem:s20+$0xFFFFFFA0];
	v0 =	vmul.f32 v0, v1  }
0x448: {  	v1 =	vmul.f32 v5, v7;
	v5 =	vld [tilespmem:s11+$0xFFFFFFA0]  }
0x449: {  	[tilespmem:s20+$0x10] =	vst v0;
	v0 =	vld [tilespmem:s20+$0x20]  }
0x44a: {  	[tilespmem:s20+$0xFFFFFF10] =	vst v1;
	v1 =	vld [tilespmem:s11+$0x20];
	v3 =	vmul.f32 v3, v4  }
0x44b: {  	v4 =	vld [tilespmem:s11+$0xFFFFFF20]  }
0x44c: {  	[tilespmem:s20+$0xA0] =	vst v3;
	v3 =	vld [tilespmem:s20+$0xB0]  }
0x44d: {  	v2 =	vmul.f32 v5, v2;
	v5 =	vld [tilespmem:s11+$0xB0]  }
0x44e: {  	v7 =	vld [tilespmem:s20+$0xFFFFFF30]  }
0x44f: {  	[tilespmem:s20+$0xFFFFFFA0] =	vst v2;
	v2 =	vld [tilespmem:s20+$0xFFFFFFB0];
	v0 =	vmul.f32 v1, v0  }
0x450: {  	v1 =	vmul.f32 v4, v6;
	v4 =	vld [tilespmem:s11+$0xFFFFFFB0]  }
0x451: {  	[tilespmem:s20+$0x20] =	vst v0;
	v0 =	vld [tilespmem:s20+$0x30]  }
0x452: {  	[tilespmem:s20+$0xFFFFFF20] =	vst v1;
	v1 =	vld [tilespmem:s11+$0x30];
	v3 =	vmul.f32 v5, v3  }
0x453: {  	v5 =	vld [tilespmem:s11+$0xFFFFFF30]  }
0x454: {  	[tilespmem:s20+$0xB0] =	vst v3;
	v3 =	vld [tilespmem:s20+$0xC0]  }
0x455: {  	v2 =	vmul.f32 v4, v2;
	v4 =	vld [tilespmem:s11+$0xC0]  }
0x456: {  	v6 =	vld [tilespmem:s20+$0xFFFFFF40]  }
0x457: {  	[tilespmem:s20+$0xFFFFFFB0] =	vst v2;
	v2 =	vld [tilespmem:s20+$0xFFFFFFC0];
	v0 =	vmul.f32 v1, v0  }
0x458: {  	v1 =	vmul.f32 v5, v7;
	v5 =	vld [tilespmem:s11+$0xFFFFFFC0]  }
0x459: {  	[tilespmem:s20+$0x30] =	vst v0;
	v0 =	vld [tilespmem:s20+$0x40]  }
0x45a: {  	[tilespmem:s20+$0xFFFFFF30] =	vst v1;
	v1 =	vld [tilespmem:s11+$0x40];
	v3 =	vmul.f32 v4, v3  }
0x45b: {  	v4 =	vld [tilespmem:s11+$0xFFFFFF40]  }
0x45c: {  	[tilespmem:s20+$0xC0] =	vst v3;
	v3 =	vld [tilespmem:s20+$0xD0]  }
0x45d: {  	v2 =	vmul.f32 v5, v2;
	v5 =	vld [tilespmem:s11+$0xD0]  }
0x45e: {  	v7 =	vld [tilespmem:s20+$0xFFFFFF50]  }
0x45f: {  	[tilespmem:s20+$0xFFFFFFC0] =	vst v2;
	v2 =	vld [tilespmem:s20+$0xFFFFFFD0];
	v0 =	vmul.f32 v1, v0  }
0x460: {  	v1 =	vmul.f32 v4, v6;
	v4 =	vld [tilespmem:s11+$0xFFFFFFD0]  }
0x461: {  	[tilespmem:s20+$0x40] =	vst v0;
	v0 =	vld [tilespmem:s20+$0x50]  }
0x462: {  	[tilespmem:s20+$0xFFFFFF40] =	vst v1;
	v1 =	vld [tilespmem:s11+$0x50];
	v3 =	vmul.f32 v5, v3  }
0x463: {  	v5 =	vld [tilespmem:s11+$0xFFFFFF50]  }
0x464: {  	[tilespmem:s20+$0xD0] =	vst v3;
	v3 =	vld [tilespmem:s20+$0xE0]  }
0x465: {  	v2 =	vmul.f32 v4, v2;
	v4 =	vld [tilespmem:s11+$0xE0]  }
0x466: {  	v6 =	vld [tilespmem:s20+$0xFFFFFF60]  }
0x467: {  	[tilespmem:s20+$0xFFFFFFD0] =	vst v2;
	v2 =	vld [tilespmem:s20+$0xFFFFFFE0];
	v0 =	vmul.f32 v1, v0  }
0x468: {  	v1 =	vmul.f32 v5, v7;
	v5 =	vld [tilespmem:s11+$0xFFFFFFE0]  }
0x469: {  	[tilespmem:s20+$0x50] =	vst v0;
	v7 =	vld [tilespmem:s20+$0x60]  }
0x46a: {  	[tilespmem:s20+$0xFFFFFF50] =	vst v1;
	v8 =	vld [tilespmem:s11+$0x60];
	v0 =	vmul.f32 v4, v3  }
0x46b: {  	v3 =	vld [tilespmem:s11+$0xFFFFFF60]  }
0x46c: {  	[tilespmem:s20+$0xE0] =	vst v0;
	v9 =	vld [tilespmem:s20+$0xF0]  }
0x46d: {  	v1 =	vmul.f32 v5, v2;
	v5 =	vld [tilespmem:s11+$0xF0]  }
0x46e: {  	v0 =	vld [tilespmem:s20+$0xFFFFFF70]  }
.Ltmp6:
0x46f: {  	[tilespmem:s20+$0xFFFFFFE0] =	vst v1;
	v1 =	vld [tilespmem:s20+$0xFFFFFFF0];
	v2 =	vmul.f32 v8, v7;
	(pc) =	sbr.rel @p0 .LBB2_15-.Ltmp6, $4  }
0x470: {  	v4 =	vmul.f32 v3, v6;
	v3 =	vld [tilespmem:s11+$0xFFFFFFF0]  }
0x471: {  	[tilespmem:s20+$0x60] =	vst v2;
	v2 =	vld [tilespmem:s20+$0x70]  }
0x472: {  	[tilespmem:s20+$0xFFFFFF60] =	vst v4;
	v4 =	vld [tilespmem:s11+$0x70];
	v6 =	vmul.f32 v5, v9  }
0x473: {  	s20 =	sadd.s32 $0x200, s20;
	v5 =	vld [tilespmem:s11+$0xFFFFFF70]  }
0x474: {  	_ =	sdelay $0x1  }
0x475: {  	v1 =	vmul.f32 v3, v1  }
0x476: {  	[tilespmem:s22+$0xF0] =	vst v6;
	v2 =	vmul.f32 v4, v2  }
0x477: {  	[tilespmem:s22+$0xFFFFFFF0] =	vst v1;
	v0 =	vmul.f32 v5, v0  }
0x478: {  	[tilespmem:s22+$0x70] =	vst v2  }
0x479: {  	[tilespmem:s22+$0xFFFFFF70] =	vst v0  }
0x47a: {  	_ =	swait.ge [sflag:s0], $0x50  }
0x47b: {  	[sflag:s0] =	ssyncset.done $0x0  }
0x47c: {  	s11 =	simm.s32 $0x7;
	[sflag:s0] =	ssyncadd.s32 $0xFFFFFFB0  }
0x47d: {  	[spmem:s3] =	stream.indirect.scatter.add.f32 [tilespmem:s16], [sflag:$0x5], $0x80, s15, s21, $0xb8;
	[tilespmem:$0x1E300] =	vst v63  }
0x47e: {  	_ =	swait.ge [sflag:s11], $0x50  }
0x47f: {  	[sflag:s11] =	ssyncset.done $0x0  }
0x480: {  	s23 =	simm.s32 $0x1E000;
	s22 =	simm.s32 $0x19000;
	[sflag:s11] =	ssyncadd.s32 $0xFFFFFFB0  }
0x481: {  	[tilespmem:s22], [sflag:$0x3] =	stream.indirect.gather [hbm4b:s1+s21], $0x80, s23, s21, $0xb8;
	[tilespmem:$0x1E300] =	vst v63  }
0x482: {  	_ =	swait.ge [sflag:s13], $0x2800  }
0x483: {  	s20 =	sshll.u32 s4, $0x4;
	[sflag:s13] =	ssyncset.done $0x0  }
0x484: {  	s11 =	sadd.s32 s2, s20;
	s22 =	sshrl.u32 s4, $0x3;
	[sflag:s13] =	ssyncadd.s32 $0xFFFFD800  }
0x485: {  	[tilespmem:s19], [sflag:$0x2] =	stream.linear.gather [hbm4b:s11+s5], $0x2800, $0x38;
	[tilespmem:$0x1E300] =	vst v63  }
0x486: {  	s4 =	sadd.s32 s7, s22  }
0x487: {  	[tilespmem:s18], [sflag:$0xC] =	stream.linear.gather [hbm4b:s4+s5], $0x50, $0x38;
	[tilespmem:$0x1E300] =	vst v63  }
0x488: {  	p0 =	sgt.u32 s29, $0x78;
	s4 =	rddreg [dreg:$0x14]  }
0x489: {  	s4 =	sadd.s32 @!p0 s25, s4  }
0x48a: {  	s4 =	sshrl.u32 @!p0 s4, $0x3  }
0x48b: {  	s20 =	simm.s32 @!p0 $0x1E100;
	s11 =	simm.s32 @!p0 $0x0;
	s4 =	sadd.s32 @!p0 s6, s4  }
0x48c: {  	[tilespmem:s20], [sflag:$0x9] =	stream.linear.gather @!p0 [hbm4b:s4+s11], $0x50, $0x38;
	[tilespmem:$0x1E300] =	vst v63  }
0x48d: {  	_ =	swait.ge [sflag:s9], $0x2800  }
0x48e: {  	[sflag:s9] =	ssyncset.done $0x0  }
0x48f: {  	[sflag:s9] =	ssyncadd.s32 $0xFFFFD800  }
0x490: {  	_ =	swait.ge [sflag:s10], $0x2800  }
0x491: {  	[sflag:s10] =	ssyncset.done $0x0  }
0x492: {  	s22 =	simm.s32 $0x16900;
	[sflag:s10] =	ssyncadd.s32 $0xFFFFD800  }
0x493: {  	s11 =	simm.s32 $0x1B900;
	v0 =	vld [tilespmem:s22+$0x80]  }
0x494: {  	v1 =	vld [tilespmem:s11+$0x80]  }
0x495: {  	v2 =	vld [tilespmem:s22+$0xFFFFFF80]  }
0x496: {  	v3 =	vld [tilespmem:s11+$0xFFFFFF80]  }
0x497: {  	v4 =	vld [tilespmem:s22+$0x0]  }
0x498: {  	v5 =	vld [tilespmem:s11+$0x0]  }
0x499: {  	v6 =	vld [tilespmem:s22+$0xFFFFFF00];
	v0 =	vmul.f32 v1, v0  }
0x49a: {  	v1 =	vld [tilespmem:s11+$0xFFFFFF00]  }
0x49b: {  	[tilespmem:s22+$0x80] =	vst v0;
	v0 =	vld [tilespmem:s22+$0x90]  }
0x49c: {  	v2 =	vmul.f32 v3, v2;
	v3 =	vld [tilespmem:s11+$0x90]  }
0x49d: {  	v7 =	vld [tilespmem:s22+$0xFFFFFF10]  }
0x49e: {  	[tilespmem:s22+$0xFFFFFF80] =	vst v2;
	v2 =	vmul.f32 v5, v4;
	v4 =	vld [tilespmem:s22+$0xFFFFFF90]  }
0x49f: {  	v5 =	vld [tilespmem:s11+$0xFFFFFF90];
	v1 =	vmul.f32 v1, v6  }
0x4a0: {  	[tilespmem:s22+$0x0] =	vst v2;
	v2 =	vld [tilespmem:s22+$0x10]  }
0x4a1: {  	v6 =	vld [tilespmem:s11+$0x10];
	[tilespmem:s22+$0xFFFFFF00] =	vst v1;
	v0 =	vmul.f32 v3, v0  }
0x4a2: {  	v1 =	vld [tilespmem:s11+$0xFFFFFF10]  }
0x4a3: {  	[tilespmem:s22+$0x90] =	vst v0;
	v0 =	vld [tilespmem:s22+$0xA0]  }
0x4a4: {  	v3 =	vmul.f32 v5, v4;
	v4 =	vld [tilespmem:s11+$0xA0]  }
0x4a5: {  	v5 =	vld [tilespmem:s22+$0xFFFFFF20]  }
0x4a6: {  	[tilespmem:s22+$0xFFFFFF90] =	vst v3;
	v2 =	vmul.f32 v6, v2;
	v3 =	vld [tilespmem:s22+$0xFFFFFFA0]  }
0x4a7: {  	v6 =	vld [tilespmem:s11+$0xFFFFFFA0];
	v1 =	vmul.f32 v1, v7  }
0x4a8: {  	[tilespmem:s22+$0x10] =	vst v2;
	v2 =	vld [tilespmem:s22+$0x20]  }
0x4a9: {  	v7 =	vld [tilespmem:s11+$0x20];
	[tilespmem:s22+$0xFFFFFF10] =	vst v1;
	v0 =	vmul.f32 v4, v0  }
0x4aa: {  	v1 =	vld [tilespmem:s11+$0xFFFFFF20]  }
0x4ab: {  	[tilespmem:s22+$0xA0] =	vst v0;
	v0 =	vld [tilespmem:s22+$0xB0]  }
0x4ac: {  	v3 =	vmul.f32 v6, v3;
	v4 =	vld [tilespmem:s11+$0xB0]  }
0x4ad: {  	v6 =	vld [tilespmem:s22+$0xFFFFFF30]  }
0x4ae: {  	[tilespmem:s22+$0xFFFFFFA0] =	vst v3;
	v2 =	vmul.f32 v7, v2;
	v3 =	vld [tilespmem:s22+$0xFFFFFFB0]  }
0x4af: {  	v7 =	vld [tilespmem:s11+$0xFFFFFFB0];
	v1 =	vmul.f32 v1, v5  }
0x4b0: {  	[tilespmem:s22+$0x20] =	vst v2;
	v2 =	vld [tilespmem:s22+$0x30]  }
0x4b1: {  	v5 =	vld [tilespmem:s11+$0x30];
	[tilespmem:s22+$0xFFFFFF20] =	vst v1;
	v0 =	vmul.f32 v4, v0  }
0x4b2: {  	v1 =	vld [tilespmem:s11+$0xFFFFFF30]  }
0x4b3: {  	[tilespmem:s22+$0xB0] =	vst v0;
	v0 =	vld [tilespmem:s22+$0xC0]  }
0x4b4: {  	v3 =	vmul.f32 v7, v3;
	v4 =	vld [tilespmem:s11+$0xC0]  }
0x4b5: {  	v7 =	vld [tilespmem:s22+$0xFFFFFF40]  }
0x4b6: {  	[tilespmem:s22+$0xFFFFFFB0] =	vst v3;
	v2 =	vmul.f32 v5, v2;
	v3 =	vld [tilespmem:s22+$0xFFFFFFC0]  }
0x4b7: {  	v5 =	vld [tilespmem:s11+$0xFFFFFFC0];
	v1 =	vmul.f32 v1, v6  }
0x4b8: {  	[tilespmem:s22+$0x30] =	vst v2;
	v2 =	vld [tilespmem:s22+$0x40]  }
0x4b9: {  	v6 =	vld [tilespmem:s11+$0x40];
	[tilespmem:s22+$0xFFFFFF30] =	vst v1;
	v0 =	vmul.f32 v4, v0  }
0x4ba: {  	v1 =	vld [tilespmem:s11+$0xFFFFFF40]  }
0x4bb: {  	[tilespmem:s22+$0xC0] =	vst v0;
	v0 =	vld [tilespmem:s22+$0xD0]  }
0x4bc: {  	v3 =	vmul.f32 v5, v3;
	v4 =	vld [tilespmem:s11+$0xD0]  }
0x4bd: {  	v5 =	vld [tilespmem:s22+$0xFFFFFF50]  }
0x4be: {  	[tilespmem:s22+$0xFFFFFFC0] =	vst v3;
	v2 =	vmul.f32 v6, v2;
	v3 =	vld [tilespmem:s22+$0xFFFFFFD0]  }
0x4bf: {  	v6 =	vld [tilespmem:s11+$0xFFFFFFD0];
	v1 =	vmul.f32 v1, v7  }
0x4c0: {  	[tilespmem:s22+$0x40] =	vst v2;
	v2 =	vld [tilespmem:s22+$0x50]  }
0x4c1: {  	v7 =	vld [tilespmem:s11+$0x50];
	[tilespmem:s22+$0xFFFFFF40] =	vst v1;
	v0 =	vmul.f32 v4, v0  }
0x4c2: {  	v1 =	vld [tilespmem:s11+$0xFFFFFF50]  }
0x4c3: {  	[tilespmem:s22+$0xD0] =	vst v0;
	v0 =	vld [tilespmem:s22+$0xE0]  }
0x4c4: {  	v3 =	vmul.f32 v6, v3;
	v4 =	vld [tilespmem:s11+$0xE0]  }
0x4c5: {  	v6 =	vld [tilespmem:s22+$0xFFFFFF60]  }
0x4c6: {  	[tilespmem:s22+$0xFFFFFFD0] =	vst v3;
	v2 =	vmul.f32 v7, v2;
	v3 =	vld [tilespmem:s22+$0xFFFFFFE0]  }
0x4c7: {  	v7 =	vld [tilespmem:s11+$0xFFFFFFE0];
	v1 =	vmul.f32 v1, v5  }
0x4c8: {  	[tilespmem:s22+$0x50] =	vst v2;
	v2 =	vld [tilespmem:s22+$0x60]  }
0x4c9: {  	v5 =	vld [tilespmem:s11+$0x60];
	[tilespmem:s22+$0xFFFFFF50] =	vst v1;
	v0 =	vmul.f32 v4, v0  }
0x4ca: {  	v4 =	vld [tilespmem:s11+$0xFFFFFF60]  }
0x4cb: {  	v8 =	vld [tilespmem:s22+$0xF0];
	[tilespmem:s22+$0xE0] =	vst v0  }
0x4cc: {  	v1 =	vmul.f32 v7, v3;
	v7 =	vld [tilespmem:s11+$0xF0]  }
0x4cd: {  	v0 =	vld [tilespmem:s22+$0xFFFFFF70]  }
0x4ce: {  	[tilespmem:s22+$0xFFFFFFE0] =	vst v1;
	v2 =	vmul.f32 v5, v2;
	v1 =	vld [tilespmem:s22+$0xFFFFFFF0]  }
0x4cf: {  	v3 =	vld [tilespmem:s11+$0xFFFFFFF0];
	v4 =	vmul.f32 v4, v6  }
0x4d0: {  	[tilespmem:s22+$0x60] =	vst v2;
	v2 =	vld [tilespmem:s22+$0x70]  }
0x4d1: {  	[tilespmem:s22+$0xFFFFFF60] =	vst v4;
	v4 =	vld [tilespmem:s11+$0x70];
	v6 =	vmul.f32 v7, v8  }
0x4d2: {  	s4 =	simm.s32 $0x0;
	s20 =	simm.s32 $0x16B00;
	v5 =	vld [tilespmem:s11+$0xFFFFFF70]  }
.LBB2_17:
0x4d3: {  	v7 =	vld [tilespmem:s20+$0x80];
	[tilespmem:s22+$0xF0] =	vst v6;
	s11 =	sadd.s32 $0x200, s11  }
0x4d4: {  	s4 =	sadd.s32 $0x4, s4;
	v6 =	vld [tilespmem:s11+$0x80];
	v1 =	vmul.f32 v3, v1  }
0x4d5: {  	p0 =	slt.u32 s4, $0x4C;
	v3 =	vld [tilespmem:s11+$0xFFFFFF00]  }
0x4d6: {  	v8 =	vld [tilespmem:s20+$0xFFFFFF80];
	[tilespmem:s22+$0xFFFFFFF0] =	vst v1;
	v1 =	vmul.f32 v4, v2  }
0x4d7: {  	v2 =	vld [tilespmem:s11+$0xFFFFFF80];
	v0 =	vmul.f32 v5, v0  }
0x4d8: {  	v4 =	vld [tilespmem:s20+$0x0];
	[tilespmem:s22+$0x70] =	vst v1  }
0x4d9: {  	v1 =	vld [tilespmem:s11+$0x0];
	v5 =	vmul.f32 v6, v7;
	[tilespmem:s22+$0xFFFFFF70] =	vst v0;
	s22 =	smov.u32 s20  }
0x4da: {  	v0 =	vld [tilespmem:s20+$0xFFFFFF00]  }
0x4db: {  	[tilespmem:s20+$0x80] =	vst v5;
	v5 =	vld [tilespmem:s20+$0x90]  }
0x4dc: {  	v2 =	vmul.f32 v2, v8;
	v6 =	vld [tilespmem:s11+$0x90]  }
0x4dd: {  	v7 =	vld [tilespmem:s20+$0xFFFFFF10]  }
0x4de: {  	[tilespmem:s20+$0xFFFFFF80] =	vst v2;
	v2 =	vld [tilespmem:s20+$0xFFFFFF90];
	v1 =	vmul.f32 v1, v4  }
0x4df: {  	v0 =	vmul.f32 v3, v0;
	v3 =	vld [tilespmem:s11+$0xFFFFFF90]  }
0x4e0: {  	[tilespmem:s20+$0x0] =	vst v1;
	v1 =	vld [tilespmem:s20+$0x10]  }
0x4e1: {  	[tilespmem:s20+$0xFFFFFF00] =	vst v0;
	v0 =	vld [tilespmem:s11+$0x10];
	v4 =	vmul.f32 v6, v5  }
0x4e2: {  	v5 =	vld [tilespmem:s11+$0xFFFFFF10]  }
0x4e3: {  	[tilespmem:s20+$0x90] =	vst v4;
	v4 =	vld [tilespmem:s20+$0xA0]  }
0x4e4: {  	v2 =	vmul.f32 v3, v2;
	v3 =	vld [tilespmem:s11+$0xA0]  }
0x4e5: {  	v6 =	vld [tilespmem:s20+$0xFFFFFF20]  }
0x4e6: {  	[tilespmem:s20+$0xFFFFFF90] =	vst v2;
	v2 =	vld [tilespmem:s20+$0xFFFFFFA0];
	v0 =	vmul.f32 v0, v1  }
0x4e7: {  	v1 =	vmul.f32 v5, v7;
	v5 =	vld [tilespmem:s11+$0xFFFFFFA0]  }
0x4e8: {  	[tilespmem:s20+$0x10] =	vst v0;
	v0 =	vld [tilespmem:s20+$0x20]  }
0x4e9: {  	[tilespmem:s20+$0xFFFFFF10] =	vst v1;
	v1 =	vld [tilespmem:s11+$0x20];
	v3 =	vmul.f32 v3, v4  }
0x4ea: {  	v4 =	vld [tilespmem:s11+$0xFFFFFF20]  }
0x4eb: {  	[tilespmem:s20+$0xA0] =	vst v3;
	v3 =	vld [tilespmem:s20+$0xB0]  }
0x4ec: {  	v2 =	vmul.f32 v5, v2;
	v5 =	vld [tilespmem:s11+$0xB0]  }
0x4ed: {  	v7 =	vld [tilespmem:s20+$0xFFFFFF30]  }
0x4ee: {  	[tilespmem:s20+$0xFFFFFFA0] =	vst v2;
	v2 =	vld [tilespmem:s20+$0xFFFFFFB0];
	v0 =	vmul.f32 v1, v0  }
0x4ef: {  	v1 =	vmul.f32 v4, v6;
	v4 =	vld [tilespmem:s11+$0xFFFFFFB0]  }
0x4f0: {  	[tilespmem:s20+$0x20] =	vst v0;
	v0 =	vld [tilespmem:s20+$0x30]  }
0x4f1: {  	[tilespmem:s20+$0xFFFFFF20] =	vst v1;
	v1 =	vld [tilespmem:s11+$0x30];
	v3 =	vmul.f32 v5, v3  }
0x4f2: {  	v5 =	vld [tilespmem:s11+$0xFFFFFF30]  }
0x4f3: {  	[tilespmem:s20+$0xB0] =	vst v3;
	v3 =	vld [tilespmem:s20+$0xC0]  }
0x4f4: {  	v2 =	vmul.f32 v4, v2;
	v4 =	vld [tilespmem:s11+$0xC0]  }
0x4f5: {  	v6 =	vld [tilespmem:s20+$0xFFFFFF40]  }
0x4f6: {  	[tilespmem:s20+$0xFFFFFFB0] =	vst v2;
	v2 =	vld [tilespmem:s20+$0xFFFFFFC0];
	v0 =	vmul.f32 v1, v0  }
0x4f7: {  	v1 =	vmul.f32 v5, v7;
	v5 =	vld [tilespmem:s11+$0xFFFFFFC0]  }
0x4f8: {  	[tilespmem:s20+$0x30] =	vst v0;
	v0 =	vld [tilespmem:s20+$0x40]  }
0x4f9: {  	[tilespmem:s20+$0xFFFFFF30] =	vst v1;
	v1 =	vld [tilespmem:s11+$0x40];
	v3 =	vmul.f32 v4, v3  }
0x4fa: {  	v4 =	vld [tilespmem:s11+$0xFFFFFF40]  }
0x4fb: {  	[tilespmem:s20+$0xC0] =	vst v3;
	v3 =	vld [tilespmem:s20+$0xD0]  }
0x4fc: {  	v2 =	vmul.f32 v5, v2;
	v5 =	vld [tilespmem:s11+$0xD0]  }
0x4fd: {  	v7 =	vld [tilespmem:s20+$0xFFFFFF50]  }
0x4fe: {  	[tilespmem:s20+$0xFFFFFFC0] =	vst v2;
	v2 =	vld [tilespmem:s20+$0xFFFFFFD0];
	v0 =	vmul.f32 v1, v0  }
0x4ff: {  	v1 =	vmul.f32 v4, v6;
	v4 =	vld [tilespmem:s11+$0xFFFFFFD0]  }
0x500: {  	[tilespmem:s20+$0x40] =	vst v0;
	v0 =	vld [tilespmem:s20+$0x50]  }
0x501: {  	[tilespmem:s20+$0xFFFFFF40] =	vst v1;
	v1 =	vld [tilespmem:s11+$0x50];
	v3 =	vmul.f32 v5, v3  }
0x502: {  	v5 =	vld [tilespmem:s11+$0xFFFFFF50]  }
0x503: {  	[tilespmem:s20+$0xD0] =	vst v3;
	v3 =	vld [tilespmem:s20+$0xE0]  }
0x504: {  	v2 =	vmul.f32 v4, v2;
	v4 =	vld [tilespmem:s11+$0xE0]  }
0x505: {  	v6 =	vld [tilespmem:s20+$0xFFFFFF60]  }
0x506: {  	[tilespmem:s20+$0xFFFFFFD0] =	vst v2;
	v2 =	vld [tilespmem:s20+$0xFFFFFFE0];
	v0 =	vmul.f32 v1, v0  }
0x507: {  	v1 =	vmul.f32 v5, v7;
	v5 =	vld [tilespmem:s11+$0xFFFFFFE0]  }
0x508: {  	[tilespmem:s20+$0x50] =	vst v0;
	v7 =	vld [tilespmem:s20+$0x60]  }
0x509: {  	[tilespmem:s20+$0xFFFFFF50] =	vst v1;
	v8 =	vld [tilespmem:s11+$0x60];
	v0 =	vmul.f32 v4, v3  }
0x50a: {  	v3 =	vld [tilespmem:s11+$0xFFFFFF60]  }
0x50b: {  	[tilespmem:s20+$0xE0] =	vst v0;
	v9 =	vld [tilespmem:s20+$0xF0]  }
0x50c: {  	v1 =	vmul.f32 v5, v2;
	v5 =	vld [tilespmem:s11+$0xF0]  }
0x50d: {  	v0 =	vld [tilespmem:s20+$0xFFFFFF70]  }
.Ltmp7:
0x50e: {  	[tilespmem:s20+$0xFFFFFFE0] =	vst v1;
	v1 =	vld [tilespmem:s20+$0xFFFFFFF0];
	v2 =	vmul.f32 v8, v7;
	(pc) =	sbr.rel @p0 .LBB2_17-.Ltmp7, $4  }
0x50f: {  	v4 =	vmul.f32 v3, v6;
	v3 =	vld [tilespmem:s11+$0xFFFFFFF0]  }
0x510: {  	[tilespmem:s20+$0x60] =	vst v2;
	v2 =	vld [tilespmem:s20+$0x70]  }
0x511: {  	[tilespmem:s20+$0xFFFFFF60] =	vst v4;
	v4 =	vld [tilespmem:s11+$0x70];
	v6 =	vmul.f32 v5, v9  }
0x512: {  	s20 =	sadd.s32 $0x200, s20;
	v5 =	vld [tilespmem:s11+$0xFFFFFF70]  }
0x513: {  	_ =	sdelay $0x1  }
0x514: {  	v1 =	vmul.f32 v3, v1  }
0x515: {  	[tilespmem:s22+$0xF0] =	vst v6;
	v2 =	vmul.f32 v4, v2  }
0x516: {  	[tilespmem:s22+$0xFFFFFFF0] =	vst v1;
	v0 =	vmul.f32 v5, v0  }
0x517: {  	[tilespmem:s22+$0x70] =	vst v2  }
0x518: {  	[tilespmem:s22+$0xFFFFFF70] =	vst v0  }
0x519: {  	_ =	swait.ge [sflag:s12], $0x50  }
0x51a: {  	p0 =	sgt.u32 s26, $0x7A;
	[sflag:s12] =	ssyncset.done $0x0  }
0x51b: {  	s4 =	simm.s32 @!p0 $0x8;
	[sflag:s12] =	ssyncadd.s32 $0xFFFFFFB0  }
0x51c: {  	[spmem:s3] =	stream.indirect.scatter.add.f32 [tilespmem:s19], [sflag:$0x6], $0x80, s18, s21, $0xb8;
	[tilespmem:$0x1E300] =	vst v63  }
0x51d: {  	_ =	swait.ge @!p0 [sflag:s4], $0x50  }
0x51e: {  	s11 =	simm.s32 @!p0 $0x1E080;
	[sflag:s4] =	ssyncset.done @!p0 $0x0  }
0x51f: {  	s20 =	simm.s32 @!p0 $0x1B800;
	[sflag:s4] =	ssyncadd.s32 @!p0 $0xFFFFFFB0;
	s4 =	simm.s32 @!p0 $0x50  }
0x520: {  	[tilespmem:s20], [sflag:$0x4] =	stream.indirect.gather @!p0 [hbm4b:s1+s4], $0x80, s11, s4, $0xb8;
	[tilespmem:$0x1E300] =	vst v63  }
0x521: {  	_ =	swait.ge [sflag:s28], $0x2800  }
0x522: {  	s24 =	sshll.u32 s24, $0x4;
	[sflag:s28] =	ssyncset.done $0x0  }
0x523: {  	s4 =	sadd.s32 s2, s24;
	[sflag:s28] =	ssyncadd.s32 $0xFFFFD800  }
0x524: {  	[tilespmem:s16], [sflag:$0x1] =	stream.linear.gather [hbm4b:s4+s5], $0x2800, $0x38;
	[tilespmem:$0x1E300] =	vst v63  }
0x525: {  	p0 =	sgt.u32 s26, $0x78;
	s4 =	rddreg [dreg:$0x18]  }
0x526: {  	s29 =	sadd.s32 s7, s17;
	s4 =	sadd.s32 @!p0 s25, s4  }
0x527: {  	[tilespmem:s15], [sflag:$0xB] =	stream.linear.gather [hbm4b:s29+s5], $0x50, $0x38;
	[tilespmem:$0x1E300] =	vst v63  }
0x528: {  	s14 =	sadd.s32 $0x1, s14;
	s4 =	sshrl.u32 @!p0 s4, $0x3  }
0x529: {  	s11 =	simm.s32 @!p0 $0x0;
	s17 =	simm.s32 @!p0 $0x1E180;
	s4 =	sadd.s32 @!p0 s6, s4  }
0x52a: {  	[tilespmem:s17], [sflag:$0xA] =	stream.linear.gather @!p0 [hbm4b:s4+s11], $0x50, $0x38;
	[tilespmem:$0x1E300] =	vst v63  }
0x52b: {  	p0 =	sne.s32 s14, $0x1F  }
.Ltmp8:
0x52c: {  	_ = 	snop;
	(pc) =	sbr.rel @p0 .LBB2_10-.Ltmp8, $1  }
0x52d: {  	_ =	sdelay $0x3  }
0x52e: {  	_ =	swait.ge [sflag:s30], $0x2800  }
0x52f: {  	[sflag:s30] =	ssyncset.done $0x0  }
0x530: {  	[sflag:s30] =	ssyncadd.s32 $0xFFFFD800  }
0x531: {  	_ =	swait.ge [sflag:s31], $0x2800  }
0x532: {  	[sflag:s31] =	ssyncset.done $0x0  }
0x533: {  	s14 =	simm.s32 $0x14100;
	[sflag:s31] =	ssyncadd.s32 $0xFFFFD800  }
0x534: {  	s11 =	simm.s32 $0x19100;
	v0 =	vld [tilespmem:s14+$0x80]  }
0x535: {  	v1 =	vld [tilespmem:s11+$0x80]  }
0x536: {  	v2 =	vld [tilespmem:s14+$0xFFFFFF80]  }
0x537: {  	v3 =	vld [tilespmem:s11+$0xFFFFFF80]  }
0x538: {  	v4 =	vld [tilespmem:s14+$0x0]  }
0x539: {  	v5 =	vld [tilespmem:s11+$0x0]  }
0x53a: {  	v6 =	vld [tilespmem:s14+$0xFFFFFF00];
	v0 =	vmul.f32 v1, v0  }
0x53b: {  	v1 =	vld [tilespmem:s11+$0xFFFFFF00]  }
0x53c: {  	[tilespmem:s14+$0x80] =	vst v0;
	v0 =	vld [tilespmem:s14+$0x90]  }
0x53d: {  	v2 =	vmul.f32 v3, v2;
	v3 =	vld [tilespmem:s11+$0x90]  }
0x53e: {  	v7 =	vld [tilespmem:s14+$0xFFFFFF10]  }
0x53f: {  	[tilespmem:s14+$0xFFFFFF80] =	vst v2;
	v2 =	vmul.f32 v5, v4;
	v4 =	vld [tilespmem:s14+$0xFFFFFF90]  }
0x540: {  	v5 =	vld [tilespmem:s11+$0xFFFFFF90];
	v1 =	vmul.f32 v1, v6  }
0x541: {  	[tilespmem:s14+$0x0] =	vst v2;
	v2 =	vld [tilespmem:s14+$0x10]  }
0x542: {  	v6 =	vld [tilespmem:s11+$0x10];
	[tilespmem:s14+$0xFFFFFF00] =	vst v1;
	v0 =	vmul.f32 v3, v0  }
0x543: {  	v1 =	vld [tilespmem:s11+$0xFFFFFF10]  }
0x544: {  	[tilespmem:s14+$0x90] =	vst v0;
	v0 =	vld [tilespmem:s14+$0xA0]  }
0x545: {  	v3 =	vmul.f32 v5, v4;
	v4 =	vld [tilespmem:s11+$0xA0]  }
0x546: {  	v5 =	vld [tilespmem:s14+$0xFFFFFF20]  }
0x547: {  	[tilespmem:s14+$0xFFFFFF90] =	vst v3;
	v2 =	vmul.f32 v6, v2;
	v3 =	vld [tilespmem:s14+$0xFFFFFFA0]  }
0x548: {  	v6 =	vld [tilespmem:s11+$0xFFFFFFA0];
	v1 =	vmul.f32 v1, v7  }
0x549: {  	[tilespmem:s14+$0x10] =	vst v2;
	v2 =	vld [tilespmem:s14+$0x20]  }
0x54a: {  	v7 =	vld [tilespmem:s11+$0x20];
	[tilespmem:s14+$0xFFFFFF10] =	vst v1;
	v0 =	vmul.f32 v4, v0  }
0x54b: {  	v1 =	vld [tilespmem:s11+$0xFFFFFF20]  }
0x54c: {  	[tilespmem:s14+$0xA0] =	vst v0;
	v0 =	vld [tilespmem:s14+$0xB0]  }
0x54d: {  	v3 =	vmul.f32 v6, v3;
	v4 =	vld [tilespmem:s11+$0xB0]  }
0x54e: {  	v6 =	vld [tilespmem:s14+$0xFFFFFF30]  }
0x54f: {  	[tilespmem:s14+$0xFFFFFFA0] =	vst v3;
	v2 =	vmul.f32 v7, v2;
	v3 =	vld [tilespmem:s14+$0xFFFFFFB0]  }
0x550: {  	v7 =	vld [tilespmem:s11+$0xFFFFFFB0];
	v1 =	vmul.f32 v1, v5  }
0x551: {  	[tilespmem:s14+$0x20] =	vst v2;
	v2 =	vld [tilespmem:s14+$0x30]  }
0x552: {  	v5 =	vld [tilespmem:s11+$0x30];
	[tilespmem:s14+$0xFFFFFF20] =	vst v1;
	v0 =	vmul.f32 v4, v0  }
0x553: {  	v1 =	vld [tilespmem:s11+$0xFFFFFF30]  }
0x554: {  	[tilespmem:s14+$0xB0] =	vst v0;
	v0 =	vld [tilespmem:s14+$0xC0]  }
0x555: {  	v3 =	vmul.f32 v7, v3;
	v4 =	vld [tilespmem:s11+$0xC0]  }
0x556: {  	v7 =	vld [tilespmem:s14+$0xFFFFFF40]  }
0x557: {  	[tilespmem:s14+$0xFFFFFFB0] =	vst v3;
	v2 =	vmul.f32 v5, v2;
	v3 =	vld [tilespmem:s14+$0xFFFFFFC0]  }
0x558: {  	v5 =	vld [tilespmem:s11+$0xFFFFFFC0];
	v1 =	vmul.f32 v1, v6  }
0x559: {  	[tilespmem:s14+$0x30] =	vst v2;
	v2 =	vld [tilespmem:s14+$0x40]  }
0x55a: {  	v6 =	vld [tilespmem:s11+$0x40];
	[tilespmem:s14+$0xFFFFFF30] =	vst v1;
	v0 =	vmul.f32 v4, v0  }
0x55b: {  	v1 =	vld [tilespmem:s11+$0xFFFFFF40]  }
0x55c: {  	[tilespmem:s14+$0xC0] =	vst v0;
	v0 =	vld [tilespmem:s14+$0xD0]  }
0x55d: {  	v3 =	vmul.f32 v5, v3;
	v4 =	vld [tilespmem:s11+$0xD0]  }
0x55e: {  	v5 =	vld [tilespmem:s14+$0xFFFFFF50]  }
0x55f: {  	[tilespmem:s14+$0xFFFFFFC0] =	vst v3;
	v2 =	vmul.f32 v6, v2;
	v3 =	vld [tilespmem:s14+$0xFFFFFFD0]  }
0x560: {  	v6 =	vld [tilespmem:s11+$0xFFFFFFD0];
	v1 =	vmul.f32 v1, v7  }
0x561: {  	[tilespmem:s14+$0x40] =	vst v2;
	v2 =	vld [tilespmem:s14+$0x50]  }
0x562: {  	v7 =	vld [tilespmem:s11+$0x50];
	[tilespmem:s14+$0xFFFFFF40] =	vst v1;
	v0 =	vmul.f32 v4, v0  }
0x563: {  	v1 =	vld [tilespmem:s11+$0xFFFFFF50]  }
0x564: {  	[tilespmem:s14+$0xD0] =	vst v0;
	v0 =	vld [tilespmem:s14+$0xE0]  }
0x565: {  	v3 =	vmul.f32 v6, v3;
	v4 =	vld [tilespmem:s11+$0xE0]  }
0x566: {  	v6 =	vld [tilespmem:s14+$0xFFFFFF60]  }
0x567: {  	[tilespmem:s14+$0xFFFFFFD0] =	vst v3;
	v2 =	vmul.f32 v7, v2;
	v3 =	vld [tilespmem:s14+$0xFFFFFFE0]  }
0x568: {  	v7 =	vld [tilespmem:s11+$0xFFFFFFE0];
	v1 =	vmul.f32 v1, v5  }
0x569: {  	[tilespmem:s14+$0x50] =	vst v2;
	v2 =	vld [tilespmem:s14+$0x60]  }
0x56a: {  	v5 =	vld [tilespmem:s11+$0x60];
	[tilespmem:s14+$0xFFFFFF50] =	vst v1;
	v0 =	vmul.f32 v4, v0  }
0x56b: {  	v4 =	vld [tilespmem:s11+$0xFFFFFF60]  }
0x56c: {  	v8 =	vld [tilespmem:s14+$0xF0];
	[tilespmem:s14+$0xE0] =	vst v0  }
0x56d: {  	v1 =	vmul.f32 v7, v3;
	v7 =	vld [tilespmem:s11+$0xF0]  }
0x56e: {  	v0 =	vld [tilespmem:s14+$0xFFFFFF70]  }
0x56f: {  	[tilespmem:s14+$0xFFFFFFE0] =	vst v1;
	v2 =	vmul.f32 v5, v2;
	v1 =	vld [tilespmem:s14+$0xFFFFFFF0]  }
0x570: {  	v3 =	vld [tilespmem:s11+$0xFFFFFFF0];
	v4 =	vmul.f32 v4, v6  }
0x571: {  	[tilespmem:s14+$0x60] =	vst v2;
	v2 =	vld [tilespmem:s14+$0x70]  }
0x572: {  	[tilespmem:s14+$0xFFFFFF60] =	vst v4;
	v4 =	vld [tilespmem:s11+$0x70];
	v6 =	vmul.f32 v7, v8  }
0x573: {  	s4 =	simm.s32 $0x0;
	s17 =	simm.s32 $0x14300;
	v5 =	vld [tilespmem:s11+$0xFFFFFF70]  }
.LBB2_20:
0x574: {  	v7 =	vld [tilespmem:s17+$0x80];
	[tilespmem:s14+$0xF0] =	vst v6;
	s11 =	sadd.s32 $0x200, s11  }
0x575: {  	s4 =	sadd.s32 $0x4, s4;
	v6 =	vld [tilespmem:s11+$0x80];
	v1 =	vmul.f32 v3, v1  }
0x576: {  	p0 =	slt.u32 s4, $0x4C;
	v3 =	vld [tilespmem:s11+$0xFFFFFF00]  }
0x577: {  	v8 =	vld [tilespmem:s17+$0xFFFFFF80];
	[tilespmem:s14+$0xFFFFFFF0] =	vst v1;
	v1 =	vmul.f32 v4, v2  }
0x578: {  	v2 =	vld [tilespmem:s11+$0xFFFFFF80];
	v0 =	vmul.f32 v5, v0  }
0x579: {  	v4 =	vld [tilespmem:s17+$0x0];
	[tilespmem:s14+$0x70] =	vst v1  }
0x57a: {  	v1 =	vld [tilespmem:s11+$0x0];
	v5 =	vmul.f32 v6, v7;
	[tilespmem:s14+$0xFFFFFF70] =	vst v0;
	s14 =	smov.u32 s17  }
0x57b: {  	v0 =	vld [tilespmem:s17+$0xFFFFFF00]  }
0x57c: {  	[tilespmem:s17+$0x80] =	vst v5;
	v5 =	vld [tilespmem:s17+$0x90]  }
0x57d: {  	v2 =	vmul.f32 v2, v8;
	v6 =	vld [tilespmem:s11+$0x90]  }
0x57e: {  	v7 =	vld [tilespmem:s17+$0xFFFFFF10]  }
0x57f: {  	[tilespmem:s17+$0xFFFFFF80] =	vst v2;
	v2 =	vld [tilespmem:s17+$0xFFFFFF90];
	v1 =	vmul.f32 v1, v4  }
0x580: {  	v0 =	vmul.f32 v3, v0;
	v3 =	vld [tilespmem:s11+$0xFFFFFF90]  }
0x581: {  	[tilespmem:s17+$0x0] =	vst v1;
	v1 =	vld [tilespmem:s17+$0x10]  }
0x582: {  	[tilespmem:s17+$0xFFFFFF00] =	vst v0;
	v0 =	vld [tilespmem:s11+$0x10];
	v4 =	vmul.f32 v6, v5  }
0x583: {  	v5 =	vld [tilespmem:s11+$0xFFFFFF10]  }
0x584: {  	[tilespmem:s17+$0x90] =	vst v4;
	v4 =	vld [tilespmem:s17+$0xA0]  }
0x585: {  	v2 =	vmul.f32 v3, v2;
	v3 =	vld [tilespmem:s11+$0xA0]  }
0x586: {  	v6 =	vld [tilespmem:s17+$0xFFFFFF20]  }
0x587: {  	[tilespmem:s17+$0xFFFFFF90] =	vst v2;
	v2 =	vld [tilespmem:s17+$0xFFFFFFA0];
	v0 =	vmul.f32 v0, v1  }
0x588: {  	v1 =	vmul.f32 v5, v7;
	v5 =	vld [tilespmem:s11+$0xFFFFFFA0]  }
0x589: {  	[tilespmem:s17+$0x10] =	vst v0;
	v0 =	vld [tilespmem:s17+$0x20]  }
0x58a: {  	[tilespmem:s17+$0xFFFFFF10] =	vst v1;
	v1 =	vld [tilespmem:s11+$0x20];
	v3 =	vmul.f32 v3, v4  }
0x58b: {  	v4 =	vld [tilespmem:s11+$0xFFFFFF20]  }
0x58c: {  	[tilespmem:s17+$0xA0] =	vst v3;
	v3 =	vld [tilespmem:s17+$0xB0]  }
0x58d: {  	v2 =	vmul.f32 v5, v2;
	v5 =	vld [tilespmem:s11+$0xB0]  }
0x58e: {  	v7 =	vld [tilespmem:s17+$0xFFFFFF30]  }
0x58f: {  	[tilespmem:s17+$0xFFFFFFA0] =	vst v2;
	v2 =	vld [tilespmem:s17+$0xFFFFFFB0];
	v0 =	vmul.f32 v1, v0  }
0x590: {  	v1 =	vmul.f32 v4, v6;
	v4 =	vld [tilespmem:s11+$0xFFFFFFB0]  }
0x591: {  	[tilespmem:s17+$0x20] =	vst v0;
	v0 =	vld [tilespmem:s17+$0x30]  }
0x592: {  	[tilespmem:s17+$0xFFFFFF20] =	vst v1;
	v1 =	vld [tilespmem:s11+$0x30];
	v3 =	vmul.f32 v5, v3  }
0x593: {  	v5 =	vld [tilespmem:s11+$0xFFFFFF30]  }
0x594: {  	[tilespmem:s17+$0xB0] =	vst v3;
	v3 =	vld [tilespmem:s17+$0xC0]  }
0x595: {  	v2 =	vmul.f32 v4, v2;
	v4 =	vld [tilespmem:s11+$0xC0]  }
0x596: {  	v6 =	vld [tilespmem:s17+$0xFFFFFF40]  }
0x597: {  	[tilespmem:s17+$0xFFFFFFB0] =	vst v2;
	v2 =	vld [tilespmem:s17+$0xFFFFFFC0];
	v0 =	vmul.f32 v1, v0  }
0x598: {  	v1 =	vmul.f32 v5, v7;
	v5 =	vld [tilespmem:s11+$0xFFFFFFC0]  }
0x599: {  	[tilespmem:s17+$0x30] =	vst v0;
	v0 =	vld [tilespmem:s17+$0x40]  }
0x59a: {  	[tilespmem:s17+$0xFFFFFF30] =	vst v1;
	v1 =	vld [tilespmem:s11+$0x40];
	v3 =	vmul.f32 v4, v3  }
0x59b: {  	v4 =	vld [tilespmem:s11+$0xFFFFFF40]  }
0x59c: {  	[tilespmem:s17+$0xC0] =	vst v3;
	v3 =	vld [tilespmem:s17+$0xD0]  }
0x59d: {  	v2 =	vmul.f32 v5, v2;
	v5 =	vld [tilespmem:s11+$0xD0]  }
0x59e: {  	v7 =	vld [tilespmem:s17+$0xFFFFFF50]  }
0x59f: {  	[tilespmem:s17+$0xFFFFFFC0] =	vst v2;
	v2 =	vld [tilespmem:s17+$0xFFFFFFD0];
	v0 =	vmul.f32 v1, v0  }
0x5a0: {  	v1 =	vmul.f32 v4, v6;
	v4 =	vld [tilespmem:s11+$0xFFFFFFD0]  }
0x5a1: {  	[tilespmem:s17+$0x40] =	vst v0;
	v0 =	vld [tilespmem:s17+$0x50]  }
0x5a2: {  	[tilespmem:s17+$0xFFFFFF40] =	vst v1;
	v1 =	vld [tilespmem:s11+$0x50];
	v3 =	vmul.f32 v5, v3  }
0x5a3: {  	v5 =	vld [tilespmem:s11+$0xFFFFFF50]  }
0x5a4: {  	[tilespmem:s17+$0xD0] =	vst v3;
	v3 =	vld [tilespmem:s17+$0xE0]  }
0x5a5: {  	v2 =	vmul.f32 v4, v2;
	v4 =	vld [tilespmem:s11+$0xE0]  }
0x5a6: {  	v6 =	vld [tilespmem:s17+$0xFFFFFF60]  }
0x5a7: {  	[tilespmem:s17+$0xFFFFFFD0] =	vst v2;
	v2 =	vld [tilespmem:s17+$0xFFFFFFE0];
	v0 =	vmul.f32 v1, v0  }
0x5a8: {  	v1 =	vmul.f32 v5, v7;
	v5 =	vld [tilespmem:s11+$0xFFFFFFE0]  }
0x5a9: {  	[tilespmem:s17+$0x50] =	vst v0;
	v7 =	vld [tilespmem:s17+$0x60]  }
0x5aa: {  	[tilespmem:s17+$0xFFFFFF50] =	vst v1;
	v8 =	vld [tilespmem:s11+$0x60];
	v0 =	vmul.f32 v4, v3  }
0x5ab: {  	v3 =	vld [tilespmem:s11+$0xFFFFFF60]  }
0x5ac: {  	[tilespmem:s17+$0xE0] =	vst v0;
	v9 =	vld [tilespmem:s17+$0xF0]  }
0x5ad: {  	v1 =	vmul.f32 v5, v2;
	v5 =	vld [tilespmem:s11+$0xF0]  }
0x5ae: {  	v0 =	vld [tilespmem:s17+$0xFFFFFF70]  }
.Ltmp9:
0x5af: {  	[tilespmem:s17+$0xFFFFFFE0] =	vst v1;
	v1 =	vld [tilespmem:s17+$0xFFFFFFF0];
	v2 =	vmul.f32 v8, v7;
	(pc) =	sbr.rel @p0 .LBB2_20-.Ltmp9, $4  }
0x5b0: {  	v4 =	vmul.f32 v3, v6;
	v3 =	vld [tilespmem:s11+$0xFFFFFFF0]  }
0x5b1: {  	[tilespmem:s17+$0x60] =	vst v2;
	v2 =	vld [tilespmem:s17+$0x70]  }
0x5b2: {  	[tilespmem:s17+$0xFFFFFF60] =	vst v4;
	v4 =	vld [tilespmem:s11+$0x70];
	v6 =	vmul.f32 v5, v9  }
0x5b3: {  	s17 =	sadd.s32 $0x200, s17;
	v5 =	vld [tilespmem:s11+$0xFFFFFF70]  }
0x5b4: {  	_ =	sdelay $0x1  }
0x5b5: {  	v1 =	vmul.f32 v3, v1  }
0x5b6: {  	[tilespmem:s14+$0xF0] =	vst v6;
	v2 =	vmul.f32 v4, v2  }
0x5b7: {  	[tilespmem:s14+$0xFFFFFFF0] =	vst v1;
	v0 =	vmul.f32 v5, v0  }
0x5b8: {  	[tilespmem:s14+$0x70] =	vst v2  }
0x5b9: {  	[tilespmem:s14+$0xFFFFFF70] =	vst v0  }
0x5ba: {  	_ =	swait.ge [sflag:s0], $0x50  }
0x5bb: {  	[sflag:s0] =	ssyncset.done $0x0  }
0x5bc: {  	[sflag:s0] =	ssyncadd.s32 $0xFFFFFFB0  }
0x5bd: {  	[spmem:s3] =	stream.indirect.scatter.add.f32 [tilespmem:s16], [sflag:$0x5], $0x80, s15, s21, $0xb8;
	[tilespmem:$0x1E300] =	vst v63  }
0x5be: {  	_ =	swait.ge [sflag:s13], $0x2800  }
0x5bf: {  	[sflag:s13] =	ssyncset.done $0x0  }
0x5c0: {  	[sflag:s13] =	ssyncadd.s32 $0xFFFFD800  }
0x5c1: {  	_ =	swait.ge [sflag:s28], $0x2800  }
0x5c2: {  	[sflag:s28] =	ssyncset.done $0x0  }
0x5c3: {  	[sflag:s28] =	ssyncadd.s32 $0xFFFFD800  }
0x5c4: {  	[bflag:$0x0] =	sbarrier.arrive $0xFFFF  }
0x5c5: {  	s11 =	sld [smem:$0x7FC]  }
0x5c6: {  	s25 =	sld [smem:$0x7FD];
	_ =	sdelay $0x1  }
0x5c7: {  	s14 =	simm.s32 $0xD;
	s4 =	rddreg [dreg:$0x1d]  }
0x5c8: {  	[hbm:s4], [sflag:s11] =	dma.local [spmem:s25], $0x2800  }
0x5c9: {  	_ =	swait.ge [sflag:s14], $0x2800  }
0x5ca: {  	s26 =	rddreg [dreg:$0x1f]  }
0x5cb: {  	s29 =	rddreg [dreg:$0x1e];
	s11 =	sadd.s32 $0x1, s26  }
0x5cc: {  	p0 =	sne.s32 s11, s29  }
.Ltmp10:
0x5cd: {  	_ = 	snop;
	(pc) =	sbr.rel @p0 .LBB2_1-.Ltmp10, $3  }
0x5ce: {  	_ =	sdelay $0x1  }
0x5cf: {  	[sflag:s14] =	ssyncset.done $0x0  }
0x5d0: {  	s20 =	simm.s32 $0x1E080;
	s22 =	simm.s32 $0x8;
	[sflag:s14] =	ssyncadd.s32 $0xFFFFD800  }
0x5d1: {  	_ =	sfence.sel $0x180000  }
0x5d2: {  	[bflag:$0x0] =	sbarrier.arrive $0xFFFF  }
0x5d3: {  	_ =	strace $0x90000047  }
0x5d4: {  	s0 =	stileid.u32;
	[bflag:$0x2] =	sbarrier.arrive $0xFFFF  }
0x5d5: {  	p0 =	sne.s32 s0, $0x0;
	s0 =	rddreg [dreg:$0x4]  }
0x5d6: {  	s0 =	sadd.s32 @!p0 $0x100000, s0  }
0x5d7: {  	[sflag:s0] =	ssyncadd.tile.s32 @!p0 $0x1;
	_ =	shalt  }
.Lfunc_end2:
_tile_overlayer_lowered:
.L_overlay_start_2:
0x5d8: {  	(tag) =	ssettag $0x2  }
0x5d9: {  	s0 =	rddreg [dreg:$0x0];
	s2 =	stileid.u32  }
0x5da: {  	s1 =	rddreg [dreg:$0x1];
	p0 =	sne.s32 s2, $0x0  }
0x5db: {  	s3 =	rddreg [dreg:$0x2];
	[bflag:$0x3] =	sbarrier.arrive $0xFFFF;
	s2 =	simm.s32 @!p0 $0x1C0D  }
0x5dc: {  	[timem:s3], [sflag:s2] =	dma.local @!p0 [hbm:s0], s1  }
0x5dd: {  	s0 =	simm.s32 @!p0 $0xD  }
0x5de: {  	_ =	swait.ge @!p0 [sflag:s0], s1  }
0x5df: {  	s1 =	ssub.s32 @!p0 $0x0, s1;
	[sflag:s0] =	ssyncset.done @!p0 $0x0  }
0x5e0: {  	[sflag:s0] =	ssyncadd.s32 @!p0 s1  }
0x5e1: {  	[bflag:$0x3] =	sbarrier.arrive $0xFFFF  }
0x5e2: {  	_ =	shalt  }

</sc_bundles>
